<compile_context>
chip_gen: v7x
topology: tpu7x:2x2x1
jax: 0.10.2.dev20260603
libtpu: 0.0.44.dev20260713+nightly
codegen_flags: <defaults>
</compile_context>

<pallas_src>
import jax
import jax.numpy as jnp
from jax import lax
from jax.experimental import pallas as pl
from jax.experimental.pallas import tpu as pltpu
from jax.experimental.pallas import tpu_sc as plsc

B = 4096
S = 200
D = 32
L = 16
NC = 2
NS = 16
NW = NC * NS
RPW = B // NW
RS = D + 1
C0 = 128
C1 = S - C0
INV_S = 1.0 / S
INV_D = 1.0 / (S - 1)


VROWS = 1000000
CH_TOK = 512
N_CH = 1954
LAST_TOK = VROWS - (N_CH - 1) * CH_TOK
_KM = (N_CH + NW - 1) // NW
KMAX = _KM + (_KM % 2)


def _relayout_body(embT_hbm, out_hbm, inb0, inb1, row0, row1, cmp0, cmp1,
                   sem_i0, sem_i1, sem_o0, sem_o1):
    cid = lax.axis_index("c")
    sid = lax.axis_index("s")
    wid = sid * NC + cid

    iota = lax.iota(jnp.int32, L)
    jb_lo = lax.shift_right_logical(iota, 3)
    jb_hi = jb_lo + 2
    j_lane = jnp.bitwise_and(iota, 7)

    def stage(c, inb, sem):
        @pl.when(c < N_CH - 1)
        def _():
            base = pl.multiple_of(c * CH_TOK, CH_TOK)
            for jb in range(4):
                pltpu.async_copy(
                    embT_hbm.at[pl.ds(jb * 8, 8), pl.ds(base, CH_TOK)],
                    inb.at[jb], sem)

        @pl.when(c == N_CH - 1)
        def _():
            base = pl.multiple_of(c * CH_TOK, CH_TOK)
            for jb in range(4):
                pltpu.async_copy(
                    embT_hbm.at[pl.ds(jb * 8, 8), pl.ds(base, 128)],
                    inb.at[jb, :, pl.ds(0, 128)], sem)

    def drain(c, inb, sem):
        @pl.when(c < N_CH - 1)
        def _():
            for jb in range(4):
                pltpu.make_async_copy(
                    embT_hbm.at[pl.ds(0, 8), pl.ds(0, CH_TOK)],
                    inb.at[jb], sem).wait()

        @pl.when(c == N_CH - 1)
        def _():
            for jb in range(4):
                pltpu.make_async_copy(
                    embT_hbm.at[pl.ds(0, 8), pl.ds(0, 128)],
                    inb.at[jb, :, pl.ds(0, 128)], sem).wait()

    iota_rs = iota * RS

    def transpose_chunk(c, inb, row, cmp, sem_o):
        def g_body(g, carry):
            gbase = g * L * RS
            for jb in range(4):
                for j in range(8):
                    v = inb[jb, j, pl.ds(g * L, L)]
                    idx = iota_rs + (gbase + jb * 8 + j)
                    plsc.store_scatter(row, [idx], v)
            return carry

        lax.fori_loop(0, CH_TOK // L, g_body, 0)

        def c_body(i, carry):
            v1 = row[pl.ds(i * RS, L)]
            v2 = row[pl.ds(i * RS + L, L)]
            cmp[pl.ds(i * D, L)] = v1
            cmp[pl.ds(i * D + L, L)] = v2
            return carry

        lax.fori_loop(0, CH_TOK, c_body, 0, unroll=8)

        @pl.when(c < N_CH - 1)
        def _():
            pltpu.async_copy(
                cmp, out_hbm.at[pl.ds(c * (CH_TOK * D), CH_TOK * D)], sem_o)

        @pl.when(c == N_CH - 1)
        def _():
            pltpu.async_copy(
                cmp.at[pl.ds(0, LAST_TOK * D)],
                out_hbm.at[pl.ds(c * (CH_TOK * D), LAST_TOK * D)], sem_o)

    def drain_out(c, cmp, sem_o):
        @pl.when(c < N_CH - 1)
        def _():
            pltpu.make_async_copy(
                cmp, out_hbm.at[pl.ds(0, CH_TOK * D)], sem_o).wait()

        @pl.when(c == N_CH - 1)
        def _():
            pltpu.make_async_copy(
                cmp.at[pl.ds(0, LAST_TOK * D)],
                out_hbm.at[pl.ds(0, LAST_TOK * D)], sem_o).wait()

    stage(wid, inb0, sem_i0)
    npairs = (KMAX + 1) // 2

    def k_body(k, carry):
        c0 = wid + NW * (2 * k)
        c1 = wid + NW * (2 * k + 1)
        c2 = wid + NW * (2 * k + 2)
        cp0 = wid + NW * (2 * k - 2)
        cp1 = wid + NW * (2 * k - 1)

        @pl.when(c1 < N_CH)
        def _():
            stage(c1, inb1, sem_i1)

        @pl.when((k > 0) & (cp0 < N_CH))
        def _():
            drain_out(cp0, cmp0, sem_o0)

        @pl.when(c0 < N_CH)
        def _():
            drain(c0, inb0, sem_i0)
            transpose_chunk(c0, inb0, row0, cmp0, sem_o0)

        @pl.when(c2 < N_CH)
        def _():
            stage(c2, inb0, sem_i0)

        @pl.when((k > 0) & (cp1 < N_CH))
        def _():
            drain_out(cp1, cmp1, sem_o1)

        @pl.when(c1 < N_CH)
        def _():
            drain(c1, inb1, sem_i1)
            transpose_chunk(c1, inb1, row1, cmp1, sem_o1)

        return carry

    lax.fori_loop(0, npairs, k_body, 0)

    @pl.when(wid + NW * (KMAX - 2) < N_CH)
    def _():
        drain_out(wid + NW * (KMAX - 2), cmp0, sem_o0)

    @pl.when(wid + NW * (KMAX - 1) < N_CH)
    def _():
        drain_out(wid + NW * (KMAX - 1), cmp1, sem_o1)


def _relayout(embT):
    mesh = plsc.VectorSubcoreMesh(
        core_axis_name="c", subcore_axis_name="s", num_cores=NC, num_subcores=NS)
    run = pl.kernel(
        _relayout_body,
        out_type=jax.ShapeDtypeStruct((VROWS * D,), jnp.float32),
        mesh=mesh,
        compiler_params=pltpu.CompilerParams(
            needs_layout_passes=False, use_tc_tiling_on_sc=True),
        scratch_types=[
            pltpu.VMEM((4, 8, CH_TOK), jnp.float32),
            pltpu.VMEM((4, 8, CH_TOK), jnp.float32),
            pltpu.VMEM((CH_TOK * RS,), jnp.float32),
            pltpu.VMEM((CH_TOK * RS,), jnp.float32),
            pltpu.VMEM((CH_TOK * D,), jnp.float32),
            pltpu.VMEM((CH_TOK * D,), jnp.float32),
            pltpu.SemaphoreType.DMA,
            pltpu.SemaphoreType.DMA,
            pltpu.SemaphoreType.DMA,
            pltpu.SemaphoreType.DMA,
        ],
    )
    return run(embT)


def _sc_body(tf_hbm, tg_hbm, emb_hbm, z_hbm, out_hbm,
             tf_v, tg_v, z_v, buf_f0, buf_g0, buf_f1, buf_g1, out_v,
             sem0, sem1):
    cid = lax.axis_index("c")
    sid = lax.axis_index("s")
    wid = sid * NC + cid
    base = wid * RPW

    pltpu.sync_copy(tf_hbm.at[pl.ds(base, RPW), :], tf_v)
    pltpu.sync_copy(tg_hbm.at[pl.ds(base, RPW), :], tg_v)
    pltpu.sync_copy(z_hbm, z_v)
    z0 = z_v[pl.ds(0, L)]
    z1 = z_v[pl.ds(L, L)]

    iota = lax.iota(jnp.int32, L)
    lane0 = iota == 0
    bfly = [jnp.bitwise_xor(iota, k) for k in (8, 4, 2, 1)]

    def issue_pair(r, buf_f, buf_g, sem):
        pltpu.async_copy(
            emb_hbm.at[tf_v.at[r, pl.ds(0, C0)]], buf_f.at[pl.ds(0, C0), :], sem)
        pltpu.async_copy(
            emb_hbm.at[tf_v.at[r, pl.ds(C0, C1)]], buf_f.at[pl.ds(C0, C1), :], sem)
        pltpu.async_copy(
            emb_hbm.at[tg_v.at[r, pl.ds(0, C0)]], buf_g.at[pl.ds(0, C0), :], sem)
        pltpu.async_copy(
            emb_hbm.at[tg_v.at[r, pl.ds(C0, C1)]], buf_g.at[pl.ds(C0, C1), :], sem)

    def drain_pair(buf_f, buf_g, sem):
        pltpu.make_async_copy(emb_hbm.at[pl.ds(0, S), :], buf_f, sem).wait()
        pltpu.make_async_copy(emb_hbm.at[pl.ds(0, S), :], buf_g, sem).wait()

    def compute_row(r, buf_f, buf_g):
        f0a = buf_f[0, pl.ds(0, L)]
        f0b = buf_f[0, pl.ds(L, L)]
        g0a = buf_g[0, pl.ds(0, L)]
        g0b = buf_g[0, pl.ds(L, L)]
        zv = jnp.zeros((L,), jnp.float32)

        def step(s, carry):
            (fsa, fsb, fqa, fqb, fca, fcb, fpa, fpb,
             gsa, gsb, gqa, gqb, gca, gcb, gpa, gpb) = carry
            fva = buf_f[s, pl.ds(0, L)]
            fvb = buf_f[s, pl.ds(L, L)]
            gva = buf_g[s, pl.ds(0, L)]
            gvb = buf_g[s, pl.ds(L, L)]
            return (fsa + fva, fsb + fvb, fqa + fva * fva, fqb + fvb * fvb,
                    fca + fva * fpa, fcb + fvb * fpb, fva, fvb,
                    gsa + gva, gsb + gvb, gqa + gva * gva, gqb + gvb * gvb,
                    gca + gva * gpa, gcb + gvb * gpb, gva, gvb)

        (fsa, fsb, fqa, fqb, fca, fcb, fpa, fpb,
         gsa, gsb, gqa, gqb, gca, gcb, gpa, gpb) = lax.fori_loop(
            0, S, step,
            (zv, zv, zv, zv, zv, zv, f0a, f0b,
             zv, zv, zv, zv, zv, zv, g0a, g0b), unroll=8)

        inv_s = jnp.float32(INV_S)
        inv_d = jnp.float32(INV_D)
        acc = jnp.zeros((L,), jnp.float32)
        for (fs, fq, fc, fp, f0, gs, gq, gc, gp, g0, z) in (
                (fsa, fqa, fca, fpa, f0a, gsa, gqa, gca, gpa, g0a, z0),
                (fsb, fqb, fcb, fpb, f0b, gsb, gqb, gcb, gpb, g0b, z1)):
            sd = (fs - gs) * inv_s
            ed = (fq - gq) * inv_s - 2.0 * z * sd
            dmd = ((fp - f0) - (gp - g0)) * inv_d
            fdq = 2.0 * fq + f0 * f0 - fp * fp - 2.0 * fc
            gdq = 2.0 * gq + g0 * g0 - gp * gp - 2.0 * gc
            ded = (fdq - gdq) * inv_d
            acc = acc + sd * sd + ed * ed + dmd * dmd + ded * ded
        for idx in bfly:
            acc = acc + acc.at[idx].get(mode="promise_in_bounds")
        dist = acc * jnp.float32(1.0 / (4 * D))
        plsc.store_scatter(out_v, [jnp.full((L,), r, jnp.int32)], dist, mask=lane0)

    issue_pair(0, buf_f0, buf_g0, sem0)

    def pair_body(rr, carry):
        r0 = 2 * rr
        issue_pair(r0 + 1, buf_f1, buf_g1, sem1)
        drain_pair(buf_f0, buf_g0, sem0)
        compute_row(r0, buf_f0, buf_g0)

        @pl.when(rr < RPW // 2 - 1)
        def _():
            issue_pair(r0 + 2, buf_f0, buf_g0, sem0)

        drain_pair(buf_f1, buf_g1, sem1)
        compute_row(r0 + 1, buf_f1, buf_g1)
        return carry

    lax.fori_loop(0, RPW // 2, pair_body, 0)
    pltpu.sync_copy(out_v, out_hbm.at[pl.ds(base, RPW)])


def kernel(tokens_f, tokens_g, embedding, state_zero):
    emb_lin = _relayout(embedding.T).reshape(VROWS, D)
    mesh = plsc.VectorSubcoreMesh(
        core_axis_name="c", subcore_axis_name="s", num_cores=NC, num_subcores=NS)
    run = pl.kernel(
        _sc_body,
        out_type=jax.ShapeDtypeStruct((B,), jnp.float32),
        mesh=mesh,
        compiler_params=pltpu.CompilerParams(
            needs_layout_passes=False, use_tc_tiling_on_sc=False),
        scratch_types=[
            pltpu.VMEM((RPW, S), jnp.int32),
            pltpu.VMEM((RPW, S), jnp.int32),
            pltpu.VMEM((D,), jnp.float32),
            pltpu.VMEM((S, D), jnp.float32),
            pltpu.VMEM((S, D), jnp.float32),
            pltpu.VMEM((S, D), jnp.float32),
            pltpu.VMEM((S, D), jnp.float32),
            pltpu.VMEM((RPW,), jnp.float32),
            pltpu.SemaphoreType.DMA,
            pltpu.SemaphoreType.DMA,
        ],
    )
    return run(tokens_f.astype(jnp.int32), tokens_g.astype(jnp.int32),
               emb_lin, state_zero)

# --- scband reference (transcript-rebuilt; emitter-appended) ---
"""Pipeline reference for scband-structural-field-net-89859305767262 (READ-ONLY COPY).

The authoritative reference and input builder live on the scoring server;
editing this copy changes nothing except your own understanding.
"""

import jax, jax.numpy as jnp
import numpy as np


def _signature(x):
    # x: (B, S, D)
    dx = x[:, 1:, :] - x[:, :-1, :]
    mean = x.mean(axis=1)
    energy = (x ** 2).mean(axis=1)
    delta_mean = dx.mean(axis=1)
    delta_energy = (dx ** 2).mean(axis=1)
    return jnp.concatenate([mean, energy, delta_mean, delta_energy], axis=-1)


def setup_inputs(seed: int = 0) -> dict:
    key = jax.random.key(seed)
    k1, k2, k3 = jax.random.split(key, 3)
    tokens_f = jax.random.randint(k1, (4096, 200), 0, 1000000, dtype=jnp.int64) if jax.config.read('jax_enable_x64') else jax.random.randint(k1, (4096, 200), 0, 1000000)
    tokens_g = jax.random.randint(k2, (4096, 200), 0, 1000000)
    embedding = jax.random.normal(k3, (1000000, 32), dtype=jnp.float32) * 0.02
    state_zero = jnp.zeros((32,), dtype=jnp.float32)
    return {"tokens_f": tokens_f, "tokens_g": tokens_g, "embedding": embedding, "state_zero": state_zero}


def reference(tokens_f, tokens_g, embedding, state_zero):
    emb_f = jnp.take(embedding, tokens_f, axis=0)
    emb_g = jnp.take(embedding, tokens_g, axis=0)
    emb_f = emb_f - state_zero
    emb_g = emb_g - state_zero
    sig_f = _signature(emb_f)
    sig_g = _signature(emb_g)
    distance = ((sig_f - sig_g) ** 2).mean(axis=-1)
    return distance

if __name__ == "__main__":
    import jax
    _d = setup_inputs()
    print(jax.jit(kernel)(*tuple(_d.values())))

</pallas_src>

<mosaic_0001>
#map = affine_map<(d0, d1) -> (0, 0)>
#map1 = affine_map<(d0, d1) -> (0)>
module attributes {stable_mosaic.version = 14 : i64} {
  func.func @_sc_body(%arg0: i32, %arg1: i32, %arg2: memref<4096x200xi32, #tpu.memory_space<hbm>>, %arg3: memref<4096x200xi32, #tpu.memory_space<hbm>>, %arg4: memref<1000000x32xf32, #tpu.memory_space<hbm>>, %arg5: memref<32xf32, #tpu.memory_space<hbm>>, %arg6: memref<4096xf32, #tpu.memory_space<hbm>>, %arg7: memref<128x200xi32, #tpu.memory_space<vmem>>, %arg8: memref<128x200xi32, #tpu.memory_space<vmem>>, %arg9: memref<32xf32, #tpu.memory_space<vmem>>, %arg10: memref<200x32xf32, #tpu.memory_space<vmem>>, %arg11: memref<200x32xf32, #tpu.memory_space<vmem>>, %arg12: memref<200x32xf32, #tpu.memory_space<vmem>>, %arg13: memref<200x32xf32, #tpu.memory_space<vmem>>, %arg14: memref<128xf32, #tpu.memory_space<vmem>>, %arg15: memref<!tpu.dma_semaphore, #tpu.memory_space<semaphore_mem>>, %arg16: memref<!tpu.dma_semaphore, #tpu.memory_space<semaphore_mem>>) attributes {dimension_semantics = [#tpu.dimension_semantics<core_parallel>, #tpu.dimension_semantics<subcore_parallel>], iteration_bounds = array<i64: 2, 16>, scalar_prefetch = 0 : i64, scratch_operands = 10 : i64, tpu.core_type = #tpu.core_type<sc_vector_subcore>, window_params = [{transform_indices = #map}, {transform_indices = #map}, {transform_indices = #map}, {transform_indices = #map1}, {transform_indices = #map1}]} {
    %mul3A = arith.constant 2 : i32
    %mul3A_0 = arith.muli %arg1, %mul3A : i32
    %add3A = arith.addi %mul3A_0, %arg0 : i32
    %mul3A_1 = arith.constant 128 : i32
    %mul3A_2 = arith.muli %add3A, %mul3A_1 : i32
    "tpu.region"() ({
      %run_scoped3A = tpu.sem_alloc : memref<!tpu.dma_semaphore, #tpu.memory_space<semaphore_mem>>
      %dma_start3A_63 = arith.constant 0 : i32
      %dma_start3A_64 = tpu.memref_slice %arg2[%mul3A_2, %dma_start3A_63] : memref<4096x200xi32, #tpu.memory_space<hbm>> -> memref<128x200xi32, #tpu.memory_space<hbm>>
      %dma_start3A_65 = arith.constant 0 : i32
      %dma_start3A_66 = tpu.memref_slice %arg2[%mul3A_2, %dma_start3A_65] : memref<4096x200xi32, #tpu.memory_space<hbm>> -> memref<128x200xi32, #tpu.memory_space<hbm>>
      tpu.enqueue_dma source(%dma_start3A_66 : memref<128x200xi32, #tpu.memory_space<hbm>>) target(%arg7 : memref<128x200xi32, #tpu.memory_space<vmem>>) target_semaphore(%run_scoped3A : memref<!tpu.dma_semaphore, #tpu.memory_space<semaphore_mem>>)
      %dma_wait3A = arith.constant 0 : i32
      %dma_wait3A_67 = tpu.memref_slice %arg2[%mul3A_2, %dma_wait3A] : memref<4096x200xi32, #tpu.memory_space<hbm>> -> memref<128x200xi32, #tpu.memory_space<hbm>>
      %dma_wait3A_68 = arith.constant 0 : i32
      %dma_wait3A_69 = tpu.memref_slice %arg2[%mul3A_2, %dma_wait3A_68] : memref<4096x200xi32, #tpu.memory_space<hbm>> -> memref<128x200xi32, #tpu.memory_space<hbm>>
      tpu.wait_dma2 semaphore(%run_scoped3A : memref<!tpu.dma_semaphore, #tpu.memory_space<semaphore_mem>>) src(%dma_wait3A_69 : memref<128x200xi32, #tpu.memory_space<hbm>>) dst(%arg7 : memref<128x200xi32, #tpu.memory_space<vmem>>)
      tpu.yield
    }) : () -> ()
    "tpu.region"() ({
      %run_scoped3A = tpu.sem_alloc : memref<!tpu.dma_semaphore, #tpu.memory_space<semaphore_mem>>
      %dma_start3A_63 = arith.constant 0 : i32
      %dma_start3A_64 = tpu.memref_slice %arg3[%mul3A_2, %dma_start3A_63] : memref<4096x200xi32, #tpu.memory_space<hbm>> -> memref<128x200xi32, #tpu.memory_space<hbm>>
      %dma_start3A_65 = arith.constant 0 : i32
      %dma_start3A_66 = tpu.memref_slice %arg3[%mul3A_2, %dma_start3A_65] : memref<4096x200xi32, #tpu.memory_space<hbm>> -> memref<128x200xi32, #tpu.memory_space<hbm>>
      tpu.enqueue_dma source(%dma_start3A_66 : memref<128x200xi32, #tpu.memory_space<hbm>>) target(%arg8 : memref<128x200xi32, #tpu.memory_space<vmem>>) target_semaphore(%run_scoped3A : memref<!tpu.dma_semaphore, #tpu.memory_space<semaphore_mem>>)
      %dma_wait3A = arith.constant 0 : i32
      %dma_wait3A_67 = tpu.memref_slice %arg3[%mul3A_2, %dma_wait3A] : memref<4096x200xi32, #tpu.memory_space<hbm>> -> memref<128x200xi32, #tpu.memory_space<hbm>>
      %dma_wait3A_68 = arith.constant 0 : i32
      %dma_wait3A_69 = tpu.memref_slice %arg3[%mul3A_2, %dma_wait3A_68] : memref<4096x200xi32, #tpu.memory_space<hbm>> -> memref<128x200xi32, #tpu.memory_space<hbm>>
      tpu.wait_dma2 semaphore(%run_scoped3A : memref<!tpu.dma_semaphore, #tpu.memory_space<semaphore_mem>>) src(%dma_wait3A_69 : memref<128x200xi32, #tpu.memory_space<hbm>>) dst(%arg8 : memref<128x200xi32, #tpu.memory_space<vmem>>)
      tpu.yield
    }) : () -> ()
    "tpu.region"() ({
      %run_scoped3A = tpu.sem_alloc : memref<!tpu.dma_semaphore, #tpu.memory_space<semaphore_mem>>
      tpu.enqueue_dma source(%arg5 : memref<32xf32, #tpu.memory_space<hbm>>) target(%arg9 : memref<32xf32, #tpu.memory_space<vmem>>) target_semaphore(%run_scoped3A : memref<!tpu.dma_semaphore, #tpu.memory_space<semaphore_mem>>)
      tpu.wait_dma2 semaphore(%run_scoped3A : memref<!tpu.dma_semaphore, #tpu.memory_space<semaphore_mem>>) src(%arg5 : memref<32xf32, #tpu.memory_space<hbm>>) dst(%arg9 : memref<32xf32, #tpu.memory_space<vmem>>)
      tpu.yield
    }) : () -> ()
    %get3A = arith.constant 0 : index
    %get3A_3 = tpu.vector_load %arg9[%get3A] {strides = array<i32>} : memref<32xf32, #tpu.memory_space<vmem>>, vector<16xf32>,
    %get3A_4 = arith.constant 16 : index
    %get3A_5 = tpu.vector_load %arg9[%get3A_4] {strides = array<i32>} : memref<32xf32, #tpu.memory_space<vmem>>, vector<16xf32>,
    %iota3A = tpu.iota {dimensions = array<i32: 0>} : vector<16xi32>
    %eq3A = arith.constant 0 : i32
    %eq3A_6 = vector.broadcast %eq3A : i32 to vector<16xi32>
    %eq3A_7 = arith.cmpi eq, %iota3A, %eq3A_6 : vector<16xi32>
    %xor3A = arith.constant 8 : i32
    %xor3A_8 = vector.broadcast %xor3A : i32 to vector<16xi32>
    %xor3A_9 = arith.xori %iota3A, %xor3A_8 : vector<16xi32>
    %xor3A_10 = arith.constant 4 : i32
    %xor3A_11 = vector.broadcast %xor3A_10 : i32 to vector<16xi32>
    %xor3A_12 = arith.xori %iota3A, %xor3A_11 : vector<16xi32>
    %xor3A_13 = arith.constant 2 : i32
    %xor3A_14 = vector.broadcast %xor3A_13 : i32 to vector<16xi32>
    %xor3A_15 = arith.xori %iota3A, %xor3A_14 : vector<16xi32>
    %xor3A_16 = arith.constant 1 : i32
    %xor3A_17 = vector.broadcast %xor3A_16 : i32 to vector<16xi32>
    %xor3A_18 = arith.xori %iota3A, %xor3A_17 : vector<16xi32>
    %dma_start3A = arith.constant 0 : i32
    %dma_start3A_19 = arith.constant 0 : i32
    %dma_start3A_20 = arith.constant 0 : i32
    %dma_start3A_21 = tpu.memref_slice %arg10[%dma_start3A_19, %dma_start3A_20] : memref<200x32xf32, #tpu.memory_space<vmem>> -> memref<128x32xf32, #tpu.memory_space<vmem>>
    %dma_start3A_22 = arith.constant 0 : i32
    %dma_start3A_23 = tpu.memref_slice %arg7[%dma_start3A, %dma_start3A_22] : memref<128x200xi32, #tpu.memory_space<vmem>> -> memref<1x128xi32, #tpu.memory_space<vmem>>
    %dma_start3A_24 = tpu.memref_squeeze %dma_start3A_23 : memref<1x128xi32, #tpu.memory_space<vmem>> -> memref<128xi32, #tpu.memory_space<vmem>>
    %dma_start3A_25 = arith.constant 0 : i32
    %dma_start3A_26 = arith.constant 0 : i32
    %dma_start3A_27 = tpu.memref_slice %arg4[%dma_start3A_25, %dma_start3A_26] : memref<1000000x32xf32, #tpu.memory_space<hbm>> -> memref<1000000x32xf32, #tpu.memory_space<hbm>>
    tpu.enqueue_indirect_dma source(%dma_start3A_27 : memref<1000000x32xf32, #tpu.memory_space<hbm>>) target(%dma_start3A_21 : memref<128x32xf32, #tpu.memory_space<vmem>>) offsets(%dma_start3A_24 : memref<128xi32, #tpu.memory_space<vmem>>) semaphore(%arg15 : memref<!tpu.dma_semaphore, #tpu.memory_space<semaphore_mem>>)
    %dma_start3A_28 = arith.constant 0 : i32
    %dma_start3A_29 = arith.constant 128 : i32
    %dma_start3A_30 = arith.constant 0 : i32
    %dma_start3A_31 = tpu.memref_slice %arg10[%dma_start3A_29, %dma_start3A_30] : memref<200x32xf32, #tpu.memory_space<vmem>> -> memref<72x32xf32, #tpu.memory_space<vmem>>
    %dma_start3A_32 = arith.constant 128 : i32
    %dma_start3A_33 = tpu.memref_slice %arg7[%dma_start3A_28, %dma_start3A_32] : memref<128x200xi32, #tpu.memory_space<vmem>> -> memref<1x72xi32, #tpu.memory_space<vmem>>
    %dma_start3A_34 = tpu.memref_squeeze %dma_start3A_33 : memref<1x72xi32, #tpu.memory_space<vmem>> -> memref<72xi32, #tpu.memory_space<vmem>>
    %dma_start3A_35 = arith.constant 0 : i32
    %dma_start3A_36 = arith.constant 0 : i32
    %dma_start3A_37 = tpu.memref_slice %arg4[%dma_start3A_35, %dma_start3A_36] : memref<1000000x32xf32, #tpu.memory_space<hbm>> -> memref<1000000x32xf32, #tpu.memory_space<hbm>>
    tpu.enqueue_indirect_dma source(%dma_start3A_37 : memref<1000000x32xf32, #tpu.memory_space<hbm>>) target(%dma_start3A_31 : memref<72x32xf32, #tpu.memory_space<vmem>>) offsets(%dma_start3A_34 : memref<72xi32, #tpu.memory_space<vmem>>) semaphore(%arg15 : memref<!tpu.dma_semaphore, #tpu.memory_space<semaphore_mem>>)
    %dma_start3A_38 = arith.constant 0 : i32
    %dma_start3A_39 = arith.constant 0 : i32
    %dma_start3A_40 = arith.constant 0 : i32
    %dma_start3A_41 = tpu.memref_slice %arg11[%dma_start3A_39, %dma_start3A_40] : memref<200x32xf32, #tpu.memory_space<vmem>> -> memref<128x32xf32, #tpu.memory_space<vmem>>
    %dma_start3A_42 = arith.constant 0 : i32
    %dma_start3A_43 = tpu.memref_slice %arg8[%dma_start3A_38, %dma_start3A_42] : memref<128x200xi32, #tpu.memory_space<vmem>> -> memref<1x128xi32, #tpu.memory_space<vmem>>
    %dma_start3A_44 = tpu.memref_squeeze %dma_start3A_43 : memref<1x128xi32, #tpu.memory_space<vmem>> -> memref<128xi32, #tpu.memory_space<vmem>>
    %dma_start3A_45 = arith.constant 0 : i32
    %dma_start3A_46 = arith.constant 0 : i32
    %dma_start3A_47 = tpu.memref_slice %arg4[%dma_start3A_45, %dma_start3A_46] : memref<1000000x32xf32, #tpu.memory_space<hbm>> -> memref<1000000x32xf32, #tpu.memory_space<hbm>>
    tpu.enqueue_indirect_dma source(%dma_start3A_47 : memref<1000000x32xf32, #tpu.memory_space<hbm>>) target(%dma_start3A_41 : memref<128x32xf32, #tpu.memory_space<vmem>>) offsets(%dma_start3A_44 : memref<128xi32, #tpu.memory_space<vmem>>) semaphore(%arg15 : memref<!tpu.dma_semaphore, #tpu.memory_space<semaphore_mem>>)
    %dma_start3A_48 = arith.constant 0 : i32
    %dma_start3A_49 = arith.constant 128 : i32
    %dma_start3A_50 = arith.constant 0 : i32
    %dma_start3A_51 = tpu.memref_slice %arg11[%dma_start3A_49, %dma_start3A_50] : memref<200x32xf32, #tpu.memory_space<vmem>> -> memref<72x32xf32, #tpu.memory_space<vmem>>
    %dma_start3A_52 = arith.constant 128 : i32
    %dma_start3A_53 = tpu.memref_slice %arg8[%dma_start3A_48, %dma_start3A_52] : memref<128x200xi32, #tpu.memory_space<vmem>> -> memref<1x72xi32, #tpu.memory_space<vmem>>
    %dma_start3A_54 = tpu.memref_squeeze %dma_start3A_53 : memref<1x72xi32, #tpu.memory_space<vmem>> -> memref<72xi32, #tpu.memory_space<vmem>>
    %dma_start3A_55 = arith.constant 0 : i32
    %dma_start3A_56 = arith.constant 0 : i32
    %dma_start3A_57 = tpu.memref_slice %arg4[%dma_start3A_55, %dma_start3A_56] : memref<1000000x32xf32, #tpu.memory_space<hbm>> -> memref<1000000x32xf32, #tpu.memory_space<hbm>>
    tpu.enqueue_indirect_dma source(%dma_start3A_57 : memref<1000000x32xf32, #tpu.memory_space<hbm>>) target(%dma_start3A_51 : memref<72x32xf32, #tpu.memory_space<vmem>>) offsets(%dma_start3A_54 : memref<72xi32, #tpu.memory_space<vmem>>) semaphore(%arg15 : memref<!tpu.dma_semaphore, #tpu.memory_space<semaphore_mem>>)
    %scan3A = arith.constant 0 : i32
    %scan3A_58 = arith.constant 0 : i32
    %scan3A_59 = arith.constant 64 : i32
    %scan3A_60 = arith.addi %scan3A_58, %scan3A_59 : i32
    %scan3A_61 = arith.constant 1 : i32
    scf.for %scan3A_63 = %scan3A_58 to %scan3A_60 step %scan3A_61  : i32 {
      %mul3A_64 = arith.constant 2 : i32
      %mul3A_65 = arith.muli %mul3A_64, %scan3A_63 : i32
      %add3A_66 = arith.constant 1 : i32
      %add3A_67 = arith.addi %mul3A_65, %add3A_66 : i32
      %dma_start3A_68 = arith.constant 0 : i32
      %dma_start3A_69 = arith.constant 0 : i32
      %dma_start3A_70 = tpu.memref_slice %arg12[%dma_start3A_68, %dma_start3A_69] : memref<200x32xf32, #tpu.memory_space<vmem>> -> memref<128x32xf32, #tpu.memory_space<vmem>>
      %dma_start3A_71 = arith.constant 0 : i32
      %dma_start3A_72 = tpu.memref_slice %arg7[%add3A_67, %dma_start3A_71] : memref<128x200xi32, #tpu.memory_space<vmem>> -> memref<1x128xi32, #tpu.memory_space<vmem>>
      %dma_start3A_73 = tpu.memref_squeeze %dma_start3A_72 : memref<1x128xi32, #tpu.memory_space<vmem>> -> memref<128xi32, #tpu.memory_space<vmem>>
      %dma_start3A_74 = arith.constant 0 : i32
      %dma_start3A_75 = arith.constant 0 : i32
      %dma_start3A_76 = tpu.memref_slice %arg4[%dma_start3A_74, %dma_start3A_75] : memref<1000000x32xf32, #tpu.memory_space<hbm>> -> memref<1000000x32xf32, #tpu.memory_space<hbm>>
      tpu.enqueue_indirect_dma source(%dma_start3A_76 : memref<1000000x32xf32, #tpu.memory_space<hbm>>) target(%dma_start3A_70 : memref<128x32xf32, #tpu.memory_space<vmem>>) offsets(%dma_start3A_73 : memref<128xi32, #tpu.memory_space<vmem>>) semaphore(%arg16 : memref<!tpu.dma_semaphore, #tpu.memory_space<semaphore_mem>>)
      %dma_start3A_77 = arith.constant 128 : i32
      %dma_start3A_78 = arith.constant 0 : i32
      %dma_start3A_79 = tpu.memref_slice %arg12[%dma_start3A_77, %dma_start3A_78] : memref<200x32xf32, #tpu.memory_space<vmem>> -> memref<72x32xf32, #tpu.memory_space<vmem>>
      %dma_start3A_80 = arith.constant 128 : i32
      %dma_start3A_81 = tpu.memref_slice %arg7[%add3A_67, %dma_start3A_80] : memref<128x200xi32, #tpu.memory_space<vmem>> -> memref<1x72xi32, #tpu.memory_space<vmem>>
      %dma_start3A_82 = tpu.memref_squeeze %dma_start3A_81 : memref<1x72xi32, #tpu.memory_space<vmem>> -> memref<72xi32, #tpu.memory_space<vmem>>
      %dma_start3A_83 = arith.constant 0 : i32
      %dma_start3A_84 = arith.constant 0 : i32
      %dma_start3A_85 = tpu.memref_slice %arg4[%dma_start3A_83, %dma_start3A_84] : memref<1000000x32xf32, #tpu.memory_space<hbm>> -> memref<1000000x32xf32, #tpu.memory_space<hbm>>
      tpu.enqueue_indirect_dma source(%dma_start3A_85 : memref<1000000x32xf32, #tpu.memory_space<hbm>>) target(%dma_start3A_79 : memref<72x32xf32, #tpu.memory_space<vmem>>) offsets(%dma_start3A_82 : memref<72xi32, #tpu.memory_space<vmem>>) semaphore(%arg16 : memref<!tpu.dma_semaphore, #tpu.memory_space<semaphore_mem>>)
      %dma_start3A_86 = arith.constant 0 : i32
      %dma_start3A_87 = arith.constant 0 : i32
      %dma_start3A_88 = tpu.memref_slice %arg13[%dma_start3A_86, %dma_start3A_87] : memref<200x32xf32, #tpu.memory_space<vmem>> -> memref<128x32xf32, #tpu.memory_space<vmem>>
      %dma_start3A_89 = arith.constant 0 : i32
      %dma_start3A_90 = tpu.memref_slice %arg8[%add3A_67, %dma_start3A_89] : memref<128x200xi32, #tpu.memory_space<vmem>> -> memref<1x128xi32, #tpu.memory_space<vmem>>
      %dma_start3A_91 = tpu.memref_squeeze %dma_start3A_90 : memref<1x128xi32, #tpu.memory_space<vmem>> -> memref<128xi32, #tpu.memory_space<vmem>>
      %dma_start3A_92 = arith.constant 0 : i32
      %dma_start3A_93 = arith.constant 0 : i32
      %dma_start3A_94 = tpu.memref_slice %arg4[%dma_start3A_92, %dma_start3A_93] : memref<1000000x32xf32, #tpu.memory_space<hbm>> -> memref<1000000x32xf32, #tpu.memory_space<hbm>>
      tpu.enqueue_indirect_dma source(%dma_start3A_94 : memref<1000000x32xf32, #tpu.memory_space<hbm>>) target(%dma_start3A_88 : memref<128x32xf32, #tpu.memory_space<vmem>>) offsets(%dma_start3A_91 : memref<128xi32, #tpu.memory_space<vmem>>) semaphore(%arg16 : memref<!tpu.dma_semaphore, #tpu.memory_space<semaphore_mem>>)
      %dma_start3A_95 = arith.constant 128 : i32
      %dma_start3A_96 = arith.constant 0 : i32
      %dma_start3A_97 = tpu.memref_slice %arg13[%dma_start3A_95, %dma_start3A_96] : memref<200x32xf32, #tpu.memory_space<vmem>> -> memref<72x32xf32, #tpu.memory_space<vmem>>
      %dma_start3A_98 = arith.constant 128 : i32
      %dma_start3A_99 = tpu.memref_slice %arg8[%add3A_67, %dma_start3A_98] : memref<128x200xi32, #tpu.memory_space<vmem>> -> memref<1x72xi32, #tpu.memory_space<vmem>>
      %dma_start3A_100 = tpu.memref_squeeze %dma_start3A_99 : memref<1x72xi32, #tpu.memory_space<vmem>> -> memref<72xi32, #tpu.memory_space<vmem>>
      %dma_start3A_101 = arith.constant 0 : i32
      %dma_start3A_102 = arith.constant 0 : i32
      %dma_start3A_103 = tpu.memref_slice %arg4[%dma_start3A_101, %dma_start3A_102] : memref<1000000x32xf32, #tpu.memory_space<hbm>> -> memref<1000000x32xf32, #tpu.memory_space<hbm>>
      tpu.enqueue_indirect_dma source(%dma_start3A_103 : memref<1000000x32xf32, #tpu.memory_space<hbm>>) target(%dma_start3A_97 : memref<72x32xf32, #tpu.memory_space<vmem>>) offsets(%dma_start3A_100 : memref<72xi32, #tpu.memory_space<vmem>>) semaphore(%arg16 : memref<!tpu.dma_semaphore, #tpu.memory_space<semaphore_mem>>)
      %dma_wait3A = arith.constant 0 : i32
      %dma_wait3A_104 = arith.constant 0 : i32
      %dma_wait3A_105 = tpu.memref_slice %arg4[%dma_wait3A, %dma_wait3A_104] : memref<1000000x32xf32, #tpu.memory_space<hbm>> -> memref<200x32xf32, #tpu.memory_space<hbm>>
      %dma_wait3A_106 = arith.constant 0 : i32
      %dma_wait3A_107 = arith.constant 0 : i32
      %dma_wait3A_108 = tpu.memref_slice %arg4[%dma_wait3A_106, %dma_wait3A_107] : memref<1000000x32xf32, #tpu.memory_space<hbm>> -> memref<200x32xf32, #tpu.memory_space<hbm>>
      tpu.wait_dma2 semaphore(%arg15 : memref<!tpu.dma_semaphore, #tpu.memory_space<semaphore_mem>>) src(%dma_wait3A_108 : memref<200x32xf32, #tpu.memory_space<hbm>>) dst(%arg10 : memref<200x32xf32, #tpu.memory_space<vmem>>)
      %dma_wait3A_109 = arith.constant 0 : i32
      %dma_wait3A_110 = arith.constant 0 : i32
      %dma_wait3A_111 = tpu.memref_slice %arg4[%dma_wait3A_109, %dma_wait3A_110] : memref<1000000x32xf32, #tpu.memory_space<hbm>> -> memref<200x32xf32, #tpu.memory_space<hbm>>
      %dma_wait3A_112 = arith.constant 0 : i32
      %dma_wait3A_113 = arith.constant 0 : i32
      %dma_wait3A_114 = tpu.memref_slice %arg4[%dma_wait3A_112, %dma_wait3A_113] : memref<1000000x32xf32, #tpu.memory_space<hbm>> -> memref<200x32xf32, #tpu.memory_space<hbm>>
      tpu.wait_dma2 semaphore(%arg15 : memref<!tpu.dma_semaphore, #tpu.memory_space<semaphore_mem>>) src(%dma_wait3A_114 : memref<200x32xf32, #tpu.memory_space<hbm>>) dst(%arg11 : memref<200x32xf32, #tpu.memory_space<vmem>>)
      %get3A_115 = arith.constant 0 : i32
      %get3A_116 = arith.index_cast %get3A_115 : i32 to index
      %get3A_117 = arith.constant 0 : index
      %get3A_118 = tpu.vector_load %arg10[%get3A_116, %get3A_117] {strides = array<i32>} : memref<200x32xf32, #tpu.memory_space<vmem>>, vector<16xf32>,
      %get3A_119 = arith.constant 0 : i32
      %get3A_120 = arith.index_cast %get3A_119 : i32 to index
      %get3A_121 = arith.constant 16 : index
      %get3A_122 = tpu.vector_load %arg10[%get3A_120, %get3A_121] {strides = array<i32>} : memref<200x32xf32, #tpu.memory_space<vmem>>, vector<16xf32>,
      %get3A_123 = arith.constant 0 : i32
      %get3A_124 = arith.index_cast %get3A_123 : i32 to index
      %get3A_125 = arith.constant 0 : index
      %get3A_126 = tpu.vector_load %arg11[%get3A_124, %get3A_125] {strides = array<i32>} : memref<200x32xf32, #tpu.memory_space<vmem>>, vector<16xf32>,
      %get3A_127 = arith.constant 0 : i32
      %get3A_128 = arith.index_cast %get3A_127 : i32 to index
      %get3A_129 = arith.constant 16 : index
      %get3A_130 = tpu.vector_load %arg11[%get3A_128, %get3A_129] {strides = array<i32>} : memref<200x32xf32, #tpu.memory_space<vmem>>, vector<16xf32>,
      %broadcast_in_dim3A = arith.constant 0.000000e+00 : f32
      %broadcast_in_dim3A_131 = vector.broadcast %broadcast_in_dim3A : f32 to vector<16xf32>
      %scan3A_132 = arith.constant 0 : i32
      %scan3A_133 = arith.constant 200 : i32
      %scan3A_134 = arith.addi %scan3A_132, %scan3A_133 : i32
      %scan3A_135 = arith.constant 8 : i32
      %scan3A_136:16 = scf.for %scan3A_487 = %scan3A_132 to %scan3A_134 step %scan3A_135 iter_args(%scan3A_488 = %broadcast_in_dim3A_131, %scan3A_489 = %broadcast_in_dim3A_131, %scan3A_490 = %broadcast_in_dim3A_131, %scan3A_491 = %broadcast_in_dim3A_131, %scan3A_492 = %broadcast_in_dim3A_131, %scan3A_493 = %broadcast_in_dim3A_131, %scan3A_494 = %get3A_118, %scan3A_495 = %get3A_122, %scan3A_496 = %broadcast_in_dim3A_131, %scan3A_497 = %broadcast_in_dim3A_131, %scan3A_498 = %broadcast_in_dim3A_131, %scan3A_499 = %broadcast_in_dim3A_131, %scan3A_500 = %broadcast_in_dim3A_131, %scan3A_501 = %broadcast_in_dim3A_131, %scan3A_502 = %get3A_126, %scan3A_503 = %get3A_130) -> (vector<16xf32>, vector<16xf32>, vector<16xf32>, vector<16xf32>, vector<16xf32>, vector<16xf32>, vector<16xf32>, vector<16xf32>, vector<16xf32>, vector<16xf32>, vector<16xf32>, vector<16xf32>, vector<16xf32>, vector<16xf32>, vector<16xf32>, vector<16xf32>)  : i32 {
        %get3A_504 = arith.index_cast %scan3A_487 : i32 to index
        %get3A_505 = arith.constant 0 : index
        %get3A_506 = tpu.vector_load %arg10[%get3A_504, %get3A_505] {strides = array<i32>} : memref<200x32xf32, #tpu.memory_space<vmem>>, vector<16xf32>,
        %get3A_507 = arith.index_cast %scan3A_487 : i32 to index
        %get3A_508 = arith.constant 16 : index
        %get3A_509 = tpu.vector_load %arg10[%get3A_507, %get3A_508] {strides = array<i32>} : memref<200x32xf32, #tpu.memory_space<vmem>>, vector<16xf32>,
        %get3A_510 = arith.index_cast %scan3A_487 : i32 to index
        %get3A_511 = arith.constant 0 : index
        %get3A_512 = tpu.vector_load %arg11[%get3A_510, %get3A_511] {strides = array<i32>} : memref<200x32xf32, #tpu.memory_space<vmem>>, vector<16xf32>,
        %get3A_513 = arith.index_cast %scan3A_487 : i32 to index
        %get3A_514 = arith.constant 16 : index
        %get3A_515 = tpu.vector_load %arg11[%get3A_513, %get3A_514] {strides = array<i32>} : memref<200x32xf32, #tpu.memory_space<vmem>>, vector<16xf32>,
        %add3A_516 = arith.addf %scan3A_488, %get3A_506 : vector<16xf32>
        %add3A_517 = arith.addf %scan3A_489, %get3A_509 : vector<16xf32>
        %mul3A_518 = arith.mulf %get3A_506, %get3A_506 : vector<16xf32>
        %add3A_519 = arith.addf %scan3A_490, %mul3A_518 : vector<16xf32>
        %mul3A_520 = arith.mulf %get3A_509, %get3A_509 : vector<16xf32>
        %add3A_521 = arith.addf %scan3A_491, %mul3A_520 : vector<16xf32>
        %mul3A_522 = arith.mulf %get3A_506, %scan3A_494 : vector<16xf32>
        %add3A_523 = arith.addf %scan3A_492, %mul3A_522 : vector<16xf32>
        %mul3A_524 = arith.mulf %get3A_509, %scan3A_495 : vector<16xf32>
        %add3A_525 = arith.addf %scan3A_493, %mul3A_524 : vector<16xf32>
        %add3A_526 = arith.addf %scan3A_496, %get3A_512 : vector<16xf32>
        %add3A_527 = arith.addf %scan3A_497, %get3A_515 : vector<16xf32>
        %mul3A_528 = arith.mulf %get3A_512, %get3A_512 : vector<16xf32>
        %add3A_529 = arith.addf %scan3A_498, %mul3A_528 : vector<16xf32>
        %mul3A_530 = arith.mulf %get3A_515, %get3A_515 : vector<16xf32>
        %add3A_531 = arith.addf %scan3A_499, %mul3A_530 : vector<16xf32>
        %mul3A_532 = arith.mulf %get3A_512, %scan3A_502 : vector<16xf32>
        %add3A_533 = arith.addf %scan3A_500, %mul3A_532 : vector<16xf32>
        %mul3A_534 = arith.mulf %get3A_515, %scan3A_503 : vector<16xf32>
        %add3A_535 = arith.addf %scan3A_501, %mul3A_534 : vector<16xf32>
        %scan3A_536 = arith.constant 1 : i32
        %scan3A_537 = arith.addi %scan3A_487, %scan3A_536 : i32
        %get3A_538 = arith.index_cast %scan3A_537 : i32 to index
        %get3A_539 = arith.constant 0 : index
        %get3A_540 = tpu.vector_load %arg10[%get3A_538, %get3A_539] {strides = array<i32>} : memref<200x32xf32, #tpu.memory_space<vmem>>, vector<16xf32>,
        %get3A_541 = arith.index_cast %scan3A_537 : i32 to index
        %get3A_542 = arith.constant 16 : index
        %get3A_543 = tpu.vector_load %arg10[%get3A_541, %get3A_542] {strides = array<i32>} : memref<200x32xf32, #tpu.memory_space<vmem>>, vector<16xf32>,
        %get3A_544 = arith.index_cast %scan3A_537 : i32 to index
        %get3A_545 = arith.constant 0 : index
        %get3A_546 = tpu.vector_load %arg11[%get3A_544, %get3A_545] {strides = array<i32>} : memref<200x32xf32, #tpu.memory_space<vmem>>, vector<16xf32>,
        %get3A_547 = arith.index_cast %scan3A_537 : i32 to index
        %get3A_548 = arith.constant 16 : index
        %get3A_549 = tpu.vector_load %arg11[%get3A_547, %get3A_548] {strides = array<i32>} : memref<200x32xf32, #tpu.memory_space<vmem>>, vector<16xf32>,
        %add3A_550 = arith.addf %add3A_516, %get3A_540 : vector<16xf32>
        %add3A_551 = arith.addf %add3A_517, %get3A_543 : vector<16xf32>
        %mul3A_552 = arith.mulf %get3A_540, %get3A_540 : vector<16xf32>
        %add3A_553 = arith.addf %add3A_519, %mul3A_552 : vector<16xf32>
        %mul3A_554 = arith.mulf %get3A_543, %get3A_543 : vector<16xf32>
        %add3A_555 = arith.addf %add3A_521, %mul3A_554 : vector<16xf32>
        %mul3A_556 = arith.mulf %get3A_540, %get3A_506 : vector<16xf32>
        %add3A_557 = arith.addf %add3A_523, %mul3A_556 : vector<16xf32>
        %mul3A_558 = arith.mulf %get3A_543, %get3A_509 : vector<16xf32>
        %add3A_559 = arith.addf %add3A_525, %mul3A_558 : vector<16xf32>
        %add3A_560 = arith.addf %add3A_526, %get3A_546 : vector<16xf32>
        %add3A_561 = arith.addf %add3A_527, %get3A_549 : vector<16xf32>
        %mul3A_562 = arith.mulf %get3A_546, %get3A_546 : vector<16xf32>
        %add3A_563 = arith.addf %add3A_529, %mul3A_562 : vector<16xf32>
        %mul3A_564 = arith.mulf %get3A_549, %get3A_549 : vector<16xf32>
        %add3A_565 = arith.addf %add3A_531, %mul3A_564 : vector<16xf32>
        %mul3A_566 = arith.mulf %get3A_546, %get3A_512 : vector<16xf32>
        %add3A_567 = arith.addf %add3A_533, %mul3A_566 : vector<16xf32>
        %mul3A_568 = arith.mulf %get3A_549, %get3A_515 : vector<16xf32>
        %add3A_569 = arith.addf %add3A_535, %mul3A_568 : vector<16xf32>
        %scan3A_570 = arith.constant 2 : i32
        %scan3A_571 = arith.addi %scan3A_487, %scan3A_570 : i32
        %get3A_572 = arith.index_cast %scan3A_571 : i32 to index
        %get3A_573 = arith.constant 0 : index
        %get3A_574 = tpu.vector_load %arg10[%get3A_572, %get3A_573] {strides = array<i32>} : memref<200x32xf32, #tpu.memory_space<vmem>>, vector<16xf32>,
        %get3A_575 = arith.index_cast %scan3A_571 : i32 to index
        %get3A_576 = arith.constant 16 : index
        %get3A_577 = tpu.vector_load %arg10[%get3A_575, %get3A_576] {strides = array<i32>} : memref<200x32xf32, #tpu.memory_space<vmem>>, vector<16xf32>,
        %get3A_578 = arith.index_cast %scan3A_571 : i32 to index
        %get3A_579 = arith.constant 0 : index
        %get3A_580 = tpu.vector_load %arg11[%get3A_578, %get3A_579] {strides = array<i32>} : memref<200x32xf32, #tpu.memory_space<vmem>>, vector<16xf32>,
        %get3A_581 = arith.index_cast %scan3A_571 : i32 to index
        %get3A_582 = arith.constant 16 : index
        %get3A_583 = tpu.vector_load %arg11[%get3A_581, %get3A_582] {strides = array<i32>} : memref<200x32xf32, #tpu.memory_space<vmem>>, vector<16xf32>,
        %add3A_584 = arith.addf %add3A_550, %get3A_574 : vector<16xf32>
        %add3A_585 = arith.addf %add3A_551, %get3A_577 : vector<16xf32>
        %mul3A_586 = arith.mulf %get3A_574, %get3A_574 : vector<16xf32>
        %add3A_587 = arith.addf %add3A_553, %mul3A_586 : vector<16xf32>
        %mul3A_588 = arith.mulf %get3A_577, %get3A_577 : vector<16xf32>
        %add3A_589 = arith.addf %add3A_555, %mul3A_588 : vector<16xf32>
        %mul3A_590 = arith.mulf %get3A_574, %get3A_540 : vector<16xf32>
        %add3A_591 = arith.addf %add3A_557, %mul3A_590 : vector<16xf32>
        %mul3A_592 = arith.mulf %get3A_577, %get3A_543 : vector<16xf32>
        %add3A_593 = arith.addf %add3A_559, %mul3A_592 : vector<16xf32>
        %add3A_594 = arith.addf %add3A_560, %get3A_580 : vector<16xf32>
        %add3A_595 = arith.addf %add3A_561, %get3A_583 : vector<16xf32>
        %mul3A_596 = arith.mulf %get3A_580, %get3A_580 : vector<16xf32>
        %add3A_597 = arith.addf %add3A_563, %mul3A_596 : vector<16xf32>
        %mul3A_598 = arith.mulf %get3A_583, %get3A_583 : vector<16xf32>
        %add3A_599 = arith.addf %add3A_565, %mul3A_598 : vector<16xf32>
        %mul3A_600 = arith.mulf %get3A_580, %get3A_546 : vector<16xf32>
        %add3A_601 = arith.addf %add3A_567, %mul3A_600 : vector<16xf32>
        %mul3A_602 = arith.mulf %get3A_583, %get3A_549 : vector<16xf32>
        %add3A_603 = arith.addf %add3A_569, %mul3A_602 : vector<16xf32>
        %scan3A_604 = arith.constant 3 : i32
        %scan3A_605 = arith.addi %scan3A_487, %scan3A_604 : i32
        %get3A_606 = arith.index_cast %scan3A_605 : i32 to index
        %get3A_607 = arith.constant 0 : index
        %get3A_608 = tpu.vector_load %arg10[%get3A_606, %get3A_607] {strides = array<i32>} : memref<200x32xf32, #tpu.memory_space<vmem>>, vector<16xf32>,
        %get3A_609 = arith.index_cast %scan3A_605 : i32 to index
        %get3A_610 = arith.constant 16 : index
        %get3A_611 = tpu.vector_load %arg10[%get3A_609, %get3A_610] {strides = array<i32>} : memref<200x32xf32, #tpu.memory_space<vmem>>, vector<16xf32>,
        %get3A_612 = arith.index_cast %scan3A_605 : i32 to index
        %get3A_613 = arith.constant 0 : index
        %get3A_614 = tpu.vector_load %arg11[%get3A_612, %get3A_613] {strides = array<i32>} : memref<200x32xf32, #tpu.memory_space<vmem>>, vector<16xf32>,
        %get3A_615 = arith.index_cast %scan3A_605 : i32 to index
        %get3A_616 = arith.constant 16 : index
        %get3A_617 = tpu.vector_load %arg11[%get3A_615, %get3A_616] {strides = array<i32>} : memref<200x32xf32, #tpu.memory_space<vmem>>, vector<16xf32>,
        %add3A_618 = arith.addf %add3A_584, %get3A_608 : vector<16xf32>
        %add3A_619 = arith.addf %add3A_585, %get3A_611 : vector<16xf32>
        %mul3A_620 = arith.mulf %get3A_608, %get3A_608 : vector<16xf32>
        %add3A_621 = arith.addf %add3A_587, %mul3A_620 : vector<16xf32>
        %mul3A_622 = arith.mulf %get3A_611, %get3A_611 : vector<16xf32>
        %add3A_623 = arith.addf %add3A_589, %mul3A_622 : vector<16xf32>
        %mul3A_624 = arith.mulf %get3A_608, %get3A_574 : vector<16xf32>
        %add3A_625 = arith.addf %add3A_591, %mul3A_624 : vector<16xf32>
        %mul3A_626 = arith.mulf %get3A_611, %get3A_577 : vector<16xf32>
        %add3A_627 = arith.addf %add3A_593, %mul3A_626 : vector<16xf32>
        %add3A_628 = arith.addf %add3A_594, %get3A_614 : vector<16xf32>
        %add3A_629 = arith.addf %add3A_595, %get3A_617 : vector<16xf32>
        %mul3A_630 = arith.mulf %get3A_614, %get3A_614 : vector<16xf32>
        %add3A_631 = arith.addf %add3A_597, %mul3A_630 : vector<16xf32>
        %mul3A_632 = arith.mulf %get3A_617, %get3A_617 : vector<16xf32>
        %add3A_633 = arith.addf %add3A_599, %mul3A_632 : vector<16xf32>
        %mul3A_634 = arith.mulf %get3A_614, %get3A_580 : vector<16xf32>
        %add3A_635 = arith.addf %add3A_601, %mul3A_634 : vector<16xf32>
        %mul3A_636 = arith.mulf %get3A_617, %get3A_583 : vector<16xf32>
        %add3A_637 = arith.addf %add3A_603, %mul3A_636 : vector<16xf32>
        %scan3A_638 = arith.constant 4 : i32
        %scan3A_639 = arith.addi %scan3A_487, %scan3A_638 : i32
        %get3A_640 = arith.index_cast %scan3A_639 : i32 to index
        %get3A_641 = arith.constant 0 : index
        %get3A_642 = tpu.vector_load %arg10[%get3A_640, %get3A_641] {strides = array<i32>} : memref<200x32xf32, #tpu.memory_space<vmem>>, vector<16xf32>,
        %get3A_643 = arith.index_cast %scan3A_639 : i32 to index
        %get3A_644 = arith.constant 16 : index
        %get3A_645 = tpu.vector_load %arg10[%get3A_643, %get3A_644] {strides = array<i32>} : memref<200x32xf32, #tpu.memory_space<vmem>>, vector<16xf32>,
        %get3A_646 = arith.index_cast %scan3A_639 : i32 to index
        %get3A_647 = arith.constant 0 : index
        %get3A_648 = tpu.vector_load %arg11[%get3A_646, %get3A_647] {strides = array<i32>} : memref<200x32xf32, #tpu.memory_space<vmem>>, vector<16xf32>,
        %get3A_649 = arith.index_cast %scan3A_639 : i32 to index
        %get3A_650 = arith.constant 16 : index
        %get3A_651 = tpu.vector_load %arg11[%get3A_649, %get3A_650] {strides = array<i32>} : memref<200x32xf32, #tpu.memory_space<vmem>>, vector<16xf32>,
        %add3A_652 = arith.addf %add3A_618, %get3A_642 : vector<16xf32>
        %add3A_653 = arith.addf %add3A_619, %get3A_645 : vector<16xf32>
        %mul3A_654 = arith.mulf %get3A_642, %get3A_642 : vector<16xf32>
        %add3A_655 = arith.addf %add3A_621, %mul3A_654 : vector<16xf32>
        %mul3A_656 = arith.mulf %get3A_645, %get3A_645 : vector<16xf32>
        %add3A_657 = arith.addf %add3A_623, %mul3A_656 : vector<16xf32>
        %mul3A_658 = arith.mulf %get3A_642, %get3A_608 : vector<16xf32>
        %add3A_659 = arith.addf %add3A_625, %mul3A_658 : vector<16xf32>
        %mul3A_660 = arith.mulf %get3A_645, %get3A_611 : vector<16xf32>
        %add3A_661 = arith.addf %add3A_627, %mul3A_660 : vector<16xf32>
        %add3A_662 = arith.addf %add3A_628, %get3A_648 : vector<16xf32>
        %add3A_663 = arith.addf %add3A_629, %get3A_651 : vector<16xf32>
        %mul3A_664 = arith.mulf %get3A_648, %get3A_648 : vector<16xf32>
        %add3A_665 = arith.addf %add3A_631, %mul3A_664 : vector<16xf32>
        %mul3A_666 = arith.mulf %get3A_651, %get3A_651 : vector<16xf32>
        %add3A_667 = arith.addf %add3A_633, %mul3A_666 : vector<16xf32>
        %mul3A_668 = arith.mulf %get3A_648, %get3A_614 : vector<16xf32>
        %add3A_669 = arith.addf %add3A_635, %mul3A_668 : vector<16xf32>
        %mul3A_670 = arith.mulf %get3A_651, %get3A_617 : vector<16xf32>
        %add3A_671 = arith.addf %add3A_637, %mul3A_670 : vector<16xf32>
        %scan3A_672 = arith.constant 5 : i32
        %scan3A_673 = arith.addi %scan3A_487, %scan3A_672 : i32
        %get3A_674 = arith.index_cast %scan3A_673 : i32 to index
        %get3A_675 = arith.constant 0 : index
        %get3A_676 = tpu.vector_load %arg10[%get3A_674, %get3A_675] {strides = array<i32>} : memref<200x32xf32, #tpu.memory_space<vmem>>, vector<16xf32>,
        %get3A_677 = arith.index_cast %scan3A_673 : i32 to index
        %get3A_678 = arith.constant 16 : index
        %get3A_679 = tpu.vector_load %arg10[%get3A_677, %get3A_678] {strides = array<i32>} : memref<200x32xf32, #tpu.memory_space<vmem>>, vector<16xf32>,
        %get3A_680 = arith.index_cast %scan3A_673 : i32 to index
        %get3A_681 = arith.constant 0 : index
        %get3A_682 = tpu.vector_load %arg11[%get3A_680, %get3A_681] {strides = array<i32>} : memref<200x32xf32, #tpu.memory_space<vmem>>, vector<16xf32>,
        %get3A_683 = arith.index_cast %scan3A_673 : i32 to index
        %get3A_684 = arith.constant 16 : index
        %get3A_685 = tpu.vector_load %arg11[%get3A_683, %get3A_684] {strides = array<i32>} : memref<200x32xf32, #tpu.memory_space<vmem>>, vector<16xf32>,
        %add3A_686 = arith.addf %add3A_652, %get3A_676 : vector<16xf32>
        %add3A_687 = arith.addf %add3A_653, %get3A_679 : vector<16xf32>
        %mul3A_688 = arith.mulf %get3A_676, %get3A_676 : vector<16xf32>
        %add3A_689 = arith.addf %add3A_655, %mul3A_688 : vector<16xf32>
        %mul3A_690 = arith.mulf %get3A_679, %get3A_679 : vector<16xf32>
        %add3A_691 = arith.addf %add3A_657, %mul3A_690 : vector<16xf32>
        %mul3A_692 = arith.mulf %get3A_676, %get3A_642 : vector<16xf32>
        %add3A_693 = arith.addf %add3A_659, %mul3A_692 : vector<16xf32>
        %mul3A_694 = arith.mulf %get3A_679, %get3A_645 : vector<16xf32>
        %add3A_695 = arith.addf %add3A_661, %mul3A_694 : vector<16xf32>
        %add3A_696 = arith.addf %add3A_662, %get3A_682 : vector<16xf32>
        %add3A_697 = arith.addf %add3A_663, %get3A_685 : vector<16xf32>
        %mul3A_698 = arith.mulf %get3A_682, %get3A_682 : vector<16xf32>
        %add3A_699 = arith.addf %add3A_665, %mul3A_698 : vector<16xf32>
        %mul3A_700 = arith.mulf %get3A_685, %get3A_685 : vector<16xf32>
        %add3A_701 = arith.addf %add3A_667, %mul3A_700 : vector<16xf32>
        %mul3A_702 = arith.mulf %get3A_682, %get3A_648 : vector<16xf32>
        %add3A_703 = arith.addf %add3A_669, %mul3A_702 : vector<16xf32>
        %mul3A_704 = arith.mulf %get3A_685, %get3A_651 : vector<16xf32>
        %add3A_705 = arith.addf %add3A_671, %mul3A_704 : vector<16xf32>
        %scan3A_706 = arith.constant 6 : i32
        %scan3A_707 = arith.addi %scan3A_487, %scan3A_706 : i32
        %get3A_708 = arith.index_cast %scan3A_707 : i32 to index
        %get3A_709 = arith.constant 0 : index
        %get3A_710 = tpu.vector_load %arg10[%get3A_708, %get3A_709] {strides = array<i32>} : memref<200x32xf32, #tpu.memory_space<vmem>>, vector<16xf32>,
        %get3A_711 = arith.index_cast %scan3A_707 : i32 to index
        %get3A_712 = arith.constant 16 : index
        %get3A_713 = tpu.vector_load %arg10[%get3A_711, %get3A_712] {strides = array<i32>} : memref<200x32xf32, #tpu.memory_space<vmem>>, vector<16xf32>,
        %get3A_714 = arith.index_cast %scan3A_707 : i32 to index
        %get3A_715 = arith.constant 0 : index
        %get3A_716 = tpu.vector_load %arg11[%get3A_714, %get3A_715] {strides = array<i32>} : memref<200x32xf32, #tpu.memory_space<vmem>>, vector<16xf32>,
        %get3A_717 = arith.index_cast %scan3A_707 : i32 to index
        %get3A_718 = arith.constant 16 : index
        %get3A_719 = tpu.vector_load %arg11[%get3A_717, %get3A_718] {strides = array<i32>} : memref<200x32xf32, #tpu.memory_space<vmem>>, vector<16xf32>,
        %add3A_720 = arith.addf %add3A_686, %get3A_710 : vector<16xf32>
        %add3A_721 = arith.addf %add3A_687, %get3A_713 : vector<16xf32>
        %mul3A_722 = arith.mulf %get3A_710, %get3A_710 : vector<16xf32>
        %add3A_723 = arith.addf %add3A_689, %mul3A_722 : vector<16xf32>
        %mul3A_724 = arith.mulf %get3A_713, %get3A_713 : vector<16xf32>
        %add3A_725 = arith.addf %add3A_691, %mul3A_724 : vector<16xf32>
        %mul3A_726 = arith.mulf %get3A_710, %get3A_676 : vector<16xf32>
        %add3A_727 = arith.addf %add3A_693, %mul3A_726 : vector<16xf32>
        %mul3A_728 = arith.mulf %get3A_713, %get3A_679 : vector<16xf32>
        %add3A_729 = arith.addf %add3A_695, %mul3A_728 : vector<16xf32>
        %add3A_730 = arith.addf %add3A_696, %get3A_716 : vector<16xf32>
        %add3A_731 = arith.addf %add3A_697, %get3A_719 : vector<16xf32>
        %mul3A_732 = arith.mulf %get3A_716, %get3A_716 : vector<16xf32>
        %add3A_733 = arith.addf %add3A_699, %mul3A_732 : vector<16xf32>
        %mul3A_734 = arith.mulf %get3A_719, %get3A_719 : vector<16xf32>
        %add3A_735 = arith.addf %add3A_701, %mul3A_734 : vector<16xf32>
        %mul3A_736 = arith.mulf %get3A_716, %get3A_682 : vector<16xf32>
        %add3A_737 = arith.addf %add3A_703, %mul3A_736 : vector<16xf32>
        %mul3A_738 = arith.mulf %get3A_719, %get3A_685 : vector<16xf32>
        %add3A_739 = arith.addf %add3A_705, %mul3A_738 : vector<16xf32>
        %scan3A_740 = arith.constant 7 : i32
        %scan3A_741 = arith.addi %scan3A_487, %scan3A_740 : i32
        %get3A_742 = arith.index_cast %scan3A_741 : i32 to index
        %get3A_743 = arith.constant 0 : index
        %get3A_744 = tpu.vector_load %arg10[%get3A_742, %get3A_743] {strides = array<i32>} : memref<200x32xf32, #tpu.memory_space<vmem>>, vector<16xf32>,
        %get3A_745 = arith.index_cast %scan3A_741 : i32 to index
        %get3A_746 = arith.constant 16 : index
        %get3A_747 = tpu.vector_load %arg10[%get3A_745, %get3A_746] {strides = array<i32>} : memref<200x32xf32, #tpu.memory_space<vmem>>, vector<16xf32>,
        %get3A_748 = arith.index_cast %scan3A_741 : i32 to index
        %get3A_749 = arith.constant 0 : index
        %get3A_750 = tpu.vector_load %arg11[%get3A_748, %get3A_749] {strides = array<i32>} : memref<200x32xf32, #tpu.memory_space<vmem>>, vector<16xf32>,
        %get3A_751 = arith.index_cast %scan3A_741 : i32 to index
        %get3A_752 = arith.constant 16 : index
        %get3A_753 = tpu.vector_load %arg11[%get3A_751, %get3A_752] {strides = array<i32>} : memref<200x32xf32, #tpu.memory_space<vmem>>, vector<16xf32>,
        %add3A_754 = arith.addf %add3A_720, %get3A_744 : vector<16xf32>
        %add3A_755 = arith.addf %add3A_721, %get3A_747 : vector<16xf32>
        %mul3A_756 = arith.mulf %get3A_744, %get3A_744 : vector<16xf32>
        %add3A_757 = arith.addf %add3A_723, %mul3A_756 : vector<16xf32>
        %mul3A_758 = arith.mulf %get3A_747, %get3A_747 : vector<16xf32>
        %add3A_759 = arith.addf %add3A_725, %mul3A_758 : vector<16xf32>
        %mul3A_760 = arith.mulf %get3A_744, %get3A_710 : vector<16xf32>
        %add3A_761 = arith.addf %add3A_727, %mul3A_760 : vector<16xf32>
        %mul3A_762 = arith.mulf %get3A_747, %get3A_713 : vector<16xf32>
        %add3A_763 = arith.addf %add3A_729, %mul3A_762 : vector<16xf32>
        %add3A_764 = arith.addf %add3A_730, %get3A_750 : vector<16xf32>
        %add3A_765 = arith.addf %add3A_731, %get3A_753 : vector<16xf32>
        %mul3A_766 = arith.mulf %get3A_750, %get3A_750 : vector<16xf32>
        %add3A_767 = arith.addf %add3A_733, %mul3A_766 : vector<16xf32>
        %mul3A_768 = arith.mulf %get3A_753, %get3A_753 : vector<16xf32>
        %add3A_769 = arith.addf %add3A_735, %mul3A_768 : vector<16xf32>
        %mul3A_770 = arith.mulf %get3A_750, %get3A_716 : vector<16xf32>
        %add3A_771 = arith.addf %add3A_737, %mul3A_770 : vector<16xf32>
        %mul3A_772 = arith.mulf %get3A_753, %get3A_719 : vector<16xf32>
        %add3A_773 = arith.addf %add3A_739, %mul3A_772 : vector<16xf32>
        scf.yield %add3A_754, %add3A_755, %add3A_757, %add3A_759, %add3A_761, %add3A_763, %get3A_744, %get3A_747, %add3A_764, %add3A_765, %add3A_767, %add3A_769, %add3A_771, %add3A_773, %get3A_750, %get3A_753 : vector<16xf32>, vector<16xf32>, vector<16xf32>, vector<16xf32>, vector<16xf32>, vector<16xf32>, vector<16xf32>, vector<16xf32>, vector<16xf32>, vector<16xf32>, vector<16xf32>, vector<16xf32>, vector<16xf32>, vector<16xf32>, vector<16xf32>, vector<16xf32>
      }
      %scan3A_137 = arith.constant 200 : i32
      %broadcast_in_dim3A_138 = arith.constant 0.000000e+00 : f32
      %broadcast_in_dim3A_139 = vector.broadcast %broadcast_in_dim3A_138 : f32 to vector<16xf32>
      %sub3A = arith.subf %scan3A_136#0, %scan3A_136#8 : vector<16xf32>
      %mul3A_140 = arith.constant 5.000000e-03 : f32
      %mul3A_141 = vector.broadcast %mul3A_140 : f32 to vector<16xf32>
      %mul3A_142 = arith.mulf %sub3A, %mul3A_141 : vector<16xf32>
      %sub3A_143 = arith.subf %scan3A_136#2, %scan3A_136#10 : vector<16xf32>
      %mul3A_144 = arith.constant 5.000000e-03 : f32
      %mul3A_145 = vector.broadcast %mul3A_144 : f32 to vector<16xf32>
      %mul3A_146 = arith.mulf %sub3A_143, %mul3A_145 : vector<16xf32>
      %mul3A_147 = arith.constant 2.000000e+00 : f32
      %mul3A_148 = vector.broadcast %mul3A_147 : f32 to vector<16xf32>
      %mul3A_149 = arith.mulf %mul3A_148, %get3A_3 : vector<16xf32>
      %mul3A_150 = arith.mulf %mul3A_149, %mul3A_142 : vector<16xf32>
      %sub3A_151 = arith.subf %mul3A_146, %mul3A_150 : vector<16xf32>
      %sub3A_152 = arith.subf %scan3A_136#6, %get3A_118 : vector<16xf32>
      %sub3A_153 = arith.subf %scan3A_136#14, %get3A_126 : vector<16xf32>
      %sub3A_154 = arith.subf %sub3A_152, %sub3A_153 : vector<16xf32>
      %mul3A_155 = arith.constant 0.00502512557 : f32
      %mul3A_156 = vector.broadcast %mul3A_155 : f32 to vector<16xf32>
      %mul3A_157 = arith.mulf %sub3A_154, %mul3A_156 : vector<16xf32>
      %mul3A_158 = arith.constant 2.000000e+00 : f32
      %mul3A_159 = vector.broadcast %mul3A_158 : f32 to vector<16xf32>
      %mul3A_160 = arith.mulf %mul3A_159, %scan3A_136#2 : vector<16xf32>
      %mul3A_161 = arith.mulf %get3A_118, %get3A_118 : vector<16xf32>
      %add3A_162 = arith.addf %mul3A_160, %mul3A_161 : vector<16xf32>
      %mul3A_163 = arith.mulf %scan3A_136#6, %scan3A_136#6 : vector<16xf32>
      %sub3A_164 = arith.subf %add3A_162, %mul3A_163 : vector<16xf32>
      %mul3A_165 = arith.constant 2.000000e+00 : f32
      %mul3A_166 = vector.broadcast %mul3A_165 : f32 to vector<16xf32>
      %mul3A_167 = arith.mulf %mul3A_166, %scan3A_136#4 : vector<16xf32>
      %sub3A_168 = arith.subf %sub3A_164, %mul3A_167 : vector<16xf32>
      %mul3A_169 = arith.constant 2.000000e+00 : f32
      %mul3A_170 = vector.broadcast %mul3A_169 : f32 to vector<16xf32>
      %mul3A_171 = arith.mulf %mul3A_170, %scan3A_136#10 : vector<16xf32>
      %mul3A_172 = arith.mulf %get3A_126, %get3A_126 : vector<16xf32>
      %add3A_173 = arith.addf %mul3A_171, %mul3A_172 : vector<16xf32>
      %mul3A_174 = arith.mulf %scan3A_136#14, %scan3A_136#14 : vector<16xf32>
      %sub3A_175 = arith.subf %add3A_173, %mul3A_174 : vector<16xf32>
      %mul3A_176 = arith.constant 2.000000e+00 : f32
      %mul3A_177 = vector.broadcast %mul3A_176 : f32 to vector<16xf32>
      %mul3A_178 = arith.mulf %mul3A_177, %scan3A_136#12 : vector<16xf32>
      %sub3A_179 = arith.subf %sub3A_175, %mul3A_178 : vector<16xf32>
      %sub3A_180 = arith.subf %sub3A_168, %sub3A_179 : vector<16xf32>
      %mul3A_181 = arith.constant 0.00502512557 : f32
      %mul3A_182 = vector.broadcast %mul3A_181 : f32 to vector<16xf32>
      %mul3A_183 = arith.mulf %sub3A_180, %mul3A_182 : vector<16xf32>
      %mul3A_184 = arith.mulf %mul3A_142, %mul3A_142 : vector<16xf32>
      %add3A_185 = arith.addf %broadcast_in_dim3A_139, %mul3A_184 : vector<16xf32>
      %mul3A_186 = arith.mulf %sub3A_151, %sub3A_151 : vector<16xf32>
      %add3A_187 = arith.addf %add3A_185, %mul3A_186 : vector<16xf32>
      %mul3A_188 = arith.mulf %mul3A_157, %mul3A_157 : vector<16xf32>
      %add3A_189 = arith.addf %add3A_187, %mul3A_188 : vector<16xf32>
      %mul3A_190 = arith.mulf %mul3A_183, %mul3A_183 : vector<16xf32>
      %add3A_191 = arith.addf %add3A_189, %mul3A_190 : vector<16xf32>
      %sub3A_192 = arith.subf %scan3A_136#1, %scan3A_136#9 : vector<16xf32>
      %mul3A_193 = arith.constant 5.000000e-03 : f32
      %mul3A_194 = vector.broadcast %mul3A_193 : f32 to vector<16xf32>
      %mul3A_195 = arith.mulf %sub3A_192, %mul3A_194 : vector<16xf32>
      %sub3A_196 = arith.subf %scan3A_136#3, %scan3A_136#11 : vector<16xf32>
      %mul3A_197 = arith.constant 5.000000e-03 : f32
      %mul3A_198 = vector.broadcast %mul3A_197 : f32 to vector<16xf32>
      %mul3A_199 = arith.mulf %sub3A_196, %mul3A_198 : vector<16xf32>
      %mul3A_200 = arith.constant 2.000000e+00 : f32
      %mul3A_201 = vector.broadcast %mul3A_200 : f32 to vector<16xf32>
      %mul3A_202 = arith.mulf %mul3A_201, %get3A_5 : vector<16xf32>
      %mul3A_203 = arith.mulf %mul3A_202, %mul3A_195 : vector<16xf32>
      %sub3A_204 = arith.subf %mul3A_199, %mul3A_203 : vector<16xf32>
      %sub3A_205 = arith.subf %scan3A_136#7, %get3A_122 : vector<16xf32>
      %sub3A_206 = arith.subf %scan3A_136#15, %get3A_130 : vector<16xf32>
      %sub3A_207 = arith.subf %sub3A_205, %sub3A_206 : vector<16xf32>
      %mul3A_208 = arith.constant 0.00502512557 : f32
      %mul3A_209 = vector.broadcast %mul3A_208 : f32 to vector<16xf32>
      %mul3A_210 = arith.mulf %sub3A_207, %mul3A_209 : vector<16xf32>
      %mul3A_211 = arith.constant 2.000000e+00 : f32
      %mul3A_212 = vector.broadcast %mul3A_211 : f32 to vector<16xf32>
      %mul3A_213 = arith.mulf %mul3A_212, %scan3A_136#3 : vector<16xf32>
      %mul3A_214 = arith.mulf %get3A_122, %get3A_122 : vector<16xf32>
      %add3A_215 = arith.addf %mul3A_213, %mul3A_214 : vector<16xf32>
      %mul3A_216 = arith.mulf %scan3A_136#7, %scan3A_136#7 : vector<16xf32>
      %sub3A_217 = arith.subf %add3A_215, %mul3A_216 : vector<16xf32>
      %mul3A_218 = arith.constant 2.000000e+00 : f32
      %mul3A_219 = vector.broadcast %mul3A_218 : f32 to vector<16xf32>
      %mul3A_220 = arith.mulf %mul3A_219, %scan3A_136#5 : vector<16xf32>
      %sub3A_221 = arith.subf %sub3A_217, %mul3A_220 : vector<16xf32>
      %mul3A_222 = arith.constant 2.000000e+00 : f32
      %mul3A_223 = vector.broadcast %mul3A_222 : f32 to vector<16xf32>
      %mul3A_224 = arith.mulf %mul3A_223, %scan3A_136#11 : vector<16xf32>
      %mul3A_225 = arith.mulf %get3A_130, %get3A_130 : vector<16xf32>
      %add3A_226 = arith.addf %mul3A_224, %mul3A_225 : vector<16xf32>
      %mul3A_227 = arith.mulf %scan3A_136#15, %scan3A_136#15 : vector<16xf32>
      %sub3A_228 = arith.subf %add3A_226, %mul3A_227 : vector<16xf32>
      %mul3A_229 = arith.constant 2.000000e+00 : f32
      %mul3A_230 = vector.broadcast %mul3A_229 : f32 to vector<16xf32>
      %mul3A_231 = arith.mulf %mul3A_230, %scan3A_136#13 : vector<16xf32>
      %sub3A_232 = arith.subf %sub3A_228, %mul3A_231 : vector<16xf32>
      %sub3A_233 = arith.subf %sub3A_221, %sub3A_232 : vector<16xf32>
      %mul3A_234 = arith.constant 0.00502512557 : f32
      %mul3A_235 = vector.broadcast %mul3A_234 : f32 to vector<16xf32>
      %mul3A_236 = arith.mulf %sub3A_233, %mul3A_235 : vector<16xf32>
      %mul3A_237 = arith.mulf %mul3A_195, %mul3A_195 : vector<16xf32>
      %add3A_238 = arith.addf %add3A_191, %mul3A_237 : vector<16xf32>
      %mul3A_239 = arith.mulf %sub3A_204, %sub3A_204 : vector<16xf32>
      %add3A_240 = arith.addf %add3A_238, %mul3A_239 : vector<16xf32>
      %mul3A_241 = arith.mulf %mul3A_210, %mul3A_210 : vector<16xf32>
      %add3A_242 = arith.addf %add3A_240, %mul3A_241 : vector<16xf32>
      %mul3A_243 = arith.mulf %mul3A_236, %mul3A_236 : vector<16xf32>
      %add3A_244 = arith.addf %add3A_242, %mul3A_243 : vector<16xf32>
      %lt3A = arith.constant 0 : i32
      %lt3A_245 = vector.broadcast %lt3A : i32 to vector<16xi32>
      %lt3A_246 = arith.cmpi slt, %xor3A_9, %lt3A_245 : vector<16xi32>
      %add3A_247 = arith.constant 16 : i32
      %add3A_248 = vector.broadcast %add3A_247 : i32 to vector<16xi32>
      %add3A_249 = arith.addi %xor3A_9, %add3A_248 : vector<16xi32>
      %select_n3A = arith.select %lt3A_246, %add3A_249, %xor3A_9 : vector<16xi1>, vector<16xi32>
      %broadcast_in_dim3A_250 = vector.shape_cast %select_n3A : vector<16xi32> to vector<16x1xi32>
      %gather3A = vector.shape_cast %broadcast_in_dim3A_250 : vector<16x1xi32> to vector<16xi32>
      %gather3A_251 = tpu.dynamic_gather %add3A_244[%gather3A] in [0] : vector<16xf32>, vector<16xi32> -> vector<16xf32>
      %add3A_252 = arith.addf %add3A_244, %gather3A_251 : vector<16xf32>
      %lt3A_253 = arith.constant 0 : i32
      %lt3A_254 = vector.broadcast %lt3A_253 : i32 to vector<16xi32>
      %lt3A_255 = arith.cmpi slt, %xor3A_12, %lt3A_254 : vector<16xi32>
      %add3A_256 = arith.constant 16 : i32
      %add3A_257 = vector.broadcast %add3A_256 : i32 to vector<16xi32>
      %add3A_258 = arith.addi %xor3A_12, %add3A_257 : vector<16xi32>
      %select_n3A_259 = arith.select %lt3A_255, %add3A_258, %xor3A_12 : vector<16xi1>, vector<16xi32>
      %broadcast_in_dim3A_260 = vector.shape_cast %select_n3A_259 : vector<16xi32> to vector<16x1xi32>
      %gather3A_261 = vector.shape_cast %broadcast_in_dim3A_260 : vector<16x1xi32> to vector<16xi32>
      %gather3A_262 = tpu.dynamic_gather %add3A_252[%gather3A_261] in [0] : vector<16xf32>, vector<16xi32> -> vector<16xf32>
      %add3A_263 = arith.addf %add3A_252, %gather3A_262 : vector<16xf32>
      %lt3A_264 = arith.constant 0 : i32
      %lt3A_265 = vector.broadcast %lt3A_264 : i32 to vector<16xi32>
      %lt3A_266 = arith.cmpi slt, %xor3A_15, %lt3A_265 : vector<16xi32>
      %add3A_267 = arith.constant 16 : i32
      %add3A_268 = vector.broadcast %add3A_267 : i32 to vector<16xi32>
      %add3A_269 = arith.addi %xor3A_15, %add3A_268 : vector<16xi32>
      %select_n3A_270 = arith.select %lt3A_266, %add3A_269, %xor3A_15 : vector<16xi1>, vector<16xi32>
      %broadcast_in_dim3A_271 = vector.shape_cast %select_n3A_270 : vector<16xi32> to vector<16x1xi32>
      %gather3A_272 = vector.shape_cast %broadcast_in_dim3A_271 : vector<16x1xi32> to vector<16xi32>
      %gather3A_273 = tpu.dynamic_gather %add3A_263[%gather3A_272] in [0] : vector<16xf32>, vector<16xi32> -> vector<16xf32>
      %add3A_274 = arith.addf %add3A_263, %gather3A_273 : vector<16xf32>
      %lt3A_275 = arith.constant 0 : i32
      %lt3A_276 = vector.broadcast %lt3A_275 : i32 to vector<16xi32>
      %lt3A_277 = arith.cmpi slt, %xor3A_18, %lt3A_276 : vector<16xi32>
      %add3A_278 = arith.constant 16 : i32
      %add3A_279 = vector.broadcast %add3A_278 : i32 to vector<16xi32>
      %add3A_280 = arith.addi %xor3A_18, %add3A_279 : vector<16xi32>
      %select_n3A_281 = arith.select %lt3A_277, %add3A_280, %xor3A_18 : vector<16xi1>, vector<16xi32>
      %broadcast_in_dim3A_282 = vector.shape_cast %select_n3A_281 : vector<16xi32> to vector<16x1xi32>
      %gather3A_283 = vector.shape_cast %broadcast_in_dim3A_282 : vector<16x1xi32> to vector<16xi32>
      %gather3A_284 = tpu.dynamic_gather %add3A_274[%gather3A_283] in [0] : vector<16xf32>, vector<16xi32> -> vector<16xf32>
      %add3A_285 = arith.addf %add3A_274, %gather3A_284 : vector<16xf32>
      %mul3A_286 = arith.constant 7.812500e-03 : f32
      %mul3A_287 = vector.broadcast %mul3A_286 : f32 to vector<16xf32>
      %mul3A_288 = arith.mulf %add3A_285, %mul3A_287 : vector<16xf32>
      %broadcast_in_dim3A_289 = vector.broadcast %mul3A_65 : i32 to vector<16xi32>
      tpu.vector_store_idx %arg14[%broadcast_in_dim3A_289], %mul3A_288 masked %eq3A_7 : memref<128xf32, #tpu.memory_space<vmem>>[vector<16xi32>], vector<16xf32>, vector<16xi1>
      %lt3A_290 = arith.constant 63 : i32
      %lt3A_291 = arith.cmpi slt, %scan3A_63, %lt3A_290 : i32
      %convert_element_type3A = arith.extui %lt3A_291 : i1 to i32
      %cond3A = arith.constant 0 : i32
      %cond3A_292 = arith.cmpi ne, %convert_element_type3A, %cond3A : i32
      scf.if %cond3A_292 {
        %add3A_487 = arith.constant 2 : i32
        %add3A_488 = arith.addi %mul3A_65, %add3A_487 : i32
        %dma_start3A_489 = arith.constant 0 : i32
        %dma_start3A_490 = arith.constant 0 : i32
        %dma_start3A_491 = tpu.memref_slice %arg10[%dma_start3A_489, %dma_start3A_490] : memref<200x32xf32, #tpu.memory_space<vmem>> -> memref<128x32xf32, #tpu.memory_space<vmem>>
        %dma_start3A_492 = arith.constant 0 : i32
        %dma_start3A_493 = tpu.memref_slice %arg7[%add3A_488, %dma_start3A_492] : memref<128x200xi32, #tpu.memory_space<vmem>> -> memref<1x128xi32, #tpu.memory_space<vmem>>
        %dma_start3A_494 = tpu.memref_squeeze %dma_start3A_493 : memref<1x128xi32, #tpu.memory_space<vmem>> -> memref<128xi32, #tpu.memory_space<vmem>>
        %dma_start3A_495 = arith.constant 0 : i32
        %dma_start3A_496 = arith.constant 0 : i32
        %dma_start3A_497 = tpu.memref_slice %arg4[%dma_start3A_495, %dma_start3A_496] : memref<1000000x32xf32, #tpu.memory_space<hbm>> -> memref<1000000x32xf32, #tpu.memory_space<hbm>>
        tpu.enqueue_indirect_dma source(%dma_start3A_497 : memref<1000000x32xf32, #tpu.memory_space<hbm>>) target(%dma_start3A_491 : memref<128x32xf32, #tpu.memory_space<vmem>>) offsets(%dma_start3A_494 : memref<128xi32, #tpu.memory_space<vmem>>) semaphore(%arg15 : memref<!tpu.dma_semaphore, #tpu.memory_space<semaphore_mem>>)
        %dma_start3A_498 = arith.constant 128 : i32
        %dma_start3A_499 = arith.constant 0 : i32
        %dma_start3A_500 = tpu.memref_slice %arg10[%dma_start3A_498, %dma_start3A_499] : memref<200x32xf32, #tpu.memory_space<vmem>> -> memref<72x32xf32, #tpu.memory_space<vmem>>
        %dma_start3A_501 = arith.constant 128 : i32
        %dma_start3A_502 = tpu.memref_slice %arg7[%add3A_488, %dma_start3A_501] : memref<128x200xi32, #tpu.memory_space<vmem>> -> memref<1x72xi32, #tpu.memory_space<vmem>>
        %dma_start3A_503 = tpu.memref_squeeze %dma_start3A_502 : memref<1x72xi32, #tpu.memory_space<vmem>> -> memref<72xi32, #tpu.memory_space<vmem>>
        %dma_start3A_504 = arith.constant 0 : i32
        %dma_start3A_505 = arith.constant 0 : i32
        %dma_start3A_506 = tpu.memref_slice %arg4[%dma_start3A_504, %dma_start3A_505] : memref<1000000x32xf32, #tpu.memory_space<hbm>> -> memref<1000000x32xf32, #tpu.memory_space<hbm>>
        tpu.enqueue_indirect_dma source(%dma_start3A_506 : memref<1000000x32xf32, #tpu.memory_space<hbm>>) target(%dma_start3A_500 : memref<72x32xf32, #tpu.memory_space<vmem>>) offsets(%dma_start3A_503 : memref<72xi32, #tpu.memory_space<vmem>>) semaphore(%arg15 : memref<!tpu.dma_semaphore, #tpu.memory_space<semaphore_mem>>)
        %dma_start3A_507 = arith.constant 0 : i32
        %dma_start3A_508 = arith.constant 0 : i32
        %dma_start3A_509 = tpu.memref_slice %arg11[%dma_start3A_507, %dma_start3A_508] : memref<200x32xf32, #tpu.memory_space<vmem>> -> memref<128x32xf32, #tpu.memory_space<vmem>>
        %dma_start3A_510 = arith.constant 0 : i32
        %dma_start3A_511 = tpu.memref_slice %arg8[%add3A_488, %dma_start3A_510] : memref<128x200xi32, #tpu.memory_space<vmem>> -> memref<1x128xi32, #tpu.memory_space<vmem>>
        %dma_start3A_512 = tpu.memref_squeeze %dma_start3A_511 : memref<1x128xi32, #tpu.memory_space<vmem>> -> memref<128xi32, #tpu.memory_space<vmem>>
        %dma_start3A_513 = arith.constant 0 : i32
        %dma_start3A_514 = arith.constant 0 : i32
        %dma_start3A_515 = tpu.memref_slice %arg4[%dma_start3A_513, %dma_start3A_514] : memref<1000000x32xf32, #tpu.memory_space<hbm>> -> memref<1000000x32xf32, #tpu.memory_space<hbm>>
        tpu.enqueue_indirect_dma source(%dma_start3A_515 : memref<1000000x32xf32, #tpu.memory_space<hbm>>) target(%dma_start3A_509 : memref<128x32xf32, #tpu.memory_space<vmem>>) offsets(%dma_start3A_512 : memref<128xi32, #tpu.memory_space<vmem>>) semaphore(%arg15 : memref<!tpu.dma_semaphore, #tpu.memory_space<semaphore_mem>>)
        %dma_start3A_516 = arith.constant 128 : i32
        %dma_start3A_517 = arith.constant 0 : i32
        %dma_start3A_518 = tpu.memref_slice %arg11[%dma_start3A_516, %dma_start3A_517] : memref<200x32xf32, #tpu.memory_space<vmem>> -> memref<72x32xf32, #tpu.memory_space<vmem>>
        %dma_start3A_519 = arith.constant 128 : i32
        %dma_start3A_520 = tpu.memref_slice %arg8[%add3A_488, %dma_start3A_519] : memref<128x200xi32, #tpu.memory_space<vmem>> -> memref<1x72xi32, #tpu.memory_space<vmem>>
        %dma_start3A_521 = tpu.memref_squeeze %dma_start3A_520 : memref<1x72xi32, #tpu.memory_space<vmem>> -> memref<72xi32, #tpu.memory_space<vmem>>
        %dma_start3A_522 = arith.constant 0 : i32
        %dma_start3A_523 = arith.constant 0 : i32
        %dma_start3A_524 = tpu.memref_slice %arg4[%dma_start3A_522, %dma_start3A_523] : memref<1000000x32xf32, #tpu.memory_space<hbm>> -> memref<1000000x32xf32, #tpu.memory_space<hbm>>
        tpu.enqueue_indirect_dma source(%dma_start3A_524 : memref<1000000x32xf32, #tpu.memory_space<hbm>>) target(%dma_start3A_518 : memref<72x32xf32, #tpu.memory_space<vmem>>) offsets(%dma_start3A_521 : memref<72xi32, #tpu.memory_space<vmem>>) semaphore(%arg15 : memref<!tpu.dma_semaphore, #tpu.memory_space<semaphore_mem>>)
      } else {
      }
      %dma_wait3A_293 = arith.constant 0 : i32
      %dma_wait3A_294 = arith.constant 0 : i32
      %dma_wait3A_295 = tpu.memref_slice %arg4[%dma_wait3A_293, %dma_wait3A_294] : memref<1000000x32xf32, #tpu.memory_space<hbm>> -> memref<200x32xf32, #tpu.memory_space<hbm>>
      %dma_wait3A_296 = arith.constant 0 : i32
      %dma_wait3A_297 = arith.constant 0 : i32
      %dma_wait3A_298 = tpu.memref_slice %arg4[%dma_wait3A_296, %dma_wait3A_297] : memref<1000000x32xf32, #tpu.memory_space<hbm>> -> memref<200x32xf32, #tpu.memory_space<hbm>>
      tpu.wait_dma2 semaphore(%arg16 : memref<!tpu.dma_semaphore, #tpu.memory_space<semaphore_mem>>) src(%dma_wait3A_298 : memref<200x32xf32, #tpu.memory_space<hbm>>) dst(%arg12 : memref<200x32xf32, #tpu.memory_space<vmem>>)
      %dma_wait3A_299 = arith.constant 0 : i32
      %dma_wait3A_300 = arith.constant 0 : i32
      %dma_wait3A_301 = tpu.memref_slice %arg4[%dma_wait3A_299, %dma_wait3A_300] : memref<1000000x32xf32, #tpu.memory_space<hbm>> -> memref<200x32xf32, #tpu.memory_space<hbm>>
      %dma_wait3A_302 = arith.constant 0 : i32
      %dma_wait3A_303 = arith.constant 0 : i32
      %dma_wait3A_304 = tpu.memref_slice %arg4[%dma_wait3A_302, %dma_wait3A_303] : memref<1000000x32xf32, #tpu.memory_space<hbm>> -> memref<200x32xf32, #tpu.memory_space<hbm>>
      tpu.wait_dma2 semaphore(%arg16 : memref<!tpu.dma_semaphore, #tpu.memory_space<semaphore_mem>>) src(%dma_wait3A_304 : memref<200x32xf32, #tpu.memory_space<hbm>>) dst(%arg13 : memref<200x32xf32, #tpu.memory_space<vmem>>)
      %add3A_305 = arith.constant 1 : i32
      %add3A_306 = arith.addi %mul3A_65, %add3A_305 : i32
      %get3A_307 = arith.constant 0 : i32
      %get3A_308 = arith.index_cast %get3A_307 : i32 to index
      %get3A_309 = arith.constant 0 : index
      %get3A_310 = tpu.vector_load %arg12[%get3A_308, %get3A_309] {strides = array<i32>} : memref<200x32xf32, #tpu.memory_space<vmem>>, vector<16xf32>,
      %get3A_311 = arith.constant 0 : i32
      %get3A_312 = arith.index_cast %get3A_311 : i32 to index
      %get3A_313 = arith.constant 16 : index
      %get3A_314 = tpu.vector_load %arg12[%get3A_312, %get3A_313] {strides = array<i32>} : memref<200x32xf32, #tpu.memory_space<vmem>>, vector<16xf32>,
      %get3A_315 = arith.constant 0 : i32
      %get3A_316 = arith.index_cast %get3A_315 : i32 to index
      %get3A_317 = arith.constant 0 : index
      %get3A_318 = tpu.vector_load %arg13[%get3A_316, %get3A_317] {strides = array<i32>} : memref<200x32xf32, #tpu.memory_space<vmem>>, vector<16xf32>,
      %get3A_319 = arith.constant 0 : i32
      %get3A_320 = arith.index_cast %get3A_319 : i32 to index
      %get3A_321 = arith.constant 16 : index
      %get3A_322 = tpu.vector_load %arg13[%get3A_320, %get3A_321] {strides = array<i32>} : memref<200x32xf32, #tpu.memory_space<vmem>>, vector<16xf32>,
      %broadcast_in_dim3A_323 = arith.constant 0.000000e+00 : f32
      %broadcast_in_dim3A_324 = vector.broadcast %broadcast_in_dim3A_323 : f32 to vector<16xf32>
      %scan3A_325 = arith.constant 0 : i32
      %scan3A_326 = arith.constant 200 : i32
      %scan3A_327 = arith.addi %scan3A_325, %scan3A_326 : i32
      %scan3A_328 = arith.constant 8 : i32
      %scan3A_329:16 = scf.for %scan3A_487 = %scan3A_325 to %scan3A_327 step %scan3A_328 iter_args(%scan3A_488 = %broadcast_in_dim3A_324, %scan3A_489 = %broadcast_in_dim3A_324, %scan3A_490 = %broadcast_in_dim3A_324, %scan3A_491 = %broadcast_in_dim3A_324, %scan3A_492 = %broadcast_in_dim3A_324, %scan3A_493 = %broadcast_in_dim3A_324, %scan3A_494 = %get3A_310, %scan3A_495 = %get3A_314, %scan3A_496 = %broadcast_in_dim3A_324, %scan3A_497 = %broadcast_in_dim3A_324, %scan3A_498 = %broadcast_in_dim3A_324, %scan3A_499 = %broadcast_in_dim3A_324, %scan3A_500 = %broadcast_in_dim3A_324, %scan3A_501 = %broadcast_in_dim3A_324, %scan3A_502 = %get3A_318, %scan3A_503 = %get3A_322) -> (vector<16xf32>, vector<16xf32>, vector<16xf32>, vector<16xf32>, vector<16xf32>, vector<16xf32>, vector<16xf32>, vector<16xf32>, vector<16xf32>, vector<16xf32>, vector<16xf32>, vector<16xf32>, vector<16xf32>, vector<16xf32>, vector<16xf32>, vector<16xf32>)  : i32 {
        %get3A_504 = arith.index_cast %scan3A_487 : i32 to index
        %get3A_505 = arith.constant 0 : index
        %get3A_506 = tpu.vector_load %arg12[%get3A_504, %get3A_505] {strides = array<i32>} : memref<200x32xf32, #tpu.memory_space<vmem>>, vector<16xf32>,
        %get3A_507 = arith.index_cast %scan3A_487 : i32 to index
        %get3A_508 = arith.constant 16 : index
        %get3A_509 = tpu.vector_load %arg12[%get3A_507, %get3A_508] {strides = array<i32>} : memref<200x32xf32, #tpu.memory_space<vmem>>, vector<16xf32>,
        %get3A_510 = arith.index_cast %scan3A_487 : i32 to index
        %get3A_511 = arith.constant 0 : index
        %get3A_512 = tpu.vector_load %arg13[%get3A_510, %get3A_511] {strides = array<i32>} : memref<200x32xf32, #tpu.memory_space<vmem>>, vector<16xf32>,
        %get3A_513 = arith.index_cast %scan3A_487 : i32 to index
        %get3A_514 = arith.constant 16 : index
        %get3A_515 = tpu.vector_load %arg13[%get3A_513, %get3A_514] {strides = array<i32>} : memref<200x32xf32, #tpu.memory_space<vmem>>, vector<16xf32>,
        %add3A_516 = arith.addf %scan3A_488, %get3A_506 : vector<16xf32>
        %add3A_517 = arith.addf %scan3A_489, %get3A_509 : vector<16xf32>
        %mul3A_518 = arith.mulf %get3A_506, %get3A_506 : vector<16xf32>
        %add3A_519 = arith.addf %scan3A_490, %mul3A_518 : vector<16xf32>
        %mul3A_520 = arith.mulf %get3A_509, %get3A_509 : vector<16xf32>
        %add3A_521 = arith.addf %scan3A_491, %mul3A_520 : vector<16xf32>
        %mul3A_522 = arith.mulf %get3A_506, %scan3A_494 : vector<16xf32>
        %add3A_523 = arith.addf %scan3A_492, %mul3A_522 : vector<16xf32>
        %mul3A_524 = arith.mulf %get3A_509, %scan3A_495 : vector<16xf32>
        %add3A_525 = arith.addf %scan3A_493, %mul3A_524 : vector<16xf32>
        %add3A_526 = arith.addf %scan3A_496, %get3A_512 : vector<16xf32>
        %add3A_527 = arith.addf %scan3A_497, %get3A_515 : vector<16xf32>
        %mul3A_528 = arith.mulf %get3A_512, %get3A_512 : vector<16xf32>
        %add3A_529 = arith.addf %scan3A_498, %mul3A_528 : vector<16xf32>
        %mul3A_530 = arith.mulf %get3A_515, %get3A_515 : vector<16xf32>
        %add3A_531 = arith.addf %scan3A_499, %mul3A_530 : vector<16xf32>
        %mul3A_532 = arith.mulf %get3A_512, %scan3A_502 : vector<16xf32>
        %add3A_533 = arith.addf %scan3A_500, %mul3A_532 : vector<16xf32>
        %mul3A_534 = arith.mulf %get3A_515, %scan3A_503 : vector<16xf32>
        %add3A_535 = arith.addf %scan3A_501, %mul3A_534 : vector<16xf32>
        %scan3A_536 = arith.constant 1 : i32
        %scan3A_537 = arith.addi %scan3A_487, %scan3A_536 : i32
        %get3A_538 = arith.index_cast %scan3A_537 : i32 to index
        %get3A_539 = arith.constant 0 : index
        %get3A_540 = tpu.vector_load %arg12[%get3A_538, %get3A_539] {strides = array<i32>} : memref<200x32xf32, #tpu.memory_space<vmem>>, vector<16xf32>,
        %get3A_541 = arith.index_cast %scan3A_537 : i32 to index
        %get3A_542 = arith.constant 16 : index
        %get3A_543 = tpu.vector_load %arg12[%get3A_541, %get3A_542] {strides = array<i32>} : memref<200x32xf32, #tpu.memory_space<vmem>>, vector<16xf32>,
        %get3A_544 = arith.index_cast %scan3A_537 : i32 to index
        %get3A_545 = arith.constant 0 : index
        %get3A_546 = tpu.vector_load %arg13[%get3A_544, %get3A_545] {strides = array<i32>} : memref<200x32xf32, #tpu.memory_space<vmem>>, vector<16xf32>,
        %get3A_547 = arith.index_cast %scan3A_537 : i32 to index
        %get3A_548 = arith.constant 16 : index
        %get3A_549 = tpu.vector_load %arg13[%get3A_547, %get3A_548] {strides = array<i32>} : memref<200x32xf32, #tpu.memory_space<vmem>>, vector<16xf32>,
        %add3A_550 = arith.addf %add3A_516, %get3A_540 : vector<16xf32>
        %add3A_551 = arith.addf %add3A_517, %get3A_543 : vector<16xf32>
        %mul3A_552 = arith.mulf %get3A_540, %get3A_540 : vector<16xf32>
        %add3A_553 = arith.addf %add3A_519, %mul3A_552 : vector<16xf32>
        %mul3A_554 = arith.mulf %get3A_543, %get3A_543 : vector<16xf32>
        %add3A_555 = arith.addf %add3A_521, %mul3A_554 : vector<16xf32>
        %mul3A_556 = arith.mulf %get3A_540, %get3A_506 : vector<16xf32>
        %add3A_557 = arith.addf %add3A_523, %mul3A_556 : vector<16xf32>
        %mul3A_558 = arith.mulf %get3A_543, %get3A_509 : vector<16xf32>
        %add3A_559 = arith.addf %add3A_525, %mul3A_558 : vector<16xf32>
        %add3A_560 = arith.addf %add3A_526, %get3A_546 : vector<16xf32>
        %add3A_561 = arith.addf %add3A_527, %get3A_549 : vector<16xf32>
        %mul3A_562 = arith.mulf %get3A_546, %get3A_546 : vector<16xf32>
        %add3A_563 = arith.addf %add3A_529, %mul3A_562 : vector<16xf32>
        %mul3A_564 = arith.mulf %get3A_549, %get3A_549 : vector<16xf32>
        %add3A_565 = arith.addf %add3A_531, %mul3A_564 : vector<16xf32>
        %mul3A_566 = arith.mulf %get3A_546, %get3A_512 : vector<16xf32>
        %add3A_567 = arith.addf %add3A_533, %mul3A_566 : vector<16xf32>
        %mul3A_568 = arith.mulf %get3A_549, %get3A_515 : vector<16xf32>
        %add3A_569 = arith.addf %add3A_535, %mul3A_568 : vector<16xf32>
        %scan3A_570 = arith.constant 2 : i32
        %scan3A_571 = arith.addi %scan3A_487, %scan3A_570 : i32
        %get3A_572 = arith.index_cast %scan3A_571 : i32 to index
        %get3A_573 = arith.constant 0 : index
        %get3A_574 = tpu.vector_load %arg12[%get3A_572, %get3A_573] {strides = array<i32>} : memref<200x32xf32, #tpu.memory_space<vmem>>, vector<16xf32>,
        %get3A_575 = arith.index_cast %scan3A_571 : i32 to index
        %get3A_576 = arith.constant 16 : index
        %get3A_577 = tpu.vector_load %arg12[%get3A_575, %get3A_576] {strides = array<i32>} : memref<200x32xf32, #tpu.memory_space<vmem>>, vector<16xf32>,
        %get3A_578 = arith.index_cast %scan3A_571 : i32 to index
        %get3A_579 = arith.constant 0 : index
        %get3A_580 = tpu.vector_load %arg13[%get3A_578, %get3A_579] {strides = array<i32>} : memref<200x32xf32, #tpu.memory_space<vmem>>, vector<16xf32>,
        %get3A_581 = arith.index_cast %scan3A_571 : i32 to index
        %get3A_582 = arith.constant 16 : index
        %get3A_583 = tpu.vector_load %arg13[%get3A_581, %get3A_582] {strides = array<i32>} : memref<200x32xf32, #tpu.memory_space<vmem>>, vector<16xf32>,
        %add3A_584 = arith.addf %add3A_550, %get3A_574 : vector<16xf32>
        %add3A_585 = arith.addf %add3A_551, %get3A_577 : vector<16xf32>
        %mul3A_586 = arith.mulf %get3A_574, %get3A_574 : vector<16xf32>
        %add3A_587 = arith.addf %add3A_553, %mul3A_586 : vector<16xf32>
        %mul3A_588 = arith.mulf %get3A_577, %get3A_577 : vector<16xf32>
        %add3A_589 = arith.addf %add3A_555, %mul3A_588 : vector<16xf32>
        %mul3A_590 = arith.mulf %get3A_574, %get3A_540 : vector<16xf32>
        %add3A_591 = arith.addf %add3A_557, %mul3A_590 : vector<16xf32>
        %mul3A_592 = arith.mulf %get3A_577, %get3A_543 : vector<16xf32>
        %add3A_593 = arith.addf %add3A_559, %mul3A_592 : vector<16xf32>
        %add3A_594 = arith.addf %add3A_560, %get3A_580 : vector<16xf32>
        %add3A_595 = arith.addf %add3A_561, %get3A_583 : vector<16xf32>
        %mul3A_596 = arith.mulf %get3A_580, %get3A_580 : vector<16xf32>
        %add3A_597 = arith.addf %add3A_563, %mul3A_596 : vector<16xf32>
        %mul3A_598 = arith.mulf %get3A_583, %get3A_583 : vector<16xf32>
        %add3A_599 = arith.addf %add3A_565, %mul3A_598 : vector<16xf32>
        %mul3A_600 = arith.mulf %get3A_580, %get3A_546 : vector<16xf32>
        %add3A_601 = arith.addf %add3A_567, %mul3A_600 : vector<16xf32>
        %mul3A_602 = arith.mulf %get3A_583, %get3A_549 : vector<16xf32>
        %add3A_603 = arith.addf %add3A_569, %mul3A_602 : vector<16xf32>
        %scan3A_604 = arith.constant 3 : i32
        %scan3A_605 = arith.addi %scan3A_487, %scan3A_604 : i32
        %get3A_606 = arith.index_cast %scan3A_605 : i32 to index
        %get3A_607 = arith.constant 0 : index
        %get3A_608 = tpu.vector_load %arg12[%get3A_606, %get3A_607] {strides = array<i32>} : memref<200x32xf32, #tpu.memory_space<vmem>>, vector<16xf32>,
        %get3A_609 = arith.index_cast %scan3A_605 : i32 to index
        %get3A_610 = arith.constant 16 : index
        %get3A_611 = tpu.vector_load %arg12[%get3A_609, %get3A_610] {strides = array<i32>} : memref<200x32xf32, #tpu.memory_space<vmem>>, vector<16xf32>,
        %get3A_612 = arith.index_cast %scan3A_605 : i32 to index
        %get3A_613 = arith.constant 0 : index
        %get3A_614 = tpu.vector_load %arg13[%get3A_612, %get3A_613] {strides = array<i32>} : memref<200x32xf32, #tpu.memory_space<vmem>>, vector<16xf32>,
        %get3A_615 = arith.index_cast %scan3A_605 : i32 to index
        %get3A_616 = arith.constant 16 : index
        %get3A_617 = tpu.vector_load %arg13[%get3A_615, %get3A_616] {strides = array<i32>} : memref<200x32xf32, #tpu.memory_space<vmem>>, vector<16xf32>,
        %add3A_618 = arith.addf %add3A_584, %get3A_608 : vector<16xf32>
        %add3A_619 = arith.addf %add3A_585, %get3A_611 : vector<16xf32>
        %mul3A_620 = arith.mulf %get3A_608, %get3A_608 : vector<16xf32>
        %add3A_621 = arith.addf %add3A_587, %mul3A_620 : vector<16xf32>
        %mul3A_622 = arith.mulf %get3A_611, %get3A_611 : vector<16xf32>
        %add3A_623 = arith.addf %add3A_589, %mul3A_622 : vector<16xf32>
        %mul3A_624 = arith.mulf %get3A_608, %get3A_574 : vector<16xf32>
        %add3A_625 = arith.addf %add3A_591, %mul3A_624 : vector<16xf32>
        %mul3A_626 = arith.mulf %get3A_611, %get3A_577 : vector<16xf32>
        %add3A_627 = arith.addf %add3A_593, %mul3A_626 : vector<16xf32>
        %add3A_628 = arith.addf %add3A_594, %get3A_614 : vector<16xf32>
        %add3A_629 = arith.addf %add3A_595, %get3A_617 : vector<16xf32>
        %mul3A_630 = arith.mulf %get3A_614, %get3A_614 : vector<16xf32>
        %add3A_631 = arith.addf %add3A_597, %mul3A_630 : vector<16xf32>
        %mul3A_632 = arith.mulf %get3A_617, %get3A_617 : vector<16xf32>
        %add3A_633 = arith.addf %add3A_599, %mul3A_632 : vector<16xf32>
        %mul3A_634 = arith.mulf %get3A_614, %get3A_580 : vector<16xf32>
        %add3A_635 = arith.addf %add3A_601, %mul3A_634 : vector<16xf32>
        %mul3A_636 = arith.mulf %get3A_617, %get3A_583 : vector<16xf32>
        %add3A_637 = arith.addf %add3A_603, %mul3A_636 : vector<16xf32>
        %scan3A_638 = arith.constant 4 : i32
        %scan3A_639 = arith.addi %scan3A_487, %scan3A_638 : i32
        %get3A_640 = arith.index_cast %scan3A_639 : i32 to index
        %get3A_641 = arith.constant 0 : index
        %get3A_642 = tpu.vector_load %arg12[%get3A_640, %get3A_641] {strides = array<i32>} : memref<200x32xf32, #tpu.memory_space<vmem>>, vector<16xf32>,
        %get3A_643 = arith.index_cast %scan3A_639 : i32 to index
        %get3A_644 = arith.constant 16 : index
        %get3A_645 = tpu.vector_load %arg12[%get3A_643, %get3A_644] {strides = array<i32>} : memref<200x32xf32, #tpu.memory_space<vmem>>, vector<16xf32>,
        %get3A_646 = arith.index_cast %scan3A_639 : i32 to index
        %get3A_647 = arith.constant 0 : index
        %get3A_648 = tpu.vector_load %arg13[%get3A_646, %get3A_647] {strides = array<i32>} : memref<200x32xf32, #tpu.memory_space<vmem>>, vector<16xf32>,
        %get3A_649 = arith.index_cast %scan3A_639 : i32 to index
        %get3A_650 = arith.constant 16 : index
        %get3A_651 = tpu.vector_load %arg13[%get3A_649, %get3A_650] {strides = array<i32>} : memref<200x32xf32, #tpu.memory_space<vmem>>, vector<16xf32>,
        %add3A_652 = arith.addf %add3A_618, %get3A_642 : vector<16xf32>
        %add3A_653 = arith.addf %add3A_619, %get3A_645 : vector<16xf32>
        %mul3A_654 = arith.mulf %get3A_642, %get3A_642 : vector<16xf32>
        %add3A_655 = arith.addf %add3A_621, %mul3A_654 : vector<16xf32>
        %mul3A_656 = arith.mulf %get3A_645, %get3A_645 : vector<16xf32>
        %add3A_657 = arith.addf %add3A_623, %mul3A_656 : vector<16xf32>
        %mul3A_658 = arith.mulf %get3A_642, %get3A_608 : vector<16xf32>
        %add3A_659 = arith.addf %add3A_625, %mul3A_658 : vector<16xf32>
        %mul3A_660 = arith.mulf %get3A_645, %get3A_611 : vector<16xf32>
        %add3A_661 = arith.addf %add3A_627, %mul3A_660 : vector<16xf32>
        %add3A_662 = arith.addf %add3A_628, %get3A_648 : vector<16xf32>
        %add3A_663 = arith.addf %add3A_629, %get3A_651 : vector<16xf32>
        %mul3A_664 = arith.mulf %get3A_648, %get3A_648 : vector<16xf32>
        %add3A_665 = arith.addf %add3A_631, %mul3A_664 : vector<16xf32>
        %mul3A_666 = arith.mulf %get3A_651, %get3A_651 : vector<16xf32>
        %add3A_667 = arith.addf %add3A_633, %mul3A_666 : vector<16xf32>
        %mul3A_668 = arith.mulf %get3A_648, %get3A_614 : vector<16xf32>
        %add3A_669 = arith.addf %add3A_635, %mul3A_668 : vector<16xf32>
        %mul3A_670 = arith.mulf %get3A_651, %get3A_617 : vector<16xf32>
        %add3A_671 = arith.addf %add3A_637, %mul3A_670 : vector<16xf32>
        %scan3A_672 = arith.constant 5 : i32
        %scan3A_673 = arith.addi %scan3A_487, %scan3A_672 : i32
        %get3A_674 = arith.index_cast %scan3A_673 : i32 to index
        %get3A_675 = arith.constant 0 : index
        %get3A_676 = tpu.vector_load %arg12[%get3A_674, %get3A_675] {strides = array<i32>} : memref<200x32xf32, #tpu.memory_space<vmem>>, vector<16xf32>,
        %get3A_677 = arith.index_cast %scan3A_673 : i32 to index
        %get3A_678 = arith.constant 16 : index
        %get3A_679 = tpu.vector_load %arg12[%get3A_677, %get3A_678] {strides = array<i32>} : memref<200x32xf32, #tpu.memory_space<vmem>>, vector<16xf32>,
        %get3A_680 = arith.index_cast %scan3A_673 : i32 to index
        %get3A_681 = arith.constant 0 : index
        %get3A_682 = tpu.vector_load %arg13[%get3A_680, %get3A_681] {strides = array<i32>} : memref<200x32xf32, #tpu.memory_space<vmem>>, vector<16xf32>,
        %get3A_683 = arith.index_cast %scan3A_673 : i32 to index
        %get3A_684 = arith.constant 16 : index
        %get3A_685 = tpu.vector_load %arg13[%get3A_683, %get3A_684] {strides = array<i32>} : memref<200x32xf32, #tpu.memory_space<vmem>>, vector<16xf32>,
        %add3A_686 = arith.addf %add3A_652, %get3A_676 : vector<16xf32>
        %add3A_687 = arith.addf %add3A_653, %get3A_679 : vector<16xf32>
        %mul3A_688 = arith.mulf %get3A_676, %get3A_676 : vector<16xf32>
        %add3A_689 = arith.addf %add3A_655, %mul3A_688 : vector<16xf32>
        %mul3A_690 = arith.mulf %get3A_679, %get3A_679 : vector<16xf32>
        %add3A_691 = arith.addf %add3A_657, %mul3A_690 : vector<16xf32>
        %mul3A_692 = arith.mulf %get3A_676, %get3A_642 : vector<16xf32>
        %add3A_693 = arith.addf %add3A_659, %mul3A_692 : vector<16xf32>
        %mul3A_694 = arith.mulf %get3A_679, %get3A_645 : vector<16xf32>
        %add3A_695 = arith.addf %add3A_661, %mul3A_694 : vector<16xf32>
        %add3A_696 = arith.addf %add3A_662, %get3A_682 : vector<16xf32>
        %add3A_697 = arith.addf %add3A_663, %get3A_685 : vector<16xf32>
        %mul3A_698 = arith.mulf %get3A_682, %get3A_682 : vector<16xf32>
        %add3A_699 = arith.addf %add3A_665, %mul3A_698 : vector<16xf32>
        %mul3A_700 = arith.mulf %get3A_685, %get3A_685 : vector<16xf32>
        %add3A_701 = arith.addf %add3A_667, %mul3A_700 : vector<16xf32>
        %mul3A_702 = arith.mulf %get3A_682, %get3A_648 : vector<16xf32>
        %add3A_703 = arith.addf %add3A_669, %mul3A_702 : vector<16xf32>
        %mul3A_704 = arith.mulf %get3A_685, %get3A_651 : vector<16xf32>
        %add3A_705 = arith.addf %add3A_671, %mul3A_704 : vector<16xf32>
        %scan3A_706 = arith.constant 6 : i32
        %scan3A_707 = arith.addi %scan3A_487, %scan3A_706 : i32
        %get3A_708 = arith.index_cast %scan3A_707 : i32 to index
        %get3A_709 = arith.constant 0 : index
        %get3A_710 = tpu.vector_load %arg12[%get3A_708, %get3A_709] {strides = array<i32>} : memref<200x32xf32, #tpu.memory_space<vmem>>, vector<16xf32>,
        %get3A_711 = arith.index_cast %scan3A_707 : i32 to index
        %get3A_712 = arith.constant 16 : index
        %get3A_713 = tpu.vector_load %arg12[%get3A_711, %get3A_712] {strides = array<i32>} : memref<200x32xf32, #tpu.memory_space<vmem>>, vector<16xf32>,
        %get3A_714 = arith.index_cast %scan3A_707 : i32 to index
        %get3A_715 = arith.constant 0 : index
        %get3A_716 = tpu.vector_load %arg13[%get3A_714, %get3A_715] {strides = array<i32>} : memref<200x32xf32, #tpu.memory_space<vmem>>, vector<16xf32>,
        %get3A_717 = arith.index_cast %scan3A_707 : i32 to index
        %get3A_718 = arith.constant 16 : index
        %get3A_719 = tpu.vector_load %arg13[%get3A_717, %get3A_718] {strides = array<i32>} : memref<200x32xf32, #tpu.memory_space<vmem>>, vector<16xf32>,
        %add3A_720 = arith.addf %add3A_686, %get3A_710 : vector<16xf32>
        %add3A_721 = arith.addf %add3A_687, %get3A_713 : vector<16xf32>
        %mul3A_722 = arith.mulf %get3A_710, %get3A_710 : vector<16xf32>
        %add3A_723 = arith.addf %add3A_689, %mul3A_722 : vector<16xf32>
        %mul3A_724 = arith.mulf %get3A_713, %get3A_713 : vector<16xf32>
        %add3A_725 = arith.addf %add3A_691, %mul3A_724 : vector<16xf32>
        %mul3A_726 = arith.mulf %get3A_710, %get3A_676 : vector<16xf32>
        %add3A_727 = arith.addf %add3A_693, %mul3A_726 : vector<16xf32>
        %mul3A_728 = arith.mulf %get3A_713, %get3A_679 : vector<16xf32>
        %add3A_729 = arith.addf %add3A_695, %mul3A_728 : vector<16xf32>
        %add3A_730 = arith.addf %add3A_696, %get3A_716 : vector<16xf32>
        %add3A_731 = arith.addf %add3A_697, %get3A_719 : vector<16xf32>
        %mul3A_732 = arith.mulf %get3A_716, %get3A_716 : vector<16xf32>
        %add3A_733 = arith.addf %add3A_699, %mul3A_732 : vector<16xf32>
        %mul3A_734 = arith.mulf %get3A_719, %get3A_719 : vector<16xf32>
        %add3A_735 = arith.addf %add3A_701, %mul3A_734 : vector<16xf32>
        %mul3A_736 = arith.mulf %get3A_716, %get3A_682 : vector<16xf32>
        %add3A_737 = arith.addf %add3A_703, %mul3A_736 : vector<16xf32>
        %mul3A_738 = arith.mulf %get3A_719, %get3A_685 : vector<16xf32>
        %add3A_739 = arith.addf %add3A_705, %mul3A_738 : vector<16xf32>
        %scan3A_740 = arith.constant 7 : i32
        %scan3A_741 = arith.addi %scan3A_487, %scan3A_740 : i32
        %get3A_742 = arith.index_cast %scan3A_741 : i32 to index
        %get3A_743 = arith.constant 0 : index
        %get3A_744 = tpu.vector_load %arg12[%get3A_742, %get3A_743] {strides = array<i32>} : memref<200x32xf32, #tpu.memory_space<vmem>>, vector<16xf32>,
        %get3A_745 = arith.index_cast %scan3A_741 : i32 to index
        %get3A_746 = arith.constant 16 : index
        %get3A_747 = tpu.vector_load %arg12[%get3A_745, %get3A_746] {strides = array<i32>} : memref<200x32xf32, #tpu.memory_space<vmem>>, vector<16xf32>,
        %get3A_748 = arith.index_cast %scan3A_741 : i32 to index
        %get3A_749 = arith.constant 0 : index
        %get3A_750 = tpu.vector_load %arg13[%get3A_748, %get3A_749] {strides = array<i32>} : memref<200x32xf32, #tpu.memory_space<vmem>>, vector<16xf32>,
        %get3A_751 = arith.index_cast %scan3A_741 : i32 to index
        %get3A_752 = arith.constant 16 : index
        %get3A_753 = tpu.vector_load %arg13[%get3A_751, %get3A_752] {strides = array<i32>} : memref<200x32xf32, #tpu.memory_space<vmem>>, vector<16xf32>,
        %add3A_754 = arith.addf %add3A_720, %get3A_744 : vector<16xf32>
        %add3A_755 = arith.addf %add3A_721, %get3A_747 : vector<16xf32>
        %mul3A_756 = arith.mulf %get3A_744, %get3A_744 : vector<16xf32>
        %add3A_757 = arith.addf %add3A_723, %mul3A_756 : vector<16xf32>
        %mul3A_758 = arith.mulf %get3A_747, %get3A_747 : vector<16xf32>
        %add3A_759 = arith.addf %add3A_725, %mul3A_758 : vector<16xf32>
        %mul3A_760 = arith.mulf %get3A_744, %get3A_710 : vector<16xf32>
        %add3A_761 = arith.addf %add3A_727, %mul3A_760 : vector<16xf32>
        %mul3A_762 = arith.mulf %get3A_747, %get3A_713 : vector<16xf32>
        %add3A_763 = arith.addf %add3A_729, %mul3A_762 : vector<16xf32>
        %add3A_764 = arith.addf %add3A_730, %get3A_750 : vector<16xf32>
        %add3A_765 = arith.addf %add3A_731, %get3A_753 : vector<16xf32>
        %mul3A_766 = arith.mulf %get3A_750, %get3A_750 : vector<16xf32>
        %add3A_767 = arith.addf %add3A_733, %mul3A_766 : vector<16xf32>
        %mul3A_768 = arith.mulf %get3A_753, %get3A_753 : vector<16xf32>
        %add3A_769 = arith.addf %add3A_735, %mul3A_768 : vector<16xf32>
        %mul3A_770 = arith.mulf %get3A_750, %get3A_716 : vector<16xf32>
        %add3A_771 = arith.addf %add3A_737, %mul3A_770 : vector<16xf32>
        %mul3A_772 = arith.mulf %get3A_753, %get3A_719 : vector<16xf32>
        %add3A_773 = arith.addf %add3A_739, %mul3A_772 : vector<16xf32>
        scf.yield %add3A_754, %add3A_755, %add3A_757, %add3A_759, %add3A_761, %add3A_763, %get3A_744, %get3A_747, %add3A_764, %add3A_765, %add3A_767, %add3A_769, %add3A_771, %add3A_773, %get3A_750, %get3A_753 : vector<16xf32>, vector<16xf32>, vector<16xf32>, vector<16xf32>, vector<16xf32>, vector<16xf32>, vector<16xf32>, vector<16xf32>, vector<16xf32>, vector<16xf32>, vector<16xf32>, vector<16xf32>, vector<16xf32>, vector<16xf32>, vector<16xf32>, vector<16xf32>
      }
      %scan3A_330 = arith.constant 200 : i32
      %broadcast_in_dim3A_331 = arith.constant 0.000000e+00 : f32
      %broadcast_in_dim3A_332 = vector.broadcast %broadcast_in_dim3A_331 : f32 to vector<16xf32>
      %sub3A_333 = arith.subf %scan3A_329#0, %scan3A_329#8 : vector<16xf32>
      %mul3A_334 = arith.constant 5.000000e-03 : f32
      %mul3A_335 = vector.broadcast %mul3A_334 : f32 to vector<16xf32>
      %mul3A_336 = arith.mulf %sub3A_333, %mul3A_335 : vector<16xf32>
      %sub3A_337 = arith.subf %scan3A_329#2, %scan3A_329#10 : vector<16xf32>
      %mul3A_338 = arith.constant 5.000000e-03 : f32
      %mul3A_339 = vector.broadcast %mul3A_338 : f32 to vector<16xf32>
      %mul3A_340 = arith.mulf %sub3A_337, %mul3A_339 : vector<16xf32>
      %mul3A_341 = arith.constant 2.000000e+00 : f32
      %mul3A_342 = vector.broadcast %mul3A_341 : f32 to vector<16xf32>
      %mul3A_343 = arith.mulf %mul3A_342, %get3A_3 : vector<16xf32>
      %mul3A_344 = arith.mulf %mul3A_343, %mul3A_336 : vector<16xf32>
      %sub3A_345 = arith.subf %mul3A_340, %mul3A_344 : vector<16xf32>
      %sub3A_346 = arith.subf %scan3A_329#6, %get3A_310 : vector<16xf32>
      %sub3A_347 = arith.subf %scan3A_329#14, %get3A_318 : vector<16xf32>
      %sub3A_348 = arith.subf %sub3A_346, %sub3A_347 : vector<16xf32>
      %mul3A_349 = arith.constant 0.00502512557 : f32
      %mul3A_350 = vector.broadcast %mul3A_349 : f32 to vector<16xf32>
      %mul3A_351 = arith.mulf %sub3A_348, %mul3A_350 : vector<16xf32>
      %mul3A_352 = arith.constant 2.000000e+00 : f32
      %mul3A_353 = vector.broadcast %mul3A_352 : f32 to vector<16xf32>
      %mul3A_354 = arith.mulf %mul3A_353, %scan3A_329#2 : vector<16xf32>
      %mul3A_355 = arith.mulf %get3A_310, %get3A_310 : vector<16xf32>
      %add3A_356 = arith.addf %mul3A_354, %mul3A_355 : vector<16xf32>
      %mul3A_357 = arith.mulf %scan3A_329#6, %scan3A_329#6 : vector<16xf32>
      %sub3A_358 = arith.subf %add3A_356, %mul3A_357 : vector<16xf32>
      %mul3A_359 = arith.constant 2.000000e+00 : f32
      %mul3A_360 = vector.broadcast %mul3A_359 : f32 to vector<16xf32>
      %mul3A_361 = arith.mulf %mul3A_360, %scan3A_329#4 : vector<16xf32>
      %sub3A_362 = arith.subf %sub3A_358, %mul3A_361 : vector<16xf32>
      %mul3A_363 = arith.constant 2.000000e+00 : f32
      %mul3A_364 = vector.broadcast %mul3A_363 : f32 to vector<16xf32>
      %mul3A_365 = arith.mulf %mul3A_364, %scan3A_329#10 : vector<16xf32>
      %mul3A_366 = arith.mulf %get3A_318, %get3A_318 : vector<16xf32>
      %add3A_367 = arith.addf %mul3A_365, %mul3A_366 : vector<16xf32>
      %mul3A_368 = arith.mulf %scan3A_329#14, %scan3A_329#14 : vector<16xf32>
      %sub3A_369 = arith.subf %add3A_367, %mul3A_368 : vector<16xf32>
      %mul3A_370 = arith.constant 2.000000e+00 : f32
      %mul3A_371 = vector.broadcast %mul3A_370 : f32 to vector<16xf32>
      %mul3A_372 = arith.mulf %mul3A_371, %scan3A_329#12 : vector<16xf32>
      %sub3A_373 = arith.subf %sub3A_369, %mul3A_372 : vector<16xf32>
      %sub3A_374 = arith.subf %sub3A_362, %sub3A_373 : vector<16xf32>
      %mul3A_375 = arith.constant 0.00502512557 : f32
      %mul3A_376 = vector.broadcast %mul3A_375 : f32 to vector<16xf32>
      %mul3A_377 = arith.mulf %sub3A_374, %mul3A_376 : vector<16xf32>
      %mul3A_378 = arith.mulf %mul3A_336, %mul3A_336 : vector<16xf32>
      %add3A_379 = arith.addf %broadcast_in_dim3A_332, %mul3A_378 : vector<16xf32>
      %mul3A_380 = arith.mulf %sub3A_345, %sub3A_345 : vector<16xf32>
      %add3A_381 = arith.addf %add3A_379, %mul3A_380 : vector<16xf32>
      %mul3A_382 = arith.mulf %mul3A_351, %mul3A_351 : vector<16xf32>
      %add3A_383 = arith.addf %add3A_381, %mul3A_382 : vector<16xf32>
      %mul3A_384 = arith.mulf %mul3A_377, %mul3A_377 : vector<16xf32>
      %add3A_385 = arith.addf %add3A_383, %mul3A_384 : vector<16xf32>
      %sub3A_386 = arith.subf %scan3A_329#1, %scan3A_329#9 : vector<16xf32>
      %mul3A_387 = arith.constant 5.000000e-03 : f32
      %mul3A_388 = vector.broadcast %mul3A_387 : f32 to vector<16xf32>
      %mul3A_389 = arith.mulf %sub3A_386, %mul3A_388 : vector<16xf32>
      %sub3A_390 = arith.subf %scan3A_329#3, %scan3A_329#11 : vector<16xf32>
      %mul3A_391 = arith.constant 5.000000e-03 : f32
      %mul3A_392 = vector.broadcast %mul3A_391 : f32 to vector<16xf32>
      %mul3A_393 = arith.mulf %sub3A_390, %mul3A_392 : vector<16xf32>
      %mul3A_394 = arith.constant 2.000000e+00 : f32
      %mul3A_395 = vector.broadcast %mul3A_394 : f32 to vector<16xf32>
      %mul3A_396 = arith.mulf %mul3A_395, %get3A_5 : vector<16xf32>
      %mul3A_397 = arith.mulf %mul3A_396, %mul3A_389 : vector<16xf32>
      %sub3A_398 = arith.subf %mul3A_393, %mul3A_397 : vector<16xf32>
      %sub3A_399 = arith.subf %scan3A_329#7, %get3A_314 : vector<16xf32>
      %sub3A_400 = arith.subf %scan3A_329#15, %get3A_322 : vector<16xf32>
      %sub3A_401 = arith.subf %sub3A_399, %sub3A_400 : vector<16xf32>
      %mul3A_402 = arith.constant 0.00502512557 : f32
      %mul3A_403 = vector.broadcast %mul3A_402 : f32 to vector<16xf32>
      %mul3A_404 = arith.mulf %sub3A_401, %mul3A_403 : vector<16xf32>
      %mul3A_405 = arith.constant 2.000000e+00 : f32
      %mul3A_406 = vector.broadcast %mul3A_405 : f32 to vector<16xf32>
      %mul3A_407 = arith.mulf %mul3A_406, %scan3A_329#3 : vector<16xf32>
      %mul3A_408 = arith.mulf %get3A_314, %get3A_314 : vector<16xf32>
      %add3A_409 = arith.addf %mul3A_407, %mul3A_408 : vector<16xf32>
      %mul3A_410 = arith.mulf %scan3A_329#7, %scan3A_329#7 : vector<16xf32>
      %sub3A_411 = arith.subf %add3A_409, %mul3A_410 : vector<16xf32>
      %mul3A_412 = arith.constant 2.000000e+00 : f32
      %mul3A_413 = vector.broadcast %mul3A_412 : f32 to vector<16xf32>
      %mul3A_414 = arith.mulf %mul3A_413, %scan3A_329#5 : vector<16xf32>
      %sub3A_415 = arith.subf %sub3A_411, %mul3A_414 : vector<16xf32>
      %mul3A_416 = arith.constant 2.000000e+00 : f32
      %mul3A_417 = vector.broadcast %mul3A_416 : f32 to vector<16xf32>
      %mul3A_418 = arith.mulf %mul3A_417, %scan3A_329#11 : vector<16xf32>
      %mul3A_419 = arith.mulf %get3A_322, %get3A_322 : vector<16xf32>
      %add3A_420 = arith.addf %mul3A_418, %mul3A_419 : vector<16xf32>
      %mul3A_421 = arith.mulf %scan3A_329#15, %scan3A_329#15 : vector<16xf32>
      %sub3A_422 = arith.subf %add3A_420, %mul3A_421 : vector<16xf32>
      %mul3A_423 = arith.constant 2.000000e+00 : f32
      %mul3A_424 = vector.broadcast %mul3A_423 : f32 to vector<16xf32>
      %mul3A_425 = arith.mulf %mul3A_424, %scan3A_329#13 : vector<16xf32>
      %sub3A_426 = arith.subf %sub3A_422, %mul3A_425 : vector<16xf32>
      %sub3A_427 = arith.subf %sub3A_415, %sub3A_426 : vector<16xf32>
      %mul3A_428 = arith.constant 0.00502512557 : f32
      %mul3A_429 = vector.broadcast %mul3A_428 : f32 to vector<16xf32>
      %mul3A_430 = arith.mulf %sub3A_427, %mul3A_429 : vector<16xf32>
      %mul3A_431 = arith.mulf %mul3A_389, %mul3A_389 : vector<16xf32>
      %add3A_432 = arith.addf %add3A_385, %mul3A_431 : vector<16xf32>
      %mul3A_433 = arith.mulf %sub3A_398, %sub3A_398 : vector<16xf32>
      %add3A_434 = arith.addf %add3A_432, %mul3A_433 : vector<16xf32>
      %mul3A_435 = arith.mulf %mul3A_404, %mul3A_404 : vector<16xf32>
      %add3A_436 = arith.addf %add3A_434, %mul3A_435 : vector<16xf32>
      %mul3A_437 = arith.mulf %mul3A_430, %mul3A_430 : vector<16xf32>
      %add3A_438 = arith.addf %add3A_436, %mul3A_437 : vector<16xf32>
      %lt3A_439 = arith.constant 0 : i32
      %lt3A_440 = vector.broadcast %lt3A_439 : i32 to vector<16xi32>
      %lt3A_441 = arith.cmpi slt, %xor3A_9, %lt3A_440 : vector<16xi32>
      %add3A_442 = arith.constant 16 : i32
      %add3A_443 = vector.broadcast %add3A_442 : i32 to vector<16xi32>
      %add3A_444 = arith.addi %xor3A_9, %add3A_443 : vector<16xi32>
      %select_n3A_445 = arith.select %lt3A_441, %add3A_444, %xor3A_9 : vector<16xi1>, vector<16xi32>
      %broadcast_in_dim3A_446 = vector.shape_cast %select_n3A_445 : vector<16xi32> to vector<16x1xi32>
      %gather3A_447 = vector.shape_cast %broadcast_in_dim3A_446 : vector<16x1xi32> to vector<16xi32>
      %gather3A_448 = tpu.dynamic_gather %add3A_438[%gather3A_447] in [0] : vector<16xf32>, vector<16xi32> -> vector<16xf32>
      %add3A_449 = arith.addf %add3A_438, %gather3A_448 : vector<16xf32>
      %lt3A_450 = arith.constant 0 : i32
      %lt3A_451 = vector.broadcast %lt3A_450 : i32 to vector<16xi32>
      %lt3A_452 = arith.cmpi slt, %xor3A_12, %lt3A_451 : vector<16xi32>
      %add3A_453 = arith.constant 16 : i32
      %add3A_454 = vector.broadcast %add3A_453 : i32 to vector<16xi32>
      %add3A_455 = arith.addi %xor3A_12, %add3A_454 : vector<16xi32>
      %select_n3A_456 = arith.select %lt3A_452, %add3A_455, %xor3A_12 : vector<16xi1>, vector<16xi32>
      %broadcast_in_dim3A_457 = vector.shape_cast %select_n3A_456 : vector<16xi32> to vector<16x1xi32>
      %gather3A_458 = vector.shape_cast %broadcast_in_dim3A_457 : vector<16x1xi32> to vector<16xi32>
      %gather3A_459 = tpu.dynamic_gather %add3A_449[%gather3A_458] in [0] : vector<16xf32>, vector<16xi32> -> vector<16xf32>
      %add3A_460 = arith.addf %add3A_449, %gather3A_459 : vector<16xf32>
      %lt3A_461 = arith.constant 0 : i32
      %lt3A_462 = vector.broadcast %lt3A_461 : i32 to vector<16xi32>
      %lt3A_463 = arith.cmpi slt, %xor3A_15, %lt3A_462 : vector<16xi32>
      %add3A_464 = arith.constant 16 : i32
      %add3A_465 = vector.broadcast %add3A_464 : i32 to vector<16xi32>
      %add3A_466 = arith.addi %xor3A_15, %add3A_465 : vector<16xi32>
      %select_n3A_467 = arith.select %lt3A_463, %add3A_466, %xor3A_15 : vector<16xi1>, vector<16xi32>
      %broadcast_in_dim3A_468 = vector.shape_cast %select_n3A_467 : vector<16xi32> to vector<16x1xi32>
      %gather3A_469 = vector.shape_cast %broadcast_in_dim3A_468 : vector<16x1xi32> to vector<16xi32>
      %gather3A_470 = tpu.dynamic_gather %add3A_460[%gather3A_469] in [0] : vector<16xf32>, vector<16xi32> -> vector<16xf32>
      %add3A_471 = arith.addf %add3A_460, %gather3A_470 : vector<16xf32>
      %lt3A_472 = arith.constant 0 : i32
      %lt3A_473 = vector.broadcast %lt3A_472 : i32 to vector<16xi32>
      %lt3A_474 = arith.cmpi slt, %xor3A_18, %lt3A_473 : vector<16xi32>
      %add3A_475 = arith.constant 16 : i32
      %add3A_476 = vector.broadcast %add3A_475 : i32 to vector<16xi32>
      %add3A_477 = arith.addi %xor3A_18, %add3A_476 : vector<16xi32>
      %select_n3A_478 = arith.select %lt3A_474, %add3A_477, %xor3A_18 : vector<16xi1>, vector<16xi32>
      %broadcast_in_dim3A_479 = vector.shape_cast %select_n3A_478 : vector<16xi32> to vector<16x1xi32>
      %gather3A_480 = vector.shape_cast %broadcast_in_dim3A_479 : vector<16x1xi32> to vector<16xi32>
      %gather3A_481 = tpu.dynamic_gather %add3A_471[%gather3A_480] in [0] : vector<16xf32>, vector<16xi32> -> vector<16xf32>
      %add3A_482 = arith.addf %add3A_471, %gather3A_481 : vector<16xf32>
      %mul3A_483 = arith.constant 7.812500e-03 : f32
      %mul3A_484 = vector.broadcast %mul3A_483 : f32 to vector<16xf32>
      %mul3A_485 = arith.mulf %add3A_482, %mul3A_484 : vector<16xf32>
      %broadcast_in_dim3A_486 = vector.broadcast %add3A_306 : i32 to vector<16xi32>
      tpu.vector_store_idx %arg14[%broadcast_in_dim3A_486], %mul3A_485 masked %eq3A_7 : memref<128xf32, #tpu.memory_space<vmem>>[vector<16xi32>], vector<16xf32>, vector<16xi1>
    }
    %scan3A_62 = arith.constant 64 : i32
    "tpu.region"() ({
      %run_scoped3A = tpu.sem_alloc : memref<!tpu.dma_semaphore, #tpu.memory_space<semaphore_mem>>
      %dma_start3A_63 = tpu.memref_slice %arg6[%mul3A_2] : memref<4096xf32, #tpu.memory_space<hbm>> -> memref<128xf32, #tpu.memory_space<hbm>>
      %dma_start3A_64 = tpu.memref_slice %arg6[%mul3A_2] : memref<4096xf32, #tpu.memory_space<hbm>> -> memref<128xf32, #tpu.memory_space<hbm>>
      tpu.enqueue_dma source(%arg14 : memref<128xf32, #tpu.memory_space<vmem>>) target(%dma_start3A_64 : memref<128xf32, #tpu.memory_space<hbm>>) target_semaphore(%run_scoped3A : memref<!tpu.dma_semaphore, #tpu.memory_space<semaphore_mem>>)
      %dma_wait3A = tpu.memref_slice %arg6[%mul3A_2] : memref<4096xf32, #tpu.memory_space<hbm>> -> memref<128xf32, #tpu.memory_space<hbm>>
      %dma_wait3A_65 = tpu.memref_slice %arg6[%mul3A_2] : memref<4096xf32, #tpu.memory_space<hbm>> -> memref<128xf32, #tpu.memory_space<hbm>>
      tpu.wait_dma2 semaphore(%run_scoped3A : memref<!tpu.dma_semaphore, #tpu.memory_space<semaphore_mem>>) src(%arg14 : memref<128xf32, #tpu.memory_space<vmem>>) dst(%dma_wait3A_65 : memref<128xf32, #tpu.memory_space<hbm>>)
      tpu.yield
    }) : () -> ()
    return
  }
}

#map = affine_map<(d0, d1) -> (0, 0)>
#map1 = affine_map<(d0, d1) -> (0)>
module attributes {stable_mosaic.version = 14 : i64} {
  func.func @_relayout_body(%arg0: i32, %arg1: i32, %arg2: memref<32x1000000xf32, #tpu.memory_space<hbm>>, %arg3: memref<32000000xf32, #tpu.memory_space<hbm>>, %arg4: memref<4x8x512xf32, #tpu.memory_space<vmem>>, %arg5: memref<4x8x512xf32, #tpu.memory_space<vmem>>, %arg6: memref<16896xf32, #tpu.memory_space<vmem>>, %arg7: memref<16896xf32, #tpu.memory_space<vmem>>, %arg8: memref<16384xf32, #tpu.memory_space<vmem>>, %arg9: memref<16384xf32, #tpu.memory_space<vmem>>, %arg10: memref<!tpu.dma_semaphore, #tpu.memory_space<semaphore_mem>>, %arg11: memref<!tpu.dma_semaphore, #tpu.memory_space<semaphore_mem>>, %arg12: memref<!tpu.dma_semaphore, #tpu.memory_space<semaphore_mem>>, %arg13: memref<!tpu.dma_semaphore, #tpu.memory_space<semaphore_mem>>) attributes {dimension_semantics = [#tpu.dimension_semantics<core_parallel>, #tpu.dimension_semantics<subcore_parallel>], iteration_bounds = array<i64: 2, 16>, scalar_prefetch = 0 : i64, scratch_operands = 10 : i64, tpu.core_type = #tpu.core_type<sc_vector_subcore>, window_params = [{transform_indices = #map}, {transform_indices = #map1}]} {
    %mul3A = arith.constant 2 : i32
    %mul3A_0 = arith.muli %arg1, %mul3A : i32
    %add3A = arith.addi %mul3A_0, %arg0 : i32
    %iota3A = tpu.iota {dimensions = array<i32: 0>} : vector<16xi32>
    %shift_right_logical3A = arith.constant 3 : i32
    %shift_right_logical3A_1 = vector.broadcast %shift_right_logical3A : i32 to vector<16xi32>
    %shift_right_logical3A_2 = arith.shrui %iota3A, %shift_right_logical3A_1 : vector<16xi32>
    %add3A_3 = arith.constant 2 : i32
    %add3A_4 = vector.broadcast %add3A_3 : i32 to vector<16xi32>
    %add3A_5 = arith.addi %shift_right_logical3A_2, %add3A_4 : vector<16xi32>
    %and3A = arith.constant 7 : i32
    %and3A_6 = vector.broadcast %and3A : i32 to vector<16xi32>
    %and3A_7 = arith.andi %iota3A, %and3A_6 : vector<16xi32>
    %mul3A_8 = arith.constant 33 : i32
    %mul3A_9 = vector.broadcast %mul3A_8 : i32 to vector<16xi32>
    %mul3A_10 = arith.muli %iota3A, %mul3A_9 : vector<16xi32>
    %lt3A = arith.constant 1953 : i32
    %lt3A_11 = arith.cmpi slt, %add3A, %lt3A : i32
    %convert_element_type3A = arith.extui %lt3A_11 : i1 to i32
    %cond3A = arith.constant 0 : i32
    %cond3A_12 = arith.cmpi ne, %convert_element_type3A, %cond3A : i32
    scf.if %cond3A_12 {
      %mul3A_36 = arith.constant 512 : i32
      %mul3A_37 = arith.muli %add3A, %mul3A_36 : i32
      %multiple_of3A = tpu.assume_multiple %mul3A_37, 512 : i32
      %dma_start3A = arith.constant 0 : i32
      %dma_start3A_38 = arith.constant 0 : i32
      %dma_start3A_39 = arith.constant 0 : i32
      %dma_start3A_40 = tpu.memref_slice %arg4[%dma_start3A, %dma_start3A_38, %dma_start3A_39] : memref<4x8x512xf32, #tpu.memory_space<vmem>> -> memref<1x8x512xf32, #tpu.memory_space<vmem>>
      %dma_start3A_41 = tpu.memref_squeeze %dma_start3A_40 : memref<1x8x512xf32, #tpu.memory_space<vmem>> -> memref<8x512xf32, #tpu.memory_space<vmem>>
      %dma_start3A_42 = arith.constant 0 : i32
      %dma_start3A_43 = tpu.memref_slice %arg2[%dma_start3A_42, %multiple_of3A] : memref<32x1000000xf32, #tpu.memory_space<hbm>> -> memref<8x512xf32, #tpu.memory_space<hbm>>
      %dma_start3A_44 = arith.constant 0 : i32
      %dma_start3A_45 = arith.constant 0 : i32
      %dma_start3A_46 = tpu.memref_slice %arg4[%dma_start3A, %dma_start3A_44, %dma_start3A_45] : memref<4x8x512xf32, #tpu.memory_space<vmem>> -> memref<1x8x512xf32, #tpu.memory_space<vmem>>
      %dma_start3A_47 = tpu.memref_squeeze %dma_start3A_46 : memref<1x8x512xf32, #tpu.memory_space<vmem>> -> memref<8x512xf32, #tpu.memory_space<vmem>>
      %dma_start3A_48 = arith.constant 0 : i32
      %dma_start3A_49 = tpu.memref_slice %arg2[%dma_start3A_48, %multiple_of3A] : memref<32x1000000xf32, #tpu.memory_space<hbm>> -> memref<8x512xf32, #tpu.memory_space<hbm>>
      tpu.enqueue_dma source(%dma_start3A_49 : memref<8x512xf32, #tpu.memory_space<hbm>>) target(%dma_start3A_47 : memref<8x512xf32, #tpu.memory_space<vmem>>) target_semaphore(%arg10 : memref<!tpu.dma_semaphore, #tpu.memory_space<semaphore_mem>>)
      %dma_start3A_50 = arith.constant 1 : i32
      %dma_start3A_51 = arith.constant 0 : i32
      %dma_start3A_52 = arith.constant 0 : i32
      %dma_start3A_53 = tpu.memref_slice %arg4[%dma_start3A_50, %dma_start3A_51, %dma_start3A_52] : memref<4x8x512xf32, #tpu.memory_space<vmem>> -> memref<1x8x512xf32, #tpu.memory_space<vmem>>
      %dma_start3A_54 = tpu.memref_squeeze %dma_start3A_53 : memref<1x8x512xf32, #tpu.memory_space<vmem>> -> memref<8x512xf32, #tpu.memory_space<vmem>>
      %dma_start3A_55 = arith.constant 8 : i32
      %dma_start3A_56 = tpu.memref_slice %arg2[%dma_start3A_55, %multiple_of3A] : memref<32x1000000xf32, #tpu.memory_space<hbm>> -> memref<8x512xf32, #tpu.memory_space<hbm>>
      %dma_start3A_57 = arith.constant 0 : i32
      %dma_start3A_58 = arith.constant 0 : i32
      %dma_start3A_59 = tpu.memref_slice %arg4[%dma_start3A_50, %dma_start3A_57, %dma_start3A_58] : memref<4x8x512xf32, #tpu.memory_space<vmem>> -> memref<1x8x512xf32, #tpu.memory_space<vmem>>
      %dma_start3A_60 = tpu.memref_squeeze %dma_start3A_59 : memref<1x8x512xf32, #tpu.memory_space<vmem>> -> memref<8x512xf32, #tpu.memory_space<vmem>>
      %dma_start3A_61 = arith.constant 8 : i32
      %dma_start3A_62 = tpu.memref_slice %arg2[%dma_start3A_61, %multiple_of3A] : memref<32x1000000xf32, #tpu.memory_space<hbm>> -> memref<8x512xf32, #tpu.memory_space<hbm>>
      tpu.enqueue_dma source(%dma_start3A_62 : memref<8x512xf32, #tpu.memory_space<hbm>>) target(%dma_start3A_60 : memref<8x512xf32, #tpu.memory_space<vmem>>) target_semaphore(%arg10 : memref<!tpu.dma_semaphore, #tpu.memory_space<semaphore_mem>>)
      %dma_start3A_63 = arith.constant 2 : i32
      %dma_start3A_64 = arith.constant 0 : i32
      %dma_start3A_65 = arith.constant 0 : i32
      %dma_start3A_66 = tpu.memref_slice %arg4[%dma_start3A_63, %dma_start3A_64, %dma_start3A_65] : memref<4x8x512xf32, #tpu.memory_space<vmem>> -> memref<1x8x512xf32, #tpu.memory_space<vmem>>
      %dma_start3A_67 = tpu.memref_squeeze %dma_start3A_66 : memref<1x8x512xf32, #tpu.memory_space<vmem>> -> memref<8x512xf32, #tpu.memory_space<vmem>>
      %dma_start3A_68 = arith.constant 16 : i32
      %dma_start3A_69 = tpu.memref_slice %arg2[%dma_start3A_68, %multiple_of3A] : memref<32x1000000xf32, #tpu.memory_space<hbm>> -> memref<8x512xf32, #tpu.memory_space<hbm>>
      %dma_start3A_70 = arith.constant 0 : i32
      %dma_start3A_71 = arith.constant 0 : i32
      %dma_start3A_72 = tpu.memref_slice %arg4[%dma_start3A_63, %dma_start3A_70, %dma_start3A_71] : memref<4x8x512xf32, #tpu.memory_space<vmem>> -> memref<1x8x512xf32, #tpu.memory_space<vmem>>
      %dma_start3A_73 = tpu.memref_squeeze %dma_start3A_72 : memref<1x8x512xf32, #tpu.memory_space<vmem>> -> memref<8x512xf32, #tpu.memory_space<vmem>>
      %dma_start3A_74 = arith.constant 16 : i32
      %dma_start3A_75 = tpu.memref_slice %arg2[%dma_start3A_74, %multiple_of3A] : memref<32x1000000xf32, #tpu.memory_space<hbm>> -> memref<8x512xf32, #tpu.memory_space<hbm>>
      tpu.enqueue_dma source(%dma_start3A_75 : memref<8x512xf32, #tpu.memory_space<hbm>>) target(%dma_start3A_73 : memref<8x512xf32, #tpu.memory_space<vmem>>) target_semaphore(%arg10 : memref<!tpu.dma_semaphore, #tpu.memory_space<semaphore_mem>>)
      %dma_start3A_76 = arith.constant 3 : i32
      %dma_start3A_77 = arith.constant 0 : i32
      %dma_start3A_78 = arith.constant 0 : i32
      %dma_start3A_79 = tpu.memref_slice %arg4[%dma_start3A_76, %dma_start3A_77, %dma_start3A_78] : memref<4x8x512xf32, #tpu.memory_space<vmem>> -> memref<1x8x512xf32, #tpu.memory_space<vmem>>
      %dma_start3A_80 = tpu.memref_squeeze %dma_start3A_79 : memref<1x8x512xf32, #tpu.memory_space<vmem>> -> memref<8x512xf32, #tpu.memory_space<vmem>>
      %dma_start3A_81 = arith.constant 24 : i32
      %dma_start3A_82 = tpu.memref_slice %arg2[%dma_start3A_81, %multiple_of3A] : memref<32x1000000xf32, #tpu.memory_space<hbm>> -> memref<8x512xf32, #tpu.memory_space<hbm>>
      %dma_start3A_83 = arith.constant 0 : i32
      %dma_start3A_84 = arith.constant 0 : i32
      %dma_start3A_85 = tpu.memref_slice %arg4[%dma_start3A_76, %dma_start3A_83, %dma_start3A_84] : memref<4x8x512xf32, #tpu.memory_space<vmem>> -> memref<1x8x512xf32, #tpu.memory_space<vmem>>
      %dma_start3A_86 = tpu.memref_squeeze %dma_start3A_85 : memref<1x8x512xf32, #tpu.memory_space<vmem>> -> memref<8x512xf32, #tpu.memory_space<vmem>>
      %dma_start3A_87 = arith.constant 24 : i32
      %dma_start3A_88 = tpu.memref_slice %arg2[%dma_start3A_87, %multiple_of3A] : memref<32x1000000xf32, #tpu.memory_space<hbm>> -> memref<8x512xf32, #tpu.memory_space<hbm>>
      tpu.enqueue_dma source(%dma_start3A_88 : memref<8x512xf32, #tpu.memory_space<hbm>>) target(%dma_start3A_86 : memref<8x512xf32, #tpu.memory_space<vmem>>) target_semaphore(%arg10 : memref<!tpu.dma_semaphore, #tpu.memory_space<semaphore_mem>>)
    } else {
    }
    %eq3A = arith.constant 1953 : i32
    %eq3A_13 = arith.cmpi eq, %add3A, %eq3A : i32
    %convert_element_type3A_14 = arith.extui %eq3A_13 : i1 to i32
    %cond3A_15 = arith.constant 0 : i32
    %cond3A_16 = arith.cmpi ne, %convert_element_type3A_14, %cond3A_15 : i32
    scf.if %cond3A_16 {
      %mul3A_36 = arith.constant 512 : i32
      %mul3A_37 = arith.muli %add3A, %mul3A_36 : i32
      %multiple_of3A = tpu.assume_multiple %mul3A_37, 512 : i32
      %dma_start3A = arith.constant 0 : i32
      %dma_start3A_38 = arith.constant 0 : i32
      %dma_start3A_39 = arith.constant 0 : i32
      %dma_start3A_40 = tpu.memref_slice %arg4[%dma_start3A, %dma_start3A_38, %dma_start3A_39] : memref<4x8x512xf32, #tpu.memory_space<vmem>> -> memref<1x8x128xf32, #tpu.memory_space<vmem>>
      %dma_start3A_41 = tpu.memref_squeeze %dma_start3A_40 : memref<1x8x128xf32, #tpu.memory_space<vmem>> -> memref<8x128xf32, #tpu.memory_space<vmem>>
      %dma_start3A_42 = arith.constant 0 : i32
      %dma_start3A_43 = tpu.memref_slice %arg2[%dma_start3A_42, %multiple_of3A] : memref<32x1000000xf32, #tpu.memory_space<hbm>> -> memref<8x128xf32, #tpu.memory_space<hbm>>
      %dma_start3A_44 = arith.constant 0 : i32
      %dma_start3A_45 = arith.constant 0 : i32
      %dma_start3A_46 = tpu.memref_slice %arg4[%dma_start3A, %dma_start3A_44, %dma_start3A_45] : memref<4x8x512xf32, #tpu.memory_space<vmem>> -> memref<1x8x128xf32, #tpu.memory_space<vmem>>
      %dma_start3A_47 = tpu.memref_squeeze %dma_start3A_46 : memref<1x8x128xf32, #tpu.memory_space<vmem>> -> memref<8x128xf32, #tpu.memory_space<vmem>>
      %dma_start3A_48 = arith.constant 0 : i32
      %dma_start3A_49 = tpu.memref_slice %arg2[%dma_start3A_48, %multiple_of3A] : memref<32x1000000xf32, #tpu.memory_space<hbm>> -> memref<8x128xf32, #tpu.memory_space<hbm>>
      tpu.enqueue_dma source(%dma_start3A_49 : memref<8x128xf32, #tpu.memory_space<hbm>>) target(%dma_start3A_47 : memref<8x128xf32, #tpu.memory_space<vmem>>) target_semaphore(%arg10 : memref<!tpu.dma_semaphore, #tpu.memory_space<semaphore_mem>>)
      %dma_start3A_50 = arith.constant 1 : i32
      %dma_start3A_51 = arith.constant 0 : i32
      %dma_start3A_52 = arith.constant 0 : i32
      %dma_start3A_53 = tpu.memref_slice %arg4[%dma_start3A_50, %dma_start3A_51, %dma_start3A_52] : memref<4x8x512xf32, #tpu.memory_space<vmem>> -> memref<1x8x128xf32, #tpu.memory_space<vmem>>
      %dma_start3A_54 = tpu.memref_squeeze %dma_start3A_53 : memref<1x8x128xf32, #tpu.memory_space<vmem>> -> memref<8x128xf32, #tpu.memory_space<vmem>>
      %dma_start3A_55 = arith.constant 8 : i32
      %dma_start3A_56 = tpu.memref_slice %arg2[%dma_start3A_55, %multiple_of3A] : memref<32x1000000xf32, #tpu.memory_space<hbm>> -> memref<8x128xf32, #tpu.memory_space<hbm>>
      %dma_start3A_57 = arith.constant 0 : i32
      %dma_start3A_58 = arith.constant 0 : i32
      %dma_start3A_59 = tpu.memref_slice %arg4[%dma_start3A_50, %dma_start3A_57, %dma_start3A_58] : memref<4x8x512xf32, #tpu.memory_space<vmem>> -> memref<1x8x128xf32, #tpu.memory_space<vmem>>
      %dma_start3A_60 = tpu.memref_squeeze %dma_start3A_59 : memref<1x8x128xf32, #tpu.memory_space<vmem>> -> memref<8x128xf32, #tpu.memory_space<vmem>>
      %dma_start3A_61 = arith.constant 8 : i32
      %dma_start3A_62 = tpu.memref_slice %arg2[%dma_start3A_61, %multiple_of3A] : memref<32x1000000xf32, #tpu.memory_space<hbm>> -> memref<8x128xf32, #tpu.memory_space<hbm>>
      tpu.enqueue_dma source(%dma_start3A_62 : memref<8x128xf32, #tpu.memory_space<hbm>>) target(%dma_start3A_60 : memref<8x128xf32, #tpu.memory_space<vmem>>) target_semaphore(%arg10 : memref<!tpu.dma_semaphore, #tpu.memory_space<semaphore_mem>>)
      %dma_start3A_63 = arith.constant 2 : i32
      %dma_start3A_64 = arith.constant 0 : i32
      %dma_start3A_65 = arith.constant 0 : i32
      %dma_start3A_66 = tpu.memref_slice %arg4[%dma_start3A_63, %dma_start3A_64, %dma_start3A_65] : memref<4x8x512xf32, #tpu.memory_space<vmem>> -> memref<1x8x128xf32, #tpu.memory_space<vmem>>
      %dma_start3A_67 = tpu.memref_squeeze %dma_start3A_66 : memref<1x8x128xf32, #tpu.memory_space<vmem>> -> memref<8x128xf32, #tpu.memory_space<vmem>>
      %dma_start3A_68 = arith.constant 16 : i32
      %dma_start3A_69 = tpu.memref_slice %arg2[%dma_start3A_68, %multiple_of3A] : memref<32x1000000xf32, #tpu.memory_space<hbm>> -> memref<8x128xf32, #tpu.memory_space<hbm>>
      %dma_start3A_70 = arith.constant 0 : i32
      %dma_start3A_71 = arith.constant 0 : i32
      %dma_start3A_72 = tpu.memref_slice %arg4[%dma_start3A_63, %dma_start3A_70, %dma_start3A_71] : memref<4x8x512xf32, #tpu.memory_space<vmem>> -> memref<1x8x128xf32, #tpu.memory_space<vmem>>
      %dma_start3A_73 = tpu.memref_squeeze %dma_start3A_72 : memref<1x8x128xf32, #tpu.memory_space<vmem>> -> memref<8x128xf32, #tpu.memory_space<vmem>>
      %dma_start3A_74 = arith.constant 16 : i32
      %dma_start3A_75 = tpu.memref_slice %arg2[%dma_start3A_74, %multiple_of3A] : memref<32x1000000xf32, #tpu.memory_space<hbm>> -> memref<8x128xf32, #tpu.memory_space<hbm>>
      tpu.enqueue_dma source(%dma_start3A_75 : memref<8x128xf32, #tpu.memory_space<hbm>>) target(%dma_start3A_73 : memref<8x128xf32, #tpu.memory_space<vmem>>) target_semaphore(%arg10 : memref<!tpu.dma_semaphore, #tpu.memory_space<semaphore_mem>>)
      %dma_start3A_76 = arith.constant 3 : i32
      %dma_start3A_77 = arith.constant 0 : i32
      %dma_start3A_78 = arith.constant 0 : i32
      %dma_start3A_79 = tpu.memref_slice %arg4[%dma_start3A_76, %dma_start3A_77, %dma_start3A_78] : memref<4x8x512xf32, #tpu.memory_space<vmem>> -> memref<1x8x128xf32, #tpu.memory_space<vmem>>
      %dma_start3A_80 = tpu.memref_squeeze %dma_start3A_79 : memref<1x8x128xf32, #tpu.memory_space<vmem>> -> memref<8x128xf32, #tpu.memory_space<vmem>>
      %dma_start3A_81 = arith.constant 24 : i32
      %dma_start3A_82 = tpu.memref_slice %arg2[%dma_start3A_81, %multiple_of3A] : memref<32x1000000xf32, #tpu.memory_space<hbm>> -> memref<8x128xf32, #tpu.memory_space<hbm>>
      %dma_start3A_83 = arith.constant 0 : i32
      %dma_start3A_84 = arith.constant 0 : i32
      %dma_start3A_85 = tpu.memref_slice %arg4[%dma_start3A_76, %dma_start3A_83, %dma_start3A_84] : memref<4x8x512xf32, #tpu.memory_space<vmem>> -> memref<1x8x128xf32, #tpu.memory_space<vmem>>
      %dma_start3A_86 = tpu.memref_squeeze %dma_start3A_85 : memref<1x8x128xf32, #tpu.memory_space<vmem>> -> memref<8x128xf32, #tpu.memory_space<vmem>>
      %dma_start3A_87 = arith.constant 24 : i32
      %dma_start3A_88 = tpu.memref_slice %arg2[%dma_start3A_87, %multiple_of3A] : memref<32x1000000xf32, #tpu.memory_space<hbm>> -> memref<8x128xf32, #tpu.memory_space<hbm>>
      tpu.enqueue_dma source(%dma_start3A_88 : memref<8x128xf32, #tpu.memory_space<hbm>>) target(%dma_start3A_86 : memref<8x128xf32, #tpu.memory_space<vmem>>) target_semaphore(%arg10 : memref<!tpu.dma_semaphore, #tpu.memory_space<semaphore_mem>>)
    } else {
    }
    %scan3A = arith.constant 0 : i32
    %scan3A_17 = arith.constant 0 : i32
    %scan3A_18 = arith.constant 31 : i32
    %scan3A_19 = arith.addi %scan3A_17, %scan3A_18 : i32
    %scan3A_20 = arith.constant 1 : i32
    scf.for %scan3A_36 = %scan3A_17 to %scan3A_19 step %scan3A_20  : i32 {
      %mul3A_37 = arith.constant 2 : i32
      %mul3A_38 = arith.muli %mul3A_37, %scan3A_36 : i32
      %mul3A_39 = arith.constant 32 : i32
      %mul3A_40 = arith.muli %mul3A_39, %mul3A_38 : i32
      %add3A_41 = arith.addi %add3A, %mul3A_40 : i32
      %mul3A_42 = arith.constant 2 : i32
      %mul3A_43 = arith.muli %mul3A_42, %scan3A_36 : i32
      %add3A_44 = arith.constant 1 : i32
      %add3A_45 = arith.addi %mul3A_43, %add3A_44 : i32
      %mul3A_46 = arith.constant 32 : i32
      %mul3A_47 = arith.muli %mul3A_46, %add3A_45 : i32
      %add3A_48 = arith.addi %add3A, %mul3A_47 : i32
      %mul3A_49 = arith.constant 2 : i32
      %mul3A_50 = arith.muli %mul3A_49, %scan3A_36 : i32
      %add3A_51 = arith.constant 2 : i32
      %add3A_52 = arith.addi %mul3A_50, %add3A_51 : i32
      %mul3A_53 = arith.constant 32 : i32
      %mul3A_54 = arith.muli %mul3A_53, %add3A_52 : i32
      %add3A_55 = arith.addi %add3A, %mul3A_54 : i32
      %mul3A_56 = arith.constant 2 : i32
      %mul3A_57 = arith.muli %mul3A_56, %scan3A_36 : i32
      %sub3A = arith.constant 2 : i32
      %sub3A_58 = arith.subi %mul3A_57, %sub3A : i32
      %mul3A_59 = arith.constant 32 : i32
      %mul3A_60 = arith.muli %mul3A_59, %sub3A_58 : i32
      %add3A_61 = arith.addi %add3A, %mul3A_60 : i32
      %mul3A_62 = arith.constant 2 : i32
      %mul3A_63 = arith.muli %mul3A_62, %scan3A_36 : i32
      %sub3A_64 = arith.constant 1 : i32
      %sub3A_65 = arith.subi %mul3A_63, %sub3A_64 : i32
      %mul3A_66 = arith.constant 32 : i32
      %mul3A_67 = arith.muli %mul3A_66, %sub3A_65 : i32
      %add3A_68 = arith.addi %add3A, %mul3A_67 : i32
      %lt3A_69 = arith.constant 1954 : i32
      %lt3A_70 = arith.cmpi slt, %add3A_48, %lt3A_69 : i32
      %convert_element_type3A_71 = arith.extui %lt3A_70 : i1 to i32
      %cond3A_72 = arith.constant 0 : i32
      %cond3A_73 = arith.cmpi ne, %convert_element_type3A_71, %cond3A_72 : i32
      scf.if %cond3A_73 {
        %lt3A_104 = arith.constant 1953 : i32
        %lt3A_105 = arith.cmpi slt, %add3A_48, %lt3A_104 : i32
        %convert_element_type3A_106 = arith.extui %lt3A_105 : i1 to i32
        %cond3A_107 = arith.constant 0 : i32
        %cond3A_108 = arith.cmpi ne, %convert_element_type3A_106, %cond3A_107 : i32
        scf.if %cond3A_108 {
          %mul3A_114 = arith.constant 512 : i32
          %mul3A_115 = arith.muli %add3A_48, %mul3A_114 : i32
          %multiple_of3A = tpu.assume_multiple %mul3A_115, 512 : i32
          %dma_start3A = arith.constant 0 : i32
          %dma_start3A_116 = arith.constant 0 : i32
          %dma_start3A_117 = arith.constant 0 : i32
          %dma_start3A_118 = tpu.memref_slice %arg5[%dma_start3A, %dma_start3A_116, %dma_start3A_117] : memref<4x8x512xf32, #tpu.memory_space<vmem>> -> memref<1x8x512xf32, #tpu.memory_space<vmem>>
          %dma_start3A_119 = tpu.memref_squeeze %dma_start3A_118 : memref<1x8x512xf32, #tpu.memory_space<vmem>> -> memref<8x512xf32, #tpu.memory_space<vmem>>
          %dma_start3A_120 = arith.constant 0 : i32
          %dma_start3A_121 = tpu.memref_slice %arg2[%dma_start3A_120, %multiple_of3A] : memref<32x1000000xf32, #tpu.memory_space<hbm>> -> memref<8x512xf32, #tpu.memory_space<hbm>>
          %dma_start3A_122 = arith.constant 0 : i32
          %dma_start3A_123 = arith.constant 0 : i32
          %dma_start3A_124 = tpu.memref_slice %arg5[%dma_start3A, %dma_start3A_122, %dma_start3A_123] : memref<4x8x512xf32, #tpu.memory_space<vmem>> -> memref<1x8x512xf32, #tpu.memory_space<vmem>>
          %dma_start3A_125 = tpu.memref_squeeze %dma_start3A_124 : memref<1x8x512xf32, #tpu.memory_space<vmem>> -> memref<8x512xf32, #tpu.memory_space<vmem>>
          %dma_start3A_126 = arith.constant 0 : i32
          %dma_start3A_127 = tpu.memref_slice %arg2[%dma_start3A_126, %multiple_of3A] : memref<32x1000000xf32, #tpu.memory_space<hbm>> -> memref<8x512xf32, #tpu.memory_space<hbm>>
          tpu.enqueue_dma source(%dma_start3A_127 : memref<8x512xf32, #tpu.memory_space<hbm>>) target(%dma_start3A_125 : memref<8x512xf32, #tpu.memory_space<vmem>>) target_semaphore(%arg11 : memref<!tpu.dma_semaphore, #tpu.memory_space<semaphore_mem>>)
          %dma_start3A_128 = arith.constant 1 : i32
          %dma_start3A_129 = arith.constant 0 : i32
          %dma_start3A_130 = arith.constant 0 : i32
          %dma_start3A_131 = tpu.memref_slice %arg5[%dma_start3A_128, %dma_start3A_129, %dma_start3A_130] : memref<4x8x512xf32, #tpu.memory_space<vmem>> -> memref<1x8x512xf32, #tpu.memory_space<vmem>>
          %dma_start3A_132 = tpu.memref_squeeze %dma_start3A_131 : memref<1x8x512xf32, #tpu.memory_space<vmem>> -> memref<8x512xf32, #tpu.memory_space<vmem>>
          %dma_start3A_133 = arith.constant 8 : i32
          %dma_start3A_134 = tpu.memref_slice %arg2[%dma_start3A_133, %multiple_of3A] : memref<32x1000000xf32, #tpu.memory_space<hbm>> -> memref<8x512xf32, #tpu.memory_space<hbm>>
          %dma_start3A_135 = arith.constant 0 : i32
          %dma_start3A_136 = arith.constant 0 : i32
          %dma_start3A_137 = tpu.memref_slice %arg5[%dma_start3A_128, %dma_start3A_135, %dma_start3A_136] : memref<4x8x512xf32, #tpu.memory_space<vmem>> -> memref<1x8x512xf32, #tpu.memory_space<vmem>>
          %dma_start3A_138 = tpu.memref_squeeze %dma_start3A_137 : memref<1x8x512xf32, #tpu.memory_space<vmem>> -> memref<8x512xf32, #tpu.memory_space<vmem>>
          %dma_start3A_139 = arith.constant 8 : i32
          %dma_start3A_140 = tpu.memref_slice %arg2[%dma_start3A_139, %multiple_of3A] : memref<32x1000000xf32, #tpu.memory_space<hbm>> -> memref<8x512xf32, #tpu.memory_space<hbm>>
          tpu.enqueue_dma source(%dma_start3A_140 : memref<8x512xf32, #tpu.memory_space<hbm>>) target(%dma_start3A_138 : memref<8x512xf32, #tpu.memory_space<vmem>>) target_semaphore(%arg11 : memref<!tpu.dma_semaphore, #tpu.memory_space<semaphore_mem>>)
          %dma_start3A_141 = arith.constant 2 : i32
          %dma_start3A_142 = arith.constant 0 : i32
          %dma_start3A_143 = arith.constant 0 : i32
          %dma_start3A_144 = tpu.memref_slice %arg5[%dma_start3A_141, %dma_start3A_142, %dma_start3A_143] : memref<4x8x512xf32, #tpu.memory_space<vmem>> -> memref<1x8x512xf32, #tpu.memory_space<vmem>>
          %dma_start3A_145 = tpu.memref_squeeze %dma_start3A_144 : memref<1x8x512xf32, #tpu.memory_space<vmem>> -> memref<8x512xf32, #tpu.memory_space<vmem>>
          %dma_start3A_146 = arith.constant 16 : i32
          %dma_start3A_147 = tpu.memref_slice %arg2[%dma_start3A_146, %multiple_of3A] : memref<32x1000000xf32, #tpu.memory_space<hbm>> -> memref<8x512xf32, #tpu.memory_space<hbm>>
          %dma_start3A_148 = arith.constant 0 : i32
          %dma_start3A_149 = arith.constant 0 : i32
          %dma_start3A_150 = tpu.memref_slice %arg5[%dma_start3A_141, %dma_start3A_148, %dma_start3A_149] : memref<4x8x512xf32, #tpu.memory_space<vmem>> -> memref<1x8x512xf32, #tpu.memory_space<vmem>>
          %dma_start3A_151 = tpu.memref_squeeze %dma_start3A_150 : memref<1x8x512xf32, #tpu.memory_space<vmem>> -> memref<8x512xf32, #tpu.memory_space<vmem>>
          %dma_start3A_152 = arith.constant 16 : i32
          %dma_start3A_153 = tpu.memref_slice %arg2[%dma_start3A_152, %multiple_of3A] : memref<32x1000000xf32, #tpu.memory_space<hbm>> -> memref<8x512xf32, #tpu.memory_space<hbm>>
          tpu.enqueue_dma source(%dma_start3A_153 : memref<8x512xf32, #tpu.memory_space<hbm>>) target(%dma_start3A_151 : memref<8x512xf32, #tpu.memory_space<vmem>>) target_semaphore(%arg11 : memref<!tpu.dma_semaphore, #tpu.memory_space<semaphore_mem>>)
          %dma_start3A_154 = arith.constant 3 : i32
          %dma_start3A_155 = arith.constant 0 : i32
          %dma_start3A_156 = arith.constant 0 : i32
          %dma_start3A_157 = tpu.memref_slice %arg5[%dma_start3A_154, %dma_start3A_155, %dma_start3A_156] : memref<4x8x512xf32, #tpu.memory_space<vmem>> -> memref<1x8x512xf32, #tpu.memory_space<vmem>>
          %dma_start3A_158 = tpu.memref_squeeze %dma_start3A_157 : memref<1x8x512xf32, #tpu.memory_space<vmem>> -> memref<8x512xf32, #tpu.memory_space<vmem>>
          %dma_start3A_159 = arith.constant 24 : i32
          %dma_start3A_160 = tpu.memref_slice %arg2[%dma_start3A_159, %multiple_of3A] : memref<32x1000000xf32, #tpu.memory_space<hbm>> -> memref<8x512xf32, #tpu.memory_space<hbm>>
          %dma_start3A_161 = arith.constant 0 : i32
          %dma_start3A_162 = arith.constant 0 : i32
          %dma_start3A_163 = tpu.memref_slice %arg5[%dma_start3A_154, %dma_start3A_161, %dma_start3A_162] : memref<4x8x512xf32, #tpu.memory_space<vmem>> -> memref<1x8x512xf32, #tpu.memory_space<vmem>>
          %dma_start3A_164 = tpu.memref_squeeze %dma_start3A_163 : memref<1x8x512xf32, #tpu.memory_space<vmem>> -> memref<8x512xf32, #tpu.memory_space<vmem>>
          %dma_start3A_165 = arith.constant 24 : i32
          %dma_start3A_166 = tpu.memref_slice %arg2[%dma_start3A_165, %multiple_of3A] : memref<32x1000000xf32, #tpu.memory_space<hbm>> -> memref<8x512xf32, #tpu.memory_space<hbm>>
          tpu.enqueue_dma source(%dma_start3A_166 : memref<8x512xf32, #tpu.memory_space<hbm>>) target(%dma_start3A_164 : memref<8x512xf32, #tpu.memory_space<vmem>>) target_semaphore(%arg11 : memref<!tpu.dma_semaphore, #tpu.memory_space<semaphore_mem>>)
        } else {
        }
        %eq3A_109 = arith.constant 1953 : i32
        %eq3A_110 = arith.cmpi eq, %add3A_48, %eq3A_109 : i32
        %convert_element_type3A_111 = arith.extui %eq3A_110 : i1 to i32
        %cond3A_112 = arith.constant 0 : i32
        %cond3A_113 = arith.cmpi ne, %convert_element_type3A_111, %cond3A_112 : i32
        scf.if %cond3A_113 {
          %mul3A_114 = arith.constant 512 : i32
          %mul3A_115 = arith.muli %add3A_48, %mul3A_114 : i32
          %multiple_of3A = tpu.assume_multiple %mul3A_115, 512 : i32
          %dma_start3A = arith.constant 0 : i32
          %dma_start3A_116 = arith.constant 0 : i32
          %dma_start3A_117 = arith.constant 0 : i32
          %dma_start3A_118 = tpu.memref_slice %arg5[%dma_start3A, %dma_start3A_116, %dma_start3A_117] : memref<4x8x512xf32, #tpu.memory_space<vmem>> -> memref<1x8x128xf32, #tpu.memory_space<vmem>>
          %dma_start3A_119 = tpu.memref_squeeze %dma_start3A_118 : memref<1x8x128xf32, #tpu.memory_space<vmem>> -> memref<8x128xf32, #tpu.memory_space<vmem>>
          %dma_start3A_120 = arith.constant 0 : i32
          %dma_start3A_121 = tpu.memref_slice %arg2[%dma_start3A_120, %multiple_of3A] : memref<32x1000000xf32, #tpu.memory_space<hbm>> -> memref<8x128xf32, #tpu.memory_space<hbm>>
          %dma_start3A_122 = arith.constant 0 : i32
          %dma_start3A_123 = arith.constant 0 : i32
          %dma_start3A_124 = tpu.memref_slice %arg5[%dma_start3A, %dma_start3A_122, %dma_start3A_123] : memref<4x8x512xf32, #tpu.memory_space<vmem>> -> memref<1x8x128xf32, #tpu.memory_space<vmem>>
          %dma_start3A_125 = tpu.memref_squeeze %dma_start3A_124 : memref<1x8x128xf32, #tpu.memory_space<vmem>> -> memref<8x128xf32, #tpu.memory_space<vmem>>
          %dma_start3A_126 = arith.constant 0 : i32
          %dma_start3A_127 = tpu.memref_slice %arg2[%dma_start3A_126, %multiple_of3A] : memref<32x1000000xf32, #tpu.memory_space<hbm>> -> memref<8x128xf32, #tpu.memory_space<hbm>>
          tpu.enqueue_dma source(%dma_start3A_127 : memref<8x128xf32, #tpu.memory_space<hbm>>) target(%dma_start3A_125 : memref<8x128xf32, #tpu.memory_space<vmem>>) target_semaphore(%arg11 : memref<!tpu.dma_semaphore, #tpu.memory_space<semaphore_mem>>)
          %dma_start3A_128 = arith.constant 1 : i32
          %dma_start3A_129 = arith.constant 0 : i32
          %dma_start3A_130 = arith.constant 0 : i32
          %dma_start3A_131 = tpu.memref_slice %arg5[%dma_start3A_128, %dma_start3A_129, %dma_start3A_130] : memref<4x8x512xf32, #tpu.memory_space<vmem>> -> memref<1x8x128xf32, #tpu.memory_space<vmem>>
          %dma_start3A_132 = tpu.memref_squeeze %dma_start3A_131 : memref<1x8x128xf32, #tpu.memory_space<vmem>> -> memref<8x128xf32, #tpu.memory_space<vmem>>
          %dma_start3A_133 = arith.constant 8 : i32
          %dma_start3A_134 = tpu.memref_slice %arg2[%dma_start3A_133, %multiple_of3A] : memref<32x1000000xf32, #tpu.memory_space<hbm>> -> memref<8x128xf32, #tpu.memory_space<hbm>>
          %dma_start3A_135 = arith.constant 0 : i32
          %dma_start3A_136 = arith.constant 0 : i32
          %dma_start3A_137 = tpu.memref_slice %arg5[%dma_start3A_128, %dma_start3A_135, %dma_start3A_136] : memref<4x8x512xf32, #tpu.memory_space<vmem>> -> memref<1x8x128xf32, #tpu.memory_space<vmem>>
          %dma_start3A_138 = tpu.memref_squeeze %dma_start3A_137 : memref<1x8x128xf32, #tpu.memory_space<vmem>> -> memref<8x128xf32, #tpu.memory_space<vmem>>
          %dma_start3A_139 = arith.constant 8 : i32
          %dma_start3A_140 = tpu.memref_slice %arg2[%dma_start3A_139, %multiple_of3A] : memref<32x1000000xf32, #tpu.memory_space<hbm>> -> memref<8x128xf32, #tpu.memory_space<hbm>>
          tpu.enqueue_dma source(%dma_start3A_140 : memref<8x128xf32, #tpu.memory_space<hbm>>) target(%dma_start3A_138 : memref<8x128xf32, #tpu.memory_space<vmem>>) target_semaphore(%arg11 : memref<!tpu.dma_semaphore, #tpu.memory_space<semaphore_mem>>)
          %dma_start3A_141 = arith.constant 2 : i32
          %dma_start3A_142 = arith.constant 0 : i32
          %dma_start3A_143 = arith.constant 0 : i32
          %dma_start3A_144 = tpu.memref_slice %arg5[%dma_start3A_141, %dma_start3A_142, %dma_start3A_143] : memref<4x8x512xf32, #tpu.memory_space<vmem>> -> memref<1x8x128xf32, #tpu.memory_space<vmem>>
          %dma_start3A_145 = tpu.memref_squeeze %dma_start3A_144 : memref<1x8x128xf32, #tpu.memory_space<vmem>> -> memref<8x128xf32, #tpu.memory_space<vmem>>
          %dma_start3A_146 = arith.constant 16 : i32
          %dma_start3A_147 = tpu.memref_slice %arg2[%dma_start3A_146, %multiple_of3A] : memref<32x1000000xf32, #tpu.memory_space<hbm>> -> memref<8x128xf32, #tpu.memory_space<hbm>>
          %dma_start3A_148 = arith.constant 0 : i32
          %dma_start3A_149 = arith.constant 0 : i32
          %dma_start3A_150 = tpu.memref_slice %arg5[%dma_start3A_141, %dma_start3A_148, %dma_start3A_149] : memref<4x8x512xf32, #tpu.memory_space<vmem>> -> memref<1x8x128xf32, #tpu.memory_space<vmem>>
          %dma_start3A_151 = tpu.memref_squeeze %dma_start3A_150 : memref<1x8x128xf32, #tpu.memory_space<vmem>> -> memref<8x128xf32, #tpu.memory_space<vmem>>
          %dma_start3A_152 = arith.constant 16 : i32
          %dma_start3A_153 = tpu.memref_slice %arg2[%dma_start3A_152, %multiple_of3A] : memref<32x1000000xf32, #tpu.memory_space<hbm>> -> memref<8x128xf32, #tpu.memory_space<hbm>>
          tpu.enqueue_dma source(%dma_start3A_153 : memref<8x128xf32, #tpu.memory_space<hbm>>) target(%dma_start3A_151 : memref<8x128xf32, #tpu.memory_space<vmem>>) target_semaphore(%arg11 : memref<!tpu.dma_semaphore, #tpu.memory_space<semaphore_mem>>)
          %dma_start3A_154 = arith.constant 3 : i32
          %dma_start3A_155 = arith.constant 0 : i32
          %dma_start3A_156 = arith.constant 0 : i32
          %dma_start3A_157 = tpu.memref_slice %arg5[%dma_start3A_154, %dma_start3A_155, %dma_start3A_156] : memref<4x8x512xf32, #tpu.memory_space<vmem>> -> memref<1x8x128xf32, #tpu.memory_space<vmem>>
          %dma_start3A_158 = tpu.memref_squeeze %dma_start3A_157 : memref<1x8x128xf32, #tpu.memory_space<vmem>> -> memref<8x128xf32, #tpu.memory_space<vmem>>
          %dma_start3A_159 = arith.constant 24 : i32
          %dma_start3A_160 = tpu.memref_slice %arg2[%dma_start3A_159, %multiple_of3A] : memref<32x1000000xf32, #tpu.memory_space<hbm>> -> memref<8x128xf32, #tpu.memory_space<hbm>>
          %dma_start3A_161 = arith.constant 0 : i32
          %dma_start3A_162 = arith.constant 0 : i32
          %dma_start3A_163 = tpu.memref_slice %arg5[%dma_start3A_154, %dma_start3A_161, %dma_start3A_162] : memref<4x8x512xf32, #tpu.memory_space<vmem>> -> memref<1x8x128xf32, #tpu.memory_space<vmem>>
          %dma_start3A_164 = tpu.memref_squeeze %dma_start3A_163 : memref<1x8x128xf32, #tpu.memory_space<vmem>> -> memref<8x128xf32, #tpu.memory_space<vmem>>
          %dma_start3A_165 = arith.constant 24 : i32
          %dma_start3A_166 = tpu.memref_slice %arg2[%dma_start3A_165, %multiple_of3A] : memref<32x1000000xf32, #tpu.memory_space<hbm>> -> memref<8x128xf32, #tpu.memory_space<hbm>>
          tpu.enqueue_dma source(%dma_start3A_166 : memref<8x128xf32, #tpu.memory_space<hbm>>) target(%dma_start3A_164 : memref<8x128xf32, #tpu.memory_space<vmem>>) target_semaphore(%arg11 : memref<!tpu.dma_semaphore, #tpu.memory_space<semaphore_mem>>)
        } else {
        }
      } else {
      }
      %gt3A = arith.constant 0 : i32
      %gt3A_74 = arith.cmpi sgt, %scan3A_36, %gt3A : i32
      %lt3A_75 = arith.constant 1954 : i32
      %lt3A_76 = arith.cmpi slt, %add3A_61, %lt3A_75 : i32
      %and3A_77 = arith.andi %gt3A_74, %lt3A_76 : i1
      %convert_element_type3A_78 = arith.extui %and3A_77 : i1 to i32
      %cond3A_79 = arith.constant 0 : i32
      %cond3A_80 = arith.cmpi ne, %convert_element_type3A_78, %cond3A_79 : i32
      scf.if %cond3A_80 {
        %lt3A_104 = arith.constant 1953 : i32
        %lt3A_105 = arith.cmpi slt, %add3A_61, %lt3A_104 : i32
        %convert_element_type3A_106 = arith.extui %lt3A_105 : i1 to i32
        %cond3A_107 = arith.constant 0 : i32
        %cond3A_108 = arith.cmpi ne, %convert_element_type3A_106, %cond3A_107 : i32
        scf.if %cond3A_108 {
          %dma_wait3A = arith.constant 0 : i32
          %dma_wait3A_114 = tpu.memref_slice %arg3[%dma_wait3A] : memref<32000000xf32, #tpu.memory_space<hbm>> -> memref<16384xf32, #tpu.memory_space<hbm>>
          %dma_wait3A_115 = arith.constant 0 : i32
          %dma_wait3A_116 = tpu.memref_slice %arg3[%dma_wait3A_115] : memref<32000000xf32, #tpu.memory_space<hbm>> -> memref<16384xf32, #tpu.memory_space<hbm>>
          tpu.wait_dma2 semaphore(%arg12 : memref<!tpu.dma_semaphore, #tpu.memory_space<semaphore_mem>>) src(%arg8 : memref<16384xf32, #tpu.memory_space<vmem>>) dst(%dma_wait3A_116 : memref<16384xf32, #tpu.memory_space<hbm>>)
        } else {
        }
        %eq3A_109 = arith.constant 1953 : i32
        %eq3A_110 = arith.cmpi eq, %add3A_61, %eq3A_109 : i32
        %convert_element_type3A_111 = arith.extui %eq3A_110 : i1 to i32
        %cond3A_112 = arith.constant 0 : i32
        %cond3A_113 = arith.cmpi ne, %convert_element_type3A_111, %cond3A_112 : i32
        scf.if %cond3A_113 {
          %dma_wait3A = arith.constant 0 : i32
          %dma_wait3A_114 = tpu.memref_slice %arg8[%dma_wait3A] : memref<16384xf32, #tpu.memory_space<vmem>> -> memref<2048xf32, #tpu.memory_space<vmem>>
          %dma_wait3A_115 = arith.constant 0 : i32
          %dma_wait3A_116 = tpu.memref_slice %arg3[%dma_wait3A_115] : memref<32000000xf32, #tpu.memory_space<hbm>> -> memref<2048xf32, #tpu.memory_space<hbm>>
          %dma_wait3A_117 = arith.constant 0 : i32
          %dma_wait3A_118 = tpu.memref_slice %arg3[%dma_wait3A_117] : memref<32000000xf32, #tpu.memory_space<hbm>> -> memref<2048xf32, #tpu.memory_space<hbm>>
          %dma_wait3A_119 = arith.constant 0 : i32
          %dma_wait3A_120 = tpu.memref_slice %arg8[%dma_wait3A_119] : memref<16384xf32, #tpu.memory_space<vmem>> -> memref<2048xf32, #tpu.memory_space<vmem>>
          tpu.wait_dma2 semaphore(%arg12 : memref<!tpu.dma_semaphore, #tpu.memory_space<semaphore_mem>>) src(%dma_wait3A_120 : memref<2048xf32, #tpu.memory_space<vmem>>) dst(%dma_wait3A_118 : memref<2048xf32, #tpu.memory_space<hbm>>)
        } else {
        }
      } else {
      }
      %lt3A_81 = arith.constant 1954 : i32
      %lt3A_82 = arith.cmpi slt, %add3A_41, %lt3A_81 : i32
      %convert_element_type3A_83 = arith.extui %lt3A_82 : i1 to i32
      %cond3A_84 = arith.constant 0 : i32
      %cond3A_85 = arith.cmpi ne, %convert_element_type3A_83, %cond3A_84 : i32
      scf.if %cond3A_85 {
        %lt3A_104 = arith.constant 1953 : i32
        %lt3A_105 = arith.cmpi slt, %add3A_41, %lt3A_104 : i32
        %convert_element_type3A_106 = arith.extui %lt3A_105 : i1 to i32
        %cond3A_107 = arith.constant 0 : i32
        %cond3A_108 = arith.cmpi ne, %convert_element_type3A_106, %cond3A_107 : i32
        scf.if %cond3A_108 {
          %dma_wait3A = arith.constant 0 : i32
          %dma_wait3A_136 = arith.constant 0 : i32
          %dma_wait3A_137 = arith.constant 0 : i32
          %dma_wait3A_138 = tpu.memref_slice %arg4[%dma_wait3A, %dma_wait3A_136, %dma_wait3A_137] : memref<4x8x512xf32, #tpu.memory_space<vmem>> -> memref<1x8x512xf32, #tpu.memory_space<vmem>>
          %dma_wait3A_139 = tpu.memref_squeeze %dma_wait3A_138 : memref<1x8x512xf32, #tpu.memory_space<vmem>> -> memref<8x512xf32, #tpu.memory_space<vmem>>
          %dma_wait3A_140 = arith.constant 0 : i32
          %dma_wait3A_141 = arith.constant 0 : i32
          %dma_wait3A_142 = tpu.memref_slice %arg2[%dma_wait3A_140, %dma_wait3A_141] : memref<32x1000000xf32, #tpu.memory_space<hbm>> -> memref<8x512xf32, #tpu.memory_space<hbm>>
          %dma_wait3A_143 = arith.constant 0 : i32
          %dma_wait3A_144 = arith.constant 0 : i32
          %dma_wait3A_145 = tpu.memref_slice %arg4[%dma_wait3A, %dma_wait3A_143, %dma_wait3A_144] : memref<4x8x512xf32, #tpu.memory_space<vmem>> -> memref<1x8x512xf32, #tpu.memory_space<vmem>>
          %dma_wait3A_146 = tpu.memref_squeeze %dma_wait3A_145 : memref<1x8x512xf32, #tpu.memory_space<vmem>> -> memref<8x512xf32, #tpu.memory_space<vmem>>
          %dma_wait3A_147 = arith.constant 0 : i32
          %dma_wait3A_148 = arith.constant 0 : i32
          %dma_wait3A_149 = tpu.memref_slice %arg2[%dma_wait3A_147, %dma_wait3A_148] : memref<32x1000000xf32, #tpu.memory_space<hbm>> -> memref<8x512xf32, #tpu.memory_space<hbm>>
          tpu.wait_dma2 semaphore(%arg10 : memref<!tpu.dma_semaphore, #tpu.memory_space<semaphore_mem>>) src(%dma_wait3A_149 : memref<8x512xf32, #tpu.memory_space<hbm>>) dst(%dma_wait3A_146 : memref<8x512xf32, #tpu.memory_space<vmem>>)
          %dma_wait3A_150 = arith.constant 1 : i32
          %dma_wait3A_151 = arith.constant 0 : i32
          %dma_wait3A_152 = arith.constant 0 : i32
          %dma_wait3A_153 = tpu.memref_slice %arg4[%dma_wait3A_150, %dma_wait3A_151, %dma_wait3A_152] : memref<4x8x512xf32, #tpu.memory_space<vmem>> -> memref<1x8x512xf32, #tpu.memory_space<vmem>>
          %dma_wait3A_154 = tpu.memref_squeeze %dma_wait3A_153 : memref<1x8x512xf32, #tpu.memory_space<vmem>> -> memref<8x512xf32, #tpu.memory_space<vmem>>
          %dma_wait3A_155 = arith.constant 0 : i32
          %dma_wait3A_156 = arith.constant 0 : i32
          %dma_wait3A_157 = tpu.memref_slice %arg2[%dma_wait3A_155, %dma_wait3A_156] : memref<32x1000000xf32, #tpu.memory_space<hbm>> -> memref<8x512xf32, #tpu.memory_space<hbm>>
          %dma_wait3A_158 = arith.constant 0 : i32
          %dma_wait3A_159 = arith.constant 0 : i32
          %dma_wait3A_160 = tpu.memref_slice %arg4[%dma_wait3A_150, %dma_wait3A_158, %dma_wait3A_159] : memref<4x8x512xf32, #tpu.memory_space<vmem>> -> memref<1x8x512xf32, #tpu.memory_space<vmem>>
          %dma_wait3A_161 = tpu.memref_squeeze %dma_wait3A_160 : memref<1x8x512xf32, #tpu.memory_space<vmem>> -> memref<8x512xf32, #tpu.memory_space<vmem>>
          %dma_wait3A_162 = arith.constant 0 : i32
          %dma_wait3A_163 = arith.constant 0 : i32
          %dma_wait3A_164 = tpu.memref_slice %arg2[%dma_wait3A_162, %dma_wait3A_163] : memref<32x1000000xf32, #tpu.memory_space<hbm>> -> memref<8x512xf32, #tpu.memory_space<hbm>>
          tpu.wait_dma2 semaphore(%arg10 : memref<!tpu.dma_semaphore, #tpu.memory_space<semaphore_mem>>) src(%dma_wait3A_164 : memref<8x512xf32, #tpu.memory_space<hbm>>) dst(%dma_wait3A_161 : memref<8x512xf32, #tpu.memory_space<vmem>>)
          %dma_wait3A_165 = arith.constant 2 : i32
          %dma_wait3A_166 = arith.constant 0 : i32
          %dma_wait3A_167 = arith.constant 0 : i32
          %dma_wait3A_168 = tpu.memref_slice %arg4[%dma_wait3A_165, %dma_wait3A_166, %dma_wait3A_167] : memref<4x8x512xf32, #tpu.memory_space<vmem>> -> memref<1x8x512xf32, #tpu.memory_space<vmem>>
          %dma_wait3A_169 = tpu.memref_squeeze %dma_wait3A_168 : memref<1x8x512xf32, #tpu.memory_space<vmem>> -> memref<8x512xf32, #tpu.memory_space<vmem>>
          %dma_wait3A_170 = arith.constant 0 : i32
          %dma_wait3A_171 = arith.constant 0 : i32
          %dma_wait3A_172 = tpu.memref_slice %arg2[%dma_wait3A_170, %dma_wait3A_171] : memref<32x1000000xf32, #tpu.memory_space<hbm>> -> memref<8x512xf32, #tpu.memory_space<hbm>>
          %dma_wait3A_173 = arith.constant 0 : i32
          %dma_wait3A_174 = arith.constant 0 : i32
          %dma_wait3A_175 = tpu.memref_slice %arg4[%dma_wait3A_165, %dma_wait3A_173, %dma_wait3A_174] : memref<4x8x512xf32, #tpu.memory_space<vmem>> -> memref<1x8x512xf32, #tpu.memory_space<vmem>>
          %dma_wait3A_176 = tpu.memref_squeeze %dma_wait3A_175 : memref<1x8x512xf32, #tpu.memory_space<vmem>> -> memref<8x512xf32, #tpu.memory_space<vmem>>
          %dma_wait3A_177 = arith.constant 0 : i32
          %dma_wait3A_178 = arith.constant 0 : i32
          %dma_wait3A_179 = tpu.memref_slice %arg2[%dma_wait3A_177, %dma_wait3A_178] : memref<32x1000000xf32, #tpu.memory_space<hbm>> -> memref<8x512xf32, #tpu.memory_space<hbm>>
          tpu.wait_dma2 semaphore(%arg10 : memref<!tpu.dma_semaphore, #tpu.memory_space<semaphore_mem>>) src(%dma_wait3A_179 : memref<8x512xf32, #tpu.memory_space<hbm>>) dst(%dma_wait3A_176 : memref<8x512xf32, #tpu.memory_space<vmem>>)
          %dma_wait3A_180 = arith.constant 3 : i32
          %dma_wait3A_181 = arith.constant 0 : i32
          %dma_wait3A_182 = arith.constant 0 : i32
          %dma_wait3A_183 = tpu.memref_slice %arg4[%dma_wait3A_180, %dma_wait3A_181, %dma_wait3A_182] : memref<4x8x512xf32, #tpu.memory_space<vmem>> -> memref<1x8x512xf32, #tpu.memory_space<vmem>>
          %dma_wait3A_184 = tpu.memref_squeeze %dma_wait3A_183 : memref<1x8x512xf32, #tpu.memory_space<vmem>> -> memref<8x512xf32, #tpu.memory_space<vmem>>
          %dma_wait3A_185 = arith.constant 0 : i32
          %dma_wait3A_186 = arith.constant 0 : i32
          %dma_wait3A_187 = tpu.memref_slice %arg2[%dma_wait3A_185, %dma_wait3A_186] : memref<32x1000000xf32, #tpu.memory_space<hbm>> -> memref<8x512xf32, #tpu.memory_space<hbm>>
          %dma_wait3A_188 = arith.constant 0 : i32
          %dma_wait3A_189 = arith.constant 0 : i32
          %dma_wait3A_190 = tpu.memref_slice %arg4[%dma_wait3A_180, %dma_wait3A_188, %dma_wait3A_189] : memref<4x8x512xf32, #tpu.memory_space<vmem>> -> memref<1x8x512xf32, #tpu.memory_space<vmem>>
          %dma_wait3A_191 = tpu.memref_squeeze %dma_wait3A_190 : memref<1x8x512xf32, #tpu.memory_space<vmem>> -> memref<8x512xf32, #tpu.memory_space<vmem>>
          %dma_wait3A_192 = arith.constant 0 : i32
          %dma_wait3A_193 = arith.constant 0 : i32
          %dma_wait3A_194 = tpu.memref_slice %arg2[%dma_wait3A_192, %dma_wait3A_193] : memref<32x1000000xf32, #tpu.memory_space<hbm>> -> memref<8x512xf32, #tpu.memory_space<hbm>>
          tpu.wait_dma2 semaphore(%arg10 : memref<!tpu.dma_semaphore, #tpu.memory_space<semaphore_mem>>) src(%dma_wait3A_194 : memref<8x512xf32, #tpu.memory_space<hbm>>) dst(%dma_wait3A_191 : memref<8x512xf32, #tpu.memory_space<vmem>>)
        } else {
        }
        %eq3A_109 = arith.constant 1953 : i32
        %eq3A_110 = arith.cmpi eq, %add3A_41, %eq3A_109 : i32
        %convert_element_type3A_111 = arith.extui %eq3A_110 : i1 to i32
        %cond3A_112 = arith.constant 0 : i32
        %cond3A_113 = arith.cmpi ne, %convert_element_type3A_111, %cond3A_112 : i32
        scf.if %cond3A_113 {
          %dma_wait3A = arith.constant 0 : i32
          %dma_wait3A_136 = arith.constant 0 : i32
          %dma_wait3A_137 = arith.constant 0 : i32
          %dma_wait3A_138 = tpu.memref_slice %arg4[%dma_wait3A, %dma_wait3A_136, %dma_wait3A_137] : memref<4x8x512xf32, #tpu.memory_space<vmem>> -> memref<1x8x128xf32, #tpu.memory_space<vmem>>
          %dma_wait3A_139 = tpu.memref_squeeze %dma_wait3A_138 : memref<1x8x128xf32, #tpu.memory_space<vmem>> -> memref<8x128xf32, #tpu.memory_space<vmem>>
          %dma_wait3A_140 = arith.constant 0 : i32
          %dma_wait3A_141 = arith.constant 0 : i32
          %dma_wait3A_142 = tpu.memref_slice %arg2[%dma_wait3A_140, %dma_wait3A_141] : memref<32x1000000xf32, #tpu.memory_space<hbm>> -> memref<8x128xf32, #tpu.memory_space<hbm>>
          %dma_wait3A_143 = arith.constant 0 : i32
          %dma_wait3A_144 = arith.constant 0 : i32
          %dma_wait3A_145 = tpu.memref_slice %arg4[%dma_wait3A, %dma_wait3A_143, %dma_wait3A_144] : memref<4x8x512xf32, #tpu.memory_space<vmem>> -> memref<1x8x128xf32, #tpu.memory_space<vmem>>
          %dma_wait3A_146 = tpu.memref_squeeze %dma_wait3A_145 : memref<1x8x128xf32, #tpu.memory_space<vmem>> -> memref<8x128xf32, #tpu.memory_space<vmem>>
          %dma_wait3A_147 = arith.constant 0 : i32
          %dma_wait3A_148 = arith.constant 0 : i32
          %dma_wait3A_149 = tpu.memref_slice %arg2[%dma_wait3A_147, %dma_wait3A_148] : memref<32x1000000xf32, #tpu.memory_space<hbm>> -> memref<8x128xf32, #tpu.memory_space<hbm>>
          tpu.wait_dma2 semaphore(%arg10 : memref<!tpu.dma_semaphore, #tpu.memory_space<semaphore_mem>>) src(%dma_wait3A_149 : memref<8x128xf32, #tpu.memory_space<hbm>>) dst(%dma_wait3A_146 : memref<8x128xf32, #tpu.memory_space<vmem>>)
          %dma_wait3A_150 = arith.constant 1 : i32
          %dma_wait3A_151 = arith.constant 0 : i32
          %dma_wait3A_152 = arith.constant 0 : i32
          %dma_wait3A_153 = tpu.memref_slice %arg4[%dma_wait3A_150, %dma_wait3A_151, %dma_wait3A_152] : memref<4x8x512xf32, #tpu.memory_space<vmem>> -> memref<1x8x128xf32, #tpu.memory_space<vmem>>
          %dma_wait3A_154 = tpu.memref_squeeze %dma_wait3A_153 : memref<1x8x128xf32, #tpu.memory_space<vmem>> -> memref<8x128xf32, #tpu.memory_space<vmem>>
          %dma_wait3A_155 = arith.constant 0 : i32
          %dma_wait3A_156 = arith.constant 0 : i32
          %dma_wait3A_157 = tpu.memref_slice %arg2[%dma_wait3A_155, %dma_wait3A_156] : memref<32x1000000xf32, #tpu.memory_space<hbm>> -> memref<8x128xf32, #tpu.memory_space<hbm>>
          %dma_wait3A_158 = arith.constant 0 : i32
          %dma_wait3A_159 = arith.constant 0 : i32
          %dma_wait3A_160 = tpu.memref_slice %arg4[%dma_wait3A_150, %dma_wait3A_158, %dma_wait3A_159] : memref<4x8x512xf32, #tpu.memory_space<vmem>> -> memref<1x8x128xf32, #tpu.memory_space<vmem>>
          %dma_wait3A_161 = tpu.memref_squeeze %dma_wait3A_160 : memref<1x8x128xf32, #tpu.memory_space<vmem>> -> memref<8x128xf32, #tpu.memory_space<vmem>>
          %dma_wait3A_162 = arith.constant 0 : i32
          %dma_wait3A_163 = arith.constant 0 : i32
          %dma_wait3A_164 = tpu.memref_slice %arg2[%dma_wait3A_162, %dma_wait3A_163] : memref<32x1000000xf32, #tpu.memory_space<hbm>> -> memref<8x128xf32, #tpu.memory_space<hbm>>
          tpu.wait_dma2 semaphore(%arg10 : memref<!tpu.dma_semaphore, #tpu.memory_space<semaphore_mem>>) src(%dma_wait3A_164 : memref<8x128xf32, #tpu.memory_space<hbm>>) dst(%dma_wait3A_161 : memref<8x128xf32, #tpu.memory_space<vmem>>)
          %dma_wait3A_165 = arith.constant 2 : i32
          %dma_wait3A_166 = arith.constant 0 : i32
          %dma_wait3A_167 = arith.constant 0 : i32
          %dma_wait3A_168 = tpu.memref_slice %arg4[%dma_wait3A_165, %dma_wait3A_166, %dma_wait3A_167] : memref<4x8x512xf32, #tpu.memory_space<vmem>> -> memref<1x8x128xf32, #tpu.memory_space<vmem>>
          %dma_wait3A_169 = tpu.memref_squeeze %dma_wait3A_168 : memref<1x8x128xf32, #tpu.memory_space<vmem>> -> memref<8x128xf32, #tpu.memory_space<vmem>>
          %dma_wait3A_170 = arith.constant 0 : i32
          %dma_wait3A_171 = arith.constant 0 : i32
          %dma_wait3A_172 = tpu.memref_slice %arg2[%dma_wait3A_170, %dma_wait3A_171] : memref<32x1000000xf32, #tpu.memory_space<hbm>> -> memref<8x128xf32, #tpu.memory_space<hbm>>
          %dma_wait3A_173 = arith.constant 0 : i32
          %dma_wait3A_174 = arith.constant 0 : i32
          %dma_wait3A_175 = tpu.memref_slice %arg4[%dma_wait3A_165, %dma_wait3A_173, %dma_wait3A_174] : memref<4x8x512xf32, #tpu.memory_space<vmem>> -> memref<1x8x128xf32, #tpu.memory_space<vmem>>
          %dma_wait3A_176 = tpu.memref_squeeze %dma_wait3A_175 : memref<1x8x128xf32, #tpu.memory_space<vmem>> -> memref<8x128xf32, #tpu.memory_space<vmem>>
          %dma_wait3A_177 = arith.constant 0 : i32
          %dma_wait3A_178 = arith.constant 0 : i32
          %dma_wait3A_179 = tpu.memref_slice %arg2[%dma_wait3A_177, %dma_wait3A_178] : memref<32x1000000xf32, #tpu.memory_space<hbm>> -> memref<8x128xf32, #tpu.memory_space<hbm>>
          tpu.wait_dma2 semaphore(%arg10 : memref<!tpu.dma_semaphore, #tpu.memory_space<semaphore_mem>>) src(%dma_wait3A_179 : memref<8x128xf32, #tpu.memory_space<hbm>>) dst(%dma_wait3A_176 : memref<8x128xf32, #tpu.memory_space<vmem>>)
          %dma_wait3A_180 = arith.constant 3 : i32
          %dma_wait3A_181 = arith.constant 0 : i32
          %dma_wait3A_182 = arith.constant 0 : i32
          %dma_wait3A_183 = tpu.memref_slice %arg4[%dma_wait3A_180, %dma_wait3A_181, %dma_wait3A_182] : memref<4x8x512xf32, #tpu.memory_space<vmem>> -> memref<1x8x128xf32, #tpu.memory_space<vmem>>
          %dma_wait3A_184 = tpu.memref_squeeze %dma_wait3A_183 : memref<1x8x128xf32, #tpu.memory_space<vmem>> -> memref<8x128xf32, #tpu.memory_space<vmem>>
          %dma_wait3A_185 = arith.constant 0 : i32
          %dma_wait3A_186 = arith.constant 0 : i32
          %dma_wait3A_187 = tpu.memref_slice %arg2[%dma_wait3A_185, %dma_wait3A_186] : memref<32x1000000xf32, #tpu.memory_space<hbm>> -> memref<8x128xf32, #tpu.memory_space<hbm>>
          %dma_wait3A_188 = arith.constant 0 : i32
          %dma_wait3A_189 = arith.constant 0 : i32
          %dma_wait3A_190 = tpu.memref_slice %arg4[%dma_wait3A_180, %dma_wait3A_188, %dma_wait3A_189] : memref<4x8x512xf32, #tpu.memory_space<vmem>> -> memref<1x8x128xf32, #tpu.memory_space<vmem>>
          %dma_wait3A_191 = tpu.memref_squeeze %dma_wait3A_190 : memref<1x8x128xf32, #tpu.memory_space<vmem>> -> memref<8x128xf32, #tpu.memory_space<vmem>>
          %dma_wait3A_192 = arith.constant 0 : i32
          %dma_wait3A_193 = arith.constant 0 : i32
          %dma_wait3A_194 = tpu.memref_slice %arg2[%dma_wait3A_192, %dma_wait3A_193] : memref<32x1000000xf32, #tpu.memory_space<hbm>> -> memref<8x128xf32, #tpu.memory_space<hbm>>
          tpu.wait_dma2 semaphore(%arg10 : memref<!tpu.dma_semaphore, #tpu.memory_space<semaphore_mem>>) src(%dma_wait3A_194 : memref<8x128xf32, #tpu.memory_space<hbm>>) dst(%dma_wait3A_191 : memref<8x128xf32, #tpu.memory_space<vmem>>)
        } else {
        }
        %scan3A_114 = arith.constant 0 : i32
        %scan3A_115 = arith.constant 0 : i32
        %scan3A_116 = arith.constant 32 : i32
        %scan3A_117 = arith.addi %scan3A_115, %scan3A_116 : i32
        %scan3A_118 = arith.constant 1 : i32
        scf.for %scan3A_136 = %scan3A_115 to %scan3A_117 step %scan3A_118  : i32 {
          %mul3A_137 = arith.constant 16 : i32
          %mul3A_138 = arith.muli %scan3A_136, %mul3A_137 : i32
          %mul3A_139 = arith.constant 33 : i32
          %mul3A_140 = arith.muli %mul3A_138, %mul3A_139 : i32
          %mul3A_141 = arith.constant 16 : i32
          %mul3A_142 = arith.muli %scan3A_136, %mul3A_141 : i32
          %get3A = arith.constant 0 : i32
          %get3A_143 = arith.constant 0 : i32
          %get3A_144 = arith.index_cast %get3A : i32 to index
          %get3A_145 = arith.index_cast %get3A_143 : i32 to index
          %get3A_146 = arith.index_cast %mul3A_142 : i32 to index
          %get3A_147 = tpu.vector_load %arg4[%get3A_144, %get3A_145, %get3A_146] {strides = array<i32>} : memref<4x8x512xf32, #tpu.memory_space<vmem>>, vector<16xf32>,
          %add3A_148 = arith.constant 0 : i32
          %add3A_149 = arith.addi %mul3A_140, %add3A_148 : i32
          %add3A_150 = arith.constant 0 : i32
          %add3A_151 = arith.addi %add3A_149, %add3A_150 : i32
          %add3A_152 = vector.broadcast %add3A_151 : i32 to vector<16xi32>
          %add3A_153 = arith.addi %mul3A_10, %add3A_152 : vector<16xi32>
          tpu.vector_store_idx %arg6[%add3A_153], %get3A_147 : memref<16896xf32, #tpu.memory_space<vmem>>[vector<16xi32>], vector<16xf32>,
          %mul3A_154 = arith.constant 16 : i32
          %mul3A_155 = arith.muli %scan3A_136, %mul3A_154 : i32
          %get3A_156 = arith.constant 0 : i32
          %get3A_157 = arith.constant 1 : i32
          %get3A_158 = arith.index_cast %get3A_156 : i32 to index
          %get3A_159 = arith.index_cast %get3A_157 : i32 to index
          %get3A_160 = arith.index_cast %mul3A_155 : i32 to index
          %get3A_161 = tpu.vector_load %arg4[%get3A_158, %get3A_159, %get3A_160] {strides = array<i32>} : memref<4x8x512xf32, #tpu.memory_space<vmem>>, vector<16xf32>,
          %add3A_162 = arith.constant 0 : i32
          %add3A_163 = arith.addi %mul3A_140, %add3A_162 : i32
          %add3A_164 = arith.constant 1 : i32
          %add3A_165 = arith.addi %add3A_163, %add3A_164 : i32
          %add3A_166 = vector.broadcast %add3A_165 : i32 to vector<16xi32>
          %add3A_167 = arith.addi %mul3A_10, %add3A_166 : vector<16xi32>
          tpu.vector_store_idx %arg6[%add3A_167], %get3A_161 : memref<16896xf32, #tpu.memory_space<vmem>>[vector<16xi32>], vector<16xf32>,
          %mul3A_168 = arith.constant 16 : i32
          %mul3A_169 = arith.muli %scan3A_136, %mul3A_168 : i32
          %get3A_170 = arith.constant 0 : i32
          %get3A_171 = arith.constant 2 : i32
          %get3A_172 = arith.index_cast %get3A_170 : i32 to index
          %get3A_173 = arith.index_cast %get3A_171 : i32 to index
          %get3A_174 = arith.index_cast %mul3A_169 : i32 to index
          %get3A_175 = tpu.vector_load %arg4[%get3A_172, %get3A_173, %get3A_174] {strides = array<i32>} : memref<4x8x512xf32, #tpu.memory_space<vmem>>, vector<16xf32>,
          %add3A_176 = arith.constant 0 : i32
          %add3A_177 = arith.addi %mul3A_140, %add3A_176 : i32
          %add3A_178 = arith.constant 2 : i32
          %add3A_179 = arith.addi %add3A_177, %add3A_178 : i32
          %add3A_180 = vector.broadcast %add3A_179 : i32 to vector<16xi32>
          %add3A_181 = arith.addi %mul3A_10, %add3A_180 : vector<16xi32>
          tpu.vector_store_idx %arg6[%add3A_181], %get3A_175 : memref<16896xf32, #tpu.memory_space<vmem>>[vector<16xi32>], vector<16xf32>,
          %mul3A_182 = arith.constant 16 : i32
          %mul3A_183 = arith.muli %scan3A_136, %mul3A_182 : i32
          %get3A_184 = arith.constant 0 : i32
          %get3A_185 = arith.constant 3 : i32
          %get3A_186 = arith.index_cast %get3A_184 : i32 to index
          %get3A_187 = arith.index_cast %get3A_185 : i32 to index
          %get3A_188 = arith.index_cast %mul3A_183 : i32 to index
          %get3A_189 = tpu.vector_load %arg4[%get3A_186, %get3A_187, %get3A_188] {strides = array<i32>} : memref<4x8x512xf32, #tpu.memory_space<vmem>>, vector<16xf32>,
          %add3A_190 = arith.constant 0 : i32
          %add3A_191 = arith.addi %mul3A_140, %add3A_190 : i32
          %add3A_192 = arith.constant 3 : i32
          %add3A_193 = arith.addi %add3A_191, %add3A_192 : i32
          %add3A_194 = vector.broadcast %add3A_193 : i32 to vector<16xi32>
          %add3A_195 = arith.addi %mul3A_10, %add3A_194 : vector<16xi32>
          tpu.vector_store_idx %arg6[%add3A_195], %get3A_189 : memref<16896xf32, #tpu.memory_space<vmem>>[vector<16xi32>], vector<16xf32>,
          %mul3A_196 = arith.constant 16 : i32
          %mul3A_197 = arith.muli %scan3A_136, %mul3A_196 : i32
          %get3A_198 = arith.constant 0 : i32
          %get3A_199 = arith.constant 4 : i32
          %get3A_200 = arith.index_cast %get3A_198 : i32 to index
          %get3A_201 = arith.index_cast %get3A_199 : i32 to index
          %get3A_202 = arith.index_cast %mul3A_197 : i32 to index
          %get3A_203 = tpu.vector_load %arg4[%get3A_200, %get3A_201, %get3A_202] {strides = array<i32>} : memref<4x8x512xf32, #tpu.memory_space<vmem>>, vector<16xf32>,
          %add3A_204 = arith.constant 0 : i32
          %add3A_205 = arith.addi %mul3A_140, %add3A_204 : i32
          %add3A_206 = arith.constant 4 : i32
          %add3A_207 = arith.addi %add3A_205, %add3A_206 : i32
          %add3A_208 = vector.broadcast %add3A_207 : i32 to vector<16xi32>
          %add3A_209 = arith.addi %mul3A_10, %add3A_208 : vector<16xi32>
          tpu.vector_store_idx %arg6[%add3A_209], %get3A_203 : memref<16896xf32, #tpu.memory_space<vmem>>[vector<16xi32>], vector<16xf32>,
          %mul3A_210 = arith.constant 16 : i32
          %mul3A_211 = arith.muli %scan3A_136, %mul3A_210 : i32
          %get3A_212 = arith.constant 0 : i32
          %get3A_213 = arith.constant 5 : i32
          %get3A_214 = arith.index_cast %get3A_212 : i32 to index
          %get3A_215 = arith.index_cast %get3A_213 : i32 to index
          %get3A_216 = arith.index_cast %mul3A_211 : i32 to index
          %get3A_217 = tpu.vector_load %arg4[%get3A_214, %get3A_215, %get3A_216] {strides = array<i32>} : memref<4x8x512xf32, #tpu.memory_space<vmem>>, vector<16xf32>,
          %add3A_218 = arith.constant 0 : i32
          %add3A_219 = arith.addi %mul3A_140, %add3A_218 : i32
          %add3A_220 = arith.constant 5 : i32
          %add3A_221 = arith.addi %add3A_219, %add3A_220 : i32
          %add3A_222 = vector.broadcast %add3A_221 : i32 to vector<16xi32>
          %add3A_223 = arith.addi %mul3A_10, %add3A_222 : vector<16xi32>
          tpu.vector_store_idx %arg6[%add3A_223], %get3A_217 : memref<16896xf32, #tpu.memory_space<vmem>>[vector<16xi32>], vector<16xf32>,
          %mul3A_224 = arith.constant 16 : i32
          %mul3A_225 = arith.muli %scan3A_136, %mul3A_224 : i32
          %get3A_226 = arith.constant 0 : i32
          %get3A_227 = arith.constant 6 : i32
          %get3A_228 = arith.index_cast %get3A_226 : i32 to index
          %get3A_229 = arith.index_cast %get3A_227 : i32 to index
          %get3A_230 = arith.index_cast %mul3A_225 : i32 to index
          %get3A_231 = tpu.vector_load %arg4[%get3A_228, %get3A_229, %get3A_230] {strides = array<i32>} : memref<4x8x512xf32, #tpu.memory_space<vmem>>, vector<16xf32>,
          %add3A_232 = arith.constant 0 : i32
          %add3A_233 = arith.addi %mul3A_140, %add3A_232 : i32
          %add3A_234 = arith.constant 6 : i32
          %add3A_235 = arith.addi %add3A_233, %add3A_234 : i32
          %add3A_236 = vector.broadcast %add3A_235 : i32 to vector<16xi32>
          %add3A_237 = arith.addi %mul3A_10, %add3A_236 : vector<16xi32>
          tpu.vector_store_idx %arg6[%add3A_237], %get3A_231 : memref<16896xf32, #tpu.memory_space<vmem>>[vector<16xi32>], vector<16xf32>,
          %mul3A_238 = arith.constant 16 : i32
          %mul3A_239 = arith.muli %scan3A_136, %mul3A_238 : i32
          %get3A_240 = arith.constant 0 : i32
          %get3A_241 = arith.constant 7 : i32
          %get3A_242 = arith.index_cast %get3A_240 : i32 to index
          %get3A_243 = arith.index_cast %get3A_241 : i32 to index
          %get3A_244 = arith.index_cast %mul3A_239 : i32 to index
          %get3A_245 = tpu.vector_load %arg4[%get3A_242, %get3A_243, %get3A_244] {strides = array<i32>} : memref<4x8x512xf32, #tpu.memory_space<vmem>>, vector<16xf32>,
          %add3A_246 = arith.constant 0 : i32
          %add3A_247 = arith.addi %mul3A_140, %add3A_246 : i32
          %add3A_248 = arith.constant 7 : i32
          %add3A_249 = arith.addi %add3A_247, %add3A_248 : i32
          %add3A_250 = vector.broadcast %add3A_249 : i32 to vector<16xi32>
          %add3A_251 = arith.addi %mul3A_10, %add3A_250 : vector<16xi32>
          tpu.vector_store_idx %arg6[%add3A_251], %get3A_245 : memref<16896xf32, #tpu.memory_space<vmem>>[vector<16xi32>], vector<16xf32>,
          %mul3A_252 = arith.constant 16 : i32
          %mul3A_253 = arith.muli %scan3A_136, %mul3A_252 : i32
          %get3A_254 = arith.constant 1 : i32
          %get3A_255 = arith.constant 0 : i32
          %get3A_256 = arith.index_cast %get3A_254 : i32 to index
          %get3A_257 = arith.index_cast %get3A_255 : i32 to index
          %get3A_258 = arith.index_cast %mul3A_253 : i32 to index
          %get3A_259 = tpu.vector_load %arg4[%get3A_256, %get3A_257, %get3A_258] {strides = array<i32>} : memref<4x8x512xf32, #tpu.memory_space<vmem>>, vector<16xf32>,
          %add3A_260 = arith.constant 8 : i32
          %add3A_261 = arith.addi %mul3A_140, %add3A_260 : i32
          %add3A_262 = arith.constant 0 : i32
          %add3A_263 = arith.addi %add3A_261, %add3A_262 : i32
          %add3A_264 = vector.broadcast %add3A_263 : i32 to vector<16xi32>
          %add3A_265 = arith.addi %mul3A_10, %add3A_264 : vector<16xi32>
          tpu.vector_store_idx %arg6[%add3A_265], %get3A_259 : memref<16896xf32, #tpu.memory_space<vmem>>[vector<16xi32>], vector<16xf32>,
          %mul3A_266 = arith.constant 16 : i32
          %mul3A_267 = arith.muli %scan3A_136, %mul3A_266 : i32
          %get3A_268 = arith.constant 1 : i32
          %get3A_269 = arith.constant 1 : i32
          %get3A_270 = arith.index_cast %get3A_268 : i32 to index
          %get3A_271 = arith.index_cast %get3A_269 : i32 to index
          %get3A_272 = arith.index_cast %mul3A_267 : i32 to index
          %get3A_273 = tpu.vector_load %arg4[%get3A_270, %get3A_271, %get3A_272] {strides = array<i32>} : memref<4x8x512xf32, #tpu.memory_space<vmem>>, vector<16xf32>,
          %add3A_274 = arith.constant 8 : i32
          %add3A_275 = arith.addi %mul3A_140, %add3A_274 : i32
          %add3A_276 = arith.constant 1 : i32
          %add3A_277 = arith.addi %add3A_275, %add3A_276 : i32
          %add3A_278 = vector.broadcast %add3A_277 : i32 to vector<16xi32>
          %add3A_279 = arith.addi %mul3A_10, %add3A_278 : vector<16xi32>
          tpu.vector_store_idx %arg6[%add3A_279], %get3A_273 : memref<16896xf32, #tpu.memory_space<vmem>>[vector<16xi32>], vector<16xf32>,
          %mul3A_280 = arith.constant 16 : i32
          %mul3A_281 = arith.muli %scan3A_136, %mul3A_280 : i32
          %get3A_282 = arith.constant 1 : i32
          %get3A_283 = arith.constant 2 : i32
          %get3A_284 = arith.index_cast %get3A_282 : i32 to index
          %get3A_285 = arith.index_cast %get3A_283 : i32 to index
          %get3A_286 = arith.index_cast %mul3A_281 : i32 to index
          %get3A_287 = tpu.vector_load %arg4[%get3A_284, %get3A_285, %get3A_286] {strides = array<i32>} : memref<4x8x512xf32, #tpu.memory_space<vmem>>, vector<16xf32>,
          %add3A_288 = arith.constant 8 : i32
          %add3A_289 = arith.addi %mul3A_140, %add3A_288 : i32
          %add3A_290 = arith.constant 2 : i32
          %add3A_291 = arith.addi %add3A_289, %add3A_290 : i32
          %add3A_292 = vector.broadcast %add3A_291 : i32 to vector<16xi32>
          %add3A_293 = arith.addi %mul3A_10, %add3A_292 : vector<16xi32>
          tpu.vector_store_idx %arg6[%add3A_293], %get3A_287 : memref<16896xf32, #tpu.memory_space<vmem>>[vector<16xi32>], vector<16xf32>,
          %mul3A_294 = arith.constant 16 : i32
          %mul3A_295 = arith.muli %scan3A_136, %mul3A_294 : i32
          %get3A_296 = arith.constant 1 : i32
          %get3A_297 = arith.constant 3 : i32
          %get3A_298 = arith.index_cast %get3A_296 : i32 to index
          %get3A_299 = arith.index_cast %get3A_297 : i32 to index
          %get3A_300 = arith.index_cast %mul3A_295 : i32 to index
          %get3A_301 = tpu.vector_load %arg4[%get3A_298, %get3A_299, %get3A_300] {strides = array<i32>} : memref<4x8x512xf32, #tpu.memory_space<vmem>>, vector<16xf32>,
          %add3A_302 = arith.constant 8 : i32
          %add3A_303 = arith.addi %mul3A_140, %add3A_302 : i32
          %add3A_304 = arith.constant 3 : i32
          %add3A_305 = arith.addi %add3A_303, %add3A_304 : i32
          %add3A_306 = vector.broadcast %add3A_305 : i32 to vector<16xi32>
          %add3A_307 = arith.addi %mul3A_10, %add3A_306 : vector<16xi32>
          tpu.vector_store_idx %arg6[%add3A_307], %get3A_301 : memref<16896xf32, #tpu.memory_space<vmem>>[vector<16xi32>], vector<16xf32>,
          %mul3A_308 = arith.constant 16 : i32
          %mul3A_309 = arith.muli %scan3A_136, %mul3A_308 : i32
          %get3A_310 = arith.constant 1 : i32
          %get3A_311 = arith.constant 4 : i32
          %get3A_312 = arith.index_cast %get3A_310 : i32 to index
          %get3A_313 = arith.index_cast %get3A_311 : i32 to index
          %get3A_314 = arith.index_cast %mul3A_309 : i32 to index
          %get3A_315 = tpu.vector_load %arg4[%get3A_312, %get3A_313, %get3A_314] {strides = array<i32>} : memref<4x8x512xf32, #tpu.memory_space<vmem>>, vector<16xf32>,
          %add3A_316 = arith.constant 8 : i32
          %add3A_317 = arith.addi %mul3A_140, %add3A_316 : i32
          %add3A_318 = arith.constant 4 : i32
          %add3A_319 = arith.addi %add3A_317, %add3A_318 : i32
          %add3A_320 = vector.broadcast %add3A_319 : i32 to vector<16xi32>
          %add3A_321 = arith.addi %mul3A_10, %add3A_320 : vector<16xi32>
          tpu.vector_store_idx %arg6[%add3A_321], %get3A_315 : memref<16896xf32, #tpu.memory_space<vmem>>[vector<16xi32>], vector<16xf32>,
          %mul3A_322 = arith.constant 16 : i32
          %mul3A_323 = arith.muli %scan3A_136, %mul3A_322 : i32
          %get3A_324 = arith.constant 1 : i32
          %get3A_325 = arith.constant 5 : i32
          %get3A_326 = arith.index_cast %get3A_324 : i32 to index
          %get3A_327 = arith.index_cast %get3A_325 : i32 to index
          %get3A_328 = arith.index_cast %mul3A_323 : i32 to index
          %get3A_329 = tpu.vector_load %arg4[%get3A_326, %get3A_327, %get3A_328] {strides = array<i32>} : memref<4x8x512xf32, #tpu.memory_space<vmem>>, vector<16xf32>,
          %add3A_330 = arith.constant 8 : i32
          %add3A_331 = arith.addi %mul3A_140, %add3A_330 : i32
          %add3A_332 = arith.constant 5 : i32
          %add3A_333 = arith.addi %add3A_331, %add3A_332 : i32
          %add3A_334 = vector.broadcast %add3A_333 : i32 to vector<16xi32>
          %add3A_335 = arith.addi %mul3A_10, %add3A_334 : vector<16xi32>
          tpu.vector_store_idx %arg6[%add3A_335], %get3A_329 : memref<16896xf32, #tpu.memory_space<vmem>>[vector<16xi32>], vector<16xf32>,
          %mul3A_336 = arith.constant 16 : i32
          %mul3A_337 = arith.muli %scan3A_136, %mul3A_336 : i32
          %get3A_338 = arith.constant 1 : i32
          %get3A_339 = arith.constant 6 : i32
          %get3A_340 = arith.index_cast %get3A_338 : i32 to index
          %get3A_341 = arith.index_cast %get3A_339 : i32 to index
          %get3A_342 = arith.index_cast %mul3A_337 : i32 to index
          %get3A_343 = tpu.vector_load %arg4[%get3A_340, %get3A_341, %get3A_342] {strides = array<i32>} : memref<4x8x512xf32, #tpu.memory_space<vmem>>, vector<16xf32>,
          %add3A_344 = arith.constant 8 : i32
          %add3A_345 = arith.addi %mul3A_140, %add3A_344 : i32
          %add3A_346 = arith.constant 6 : i32
          %add3A_347 = arith.addi %add3A_345, %add3A_346 : i32
          %add3A_348 = vector.broadcast %add3A_347 : i32 to vector<16xi32>
          %add3A_349 = arith.addi %mul3A_10, %add3A_348 : vector<16xi32>
          tpu.vector_store_idx %arg6[%add3A_349], %get3A_343 : memref<16896xf32, #tpu.memory_space<vmem>>[vector<16xi32>], vector<16xf32>,
          %mul3A_350 = arith.constant 16 : i32
          %mul3A_351 = arith.muli %scan3A_136, %mul3A_350 : i32
          %get3A_352 = arith.constant 1 : i32
          %get3A_353 = arith.constant 7 : i32
          %get3A_354 = arith.index_cast %get3A_352 : i32 to index
          %get3A_355 = arith.index_cast %get3A_353 : i32 to index
          %get3A_356 = arith.index_cast %mul3A_351 : i32 to index
          %get3A_357 = tpu.vector_load %arg4[%get3A_354, %get3A_355, %get3A_356] {strides = array<i32>} : memref<4x8x512xf32, #tpu.memory_space<vmem>>, vector<16xf32>,
          %add3A_358 = arith.constant 8 : i32
          %add3A_359 = arith.addi %mul3A_140, %add3A_358 : i32
          %add3A_360 = arith.constant 7 : i32
          %add3A_361 = arith.addi %add3A_359, %add3A_360 : i32
          %add3A_362 = vector.broadcast %add3A_361 : i32 to vector<16xi32>
          %add3A_363 = arith.addi %mul3A_10, %add3A_362 : vector<16xi32>
          tpu.vector_store_idx %arg6[%add3A_363], %get3A_357 : memref<16896xf32, #tpu.memory_space<vmem>>[vector<16xi32>], vector<16xf32>,
          %mul3A_364 = arith.constant 16 : i32
          %mul3A_365 = arith.muli %scan3A_136, %mul3A_364 : i32
          %get3A_366 = arith.constant 2 : i32
          %get3A_367 = arith.constant 0 : i32
          %get3A_368 = arith.index_cast %get3A_366 : i32 to index
          %get3A_369 = arith.index_cast %get3A_367 : i32 to index
          %get3A_370 = arith.index_cast %mul3A_365 : i32 to index
          %get3A_371 = tpu.vector_load %arg4[%get3A_368, %get3A_369, %get3A_370] {strides = array<i32>} : memref<4x8x512xf32, #tpu.memory_space<vmem>>, vector<16xf32>,
          %add3A_372 = arith.constant 16 : i32
          %add3A_373 = arith.addi %mul3A_140, %add3A_372 : i32
          %add3A_374 = arith.constant 0 : i32
          %add3A_375 = arith.addi %add3A_373, %add3A_374 : i32
          %add3A_376 = vector.broadcast %add3A_375 : i32 to vector<16xi32>
          %add3A_377 = arith.addi %mul3A_10, %add3A_376 : vector<16xi32>
          tpu.vector_store_idx %arg6[%add3A_377], %get3A_371 : memref<16896xf32, #tpu.memory_space<vmem>>[vector<16xi32>], vector<16xf32>,
          %mul3A_378 = arith.constant 16 : i32
          %mul3A_379 = arith.muli %scan3A_136, %mul3A_378 : i32
          %get3A_380 = arith.constant 2 : i32
          %get3A_381 = arith.constant 1 : i32
          %get3A_382 = arith.index_cast %get3A_380 : i32 to index
          %get3A_383 = arith.index_cast %get3A_381 : i32 to index
          %get3A_384 = arith.index_cast %mul3A_379 : i32 to index
          %get3A_385 = tpu.vector_load %arg4[%get3A_382, %get3A_383, %get3A_384] {strides = array<i32>} : memref<4x8x512xf32, #tpu.memory_space<vmem>>, vector<16xf32>,
          %add3A_386 = arith.constant 16 : i32
          %add3A_387 = arith.addi %mul3A_140, %add3A_386 : i32
          %add3A_388 = arith.constant 1 : i32
          %add3A_389 = arith.addi %add3A_387, %add3A_388 : i32
          %add3A_390 = vector.broadcast %add3A_389 : i32 to vector<16xi32>
          %add3A_391 = arith.addi %mul3A_10, %add3A_390 : vector<16xi32>
          tpu.vector_store_idx %arg6[%add3A_391], %get3A_385 : memref<16896xf32, #tpu.memory_space<vmem>>[vector<16xi32>], vector<16xf32>,
          %mul3A_392 = arith.constant 16 : i32
          %mul3A_393 = arith.muli %scan3A_136, %mul3A_392 : i32
          %get3A_394 = arith.constant 2 : i32
          %get3A_395 = arith.constant 2 : i32
          %get3A_396 = arith.index_cast %get3A_394 : i32 to index
          %get3A_397 = arith.index_cast %get3A_395 : i32 to index
          %get3A_398 = arith.index_cast %mul3A_393 : i32 to index
          %get3A_399 = tpu.vector_load %arg4[%get3A_396, %get3A_397, %get3A_398] {strides = array<i32>} : memref<4x8x512xf32, #tpu.memory_space<vmem>>, vector<16xf32>,
          %add3A_400 = arith.constant 16 : i32
          %add3A_401 = arith.addi %mul3A_140, %add3A_400 : i32
          %add3A_402 = arith.constant 2 : i32
          %add3A_403 = arith.addi %add3A_401, %add3A_402 : i32
          %add3A_404 = vector.broadcast %add3A_403 : i32 to vector<16xi32>
          %add3A_405 = arith.addi %mul3A_10, %add3A_404 : vector<16xi32>
          tpu.vector_store_idx %arg6[%add3A_405], %get3A_399 : memref<16896xf32, #tpu.memory_space<vmem>>[vector<16xi32>], vector<16xf32>,
          %mul3A_406 = arith.constant 16 : i32
          %mul3A_407 = arith.muli %scan3A_136, %mul3A_406 : i32
          %get3A_408 = arith.constant 2 : i32
          %get3A_409 = arith.constant 3 : i32
          %get3A_410 = arith.index_cast %get3A_408 : i32 to index
          %get3A_411 = arith.index_cast %get3A_409 : i32 to index
          %get3A_412 = arith.index_cast %mul3A_407 : i32 to index
          %get3A_413 = tpu.vector_load %arg4[%get3A_410, %get3A_411, %get3A_412] {strides = array<i32>} : memref<4x8x512xf32, #tpu.memory_space<vmem>>, vector<16xf32>,
          %add3A_414 = arith.constant 16 : i32
          %add3A_415 = arith.addi %mul3A_140, %add3A_414 : i32
          %add3A_416 = arith.constant 3 : i32
          %add3A_417 = arith.addi %add3A_415, %add3A_416 : i32
          %add3A_418 = vector.broadcast %add3A_417 : i32 to vector<16xi32>
          %add3A_419 = arith.addi %mul3A_10, %add3A_418 : vector<16xi32>
          tpu.vector_store_idx %arg6[%add3A_419], %get3A_413 : memref<16896xf32, #tpu.memory_space<vmem>>[vector<16xi32>], vector<16xf32>,
          %mul3A_420 = arith.constant 16 : i32
          %mul3A_421 = arith.muli %scan3A_136, %mul3A_420 : i32
          %get3A_422 = arith.constant 2 : i32
          %get3A_423 = arith.constant 4 : i32
          %get3A_424 = arith.index_cast %get3A_422 : i32 to index
          %get3A_425 = arith.index_cast %get3A_423 : i32 to index
          %get3A_426 = arith.index_cast %mul3A_421 : i32 to index
          %get3A_427 = tpu.vector_load %arg4[%get3A_424, %get3A_425, %get3A_426] {strides = array<i32>} : memref<4x8x512xf32, #tpu.memory_space<vmem>>, vector<16xf32>,
          %add3A_428 = arith.constant 16 : i32
          %add3A_429 = arith.addi %mul3A_140, %add3A_428 : i32
          %add3A_430 = arith.constant 4 : i32
          %add3A_431 = arith.addi %add3A_429, %add3A_430 : i32
          %add3A_432 = vector.broadcast %add3A_431 : i32 to vector<16xi32>
          %add3A_433 = arith.addi %mul3A_10, %add3A_432 : vector<16xi32>
          tpu.vector_store_idx %arg6[%add3A_433], %get3A_427 : memref<16896xf32, #tpu.memory_space<vmem>>[vector<16xi32>], vector<16xf32>,
          %mul3A_434 = arith.constant 16 : i32
          %mul3A_435 = arith.muli %scan3A_136, %mul3A_434 : i32
          %get3A_436 = arith.constant 2 : i32
          %get3A_437 = arith.constant 5 : i32
          %get3A_438 = arith.index_cast %get3A_436 : i32 to index
          %get3A_439 = arith.index_cast %get3A_437 : i32 to index
          %get3A_440 = arith.index_cast %mul3A_435 : i32 to index
          %get3A_441 = tpu.vector_load %arg4[%get3A_438, %get3A_439, %get3A_440] {strides = array<i32>} : memref<4x8x512xf32, #tpu.memory_space<vmem>>, vector<16xf32>,
          %add3A_442 = arith.constant 16 : i32
          %add3A_443 = arith.addi %mul3A_140, %add3A_442 : i32
          %add3A_444 = arith.constant 5 : i32
          %add3A_445 = arith.addi %add3A_443, %add3A_444 : i32
          %add3A_446 = vector.broadcast %add3A_445 : i32 to vector<16xi32>
          %add3A_447 = arith.addi %mul3A_10, %add3A_446 : vector<16xi32>
          tpu.vector_store_idx %arg6[%add3A_447], %get3A_441 : memref<16896xf32, #tpu.memory_space<vmem>>[vector<16xi32>], vector<16xf32>,
          %mul3A_448 = arith.constant 16 : i32
          %mul3A_449 = arith.muli %scan3A_136, %mul3A_448 : i32
          %get3A_450 = arith.constant 2 : i32
          %get3A_451 = arith.constant 6 : i32
          %get3A_452 = arith.index_cast %get3A_450 : i32 to index
          %get3A_453 = arith.index_cast %get3A_451 : i32 to index
          %get3A_454 = arith.index_cast %mul3A_449 : i32 to index
          %get3A_455 = tpu.vector_load %arg4[%get3A_452, %get3A_453, %get3A_454] {strides = array<i32>} : memref<4x8x512xf32, #tpu.memory_space<vmem>>, vector<16xf32>,
          %add3A_456 = arith.constant 16 : i32
          %add3A_457 = arith.addi %mul3A_140, %add3A_456 : i32
          %add3A_458 = arith.constant 6 : i32
          %add3A_459 = arith.addi %add3A_457, %add3A_458 : i32
          %add3A_460 = vector.broadcast %add3A_459 : i32 to vector<16xi32>
          %add3A_461 = arith.addi %mul3A_10, %add3A_460 : vector<16xi32>
          tpu.vector_store_idx %arg6[%add3A_461], %get3A_455 : memref<16896xf32, #tpu.memory_space<vmem>>[vector<16xi32>], vector<16xf32>,
          %mul3A_462 = arith.constant 16 : i32
          %mul3A_463 = arith.muli %scan3A_136, %mul3A_462 : i32
          %get3A_464 = arith.constant 2 : i32
          %get3A_465 = arith.constant 7 : i32
          %get3A_466 = arith.index_cast %get3A_464 : i32 to index
          %get3A_467 = arith.index_cast %get3A_465 : i32 to index
          %get3A_468 = arith.index_cast %mul3A_463 : i32 to index
          %get3A_469 = tpu.vector_load %arg4[%get3A_466, %get3A_467, %get3A_468] {strides = array<i32>} : memref<4x8x512xf32, #tpu.memory_space<vmem>>, vector<16xf32>,
          %add3A_470 = arith.constant 16 : i32
          %add3A_471 = arith.addi %mul3A_140, %add3A_470 : i32
          %add3A_472 = arith.constant 7 : i32
          %add3A_473 = arith.addi %add3A_471, %add3A_472 : i32
          %add3A_474 = vector.broadcast %add3A_473 : i32 to vector<16xi32>
          %add3A_475 = arith.addi %mul3A_10, %add3A_474 : vector<16xi32>
          tpu.vector_store_idx %arg6[%add3A_475], %get3A_469 : memref<16896xf32, #tpu.memory_space<vmem>>[vector<16xi32>], vector<16xf32>,
          %mul3A_476 = arith.constant 16 : i32
          %mul3A_477 = arith.muli %scan3A_136, %mul3A_476 : i32
          %get3A_478 = arith.constant 3 : i32
          %get3A_479 = arith.constant 0 : i32
          %get3A_480 = arith.index_cast %get3A_478 : i32 to index
          %get3A_481 = arith.index_cast %get3A_479 : i32 to index
          %get3A_482 = arith.index_cast %mul3A_477 : i32 to index
          %get3A_483 = tpu.vector_load %arg4[%get3A_480, %get3A_481, %get3A_482] {strides = array<i32>} : memref<4x8x512xf32, #tpu.memory_space<vmem>>, vector<16xf32>,
          %add3A_484 = arith.constant 24 : i32
          %add3A_485 = arith.addi %mul3A_140, %add3A_484 : i32
          %add3A_486 = arith.constant 0 : i32
          %add3A_487 = arith.addi %add3A_485, %add3A_486 : i32
          %add3A_488 = vector.broadcast %add3A_487 : i32 to vector<16xi32>
          %add3A_489 = arith.addi %mul3A_10, %add3A_488 : vector<16xi32>
          tpu.vector_store_idx %arg6[%add3A_489], %get3A_483 : memref<16896xf32, #tpu.memory_space<vmem>>[vector<16xi32>], vector<16xf32>,
          %mul3A_490 = arith.constant 16 : i32
          %mul3A_491 = arith.muli %scan3A_136, %mul3A_490 : i32
          %get3A_492 = arith.constant 3 : i32
          %get3A_493 = arith.constant 1 : i32
          %get3A_494 = arith.index_cast %get3A_492 : i32 to index
          %get3A_495 = arith.index_cast %get3A_493 : i32 to index
          %get3A_496 = arith.index_cast %mul3A_491 : i32 to index
          %get3A_497 = tpu.vector_load %arg4[%get3A_494, %get3A_495, %get3A_496] {strides = array<i32>} : memref<4x8x512xf32, #tpu.memory_space<vmem>>, vector<16xf32>,
          %add3A_498 = arith.constant 24 : i32
          %add3A_499 = arith.addi %mul3A_140, %add3A_498 : i32
          %add3A_500 = arith.constant 1 : i32
          %add3A_501 = arith.addi %add3A_499, %add3A_500 : i32
          %add3A_502 = vector.broadcast %add3A_501 : i32 to vector<16xi32>
          %add3A_503 = arith.addi %mul3A_10, %add3A_502 : vector<16xi32>
          tpu.vector_store_idx %arg6[%add3A_503], %get3A_497 : memref<16896xf32, #tpu.memory_space<vmem>>[vector<16xi32>], vector<16xf32>,
          %mul3A_504 = arith.constant 16 : i32
          %mul3A_505 = arith.muli %scan3A_136, %mul3A_504 : i32
          %get3A_506 = arith.constant 3 : i32
          %get3A_507 = arith.constant 2 : i32
          %get3A_508 = arith.index_cast %get3A_506 : i32 to index
          %get3A_509 = arith.index_cast %get3A_507 : i32 to index
          %get3A_510 = arith.index_cast %mul3A_505 : i32 to index
          %get3A_511 = tpu.vector_load %arg4[%get3A_508, %get3A_509, %get3A_510] {strides = array<i32>} : memref<4x8x512xf32, #tpu.memory_space<vmem>>, vector<16xf32>,
          %add3A_512 = arith.constant 24 : i32
          %add3A_513 = arith.addi %mul3A_140, %add3A_512 : i32
          %add3A_514 = arith.constant 2 : i32
          %add3A_515 = arith.addi %add3A_513, %add3A_514 : i32
          %add3A_516 = vector.broadcast %add3A_515 : i32 to vector<16xi32>
          %add3A_517 = arith.addi %mul3A_10, %add3A_516 : vector<16xi32>
          tpu.vector_store_idx %arg6[%add3A_517], %get3A_511 : memref<16896xf32, #tpu.memory_space<vmem>>[vector<16xi32>], vector<16xf32>,
          %mul3A_518 = arith.constant 16 : i32
          %mul3A_519 = arith.muli %scan3A_136, %mul3A_518 : i32
          %get3A_520 = arith.constant 3 : i32
          %get3A_521 = arith.constant 3 : i32
          %get3A_522 = arith.index_cast %get3A_520 : i32 to index
          %get3A_523 = arith.index_cast %get3A_521 : i32 to index
          %get3A_524 = arith.index_cast %mul3A_519 : i32 to index
          %get3A_525 = tpu.vector_load %arg4[%get3A_522, %get3A_523, %get3A_524] {strides = array<i32>} : memref<4x8x512xf32, #tpu.memory_space<vmem>>, vector<16xf32>,
          %add3A_526 = arith.constant 24 : i32
          %add3A_527 = arith.addi %mul3A_140, %add3A_526 : i32
          %add3A_528 = arith.constant 3 : i32
          %add3A_529 = arith.addi %add3A_527, %add3A_528 : i32
          %add3A_530 = vector.broadcast %add3A_529 : i32 to vector<16xi32>
          %add3A_531 = arith.addi %mul3A_10, %add3A_530 : vector<16xi32>
          tpu.vector_store_idx %arg6[%add3A_531], %get3A_525 : memref<16896xf32, #tpu.memory_space<vmem>>[vector<16xi32>], vector<16xf32>,
          %mul3A_532 = arith.constant 16 : i32
          %mul3A_533 = arith.muli %scan3A_136, %mul3A_532 : i32
          %get3A_534 = arith.constant 3 : i32
          %get3A_535 = arith.constant 4 : i32
          %get3A_536 = arith.index_cast %get3A_534 : i32 to index
          %get3A_537 = arith.index_cast %get3A_535 : i32 to index
          %get3A_538 = arith.index_cast %mul3A_533 : i32 to index
          %get3A_539 = tpu.vector_load %arg4[%get3A_536, %get3A_537, %get3A_538] {strides = array<i32>} : memref<4x8x512xf32, #tpu.memory_space<vmem>>, vector<16xf32>,
          %add3A_540 = arith.constant 24 : i32
          %add3A_541 = arith.addi %mul3A_140, %add3A_540 : i32
          %add3A_542 = arith.constant 4 : i32
          %add3A_543 = arith.addi %add3A_541, %add3A_542 : i32
          %add3A_544 = vector.broadcast %add3A_543 : i32 to vector<16xi32>
          %add3A_545 = arith.addi %mul3A_10, %add3A_544 : vector<16xi32>
          tpu.vector_store_idx %arg6[%add3A_545], %get3A_539 : memref<16896xf32, #tpu.memory_space<vmem>>[vector<16xi32>], vector<16xf32>,
          %mul3A_546 = arith.constant 16 : i32
          %mul3A_547 = arith.muli %scan3A_136, %mul3A_546 : i32
          %get3A_548 = arith.constant 3 : i32
          %get3A_549 = arith.constant 5 : i32
          %get3A_550 = arith.index_cast %get3A_548 : i32 to index
          %get3A_551 = arith.index_cast %get3A_549 : i32 to index
          %get3A_552 = arith.index_cast %mul3A_547 : i32 to index
          %get3A_553 = tpu.vector_load %arg4[%get3A_550, %get3A_551, %get3A_552] {strides = array<i32>} : memref<4x8x512xf32, #tpu.memory_space<vmem>>, vector<16xf32>,
          %add3A_554 = arith.constant 24 : i32
          %add3A_555 = arith.addi %mul3A_140, %add3A_554 : i32
          %add3A_556 = arith.constant 5 : i32
          %add3A_557 = arith.addi %add3A_555, %add3A_556 : i32
          %add3A_558 = vector.broadcast %add3A_557 : i32 to vector<16xi32>
          %add3A_559 = arith.addi %mul3A_10, %add3A_558 : vector<16xi32>
          tpu.vector_store_idx %arg6[%add3A_559], %get3A_553 : memref<16896xf32, #tpu.memory_space<vmem>>[vector<16xi32>], vector<16xf32>,
          %mul3A_560 = arith.constant 16 : i32
          %mul3A_561 = arith.muli %scan3A_136, %mul3A_560 : i32
          %get3A_562 = arith.constant 3 : i32
          %get3A_563 = arith.constant 6 : i32
          %get3A_564 = arith.index_cast %get3A_562 : i32 to index
          %get3A_565 = arith.index_cast %get3A_563 : i32 to index
          %get3A_566 = arith.index_cast %mul3A_561 : i32 to index
          %get3A_567 = tpu.vector_load %arg4[%get3A_564, %get3A_565, %get3A_566] {strides = array<i32>} : memref<4x8x512xf32, #tpu.memory_space<vmem>>, vector<16xf32>,
          %add3A_568 = arith.constant 24 : i32
          %add3A_569 = arith.addi %mul3A_140, %add3A_568 : i32
          %add3A_570 = arith.constant 6 : i32
          %add3A_571 = arith.addi %add3A_569, %add3A_570 : i32
          %add3A_572 = vector.broadcast %add3A_571 : i32 to vector<16xi32>
          %add3A_573 = arith.addi %mul3A_10, %add3A_572 : vector<16xi32>
          tpu.vector_store_idx %arg6[%add3A_573], %get3A_567 : memref<16896xf32, #tpu.memory_space<vmem>>[vector<16xi32>], vector<16xf32>,
          %mul3A_574 = arith.constant 16 : i32
          %mul3A_575 = arith.muli %scan3A_136, %mul3A_574 : i32
          %get3A_576 = arith.constant 3 : i32
          %get3A_577 = arith.constant 7 : i32
          %get3A_578 = arith.index_cast %get3A_576 : i32 to index
          %get3A_579 = arith.index_cast %get3A_577 : i32 to index
          %get3A_580 = arith.index_cast %mul3A_575 : i32 to index
          %get3A_581 = tpu.vector_load %arg4[%get3A_578, %get3A_579, %get3A_580] {strides = array<i32>} : memref<4x8x512xf32, #tpu.memory_space<vmem>>, vector<16xf32>,
          %add3A_582 = arith.constant 24 : i32
          %add3A_583 = arith.addi %mul3A_140, %add3A_582 : i32
          %add3A_584 = arith.constant 7 : i32
          %add3A_585 = arith.addi %add3A_583, %add3A_584 : i32
          %add3A_586 = vector.broadcast %add3A_585 : i32 to vector<16xi32>
          %add3A_587 = arith.addi %mul3A_10, %add3A_586 : vector<16xi32>
          tpu.vector_store_idx %arg6[%add3A_587], %get3A_581 : memref<16896xf32, #tpu.memory_space<vmem>>[vector<16xi32>], vector<16xf32>,
        }
        %scan3A_119 = arith.constant 32 : i32
        %scan3A_120 = arith.constant 0 : i32
        %scan3A_121 = arith.constant 0 : i32
        %scan3A_122 = arith.constant 512 : i32
        %scan3A_123 = arith.addi %scan3A_121, %scan3A_122 : i32
        %scan3A_124 = arith.constant 8 : i32
        scf.for %scan3A_136 = %scan3A_121 to %scan3A_123 step %scan3A_124  : i32 {
          %mul3A_137 = arith.constant 33 : i32
          %mul3A_138 = arith.muli %scan3A_136, %mul3A_137 : i32
          %get3A = arith.index_cast %mul3A_138 : i32 to index
          %get3A_139 = tpu.vector_load %arg6[%get3A] {strides = array<i32>} : memref<16896xf32, #tpu.memory_space<vmem>>, vector<16xf32>,
          %mul3A_140 = arith.constant 33 : i32
          %mul3A_141 = arith.muli %scan3A_136, %mul3A_140 : i32
          %add3A_142 = arith.constant 16 : i32
          %add3A_143 = arith.addi %mul3A_141, %add3A_142 : i32
          %get3A_144 = arith.index_cast %add3A_143 : i32 to index
          %get3A_145 = tpu.vector_load %arg6[%get3A_144] {strides = array<i32>} : memref<16896xf32, #tpu.memory_space<vmem>>, vector<16xf32>,
          %mul3A_146 = arith.constant 32 : i32
          %mul3A_147 = arith.muli %scan3A_136, %mul3A_146 : i32
          %swap3A = arith.index_cast %mul3A_147 : i32 to index
          %swap3A_148 = tpu.vector_load %arg8[%swap3A] {strides = array<i32>} : memref<16384xf32, #tpu.memory_space<vmem>>, vector<16xf32>,
          tpu.vector_store %arg8[%swap3A], %get3A_139 {strides = array<i32>} : memref<16384xf32, #tpu.memory_space<vmem>>, vector<16xf32>,
          %mul3A_149 = arith.constant 32 : i32
          %mul3A_150 = arith.muli %scan3A_136, %mul3A_149 : i32
          %add3A_151 = arith.constant 16 : i32
          %add3A_152 = arith.addi %mul3A_150, %add3A_151 : i32
          %swap3A_153 = arith.index_cast %add3A_152 : i32 to index
          %swap3A_154 = tpu.vector_load %arg8[%swap3A_153] {strides = array<i32>} : memref<16384xf32, #tpu.memory_space<vmem>>, vector<16xf32>,
          tpu.vector_store %arg8[%swap3A_153], %get3A_145 {strides = array<i32>} : memref<16384xf32, #tpu.memory_space<vmem>>, vector<16xf32>,
          %scan3A_155 = arith.constant 1 : i32
          %scan3A_156 = arith.addi %scan3A_136, %scan3A_155 : i32
          %mul3A_157 = arith.constant 33 : i32
          %mul3A_158 = arith.muli %scan3A_156, %mul3A_157 : i32
          %get3A_159 = arith.index_cast %mul3A_158 : i32 to index
          %get3A_160 = tpu.vector_load %arg6[%get3A_159] {strides = array<i32>} : memref<16896xf32, #tpu.memory_space<vmem>>, vector<16xf32>,
          %mul3A_161 = arith.constant 33 : i32
          %mul3A_162 = arith.muli %scan3A_156, %mul3A_161 : i32
          %add3A_163 = arith.constant 16 : i32
          %add3A_164 = arith.addi %mul3A_162, %add3A_163 : i32
          %get3A_165 = arith.index_cast %add3A_164 : i32 to index
          %get3A_166 = tpu.vector_load %arg6[%get3A_165] {strides = array<i32>} : memref<16896xf32, #tpu.memory_space<vmem>>, vector<16xf32>,
          %mul3A_167 = arith.constant 32 : i32
          %mul3A_168 = arith.muli %scan3A_156, %mul3A_167 : i32
          %swap3A_169 = arith.index_cast %mul3A_168 : i32 to index
          %swap3A_170 = tpu.vector_load %arg8[%swap3A_169] {strides = array<i32>} : memref<16384xf32, #tpu.memory_space<vmem>>, vector<16xf32>,
          tpu.vector_store %arg8[%swap3A_169], %get3A_160 {strides = array<i32>} : memref<16384xf32, #tpu.memory_space<vmem>>, vector<16xf32>,
          %mul3A_171 = arith.constant 32 : i32
          %mul3A_172 = arith.muli %scan3A_156, %mul3A_171 : i32
          %add3A_173 = arith.constant 16 : i32
          %add3A_174 = arith.addi %mul3A_172, %add3A_173 : i32
          %swap3A_175 = arith.index_cast %add3A_174 : i32 to index
          %swap3A_176 = tpu.vector_load %arg8[%swap3A_175] {strides = array<i32>} : memref<16384xf32, #tpu.memory_space<vmem>>, vector<16xf32>,
          tpu.vector_store %arg8[%swap3A_175], %get3A_166 {strides = array<i32>} : memref<16384xf32, #tpu.memory_space<vmem>>, vector<16xf32>,
          %scan3A_177 = arith.constant 2 : i32
          %scan3A_178 = arith.addi %scan3A_136, %scan3A_177 : i32
          %mul3A_179 = arith.constant 33 : i32
          %mul3A_180 = arith.muli %scan3A_178, %mul3A_179 : i32
          %get3A_181 = arith.index_cast %mul3A_180 : i32 to index
          %get3A_182 = tpu.vector_load %arg6[%get3A_181] {strides = array<i32>} : memref<16896xf32, #tpu.memory_space<vmem>>, vector<16xf32>,
          %mul3A_183 = arith.constant 33 : i32
          %mul3A_184 = arith.muli %scan3A_178, %mul3A_183 : i32
          %add3A_185 = arith.constant 16 : i32
          %add3A_186 = arith.addi %mul3A_184, %add3A_185 : i32
          %get3A_187 = arith.index_cast %add3A_186 : i32 to index
          %get3A_188 = tpu.vector_load %arg6[%get3A_187] {strides = array<i32>} : memref<16896xf32, #tpu.memory_space<vmem>>, vector<16xf32>,
          %mul3A_189 = arith.constant 32 : i32
          %mul3A_190 = arith.muli %scan3A_178, %mul3A_189 : i32
          %swap3A_191 = arith.index_cast %mul3A_190 : i32 to index
          %swap3A_192 = tpu.vector_load %arg8[%swap3A_191] {strides = array<i32>} : memref<16384xf32, #tpu.memory_space<vmem>>, vector<16xf32>,
          tpu.vector_store %arg8[%swap3A_191], %get3A_182 {strides = array<i32>} : memref<16384xf32, #tpu.memory_space<vmem>>, vector<16xf32>,
          %mul3A_193 = arith.constant 32 : i32
          %mul3A_194 = arith.muli %scan3A_178, %mul3A_193 : i32
          %add3A_195 = arith.constant 16 : i32
          %add3A_196 = arith.addi %mul3A_194, %add3A_195 : i32
          %swap3A_197 = arith.index_cast %add3A_196 : i32 to index
          %swap3A_198 = tpu.vector_load %arg8[%swap3A_197] {strides = array<i32>} : memref<16384xf32, #tpu.memory_space<vmem>>, vector<16xf32>,
          tpu.vector_store %arg8[%swap3A_197], %get3A_188 {strides = array<i32>} : memref<16384xf32, #tpu.memory_space<vmem>>, vector<16xf32>,
          %scan3A_199 = arith.constant 3 : i32
          %scan3A_200 = arith.addi %scan3A_136, %scan3A_199 : i32
          %mul3A_201 = arith.constant 33 : i32
          %mul3A_202 = arith.muli %scan3A_200, %mul3A_201 : i32
          %get3A_203 = arith.index_cast %mul3A_202 : i32 to index
          %get3A_204 = tpu.vector_load %arg6[%get3A_203] {strides = array<i32>} : memref<16896xf32, #tpu.memory_space<vmem>>, vector<16xf32>,
          %mul3A_205 = arith.constant 33 : i32
          %mul3A_206 = arith.muli %scan3A_200, %mul3A_205 : i32
          %add3A_207 = arith.constant 16 : i32
          %add3A_208 = arith.addi %mul3A_206, %add3A_207 : i32
          %get3A_209 = arith.index_cast %add3A_208 : i32 to index
          %get3A_210 = tpu.vector_load %arg6[%get3A_209] {strides = array<i32>} : memref<16896xf32, #tpu.memory_space<vmem>>, vector<16xf32>,
          %mul3A_211 = arith.constant 32 : i32
          %mul3A_212 = arith.muli %scan3A_200, %mul3A_211 : i32
          %swap3A_213 = arith.index_cast %mul3A_212 : i32 to index
          %swap3A_214 = tpu.vector_load %arg8[%swap3A_213] {strides = array<i32>} : memref<16384xf32, #tpu.memory_space<vmem>>, vector<16xf32>,
          tpu.vector_store %arg8[%swap3A_213], %get3A_204 {strides = array<i32>} : memref<16384xf32, #tpu.memory_space<vmem>>, vector<16xf32>,
          %mul3A_215 = arith.constant 32 : i32
          %mul3A_216 = arith.muli %scan3A_200, %mul3A_215 : i32
          %add3A_217 = arith.constant 16 : i32
          %add3A_218 = arith.addi %mul3A_216, %add3A_217 : i32
          %swap3A_219 = arith.index_cast %add3A_218 : i32 to index
          %swap3A_220 = tpu.vector_load %arg8[%swap3A_219] {strides = array<i32>} : memref<16384xf32, #tpu.memory_space<vmem>>, vector<16xf32>,
          tpu.vector_store %arg8[%swap3A_219], %get3A_210 {strides = array<i32>} : memref<16384xf32, #tpu.memory_space<vmem>>, vector<16xf32>,
          %scan3A_221 = arith.constant 4 : i32
          %scan3A_222 = arith.addi %scan3A_136, %scan3A_221 : i32
          %mul3A_223 = arith.constant 33 : i32
          %mul3A_224 = arith.muli %scan3A_222, %mul3A_223 : i32
          %get3A_225 = arith.index_cast %mul3A_224 : i32 to index
          %get3A_226 = tpu.vector_load %arg6[%get3A_225] {strides = array<i32>} : memref<16896xf32, #tpu.memory_space<vmem>>, vector<16xf32>,
          %mul3A_227 = arith.constant 33 : i32
          %mul3A_228 = arith.muli %scan3A_222, %mul3A_227 : i32
          %add3A_229 = arith.constant 16 : i32
          %add3A_230 = arith.addi %mul3A_228, %add3A_229 : i32
          %get3A_231 = arith.index_cast %add3A_230 : i32 to index
          %get3A_232 = tpu.vector_load %arg6[%get3A_231] {strides = array<i32>} : memref<16896xf32, #tpu.memory_space<vmem>>, vector<16xf32>,
          %mul3A_233 = arith.constant 32 : i32
          %mul3A_234 = arith.muli %scan3A_222, %mul3A_233 : i32
          %swap3A_235 = arith.index_cast %mul3A_234 : i32 to index
          %swap3A_236 = tpu.vector_load %arg8[%swap3A_235] {strides = array<i32>} : memref<16384xf32, #tpu.memory_space<vmem>>, vector<16xf32>,
          tpu.vector_store %arg8[%swap3A_235], %get3A_226 {strides = array<i32>} : memref<16384xf32, #tpu.memory_space<vmem>>, vector<16xf32>,
          %mul3A_237 = arith.constant 32 : i32
          %mul3A_238 = arith.muli %scan3A_222, %mul3A_237 : i32
          %add3A_239 = arith.constant 16 : i32
          %add3A_240 = arith.addi %mul3A_238, %add3A_239 : i32
          %swap3A_241 = arith.index_cast %add3A_240 : i32 to index
          %swap3A_242 = tpu.vector_load %arg8[%swap3A_241] {strides = array<i32>} : memref<16384xf32, #tpu.memory_space<vmem>>, vector<16xf32>,
          tpu.vector_store %arg8[%swap3A_241], %get3A_232 {strides = array<i32>} : memref<16384xf32, #tpu.memory_space<vmem>>, vector<16xf32>,
          %scan3A_243 = arith.constant 5 : i32
          %scan3A_244 = arith.addi %scan3A_136, %scan3A_243 : i32
          %mul3A_245 = arith.constant 33 : i32
          %mul3A_246 = arith.muli %scan3A_244, %mul3A_245 : i32
          %get3A_247 = arith.index_cast %mul3A_246 : i32 to index
          %get3A_248 = tpu.vector_load %arg6[%get3A_247] {strides = array<i32>} : memref<16896xf32, #tpu.memory_space<vmem>>, vector<16xf32>,
          %mul3A_249 = arith.constant 33 : i32
          %mul3A_250 = arith.muli %scan3A_244, %mul3A_249 : i32
          %add3A_251 = arith.constant 16 : i32
          %add3A_252 = arith.addi %mul3A_250, %add3A_251 : i32
          %get3A_253 = arith.index_cast %add3A_252 : i32 to index
          %get3A_254 = tpu.vector_load %arg6[%get3A_253] {strides = array<i32>} : memref<16896xf32, #tpu.memory_space<vmem>>, vector<16xf32>,
          %mul3A_255 = arith.constant 32 : i32
          %mul3A_256 = arith.muli %scan3A_244, %mul3A_255 : i32
          %swap3A_257 = arith.index_cast %mul3A_256 : i32 to index
          %swap3A_258 = tpu.vector_load %arg8[%swap3A_257] {strides = array<i32>} : memref<16384xf32, #tpu.memory_space<vmem>>, vector<16xf32>,
          tpu.vector_store %arg8[%swap3A_257], %get3A_248 {strides = array<i32>} : memref<16384xf32, #tpu.memory_space<vmem>>, vector<16xf32>,
          %mul3A_259 = arith.constant 32 : i32
          %mul3A_260 = arith.muli %scan3A_244, %mul3A_259 : i32
          %add3A_261 = arith.constant 16 : i32
          %add3A_262 = arith.addi %mul3A_260, %add3A_261 : i32
          %swap3A_263 = arith.index_cast %add3A_262 : i32 to index
          %swap3A_264 = tpu.vector_load %arg8[%swap3A_263] {strides = array<i32>} : memref<16384xf32, #tpu.memory_space<vmem>>, vector<16xf32>,
          tpu.vector_store %arg8[%swap3A_263], %get3A_254 {strides = array<i32>} : memref<16384xf32, #tpu.memory_space<vmem>>, vector<16xf32>,
          %scan3A_265 = arith.constant 6 : i32
          %scan3A_266 = arith.addi %scan3A_136, %scan3A_265 : i32
          %mul3A_267 = arith.constant 33 : i32
          %mul3A_268 = arith.muli %scan3A_266, %mul3A_267 : i32
          %get3A_269 = arith.index_cast %mul3A_268 : i32 to index
          %get3A_270 = tpu.vector_load %arg6[%get3A_269] {strides = array<i32>} : memref<16896xf32, #tpu.memory_space<vmem>>, vector<16xf32>,
          %mul3A_271 = arith.constant 33 : i32
          %mul3A_272 = arith.muli %scan3A_266, %mul3A_271 : i32
          %add3A_273 = arith.constant 16 : i32
          %add3A_274 = arith.addi %mul3A_272, %add3A_273 : i32
          %get3A_275 = arith.index_cast %add3A_274 : i32 to index
          %get3A_276 = tpu.vector_load %arg6[%get3A_275] {strides = array<i32>} : memref<16896xf32, #tpu.memory_space<vmem>>, vector<16xf32>,
          %mul3A_277 = arith.constant 32 : i32
          %mul3A_278 = arith.muli %scan3A_266, %mul3A_277 : i32
          %swap3A_279 = arith.index_cast %mul3A_278 : i32 to index
          %swap3A_280 = tpu.vector_load %arg8[%swap3A_279] {strides = array<i32>} : memref<16384xf32, #tpu.memory_space<vmem>>, vector<16xf32>,
          tpu.vector_store %arg8[%swap3A_279], %get3A_270 {strides = array<i32>} : memref<16384xf32, #tpu.memory_space<vmem>>, vector<16xf32>,
          %mul3A_281 = arith.constant 32 : i32
          %mul3A_282 = arith.muli %scan3A_266, %mul3A_281 : i32
          %add3A_283 = arith.constant 16 : i32
          %add3A_284 = arith.addi %mul3A_282, %add3A_283 : i32
          %swap3A_285 = arith.index_cast %add3A_284 : i32 to index
          %swap3A_286 = tpu.vector_load %arg8[%swap3A_285] {strides = array<i32>} : memref<16384xf32, #tpu.memory_space<vmem>>, vector<16xf32>,
          tpu.vector_store %arg8[%swap3A_285], %get3A_276 {strides = array<i32>} : memref<16384xf32, #tpu.memory_space<vmem>>, vector<16xf32>,
          %scan3A_287 = arith.constant 7 : i32
          %scan3A_288 = arith.addi %scan3A_136, %scan3A_287 : i32
          %mul3A_289 = arith.constant 33 : i32
          %mul3A_290 = arith.muli %scan3A_288, %mul3A_289 : i32
          %get3A_291 = arith.index_cast %mul3A_290 : i32 to index
          %get3A_292 = tpu.vector_load %arg6[%get3A_291] {strides = array<i32>} : memref<16896xf32, #tpu.memory_space<vmem>>, vector<16xf32>,
          %mul3A_293 = arith.constant 33 : i32
          %mul3A_294 = arith.muli %scan3A_288, %mul3A_293 : i32
          %add3A_295 = arith.constant 16 : i32
          %add3A_296 = arith.addi %mul3A_294, %add3A_295 : i32
          %get3A_297 = arith.index_cast %add3A_296 : i32 to index
          %get3A_298 = tpu.vector_load %arg6[%get3A_297] {strides = array<i32>} : memref<16896xf32, #tpu.memory_space<vmem>>, vector<16xf32>,
          %mul3A_299 = arith.constant 32 : i32
          %mul3A_300 = arith.muli %scan3A_288, %mul3A_299 : i32
          %swap3A_301 = arith.index_cast %mul3A_300 : i32 to index
          %swap3A_302 = tpu.vector_load %arg8[%swap3A_301] {strides = array<i32>} : memref<16384xf32, #tpu.memory_space<vmem>>, vector<16xf32>,
          tpu.vector_store %arg8[%swap3A_301], %get3A_292 {strides = array<i32>} : memref<16384xf32, #tpu.memory_space<vmem>>, vector<16xf32>,
          %mul3A_303 = arith.constant 32 : i32
          %mul3A_304 = arith.muli %scan3A_288, %mul3A_303 : i32
          %add3A_305 = arith.constant 16 : i32
          %add3A_306 = arith.addi %mul3A_304, %add3A_305 : i32
          %swap3A_307 = arith.index_cast %add3A_306 : i32 to index
          %swap3A_308 = tpu.vector_load %arg8[%swap3A_307] {strides = array<i32>} : memref<16384xf32, #tpu.memory_space<vmem>>, vector<16xf32>,
          tpu.vector_store %arg8[%swap3A_307], %get3A_298 {strides = array<i32>} : memref<16384xf32, #tpu.memory_space<vmem>>, vector<16xf32>,
        }
        %scan3A_125 = arith.constant 512 : i32
        %lt3A_126 = arith.constant 1953 : i32
        %lt3A_127 = arith.cmpi slt, %add3A_41, %lt3A_126 : i32
        %convert_element_type3A_128 = arith.extui %lt3A_127 : i1 to i32
        %cond3A_129 = arith.constant 0 : i32
        %cond3A_130 = arith.cmpi ne, %convert_element_type3A_128, %cond3A_129 : i32
        scf.if %cond3A_130 {
          %mul3A_136 = arith.constant 16384 : i32
          %mul3A_137 = arith.muli %add3A_41, %mul3A_136 : i32
          %dma_start3A = tpu.memref_slice %arg3[%mul3A_137] : memref<32000000xf32, #tpu.memory_space<hbm>> -> memref<16384xf32, #tpu.memory_space<hbm>>
          %dma_start3A_138 = tpu.memref_slice %arg3[%mul3A_137] : memref<32000000xf32, #tpu.memory_space<hbm>> -> memref<16384xf32, #tpu.memory_space<hbm>>
          tpu.enqueue_dma source(%arg8 : memref<16384xf32, #tpu.memory_space<vmem>>) target(%dma_start3A_138 : memref<16384xf32, #tpu.memory_space<hbm>>) target_semaphore(%arg12 : memref<!tpu.dma_semaphore, #tpu.memory_space<semaphore_mem>>)
        } else {
        }
        %eq3A_131 = arith.constant 1953 : i32
        %eq3A_132 = arith.cmpi eq, %add3A_41, %eq3A_131 : i32
        %convert_element_type3A_133 = arith.extui %eq3A_132 : i1 to i32
        %cond3A_134 = arith.constant 0 : i32
        %cond3A_135 = arith.cmpi ne, %convert_element_type3A_133, %cond3A_134 : i32
        scf.if %cond3A_135 {
          %mul3A_136 = arith.constant 16384 : i32
          %mul3A_137 = arith.muli %add3A_41, %mul3A_136 : i32
          %dma_start3A = arith.constant 0 : i32
          %dma_start3A_138 = tpu.memref_slice %arg8[%dma_start3A] : memref<16384xf32, #tpu.memory_space<vmem>> -> memref<2048xf32, #tpu.memory_space<vmem>>
          %dma_start3A_139 = tpu.memref_slice %arg3[%mul3A_137] : memref<32000000xf32, #tpu.memory_space<hbm>> -> memref<2048xf32, #tpu.memory_space<hbm>>
          %dma_start3A_140 = tpu.memref_slice %arg3[%mul3A_137] : memref<32000000xf32, #tpu.memory_space<hbm>> -> memref<2048xf32, #tpu.memory_space<hbm>>
          %dma_start3A_141 = arith.constant 0 : i32
          %dma_start3A_142 = tpu.memref_slice %arg8[%dma_start3A_141] : memref<16384xf32, #tpu.memory_space<vmem>> -> memref<2048xf32, #tpu.memory_space<vmem>>
          tpu.enqueue_dma source(%dma_start3A_142 : memref<2048xf32, #tpu.memory_space<vmem>>) target(%dma_start3A_140 : memref<2048xf32, #tpu.memory_space<hbm>>) target_semaphore(%arg12 : memref<!tpu.dma_semaphore, #tpu.memory_space<semaphore_mem>>)
        } else {
        }
      } else {
      }
      %lt3A_86 = arith.constant 1954 : i32
      %lt3A_87 = arith.cmpi slt, %add3A_55, %lt3A_86 : i32
      %convert_element_type3A_88 = arith.extui %lt3A_87 : i1 to i32
      %cond3A_89 = arith.constant 0 : i32
      %cond3A_90 = arith.cmpi ne, %convert_element_type3A_88, %cond3A_89 : i32
      scf.if %cond3A_90 {
        %lt3A_104 = arith.constant 1953 : i32
        %lt3A_105 = arith.cmpi slt, %add3A_55, %lt3A_104 : i32
        %convert_element_type3A_106 = arith.extui %lt3A_105 : i1 to i32
        %cond3A_107 = arith.constant 0 : i32
        %cond3A_108 = arith.cmpi ne, %convert_element_type3A_106, %cond3A_107 : i32
        scf.if %cond3A_108 {
          %mul3A_114 = arith.constant 512 : i32
          %mul3A_115 = arith.muli %add3A_55, %mul3A_114 : i32
          %multiple_of3A = tpu.assume_multiple %mul3A_115, 512 : i32
          %dma_start3A = arith.constant 0 : i32
          %dma_start3A_116 = arith.constant 0 : i32
          %dma_start3A_117 = arith.constant 0 : i32
          %dma_start3A_118 = tpu.memref_slice %arg4[%dma_start3A, %dma_start3A_116, %dma_start3A_117] : memref<4x8x512xf32, #tpu.memory_space<vmem>> -> memref<1x8x512xf32, #tpu.memory_space<vmem>>
          %dma_start3A_119 = tpu.memref_squeeze %dma_start3A_118 : memref<1x8x512xf32, #tpu.memory_space<vmem>> -> memref<8x512xf32, #tpu.memory_space<vmem>>
          %dma_start3A_120 = arith.constant 0 : i32
          %dma_start3A_121 = tpu.memref_slice %arg2[%dma_start3A_120, %multiple_of3A] : memref<32x1000000xf32, #tpu.memory_space<hbm>> -> memref<8x512xf32, #tpu.memory_space<hbm>>
          %dma_start3A_122 = arith.constant 0 : i32
          %dma_start3A_123 = arith.constant 0 : i32
          %dma_start3A_124 = tpu.memref_slice %arg4[%dma_start3A, %dma_start3A_122, %dma_start3A_123] : memref<4x8x512xf32, #tpu.memory_space<vmem>> -> memref<1x8x512xf32, #tpu.memory_space<vmem>>
          %dma_start3A_125 = tpu.memref_squeeze %dma_start3A_124 : memref<1x8x512xf32, #tpu.memory_space<vmem>> -> memref<8x512xf32, #tpu.memory_space<vmem>>
          %dma_start3A_126 = arith.constant 0 : i32
          %dma_start3A_127 = tpu.memref_slice %arg2[%dma_start3A_126, %multiple_of3A] : memref<32x1000000xf32, #tpu.memory_space<hbm>> -> memref<8x512xf32, #tpu.memory_space<hbm>>
          tpu.enqueue_dma source(%dma_start3A_127 : memref<8x512xf32, #tpu.memory_space<hbm>>) target(%dma_start3A_125 : memref<8x512xf32, #tpu.memory_space<vmem>>) target_semaphore(%arg10 : memref<!tpu.dma_semaphore, #tpu.memory_space<semaphore_mem>>)
          %dma_start3A_128 = arith.constant 1 : i32
          %dma_start3A_129 = arith.constant 0 : i32
          %dma_start3A_130 = arith.constant 0 : i32
          %dma_start3A_131 = tpu.memref_slice %arg4[%dma_start3A_128, %dma_start3A_129, %dma_start3A_130] : memref<4x8x512xf32, #tpu.memory_space<vmem>> -> memref<1x8x512xf32, #tpu.memory_space<vmem>>
          %dma_start3A_132 = tpu.memref_squeeze %dma_start3A_131 : memref<1x8x512xf32, #tpu.memory_space<vmem>> -> memref<8x512xf32, #tpu.memory_space<vmem>>
          %dma_start3A_133 = arith.constant 8 : i32
          %dma_start3A_134 = tpu.memref_slice %arg2[%dma_start3A_133, %multiple_of3A] : memref<32x1000000xf32, #tpu.memory_space<hbm>> -> memref<8x512xf32, #tpu.memory_space<hbm>>
          %dma_start3A_135 = arith.constant 0 : i32
          %dma_start3A_136 = arith.constant 0 : i32
          %dma_start3A_137 = tpu.memref_slice %arg4[%dma_start3A_128, %dma_start3A_135, %dma_start3A_136] : memref<4x8x512xf32, #tpu.memory_space<vmem>> -> memref<1x8x512xf32, #tpu.memory_space<vmem>>
          %dma_start3A_138 = tpu.memref_squeeze %dma_start3A_137 : memref<1x8x512xf32, #tpu.memory_space<vmem>> -> memref<8x512xf32, #tpu.memory_space<vmem>>
          %dma_start3A_139 = arith.constant 8 : i32
          %dma_start3A_140 = tpu.memref_slice %arg2[%dma_start3A_139, %multiple_of3A] : memref<32x1000000xf32, #tpu.memory_space<hbm>> -> memref<8x512xf32, #tpu.memory_space<hbm>>
          tpu.enqueue_dma source(%dma_start3A_140 : memref<8x512xf32, #tpu.memory_space<hbm>>) target(%dma_start3A_138 : memref<8x512xf32, #tpu.memory_space<vmem>>) target_semaphore(%arg10 : memref<!tpu.dma_semaphore, #tpu.memory_space<semaphore_mem>>)
          %dma_start3A_141 = arith.constant 2 : i32
          %dma_start3A_142 = arith.constant 0 : i32
          %dma_start3A_143 = arith.constant 0 : i32
          %dma_start3A_144 = tpu.memref_slice %arg4[%dma_start3A_141, %dma_start3A_142, %dma_start3A_143] : memref<4x8x512xf32, #tpu.memory_space<vmem>> -> memref<1x8x512xf32, #tpu.memory_space<vmem>>
          %dma_start3A_145 = tpu.memref_squeeze %dma_start3A_144 : memref<1x8x512xf32, #tpu.memory_space<vmem>> -> memref<8x512xf32, #tpu.memory_space<vmem>>
          %dma_start3A_146 = arith.constant 16 : i32
          %dma_start3A_147 = tpu.memref_slice %arg2[%dma_start3A_146, %multiple_of3A] : memref<32x1000000xf32, #tpu.memory_space<hbm>> -> memref<8x512xf32, #tpu.memory_space<hbm>>
          %dma_start3A_148 = arith.constant 0 : i32
          %dma_start3A_149 = arith.constant 0 : i32
          %dma_start3A_150 = tpu.memref_slice %arg4[%dma_start3A_141, %dma_start3A_148, %dma_start3A_149] : memref<4x8x512xf32, #tpu.memory_space<vmem>> -> memref<1x8x512xf32, #tpu.memory_space<vmem>>
          %dma_start3A_151 = tpu.memref_squeeze %dma_start3A_150 : memref<1x8x512xf32, #tpu.memory_space<vmem>> -> memref<8x512xf32, #tpu.memory_space<vmem>>
          %dma_start3A_152 = arith.constant 16 : i32
          %dma_start3A_153 = tpu.memref_slice %arg2[%dma_start3A_152, %multiple_of3A] : memref<32x1000000xf32, #tpu.memory_space<hbm>> -> memref<8x512xf32, #tpu.memory_space<hbm>>
          tpu.enqueue_dma source(%dma_start3A_153 : memref<8x512xf32, #tpu.memory_space<hbm>>) target(%dma_start3A_151 : memref<8x512xf32, #tpu.memory_space<vmem>>) target_semaphore(%arg10 : memref<!tpu.dma_semaphore, #tpu.memory_space<semaphore_mem>>)
          %dma_start3A_154 = arith.constant 3 : i32
          %dma_start3A_155 = arith.constant 0 : i32
          %dma_start3A_156 = arith.constant 0 : i32
          %dma_start3A_157 = tpu.memref_slice %arg4[%dma_start3A_154, %dma_start3A_155, %dma_start3A_156] : memref<4x8x512xf32, #tpu.memory_space<vmem>> -> memref<1x8x512xf32, #tpu.memory_space<vmem>>
          %dma_start3A_158 = tpu.memref_squeeze %dma_start3A_157 : memref<1x8x512xf32, #tpu.memory_space<vmem>> -> memref<8x512xf32, #tpu.memory_space<vmem>>
          %dma_start3A_159 = arith.constant 24 : i32
          %dma_start3A_160 = tpu.memref_slice %arg2[%dma_start3A_159, %multiple_of3A] : memref<32x1000000xf32, #tpu.memory_space<hbm>> -> memref<8x512xf32, #tpu.memory_space<hbm>>
          %dma_start3A_161 = arith.constant 0 : i32
          %dma_start3A_162 = arith.constant 0 : i32
          %dma_start3A_163 = tpu.memref_slice %arg4[%dma_start3A_154, %dma_start3A_161, %dma_start3A_162] : memref<4x8x512xf32, #tpu.memory_space<vmem>> -> memref<1x8x512xf32, #tpu.memory_space<vmem>>
          %dma_start3A_164 = tpu.memref_squeeze %dma_start3A_163 : memref<1x8x512xf32, #tpu.memory_space<vmem>> -> memref<8x512xf32, #tpu.memory_space<vmem>>
          %dma_start3A_165 = arith.constant 24 : i32
          %dma_start3A_166 = tpu.memref_slice %arg2[%dma_start3A_165, %multiple_of3A] : memref<32x1000000xf32, #tpu.memory_space<hbm>> -> memref<8x512xf32, #tpu.memory_space<hbm>>
          tpu.enqueue_dma source(%dma_start3A_166 : memref<8x512xf32, #tpu.memory_space<hbm>>) target(%dma_start3A_164 : memref<8x512xf32, #tpu.memory_space<vmem>>) target_semaphore(%arg10 : memref<!tpu.dma_semaphore, #tpu.memory_space<semaphore_mem>>)
        } else {
        }
        %eq3A_109 = arith.constant 1953 : i32
        %eq3A_110 = arith.cmpi eq, %add3A_55, %eq3A_109 : i32
        %convert_element_type3A_111 = arith.extui %eq3A_110 : i1 to i32
        %cond3A_112 = arith.constant 0 : i32
        %cond3A_113 = arith.cmpi ne, %convert_element_type3A_111, %cond3A_112 : i32
        scf.if %cond3A_113 {
          %mul3A_114 = arith.constant 512 : i32
          %mul3A_115 = arith.muli %add3A_55, %mul3A_114 : i32
          %multiple_of3A = tpu.assume_multiple %mul3A_115, 512 : i32
          %dma_start3A = arith.constant 0 : i32
          %dma_start3A_116 = arith.constant 0 : i32
          %dma_start3A_117 = arith.constant 0 : i32
          %dma_start3A_118 = tpu.memref_slice %arg4[%dma_start3A, %dma_start3A_116, %dma_start3A_117] : memref<4x8x512xf32, #tpu.memory_space<vmem>> -> memref<1x8x128xf32, #tpu.memory_space<vmem>>
          %dma_start3A_119 = tpu.memref_squeeze %dma_start3A_118 : memref<1x8x128xf32, #tpu.memory_space<vmem>> -> memref<8x128xf32, #tpu.memory_space<vmem>>
          %dma_start3A_120 = arith.constant 0 : i32
          %dma_start3A_121 = tpu.memref_slice %arg2[%dma_start3A_120, %multiple_of3A] : memref<32x1000000xf32, #tpu.memory_space<hbm>> -> memref<8x128xf32, #tpu.memory_space<hbm>>
          %dma_start3A_122 = arith.constant 0 : i32
          %dma_start3A_123 = arith.constant 0 : i32
          %dma_start3A_124 = tpu.memref_slice %arg4[%dma_start3A, %dma_start3A_122, %dma_start3A_123] : memref<4x8x512xf32, #tpu.memory_space<vmem>> -> memref<1x8x128xf32, #tpu.memory_space<vmem>>
          %dma_start3A_125 = tpu.memref_squeeze %dma_start3A_124 : memref<1x8x128xf32, #tpu.memory_space<vmem>> -> memref<8x128xf32, #tpu.memory_space<vmem>>
          %dma_start3A_126 = arith.constant 0 : i32
          %dma_start3A_127 = tpu.memref_slice %arg2[%dma_start3A_126, %multiple_of3A] : memref<32x1000000xf32, #tpu.memory_space<hbm>> -> memref<8x128xf32, #tpu.memory_space<hbm>>
          tpu.enqueue_dma source(%dma_start3A_127 : memref<8x128xf32, #tpu.memory_space<hbm>>) target(%dma_start3A_125 : memref<8x128xf32, #tpu.memory_space<vmem>>) target_semaphore(%arg10 : memref<!tpu.dma_semaphore, #tpu.memory_space<semaphore_mem>>)
          %dma_start3A_128 = arith.constant 1 : i32
          %dma_start3A_129 = arith.constant 0 : i32
          %dma_start3A_130 = arith.constant 0 : i32
          %dma_start3A_131 = tpu.memref_slice %arg4[%dma_start3A_128, %dma_start3A_129, %dma_start3A_130] : memref<4x8x512xf32, #tpu.memory_space<vmem>> -> memref<1x8x128xf32, #tpu.memory_space<vmem>>
          %dma_start3A_132 = tpu.memref_squeeze %dma_start3A_131 : memref<1x8x128xf32, #tpu.memory_space<vmem>> -> memref<8x128xf32, #tpu.memory_space<vmem>>
          %dma_start3A_133 = arith.constant 8 : i32
          %dma_start3A_134 = tpu.memref_slice %arg2[%dma_start3A_133, %multiple_of3A] : memref<32x1000000xf32, #tpu.memory_space<hbm>> -> memref<8x128xf32, #tpu.memory_space<hbm>>
          %dma_start3A_135 = arith.constant 0 : i32
          %dma_start3A_136 = arith.constant 0 : i32
          %dma_start3A_137 = tpu.memref_slice %arg4[%dma_start3A_128, %dma_start3A_135, %dma_start3A_136] : memref<4x8x512xf32, #tpu.memory_space<vmem>> -> memref<1x8x128xf32, #tpu.memory_space<vmem>>
          %dma_start3A_138 = tpu.memref_squeeze %dma_start3A_137 : memref<1x8x128xf32, #tpu.memory_space<vmem>> -> memref<8x128xf32, #tpu.memory_space<vmem>>
          %dma_start3A_139 = arith.constant 8 : i32
          %dma_start3A_140 = tpu.memref_slice %arg2[%dma_start3A_139, %multiple_of3A] : memref<32x1000000xf32, #tpu.memory_space<hbm>> -> memref<8x128xf32, #tpu.memory_space<hbm>>
          tpu.enqueue_dma source(%dma_start3A_140 : memref<8x128xf32, #tpu.memory_space<hbm>>) target(%dma_start3A_138 : memref<8x128xf32, #tpu.memory_space<vmem>>) target_semaphore(%arg10 : memref<!tpu.dma_semaphore, #tpu.memory_space<semaphore_mem>>)
          %dma_start3A_141 = arith.constant 2 : i32
          %dma_start3A_142 = arith.constant 0 : i32
          %dma_start3A_143 = arith.constant 0 : i32
          %dma_start3A_144 = tpu.memref_slice %arg4[%dma_start3A_141, %dma_start3A_142, %dma_start3A_143] : memref<4x8x512xf32, #tpu.memory_space<vmem>> -> memref<1x8x128xf32, #tpu.memory_space<vmem>>
          %dma_start3A_145 = tpu.memref_squeeze %dma_start3A_144 : memref<1x8x128xf32, #tpu.memory_space<vmem>> -> memref<8x128xf32, #tpu.memory_space<vmem>>
          %dma_start3A_146 = arith.constant 16 : i32
          %dma_start3A_147 = tpu.memref_slice %arg2[%dma_start3A_146, %multiple_of3A] : memref<32x1000000xf32, #tpu.memory_space<hbm>> -> memref<8x128xf32, #tpu.memory_space<hbm>>
          %dma_start3A_148 = arith.constant 0 : i32
          %dma_start3A_149 = arith.constant 0 : i32
          %dma_start3A_150 = tpu.memref_slice %arg4[%dma_start3A_141, %dma_start3A_148, %dma_start3A_149] : memref<4x8x512xf32, #tpu.memory_space<vmem>> -> memref<1x8x128xf32, #tpu.memory_space<vmem>>
          %dma_start3A_151 = tpu.memref_squeeze %dma_start3A_150 : memref<1x8x128xf32, #tpu.memory_space<vmem>> -> memref<8x128xf32, #tpu.memory_space<vmem>>
          %dma_start3A_152 = arith.constant 16 : i32
          %dma_start3A_153 = tpu.memref_slice %arg2[%dma_start3A_152, %multiple_of3A] : memref<32x1000000xf32, #tpu.memory_space<hbm>> -> memref<8x128xf32, #tpu.memory_space<hbm>>
          tpu.enqueue_dma source(%dma_start3A_153 : memref<8x128xf32, #tpu.memory_space<hbm>>) target(%dma_start3A_151 : memref<8x128xf32, #tpu.memory_space<vmem>>) target_semaphore(%arg10 : memref<!tpu.dma_semaphore, #tpu.memory_space<semaphore_mem>>)
          %dma_start3A_154 = arith.constant 3 : i32
          %dma_start3A_155 = arith.constant 0 : i32
          %dma_start3A_156 = arith.constant 0 : i32
          %dma_start3A_157 = tpu.memref_slice %arg4[%dma_start3A_154, %dma_start3A_155, %dma_start3A_156] : memref<4x8x512xf32, #tpu.memory_space<vmem>> -> memref<1x8x128xf32, #tpu.memory_space<vmem>>
          %dma_start3A_158 = tpu.memref_squeeze %dma_start3A_157 : memref<1x8x128xf32, #tpu.memory_space<vmem>> -> memref<8x128xf32, #tpu.memory_space<vmem>>
          %dma_start3A_159 = arith.constant 24 : i32
          %dma_start3A_160 = tpu.memref_slice %arg2[%dma_start3A_159, %multiple_of3A] : memref<32x1000000xf32, #tpu.memory_space<hbm>> -> memref<8x128xf32, #tpu.memory_space<hbm>>
          %dma_start3A_161 = arith.constant 0 : i32
          %dma_start3A_162 = arith.constant 0 : i32
          %dma_start3A_163 = tpu.memref_slice %arg4[%dma_start3A_154, %dma_start3A_161, %dma_start3A_162] : memref<4x8x512xf32, #tpu.memory_space<vmem>> -> memref<1x8x128xf32, #tpu.memory_space<vmem>>
          %dma_start3A_164 = tpu.memref_squeeze %dma_start3A_163 : memref<1x8x128xf32, #tpu.memory_space<vmem>> -> memref<8x128xf32, #tpu.memory_space<vmem>>
          %dma_start3A_165 = arith.constant 24 : i32
          %dma_start3A_166 = tpu.memref_slice %arg2[%dma_start3A_165, %multiple_of3A] : memref<32x1000000xf32, #tpu.memory_space<hbm>> -> memref<8x128xf32, #tpu.memory_space<hbm>>
          tpu.enqueue_dma source(%dma_start3A_166 : memref<8x128xf32, #tpu.memory_space<hbm>>) target(%dma_start3A_164 : memref<8x128xf32, #tpu.memory_space<vmem>>) target_semaphore(%arg10 : memref<!tpu.dma_semaphore, #tpu.memory_space<semaphore_mem>>)
        } else {
        }
      } else {
      }
      %gt3A_91 = arith.constant 0 : i32
      %gt3A_92 = arith.cmpi sgt, %scan3A_36, %gt3A_91 : i32
      %lt3A_93 = arith.constant 1954 : i32
      %lt3A_94 = arith.cmpi slt, %add3A_68, %lt3A_93 : i32
      %and3A_95 = arith.andi %gt3A_92, %lt3A_94 : i1
      %convert_element_type3A_96 = arith.extui %and3A_95 : i1 to i32
      %cond3A_97 = arith.constant 0 : i32
      %cond3A_98 = arith.cmpi ne, %convert_element_type3A_96, %cond3A_97 : i32
      scf.if %cond3A_98 {
        %lt3A_104 = arith.constant 1953 : i32
        %lt3A_105 = arith.cmpi slt, %add3A_68, %lt3A_104 : i32
        %convert_element_type3A_106 = arith.extui %lt3A_105 : i1 to i32
        %cond3A_107 = arith.constant 0 : i32
        %cond3A_108 = arith.cmpi ne, %convert_element_type3A_106, %cond3A_107 : i32
        scf.if %cond3A_108 {
          %dma_wait3A = arith.constant 0 : i32
          %dma_wait3A_114 = tpu.memref_slice %arg3[%dma_wait3A] : memref<32000000xf32, #tpu.memory_space<hbm>> -> memref<16384xf32, #tpu.memory_space<hbm>>
          %dma_wait3A_115 = arith.constant 0 : i32
          %dma_wait3A_116 = tpu.memref_slice %arg3[%dma_wait3A_115] : memref<32000000xf32, #tpu.memory_space<hbm>> -> memref<16384xf32, #tpu.memory_space<hbm>>
          tpu.wait_dma2 semaphore(%arg13 : memref<!tpu.dma_semaphore, #tpu.memory_space<semaphore_mem>>) src(%arg9 : memref<16384xf32, #tpu.memory_space<vmem>>) dst(%dma_wait3A_116 : memref<16384xf32, #tpu.memory_space<hbm>>)
        } else {
        }
        %eq3A_109 = arith.constant 1953 : i32
        %eq3A_110 = arith.cmpi eq, %add3A_68, %eq3A_109 : i32
        %convert_element_type3A_111 = arith.extui %eq3A_110 : i1 to i32
        %cond3A_112 = arith.constant 0 : i32
        %cond3A_113 = arith.cmpi ne, %convert_element_type3A_111, %cond3A_112 : i32
        scf.if %cond3A_113 {
          %dma_wait3A = arith.constant 0 : i32
          %dma_wait3A_114 = tpu.memref_slice %arg9[%dma_wait3A] : memref<16384xf32, #tpu.memory_space<vmem>> -> memref<2048xf32, #tpu.memory_space<vmem>>
          %dma_wait3A_115 = arith.constant 0 : i32
          %dma_wait3A_116 = tpu.memref_slice %arg3[%dma_wait3A_115] : memref<32000000xf32, #tpu.memory_space<hbm>> -> memref<2048xf32, #tpu.memory_space<hbm>>
          %dma_wait3A_117 = arith.constant 0 : i32
          %dma_wait3A_118 = tpu.memref_slice %arg3[%dma_wait3A_117] : memref<32000000xf32, #tpu.memory_space<hbm>> -> memref<2048xf32, #tpu.memory_space<hbm>>
          %dma_wait3A_119 = arith.constant 0 : i32
          %dma_wait3A_120 = tpu.memref_slice %arg9[%dma_wait3A_119] : memref<16384xf32, #tpu.memory_space<vmem>> -> memref<2048xf32, #tpu.memory_space<vmem>>
          tpu.wait_dma2 semaphore(%arg13 : memref<!tpu.dma_semaphore, #tpu.memory_space<semaphore_mem>>) src(%dma_wait3A_120 : memref<2048xf32, #tpu.memory_space<vmem>>) dst(%dma_wait3A_118 : memref<2048xf32, #tpu.memory_space<hbm>>)
        } else {
        }
      } else {
      }
      %lt3A_99 = arith.constant 1954 : i32
      %lt3A_100 = arith.cmpi slt, %add3A_48, %lt3A_99 : i32
      %convert_element_type3A_101 = arith.extui %lt3A_100 : i1 to i32
      %cond3A_102 = arith.constant 0 : i32
      %cond3A_103 = arith.cmpi ne, %convert_element_type3A_101, %cond3A_102 : i32
      scf.if %cond3A_103 {
        %lt3A_104 = arith.constant 1953 : i32
        %lt3A_105 = arith.cmpi slt, %add3A_48, %lt3A_104 : i32
        %convert_element_type3A_106 = arith.extui %lt3A_105 : i1 to i32
        %cond3A_107 = arith.constant 0 : i32
        %cond3A_108 = arith.cmpi ne, %convert_element_type3A_106, %cond3A_107 : i32
        scf.if %cond3A_108 {
          %dma_wait3A = arith.constant 0 : i32
          %dma_wait3A_136 = arith.constant 0 : i32
          %dma_wait3A_137 = arith.constant 0 : i32
          %dma_wait3A_138 = tpu.memref_slice %arg5[%dma_wait3A, %dma_wait3A_136, %dma_wait3A_137] : memref<4x8x512xf32, #tpu.memory_space<vmem>> -> memref<1x8x512xf32, #tpu.memory_space<vmem>>
          %dma_wait3A_139 = tpu.memref_squeeze %dma_wait3A_138 : memref<1x8x512xf32, #tpu.memory_space<vmem>> -> memref<8x512xf32, #tpu.memory_space<vmem>>
          %dma_wait3A_140 = arith.constant 0 : i32
          %dma_wait3A_141 = arith.constant 0 : i32
          %dma_wait3A_142 = tpu.memref_slice %arg2[%dma_wait3A_140, %dma_wait3A_141] : memref<32x1000000xf32, #tpu.memory_space<hbm>> -> memref<8x512xf32, #tpu.memory_space<hbm>>
          %dma_wait3A_143 = arith.constant 0 : i32
          %dma_wait3A_144 = arith.constant 0 : i32
          %dma_wait3A_145 = tpu.memref_slice %arg5[%dma_wait3A, %dma_wait3A_143, %dma_wait3A_144] : memref<4x8x512xf32, #tpu.memory_space<vmem>> -> memref<1x8x512xf32, #tpu.memory_space<vmem>>
          %dma_wait3A_146 = tpu.memref_squeeze %dma_wait3A_145 : memref<1x8x512xf32, #tpu.memory_space<vmem>> -> memref<8x512xf32, #tpu.memory_space<vmem>>
          %dma_wait3A_147 = arith.constant 0 : i32
          %dma_wait3A_148 = arith.constant 0 : i32
          %dma_wait3A_149 = tpu.memref_slice %arg2[%dma_wait3A_147, %dma_wait3A_148] : memref<32x1000000xf32, #tpu.memory_space<hbm>> -> memref<8x512xf32, #tpu.memory_space<hbm>>
          tpu.wait_dma2 semaphore(%arg11 : memref<!tpu.dma_semaphore, #tpu.memory_space<semaphore_mem>>) src(%dma_wait3A_149 : memref<8x512xf32, #tpu.memory_space<hbm>>) dst(%dma_wait3A_146 : memref<8x512xf32, #tpu.memory_space<vmem>>)
          %dma_wait3A_150 = arith.constant 1 : i32
          %dma_wait3A_151 = arith.constant 0 : i32
          %dma_wait3A_152 = arith.constant 0 : i32
          %dma_wait3A_153 = tpu.memref_slice %arg5[%dma_wait3A_150, %dma_wait3A_151, %dma_wait3A_152] : memref<4x8x512xf32, #tpu.memory_space<vmem>> -> memref<1x8x512xf32, #tpu.memory_space<vmem>>
          %dma_wait3A_154 = tpu.memref_squeeze %dma_wait3A_153 : memref<1x8x512xf32, #tpu.memory_space<vmem>> -> memref<8x512xf32, #tpu.memory_space<vmem>>
          %dma_wait3A_155 = arith.constant 0 : i32
          %dma_wait3A_156 = arith.constant 0 : i32
          %dma_wait3A_157 = tpu.memref_slice %arg2[%dma_wait3A_155, %dma_wait3A_156] : memref<32x1000000xf32, #tpu.memory_space<hbm>> -> memref<8x512xf32, #tpu.memory_space<hbm>>
          %dma_wait3A_158 = arith.constant 0 : i32
          %dma_wait3A_159 = arith.constant 0 : i32
          %dma_wait3A_160 = tpu.memref_slice %arg5[%dma_wait3A_150, %dma_wait3A_158, %dma_wait3A_159] : memref<4x8x512xf32, #tpu.memory_space<vmem>> -> memref<1x8x512xf32, #tpu.memory_space<vmem>>
          %dma_wait3A_161 = tpu.memref_squeeze %dma_wait3A_160 : memref<1x8x512xf32, #tpu.memory_space<vmem>> -> memref<8x512xf32, #tpu.memory_space<vmem>>
          %dma_wait3A_162 = arith.constant 0 : i32
          %dma_wait3A_163 = arith.constant 0 : i32
          %dma_wait3A_164 = tpu.memref_slice %arg2[%dma_wait3A_162, %dma_wait3A_163] : memref<32x1000000xf32, #tpu.memory_space<hbm>> -> memref<8x512xf32, #tpu.memory_space<hbm>>
          tpu.wait_dma2 semaphore(%arg11 : memref<!tpu.dma_semaphore, #tpu.memory_space<semaphore_mem>>) src(%dma_wait3A_164 : memref<8x512xf32, #tpu.memory_space<hbm>>) dst(%dma_wait3A_161 : memref<8x512xf32, #tpu.memory_space<vmem>>)
          %dma_wait3A_165 = arith.constant 2 : i32
          %dma_wait3A_166 = arith.constant 0 : i32
          %dma_wait3A_167 = arith.constant 0 : i32
          %dma_wait3A_168 = tpu.memref_slice %arg5[%dma_wait3A_165, %dma_wait3A_166, %dma_wait3A_167] : memref<4x8x512xf32, #tpu.memory_space<vmem>> -> memref<1x8x512xf32, #tpu.memory_space<vmem>>
          %dma_wait3A_169 = tpu.memref_squeeze %dma_wait3A_168 : memref<1x8x512xf32, #tpu.memory_space<vmem>> -> memref<8x512xf32, #tpu.memory_space<vmem>>
          %dma_wait3A_170 = arith.constant 0 : i32
          %dma_wait3A_171 = arith.constant 0 : i32
          %dma_wait3A_172 = tpu.memref_slice %arg2[%dma_wait3A_170, %dma_wait3A_171] : memref<32x1000000xf32, #tpu.memory_space<hbm>> -> memref<8x512xf32, #tpu.memory_space<hbm>>
          %dma_wait3A_173 = arith.constant 0 : i32
          %dma_wait3A_174 = arith.constant 0 : i32
          %dma_wait3A_175 = tpu.memref_slice %arg5[%dma_wait3A_165, %dma_wait3A_173, %dma_wait3A_174] : memref<4x8x512xf32, #tpu.memory_space<vmem>> -> memref<1x8x512xf32, #tpu.memory_space<vmem>>
          %dma_wait3A_176 = tpu.memref_squeeze %dma_wait3A_175 : memref<1x8x512xf32, #tpu.memory_space<vmem>> -> memref<8x512xf32, #tpu.memory_space<vmem>>
          %dma_wait3A_177 = arith.constant 0 : i32
          %dma_wait3A_178 = arith.constant 0 : i32
          %dma_wait3A_179 = tpu.memref_slice %arg2[%dma_wait3A_177, %dma_wait3A_178] : memref<32x1000000xf32, #tpu.memory_space<hbm>> -> memref<8x512xf32, #tpu.memory_space<hbm>>
          tpu.wait_dma2 semaphore(%arg11 : memref<!tpu.dma_semaphore, #tpu.memory_space<semaphore_mem>>) src(%dma_wait3A_179 : memref<8x512xf32, #tpu.memory_space<hbm>>) dst(%dma_wait3A_176 : memref<8x512xf32, #tpu.memory_space<vmem>>)
          %dma_wait3A_180 = arith.constant 3 : i32
          %dma_wait3A_181 = arith.constant 0 : i32
          %dma_wait3A_182 = arith.constant 0 : i32
          %dma_wait3A_183 = tpu.memref_slice %arg5[%dma_wait3A_180, %dma_wait3A_181, %dma_wait3A_182] : memref<4x8x512xf32, #tpu.memory_space<vmem>> -> memref<1x8x512xf32, #tpu.memory_space<vmem>>
          %dma_wait3A_184 = tpu.memref_squeeze %dma_wait3A_183 : memref<1x8x512xf32, #tpu.memory_space<vmem>> -> memref<8x512xf32, #tpu.memory_space<vmem>>
          %dma_wait3A_185 = arith.constant 0 : i32
          %dma_wait3A_186 = arith.constant 0 : i32
          %dma_wait3A_187 = tpu.memref_slice %arg2[%dma_wait3A_185, %dma_wait3A_186] : memref<32x1000000xf32, #tpu.memory_space<hbm>> -> memref<8x512xf32, #tpu.memory_space<hbm>>
          %dma_wait3A_188 = arith.constant 0 : i32
          %dma_wait3A_189 = arith.constant 0 : i32
          %dma_wait3A_190 = tpu.memref_slice %arg5[%dma_wait3A_180, %dma_wait3A_188, %dma_wait3A_189] : memref<4x8x512xf32, #tpu.memory_space<vmem>> -> memref<1x8x512xf32, #tpu.memory_space<vmem>>
          %dma_wait3A_191 = tpu.memref_squeeze %dma_wait3A_190 : memref<1x8x512xf32, #tpu.memory_space<vmem>> -> memref<8x512xf32, #tpu.memory_space<vmem>>
          %dma_wait3A_192 = arith.constant 0 : i32
          %dma_wait3A_193 = arith.constant 0 : i32
          %dma_wait3A_194 = tpu.memref_slice %arg2[%dma_wait3A_192, %dma_wait3A_193] : memref<32x1000000xf32, #tpu.memory_space<hbm>> -> memref<8x512xf32, #tpu.memory_space<hbm>>
          tpu.wait_dma2 semaphore(%arg11 : memref<!tpu.dma_semaphore, #tpu.memory_space<semaphore_mem>>) src(%dma_wait3A_194 : memref<8x512xf32, #tpu.memory_space<hbm>>) dst(%dma_wait3A_191 : memref<8x512xf32, #tpu.memory_space<vmem>>)
        } else {
        }
        %eq3A_109 = arith.constant 1953 : i32
        %eq3A_110 = arith.cmpi eq, %add3A_48, %eq3A_109 : i32
        %convert_element_type3A_111 = arith.extui %eq3A_110 : i1 to i32
        %cond3A_112 = arith.constant 0 : i32
        %cond3A_113 = arith.cmpi ne, %convert_element_type3A_111, %cond3A_112 : i32
        scf.if %cond3A_113 {
          %dma_wait3A = arith.constant 0 : i32
          %dma_wait3A_136 = arith.constant 0 : i32
          %dma_wait3A_137 = arith.constant 0 : i32
          %dma_wait3A_138 = tpu.memref_slice %arg5[%dma_wait3A, %dma_wait3A_136, %dma_wait3A_137] : memref<4x8x512xf32, #tpu.memory_space<vmem>> -> memref<1x8x128xf32, #tpu.memory_space<vmem>>
          %dma_wait3A_139 = tpu.memref_squeeze %dma_wait3A_138 : memref<1x8x128xf32, #tpu.memory_space<vmem>> -> memref<8x128xf32, #tpu.memory_space<vmem>>
          %dma_wait3A_140 = arith.constant 0 : i32
          %dma_wait3A_141 = arith.constant 0 : i32
          %dma_wait3A_142 = tpu.memref_slice %arg2[%dma_wait3A_140, %dma_wait3A_141] : memref<32x1000000xf32, #tpu.memory_space<hbm>> -> memref<8x128xf32, #tpu.memory_space<hbm>>
          %dma_wait3A_143 = arith.constant 0 : i32
          %dma_wait3A_144 = arith.constant 0 : i32
          %dma_wait3A_145 = tpu.memref_slice %arg5[%dma_wait3A, %dma_wait3A_143, %dma_wait3A_144] : memref<4x8x512xf32, #tpu.memory_space<vmem>> -> memref<1x8x128xf32, #tpu.memory_space<vmem>>
          %dma_wait3A_146 = tpu.memref_squeeze %dma_wait3A_145 : memref<1x8x128xf32, #tpu.memory_space<vmem>> -> memref<8x128xf32, #tpu.memory_space<vmem>>
          %dma_wait3A_147 = arith.constant 0 : i32
          %dma_wait3A_148 = arith.constant 0 : i32
          %dma_wait3A_149 = tpu.memref_slice %arg2[%dma_wait3A_147, %dma_wait3A_148] : memref<32x1000000xf32, #tpu.memory_space<hbm>> -> memref<8x128xf32, #tpu.memory_space<hbm>>
          tpu.wait_dma2 semaphore(%arg11 : memref<!tpu.dma_semaphore, #tpu.memory_space<semaphore_mem>>) src(%dma_wait3A_149 : memref<8x128xf32, #tpu.memory_space<hbm>>) dst(%dma_wait3A_146 : memref<8x128xf32, #tpu.memory_space<vmem>>)
          %dma_wait3A_150 = arith.constant 1 : i32
          %dma_wait3A_151 = arith.constant 0 : i32
          %dma_wait3A_152 = arith.constant 0 : i32
          %dma_wait3A_153 = tpu.memref_slice %arg5[%dma_wait3A_150, %dma_wait3A_151, %dma_wait3A_152] : memref<4x8x512xf32, #tpu.memory_space<vmem>> -> memref<1x8x128xf32, #tpu.memory_space<vmem>>
          %dma_wait3A_154 = tpu.memref_squeeze %dma_wait3A_153 : memref<1x8x128xf32, #tpu.memory_space<vmem>> -> memref<8x128xf32, #tpu.memory_space<vmem>>
          %dma_wait3A_155 = arith.constant 0 : i32
          %dma_wait3A_156 = arith.constant 0 : i32
          %dma_wait3A_157 = tpu.memref_slice %arg2[%dma_wait3A_155, %dma_wait3A_156] : memref<32x1000000xf32, #tpu.memory_space<hbm>> -> memref<8x128xf32, #tpu.memory_space<hbm>>
          %dma_wait3A_158 = arith.constant 0 : i32
          %dma_wait3A_159 = arith.constant 0 : i32
          %dma_wait3A_160 = tpu.memref_slice %arg5[%dma_wait3A_150, %dma_wait3A_158, %dma_wait3A_159] : memref<4x8x512xf32, #tpu.memory_space<vmem>> -> memref<1x8x128xf32, #tpu.memory_space<vmem>>
          %dma_wait3A_161 = tpu.memref_squeeze %dma_wait3A_160 : memref<1x8x128xf32, #tpu.memory_space<vmem>> -> memref<8x128xf32, #tpu.memory_space<vmem>>
          %dma_wait3A_162 = arith.constant 0 : i32
          %dma_wait3A_163 = arith.constant 0 : i32
          %dma_wait3A_164 = tpu.memref_slice %arg2[%dma_wait3A_162, %dma_wait3A_163] : memref<32x1000000xf32, #tpu.memory_space<hbm>> -> memref<8x128xf32, #tpu.memory_space<hbm>>
          tpu.wait_dma2 semaphore(%arg11 : memref<!tpu.dma_semaphore, #tpu.memory_space<semaphore_mem>>) src(%dma_wait3A_164 : memref<8x128xf32, #tpu.memory_space<hbm>>) dst(%dma_wait3A_161 : memref<8x128xf32, #tpu.memory_space<vmem>>)
          %dma_wait3A_165 = arith.constant 2 : i32
          %dma_wait3A_166 = arith.constant 0 : i32
          %dma_wait3A_167 = arith.constant 0 : i32
          %dma_wait3A_168 = tpu.memref_slice %arg5[%dma_wait3A_165, %dma_wait3A_166, %dma_wait3A_167] : memref<4x8x512xf32, #tpu.memory_space<vmem>> -> memref<1x8x128xf32, #tpu.memory_space<vmem>>
          %dma_wait3A_169 = tpu.memref_squeeze %dma_wait3A_168 : memref<1x8x128xf32, #tpu.memory_space<vmem>> -> memref<8x128xf32, #tpu.memory_space<vmem>>
          %dma_wait3A_170 = arith.constant 0 : i32
          %dma_wait3A_171 = arith.constant 0 : i32
          %dma_wait3A_172 = tpu.memref_slice %arg2[%dma_wait3A_170, %dma_wait3A_171] : memref<32x1000000xf32, #tpu.memory_space<hbm>> -> memref<8x128xf32, #tpu.memory_space<hbm>>
          %dma_wait3A_173 = arith.constant 0 : i32
          %dma_wait3A_174 = arith.constant 0 : i32
          %dma_wait3A_175 = tpu.memref_slice %arg5[%dma_wait3A_165, %dma_wait3A_173, %dma_wait3A_174] : memref<4x8x512xf32, #tpu.memory_space<vmem>> -> memref<1x8x128xf32, #tpu.memory_space<vmem>>
          %dma_wait3A_176 = tpu.memref_squeeze %dma_wait3A_175 : memref<1x8x128xf32, #tpu.memory_space<vmem>> -> memref<8x128xf32, #tpu.memory_space<vmem>>
          %dma_wait3A_177 = arith.constant 0 : i32
          %dma_wait3A_178 = arith.constant 0 : i32
          %dma_wait3A_179 = tpu.memref_slice %arg2[%dma_wait3A_177, %dma_wait3A_178] : memref<32x1000000xf32, #tpu.memory_space<hbm>> -> memref<8x128xf32, #tpu.memory_space<hbm>>
          tpu.wait_dma2 semaphore(%arg11 : memref<!tpu.dma_semaphore, #tpu.memory_space<semaphore_mem>>) src(%dma_wait3A_179 : memref<8x128xf32, #tpu.memory_space<hbm>>) dst(%dma_wait3A_176 : memref<8x128xf32, #tpu.memory_space<vmem>>)
          %dma_wait3A_180 = arith.constant 3 : i32
          %dma_wait3A_181 = arith.constant 0 : i32
          %dma_wait3A_182 = arith.constant 0 : i32
          %dma_wait3A_183 = tpu.memref_slice %arg5[%dma_wait3A_180, %dma_wait3A_181, %dma_wait3A_182] : memref<4x8x512xf32, #tpu.memory_space<vmem>> -> memref<1x8x128xf32, #tpu.memory_space<vmem>>
          %dma_wait3A_184 = tpu.memref_squeeze %dma_wait3A_183 : memref<1x8x128xf32, #tpu.memory_space<vmem>> -> memref<8x128xf32, #tpu.memory_space<vmem>>
          %dma_wait3A_185 = arith.constant 0 : i32
          %dma_wait3A_186 = arith.constant 0 : i32
          %dma_wait3A_187 = tpu.memref_slice %arg2[%dma_wait3A_185, %dma_wait3A_186] : memref<32x1000000xf32, #tpu.memory_space<hbm>> -> memref<8x128xf32, #tpu.memory_space<hbm>>
          %dma_wait3A_188 = arith.constant 0 : i32
          %dma_wait3A_189 = arith.constant 0 : i32
          %dma_wait3A_190 = tpu.memref_slice %arg5[%dma_wait3A_180, %dma_wait3A_188, %dma_wait3A_189] : memref<4x8x512xf32, #tpu.memory_space<vmem>> -> memref<1x8x128xf32, #tpu.memory_space<vmem>>
          %dma_wait3A_191 = tpu.memref_squeeze %dma_wait3A_190 : memref<1x8x128xf32, #tpu.memory_space<vmem>> -> memref<8x128xf32, #tpu.memory_space<vmem>>
          %dma_wait3A_192 = arith.constant 0 : i32
          %dma_wait3A_193 = arith.constant 0 : i32
          %dma_wait3A_194 = tpu.memref_slice %arg2[%dma_wait3A_192, %dma_wait3A_193] : memref<32x1000000xf32, #tpu.memory_space<hbm>> -> memref<8x128xf32, #tpu.memory_space<hbm>>
          tpu.wait_dma2 semaphore(%arg11 : memref<!tpu.dma_semaphore, #tpu.memory_space<semaphore_mem>>) src(%dma_wait3A_194 : memref<8x128xf32, #tpu.memory_space<hbm>>) dst(%dma_wait3A_191 : memref<8x128xf32, #tpu.memory_space<vmem>>)
        } else {
        }
        %scan3A_114 = arith.constant 0 : i32
        %scan3A_115 = arith.constant 0 : i32
        %scan3A_116 = arith.constant 32 : i32
        %scan3A_117 = arith.addi %scan3A_115, %scan3A_116 : i32
        %scan3A_118 = arith.constant 1 : i32
        scf.for %scan3A_136 = %scan3A_115 to %scan3A_117 step %scan3A_118  : i32 {
          %mul3A_137 = arith.constant 16 : i32
          %mul3A_138 = arith.muli %scan3A_136, %mul3A_137 : i32
          %mul3A_139 = arith.constant 33 : i32
          %mul3A_140 = arith.muli %mul3A_138, %mul3A_139 : i32
          %mul3A_141 = arith.constant 16 : i32
          %mul3A_142 = arith.muli %scan3A_136, %mul3A_141 : i32
          %get3A = arith.constant 0 : i32
          %get3A_143 = arith.constant 0 : i32
          %get3A_144 = arith.index_cast %get3A : i32 to index
          %get3A_145 = arith.index_cast %get3A_143 : i32 to index
          %get3A_146 = arith.index_cast %mul3A_142 : i32 to index
          %get3A_147 = tpu.vector_load %arg5[%get3A_144, %get3A_145, %get3A_146] {strides = array<i32>} : memref<4x8x512xf32, #tpu.memory_space<vmem>>, vector<16xf32>,
          %add3A_148 = arith.constant 0 : i32
          %add3A_149 = arith.addi %mul3A_140, %add3A_148 : i32
          %add3A_150 = arith.constant 0 : i32
          %add3A_151 = arith.addi %add3A_149, %add3A_150 : i32
          %add3A_152 = vector.broadcast %add3A_151 : i32 to vector<16xi32>
          %add3A_153 = arith.addi %mul3A_10, %add3A_152 : vector<16xi32>
          tpu.vector_store_idx %arg7[%add3A_153], %get3A_147 : memref<16896xf32, #tpu.memory_space<vmem>>[vector<16xi32>], vector<16xf32>,
          %mul3A_154 = arith.constant 16 : i32
          %mul3A_155 = arith.muli %scan3A_136, %mul3A_154 : i32
          %get3A_156 = arith.constant 0 : i32
          %get3A_157 = arith.constant 1 : i32
          %get3A_158 = arith.index_cast %get3A_156 : i32 to index
          %get3A_159 = arith.index_cast %get3A_157 : i32 to index
          %get3A_160 = arith.index_cast %mul3A_155 : i32 to index
          %get3A_161 = tpu.vector_load %arg5[%get3A_158, %get3A_159, %get3A_160] {strides = array<i32>} : memref<4x8x512xf32, #tpu.memory_space<vmem>>, vector<16xf32>,
          %add3A_162 = arith.constant 0 : i32
          %add3A_163 = arith.addi %mul3A_140, %add3A_162 : i32
          %add3A_164 = arith.constant 1 : i32
          %add3A_165 = arith.addi %add3A_163, %add3A_164 : i32
          %add3A_166 = vector.broadcast %add3A_165 : i32 to vector<16xi32>
          %add3A_167 = arith.addi %mul3A_10, %add3A_166 : vector<16xi32>
          tpu.vector_store_idx %arg7[%add3A_167], %get3A_161 : memref<16896xf32, #tpu.memory_space<vmem>>[vector<16xi32>], vector<16xf32>,
          %mul3A_168 = arith.constant 16 : i32
          %mul3A_169 = arith.muli %scan3A_136, %mul3A_168 : i32
          %get3A_170 = arith.constant 0 : i32
          %get3A_171 = arith.constant 2 : i32
          %get3A_172 = arith.index_cast %get3A_170 : i32 to index
          %get3A_173 = arith.index_cast %get3A_171 : i32 to index
          %get3A_174 = arith.index_cast %mul3A_169 : i32 to index
          %get3A_175 = tpu.vector_load %arg5[%get3A_172, %get3A_173, %get3A_174] {strides = array<i32>} : memref<4x8x512xf32, #tpu.memory_space<vmem>>, vector<16xf32>,
          %add3A_176 = arith.constant 0 : i32
          %add3A_177 = arith.addi %mul3A_140, %add3A_176 : i32
          %add3A_178 = arith.constant 2 : i32
          %add3A_179 = arith.addi %add3A_177, %add3A_178 : i32
          %add3A_180 = vector.broadcast %add3A_179 : i32 to vector<16xi32>
          %add3A_181 = arith.addi %mul3A_10, %add3A_180 : vector<16xi32>
          tpu.vector_store_idx %arg7[%add3A_181], %get3A_175 : memref<16896xf32, #tpu.memory_space<vmem>>[vector<16xi32>], vector<16xf32>,
          %mul3A_182 = arith.constant 16 : i32
          %mul3A_183 = arith.muli %scan3A_136, %mul3A_182 : i32
          %get3A_184 = arith.constant 0 : i32
          %get3A_185 = arith.constant 3 : i32
          %get3A_186 = arith.index_cast %get3A_184 : i32 to index
          %get3A_187 = arith.index_cast %get3A_185 : i32 to index
          %get3A_188 = arith.index_cast %mul3A_183 : i32 to index
          %get3A_189 = tpu.vector_load %arg5[%get3A_186, %get3A_187, %get3A_188] {strides = array<i32>} : memref<4x8x512xf32, #tpu.memory_space<vmem>>, vector<16xf32>,
          %add3A_190 = arith.constant 0 : i32
          %add3A_191 = arith.addi %mul3A_140, %add3A_190 : i32
          %add3A_192 = arith.constant 3 : i32
          %add3A_193 = arith.addi %add3A_191, %add3A_192 : i32
          %add3A_194 = vector.broadcast %add3A_193 : i32 to vector<16xi32>
          %add3A_195 = arith.addi %mul3A_10, %add3A_194 : vector<16xi32>
          tpu.vector_store_idx %arg7[%add3A_195], %get3A_189 : memref<16896xf32, #tpu.memory_space<vmem>>[vector<16xi32>], vector<16xf32>,
          %mul3A_196 = arith.constant 16 : i32
          %mul3A_197 = arith.muli %scan3A_136, %mul3A_196 : i32
          %get3A_198 = arith.constant 0 : i32
          %get3A_199 = arith.constant 4 : i32
          %get3A_200 = arith.index_cast %get3A_198 : i32 to index
          %get3A_201 = arith.index_cast %get3A_199 : i32 to index
          %get3A_202 = arith.index_cast %mul3A_197 : i32 to index
          %get3A_203 = tpu.vector_load %arg5[%get3A_200, %get3A_201, %get3A_202] {strides = array<i32>} : memref<4x8x512xf32, #tpu.memory_space<vmem>>, vector<16xf32>,
          %add3A_204 = arith.constant 0 : i32
          %add3A_205 = arith.addi %mul3A_140, %add3A_204 : i32
          %add3A_206 = arith.constant 4 : i32
          %add3A_207 = arith.addi %add3A_205, %add3A_206 : i32
          %add3A_208 = vector.broadcast %add3A_207 : i32 to vector<16xi32>
          %add3A_209 = arith.addi %mul3A_10, %add3A_208 : vector<16xi32>
          tpu.vector_store_idx %arg7[%add3A_209], %get3A_203 : memref<16896xf32, #tpu.memory_space<vmem>>[vector<16xi32>], vector<16xf32>,
          %mul3A_210 = arith.constant 16 : i32
          %mul3A_211 = arith.muli %scan3A_136, %mul3A_210 : i32
          %get3A_212 = arith.constant 0 : i32
          %get3A_213 = arith.constant 5 : i32
          %get3A_214 = arith.index_cast %get3A_212 : i32 to index
          %get3A_215 = arith.index_cast %get3A_213 : i32 to index
          %get3A_216 = arith.index_cast %mul3A_211 : i32 to index
          %get3A_217 = tpu.vector_load %arg5[%get3A_214, %get3A_215, %get3A_216] {strides = array<i32>} : memref<4x8x512xf32, #tpu.memory_space<vmem>>, vector<16xf32>,
          %add3A_218 = arith.constant 0 : i32
          %add3A_219 = arith.addi %mul3A_140, %add3A_218 : i32
          %add3A_220 = arith.constant 5 : i32
          %add3A_221 = arith.addi %add3A_219, %add3A_220 : i32
          %add3A_222 = vector.broadcast %add3A_221 : i32 to vector<16xi32>
          %add3A_223 = arith.addi %mul3A_10, %add3A_222 : vector<16xi32>
          tpu.vector_store_idx %arg7[%add3A_223], %get3A_217 : memref<16896xf32, #tpu.memory_space<vmem>>[vector<16xi32>], vector<16xf32>,
          %mul3A_224 = arith.constant 16 : i32
          %mul3A_225 = arith.muli %scan3A_136, %mul3A_224 : i32
          %get3A_226 = arith.constant 0 : i32
          %get3A_227 = arith.constant 6 : i32
          %get3A_228 = arith.index_cast %get3A_226 : i32 to index
          %get3A_229 = arith.index_cast %get3A_227 : i32 to index
          %get3A_230 = arith.index_cast %mul3A_225 : i32 to index
          %get3A_231 = tpu.vector_load %arg5[%get3A_228, %get3A_229, %get3A_230] {strides = array<i32>} : memref<4x8x512xf32, #tpu.memory_space<vmem>>, vector<16xf32>,
          %add3A_232 = arith.constant 0 : i32
          %add3A_233 = arith.addi %mul3A_140, %add3A_232 : i32
          %add3A_234 = arith.constant 6 : i32
          %add3A_235 = arith.addi %add3A_233, %add3A_234 : i32
          %add3A_236 = vector.broadcast %add3A_235 : i32 to vector<16xi32>
          %add3A_237 = arith.addi %mul3A_10, %add3A_236 : vector<16xi32>
          tpu.vector_store_idx %arg7[%add3A_237], %get3A_231 : memref<16896xf32, #tpu.memory_space<vmem>>[vector<16xi32>], vector<16xf32>,
          %mul3A_238 = arith.constant 16 : i32
          %mul3A_239 = arith.muli %scan3A_136, %mul3A_238 : i32
          %get3A_240 = arith.constant 0 : i32
          %get3A_241 = arith.constant 7 : i32
          %get3A_242 = arith.index_cast %get3A_240 : i32 to index
          %get3A_243 = arith.index_cast %get3A_241 : i32 to index
          %get3A_244 = arith.index_cast %mul3A_239 : i32 to index
          %get3A_245 = tpu.vector_load %arg5[%get3A_242, %get3A_243, %get3A_244] {strides = array<i32>} : memref<4x8x512xf32, #tpu.memory_space<vmem>>, vector<16xf32>,
          %add3A_246 = arith.constant 0 : i32
          %add3A_247 = arith.addi %mul3A_140, %add3A_246 : i32
          %add3A_248 = arith.constant 7 : i32
          %add3A_249 = arith.addi %add3A_247, %add3A_248 : i32
          %add3A_250 = vector.broadcast %add3A_249 : i32 to vector<16xi32>
          %add3A_251 = arith.addi %mul3A_10, %add3A_250 : vector<16xi32>
          tpu.vector_store_idx %arg7[%add3A_251], %get3A_245 : memref<16896xf32, #tpu.memory_space<vmem>>[vector<16xi32>], vector<16xf32>,
          %mul3A_252 = arith.constant 16 : i32
          %mul3A_253 = arith.muli %scan3A_136, %mul3A_252 : i32
          %get3A_254 = arith.constant 1 : i32
          %get3A_255 = arith.constant 0 : i32
          %get3A_256 = arith.index_cast %get3A_254 : i32 to index
          %get3A_257 = arith.index_cast %get3A_255 : i32 to index
          %get3A_258 = arith.index_cast %mul3A_253 : i32 to index
          %get3A_259 = tpu.vector_load %arg5[%get3A_256, %get3A_257, %get3A_258] {strides = array<i32>} : memref<4x8x512xf32, #tpu.memory_space<vmem>>, vector<16xf32>,
          %add3A_260 = arith.constant 8 : i32
          %add3A_261 = arith.addi %mul3A_140, %add3A_260 : i32
          %add3A_262 = arith.constant 0 : i32
          %add3A_263 = arith.addi %add3A_261, %add3A_262 : i32
          %add3A_264 = vector.broadcast %add3A_263 : i32 to vector<16xi32>
          %add3A_265 = arith.addi %mul3A_10, %add3A_264 : vector<16xi32>
          tpu.vector_store_idx %arg7[%add3A_265], %get3A_259 : memref<16896xf32, #tpu.memory_space<vmem>>[vector<16xi32>], vector<16xf32>,
          %mul3A_266 = arith.constant 16 : i32
          %mul3A_267 = arith.muli %scan3A_136, %mul3A_266 : i32
          %get3A_268 = arith.constant 1 : i32
          %get3A_269 = arith.constant 1 : i32
          %get3A_270 = arith.index_cast %get3A_268 : i32 to index
          %get3A_271 = arith.index_cast %get3A_269 : i32 to index
          %get3A_272 = arith.index_cast %mul3A_267 : i32 to index
          %get3A_273 = tpu.vector_load %arg5[%get3A_270, %get3A_271, %get3A_272] {strides = array<i32>} : memref<4x8x512xf32, #tpu.memory_space<vmem>>, vector<16xf32>,
          %add3A_274 = arith.constant 8 : i32
          %add3A_275 = arith.addi %mul3A_140, %add3A_274 : i32
          %add3A_276 = arith.constant 1 : i32
          %add3A_277 = arith.addi %add3A_275, %add3A_276 : i32
          %add3A_278 = vector.broadcast %add3A_277 : i32 to vector<16xi32>
          %add3A_279 = arith.addi %mul3A_10, %add3A_278 : vector<16xi32>
          tpu.vector_store_idx %arg7[%add3A_279], %get3A_273 : memref<16896xf32, #tpu.memory_space<vmem>>[vector<16xi32>], vector<16xf32>,
          %mul3A_280 = arith.constant 16 : i32
          %mul3A_281 = arith.muli %scan3A_136, %mul3A_280 : i32
          %get3A_282 = arith.constant 1 : i32
          %get3A_283 = arith.constant 2 : i32
          %get3A_284 = arith.index_cast %get3A_282 : i32 to index
          %get3A_285 = arith.index_cast %get3A_283 : i32 to index
          %get3A_286 = arith.index_cast %mul3A_281 : i32 to index
          %get3A_287 = tpu.vector_load %arg5[%get3A_284, %get3A_285, %get3A_286] {strides = array<i32>} : memref<4x8x512xf32, #tpu.memory_space<vmem>>, vector<16xf32>,
          %add3A_288 = arith.constant 8 : i32
          %add3A_289 = arith.addi %mul3A_140, %add3A_288 : i32
          %add3A_290 = arith.constant 2 : i32
          %add3A_291 = arith.addi %add3A_289, %add3A_290 : i32
          %add3A_292 = vector.broadcast %add3A_291 : i32 to vector<16xi32>
          %add3A_293 = arith.addi %mul3A_10, %add3A_292 : vector<16xi32>
          tpu.vector_store_idx %arg7[%add3A_293], %get3A_287 : memref<16896xf32, #tpu.memory_space<vmem>>[vector<16xi32>], vector<16xf32>,
          %mul3A_294 = arith.constant 16 : i32
          %mul3A_295 = arith.muli %scan3A_136, %mul3A_294 : i32
          %get3A_296 = arith.constant 1 : i32
          %get3A_297 = arith.constant 3 : i32
          %get3A_298 = arith.index_cast %get3A_296 : i32 to index
          %get3A_299 = arith.index_cast %get3A_297 : i32 to index
          %get3A_300 = arith.index_cast %mul3A_295 : i32 to index
          %get3A_301 = tpu.vector_load %arg5[%get3A_298, %get3A_299, %get3A_300] {strides = array<i32>} : memref<4x8x512xf32, #tpu.memory_space<vmem>>, vector<16xf32>,
          %add3A_302 = arith.constant 8 : i32
          %add3A_303 = arith.addi %mul3A_140, %add3A_302 : i32
          %add3A_304 = arith.constant 3 : i32
          %add3A_305 = arith.addi %add3A_303, %add3A_304 : i32
          %add3A_306 = vector.broadcast %add3A_305 : i32 to vector<16xi32>
          %add3A_307 = arith.addi %mul3A_10, %add3A_306 : vector<16xi32>
          tpu.vector_store_idx %arg7[%add3A_307], %get3A_301 : memref<16896xf32, #tpu.memory_space<vmem>>[vector<16xi32>], vector<16xf32>,
          %mul3A_308 = arith.constant 16 : i32
          %mul3A_309 = arith.muli %scan3A_136, %mul3A_308 : i32
          %get3A_310 = arith.constant 1 : i32
          %get3A_311 = arith.constant 4 : i32
          %get3A_312 = arith.index_cast %get3A_310 : i32 to index
          %get3A_313 = arith.index_cast %get3A_311 : i32 to index
          %get3A_314 = arith.index_cast %mul3A_309 : i32 to index
          %get3A_315 = tpu.vector_load %arg5[%get3A_312, %get3A_313, %get3A_314] {strides = array<i32>} : memref<4x8x512xf32, #tpu.memory_space<vmem>>, vector<16xf32>,
          %add3A_316 = arith.constant 8 : i32
          %add3A_317 = arith.addi %mul3A_140, %add3A_316 : i32
          %add3A_318 = arith.constant 4 : i32
          %add3A_319 = arith.addi %add3A_317, %add3A_318 : i32
          %add3A_320 = vector.broadcast %add3A_319 : i32 to vector<16xi32>
          %add3A_321 = arith.addi %mul3A_10, %add3A_320 : vector<16xi32>
          tpu.vector_store_idx %arg7[%add3A_321], %get3A_315 : memref<16896xf32, #tpu.memory_space<vmem>>[vector<16xi32>], vector<16xf32>,
          %mul3A_322 = arith.constant 16 : i32
          %mul3A_323 = arith.muli %scan3A_136, %mul3A_322 : i32
          %get3A_324 = arith.constant 1 : i32
          %get3A_325 = arith.constant 5 : i32
          %get3A_326 = arith.index_cast %get3A_324 : i32 to index
          %get3A_327 = arith.index_cast %get3A_325 : i32 to index
          %get3A_328 = arith.index_cast %mul3A_323 : i32 to index
          %get3A_329 = tpu.vector_load %arg5[%get3A_326, %get3A_327, %get3A_328] {strides = array<i32>} : memref<4x8x512xf32, #tpu.memory_space<vmem>>, vector<16xf32>,
          %add3A_330 = arith.constant 8 : i32
          %add3A_331 = arith.addi %mul3A_140, %add3A_330 : i32
          %add3A_332 = arith.constant 5 : i32
          %add3A_333 = arith.addi %add3A_331, %add3A_332 : i32
          %add3A_334 = vector.broadcast %add3A_333 : i32 to vector<16xi32>
          %add3A_335 = arith.addi %mul3A_10, %add3A_334 : vector<16xi32>
          tpu.vector_store_idx %arg7[%add3A_335], %get3A_329 : memref<16896xf32, #tpu.memory_space<vmem>>[vector<16xi32>], vector<16xf32>,
          %mul3A_336 = arith.constant 16 : i32
          %mul3A_337 = arith.muli %scan3A_136, %mul3A_336 : i32
          %get3A_338 = arith.constant 1 : i32
          %get3A_339 = arith.constant 6 : i32
          %get3A_340 = arith.index_cast %get3A_338 : i32 to index
          %get3A_341 = arith.index_cast %get3A_339 : i32 to index
          %get3A_342 = arith.index_cast %mul3A_337 : i32 to index
          %get3A_343 = tpu.vector_load %arg5[%get3A_340, %get3A_341, %get3A_342] {strides = array<i32>} : memref<4x8x512xf32, #tpu.memory_space<vmem>>, vector<16xf32>,
          %add3A_344 = arith.constant 8 : i32
          %add3A_345 = arith.addi %mul3A_140, %add3A_344 : i32
          %add3A_346 = arith.constant 6 : i32
          %add3A_347 = arith.addi %add3A_345, %add3A_346 : i32
          %add3A_348 = vector.broadcast %add3A_347 : i32 to vector<16xi32>
          %add3A_349 = arith.addi %mul3A_10, %add3A_348 : vector<16xi32>
          tpu.vector_store_idx %arg7[%add3A_349], %get3A_343 : memref<16896xf32, #tpu.memory_space<vmem>>[vector<16xi32>], vector<16xf32>,
          %mul3A_350 = arith.constant 16 : i32
          %mul3A_351 = arith.muli %scan3A_136, %mul3A_350 : i32
          %get3A_352 = arith.constant 1 : i32
          %get3A_353 = arith.constant 7 : i32
          %get3A_354 = arith.index_cast %get3A_352 : i32 to index
          %get3A_355 = arith.index_cast %get3A_353 : i32 to index
          %get3A_356 = arith.index_cast %mul3A_351 : i32 to index
          %get3A_357 = tpu.vector_load %arg5[%get3A_354, %get3A_355, %get3A_356] {strides = array<i32>} : memref<4x8x512xf32, #tpu.memory_space<vmem>>, vector<16xf32>,
          %add3A_358 = arith.constant 8 : i32
          %add3A_359 = arith.addi %mul3A_140, %add3A_358 : i32
          %add3A_360 = arith.constant 7 : i32
          %add3A_361 = arith.addi %add3A_359, %add3A_360 : i32
          %add3A_362 = vector.broadcast %add3A_361 : i32 to vector<16xi32>
          %add3A_363 = arith.addi %mul3A_10, %add3A_362 : vector<16xi32>
          tpu.vector_store_idx %arg7[%add3A_363], %get3A_357 : memref<16896xf32, #tpu.memory_space<vmem>>[vector<16xi32>], vector<16xf32>,
          %mul3A_364 = arith.constant 16 : i32
          %mul3A_365 = arith.muli %scan3A_136, %mul3A_364 : i32
          %get3A_366 = arith.constant 2 : i32
          %get3A_367 = arith.constant 0 : i32
          %get3A_368 = arith.index_cast %get3A_366 : i32 to index
          %get3A_369 = arith.index_cast %get3A_367 : i32 to index
          %get3A_370 = arith.index_cast %mul3A_365 : i32 to index
          %get3A_371 = tpu.vector_load %arg5[%get3A_368, %get3A_369, %get3A_370] {strides = array<i32>} : memref<4x8x512xf32, #tpu.memory_space<vmem>>, vector<16xf32>,
          %add3A_372 = arith.constant 16 : i32
          %add3A_373 = arith.addi %mul3A_140, %add3A_372 : i32
          %add3A_374 = arith.constant 0 : i32
          %add3A_375 = arith.addi %add3A_373, %add3A_374 : i32
          %add3A_376 = vector.broadcast %add3A_375 : i32 to vector<16xi32>
          %add3A_377 = arith.addi %mul3A_10, %add3A_376 : vector<16xi32>
          tpu.vector_store_idx %arg7[%add3A_377], %get3A_371 : memref<16896xf32, #tpu.memory_space<vmem>>[vector<16xi32>], vector<16xf32>,
          %mul3A_378 = arith.constant 16 : i32
          %mul3A_379 = arith.muli %scan3A_136, %mul3A_378 : i32
          %get3A_380 = arith.constant 2 : i32
          %get3A_381 = arith.constant 1 : i32
          %get3A_382 = arith.index_cast %get3A_380 : i32 to index
          %get3A_383 = arith.index_cast %get3A_381 : i32 to index
          %get3A_384 = arith.index_cast %mul3A_379 : i32 to index
          %get3A_385 = tpu.vector_load %arg5[%get3A_382, %get3A_383, %get3A_384] {strides = array<i32>} : memref<4x8x512xf32, #tpu.memory_space<vmem>>, vector<16xf32>,
          %add3A_386 = arith.constant 16 : i32
          %add3A_387 = arith.addi %mul3A_140, %add3A_386 : i32
          %add3A_388 = arith.constant 1 : i32
          %add3A_389 = arith.addi %add3A_387, %add3A_388 : i32
          %add3A_390 = vector.broadcast %add3A_389 : i32 to vector<16xi32>
          %add3A_391 = arith.addi %mul3A_10, %add3A_390 : vector<16xi32>
          tpu.vector_store_idx %arg7[%add3A_391], %get3A_385 : memref<16896xf32, #tpu.memory_space<vmem>>[vector<16xi32>], vector<16xf32>,
          %mul3A_392 = arith.constant 16 : i32
          %mul3A_393 = arith.muli %scan3A_136, %mul3A_392 : i32
          %get3A_394 = arith.constant 2 : i32
          %get3A_395 = arith.constant 2 : i32
          %get3A_396 = arith.index_cast %get3A_394 : i32 to index
          %get3A_397 = arith.index_cast %get3A_395 : i32 to index
          %get3A_398 = arith.index_cast %mul3A_393 : i32 to index
          %get3A_399 = tpu.vector_load %arg5[%get3A_396, %get3A_397, %get3A_398] {strides = array<i32>} : memref<4x8x512xf32, #tpu.memory_space<vmem>>, vector<16xf32>,
          %add3A_400 = arith.constant 16 : i32
          %add3A_401 = arith.addi %mul3A_140, %add3A_400 : i32
          %add3A_402 = arith.constant 2 : i32
          %add3A_403 = arith.addi %add3A_401, %add3A_402 : i32
          %add3A_404 = vector.broadcast %add3A_403 : i32 to vector<16xi32>
          %add3A_405 = arith.addi %mul3A_10, %add3A_404 : vector<16xi32>
          tpu.vector_store_idx %arg7[%add3A_405], %get3A_399 : memref<16896xf32, #tpu.memory_space<vmem>>[vector<16xi32>], vector<16xf32>,
          %mul3A_406 = arith.constant 16 : i32
          %mul3A_407 = arith.muli %scan3A_136, %mul3A_406 : i32
          %get3A_408 = arith.constant 2 : i32
          %get3A_409 = arith.constant 3 : i32
          %get3A_410 = arith.index_cast %get3A_408 : i32 to index
          %get3A_411 = arith.index_cast %get3A_409 : i32 to index
          %get3A_412 = arith.index_cast %mul3A_407 : i32 to index
          %get3A_413 = tpu.vector_load %arg5[%get3A_410, %get3A_411, %get3A_412] {strides = array<i32>} : memref<4x8x512xf32, #tpu.memory_space<vmem>>, vector<16xf32>,
          %add3A_414 = arith.constant 16 : i32
          %add3A_415 = arith.addi %mul3A_140, %add3A_414 : i32
          %add3A_416 = arith.constant 3 : i32
          %add3A_417 = arith.addi %add3A_415, %add3A_416 : i32
          %add3A_418 = vector.broadcast %add3A_417 : i32 to vector<16xi32>
          %add3A_419 = arith.addi %mul3A_10, %add3A_418 : vector<16xi32>
          tpu.vector_store_idx %arg7[%add3A_419], %get3A_413 : memref<16896xf32, #tpu.memory_space<vmem>>[vector<16xi32>], vector<16xf32>,
          %mul3A_420 = arith.constant 16 : i32
          %mul3A_421 = arith.muli %scan3A_136, %mul3A_420 : i32
          %get3A_422 = arith.constant 2 : i32
          %get3A_423 = arith.constant 4 : i32
          %get3A_424 = arith.index_cast %get3A_422 : i32 to index
          %get3A_425 = arith.index_cast %get3A_423 : i32 to index
          %get3A_426 = arith.index_cast %mul3A_421 : i32 to index
          %get3A_427 = tpu.vector_load %arg5[%get3A_424, %get3A_425, %get3A_426] {strides = array<i32>} : memref<4x8x512xf32, #tpu.memory_space<vmem>>, vector<16xf32>,
          %add3A_428 = arith.constant 16 : i32
          %add3A_429 = arith.addi %mul3A_140, %add3A_428 : i32
          %add3A_430 = arith.constant 4 : i32
          %add3A_431 = arith.addi %add3A_429, %add3A_430 : i32
          %add3A_432 = vector.broadcast %add3A_431 : i32 to vector<16xi32>
          %add3A_433 = arith.addi %mul3A_10, %add3A_432 : vector<16xi32>
          tpu.vector_store_idx %arg7[%add3A_433], %get3A_427 : memref<16896xf32, #tpu.memory_space<vmem>>[vector<16xi32>], vector<16xf32>,
          %mul3A_434 = arith.constant 16 : i32
          %mul3A_435 = arith.muli %scan3A_136, %mul3A_434 : i32
          %get3A_436 = arith.constant 2 : i32
          %get3A_437 = arith.constant 5 : i32
          %get3A_438 = arith.index_cast %get3A_436 : i32 to index
          %get3A_439 = arith.index_cast %get3A_437 : i32 to index
          %get3A_440 = arith.index_cast %mul3A_435 : i32 to index
          %get3A_441 = tpu.vector_load %arg5[%get3A_438, %get3A_439, %get3A_440] {strides = array<i32>} : memref<4x8x512xf32, #tpu.memory_space<vmem>>, vector<16xf32>,
          %add3A_442 = arith.constant 16 : i32
          %add3A_443 = arith.addi %mul3A_140, %add3A_442 : i32
          %add3A_444 = arith.constant 5 : i32
          %add3A_445 = arith.addi %add3A_443, %add3A_444 : i32
          %add3A_446 = vector.broadcast %add3A_445 : i32 to vector<16xi32>
          %add3A_447 = arith.addi %mul3A_10, %add3A_446 : vector<16xi32>
          tpu.vector_store_idx %arg7[%add3A_447], %get3A_441 : memref<16896xf32, #tpu.memory_space<vmem>>[vector<16xi32>], vector<16xf32>,
          %mul3A_448 = arith.constant 16 : i32
          %mul3A_449 = arith.muli %scan3A_136, %mul3A_448 : i32
          %get3A_450 = arith.constant 2 : i32
          %get3A_451 = arith.constant 6 : i32
          %get3A_452 = arith.index_cast %get3A_450 : i32 to index
          %get3A_453 = arith.index_cast %get3A_451 : i32 to index
          %get3A_454 = arith.index_cast %mul3A_449 : i32 to index
          %get3A_455 = tpu.vector_load %arg5[%get3A_452, %get3A_453, %get3A_454] {strides = array<i32>} : memref<4x8x512xf32, #tpu.memory_space<vmem>>, vector<16xf32>,
          %add3A_456 = arith.constant 16 : i32
          %add3A_457 = arith.addi %mul3A_140, %add3A_456 : i32
          %add3A_458 = arith.constant 6 : i32
          %add3A_459 = arith.addi %add3A_457, %add3A_458 : i32
          %add3A_460 = vector.broadcast %add3A_459 : i32 to vector<16xi32>
          %add3A_461 = arith.addi %mul3A_10, %add3A_460 : vector<16xi32>
          tpu.vector_store_idx %arg7[%add3A_461], %get3A_455 : memref<16896xf32, #tpu.memory_space<vmem>>[vector<16xi32>], vector<16xf32>,
          %mul3A_462 = arith.constant 16 : i32
          %mul3A_463 = arith.muli %scan3A_136, %mul3A_462 : i32
          %get3A_464 = arith.constant 2 : i32
          %get3A_465 = arith.constant 7 : i32
          %get3A_466 = arith.index_cast %get3A_464 : i32 to index
          %get3A_467 = arith.index_cast %get3A_465 : i32 to index
          %get3A_468 = arith.index_cast %mul3A_463 : i32 to index
          %get3A_469 = tpu.vector_load %arg5[%get3A_466, %get3A_467, %get3A_468] {strides = array<i32>} : memref<4x8x512xf32, #tpu.memory_space<vmem>>, vector<16xf32>,
          %add3A_470 = arith.constant 16 : i32
          %add3A_471 = arith.addi %mul3A_140, %add3A_470 : i32
          %add3A_472 = arith.constant 7 : i32
          %add3A_473 = arith.addi %add3A_471, %add3A_472 : i32
          %add3A_474 = vector.broadcast %add3A_473 : i32 to vector<16xi32>
          %add3A_475 = arith.addi %mul3A_10, %add3A_474 : vector<16xi32>
          tpu.vector_store_idx %arg7[%add3A_475], %get3A_469 : memref<16896xf32, #tpu.memory_space<vmem>>[vector<16xi32>], vector<16xf32>,
          %mul3A_476 = arith.constant 16 : i32
          %mul3A_477 = arith.muli %scan3A_136, %mul3A_476 : i32
          %get3A_478 = arith.constant 3 : i32
          %get3A_479 = arith.constant 0 : i32
          %get3A_480 = arith.index_cast %get3A_478 : i32 to index
          %get3A_481 = arith.index_cast %get3A_479 : i32 to index
          %get3A_482 = arith.index_cast %mul3A_477 : i32 to index
          %get3A_483 = tpu.vector_load %arg5[%get3A_480, %get3A_481, %get3A_482] {strides = array<i32>} : memref<4x8x512xf32, #tpu.memory_space<vmem>>, vector<16xf32>,
          %add3A_484 = arith.constant 24 : i32
          %add3A_485 = arith.addi %mul3A_140, %add3A_484 : i32
          %add3A_486 = arith.constant 0 : i32
          %add3A_487 = arith.addi %add3A_485, %add3A_486 : i32
          %add3A_488 = vector.broadcast %add3A_487 : i32 to vector<16xi32>
          %add3A_489 = arith.addi %mul3A_10, %add3A_488 : vector<16xi32>
          tpu.vector_store_idx %arg7[%add3A_489], %get3A_483 : memref<16896xf32, #tpu.memory_space<vmem>>[vector<16xi32>], vector<16xf32>,
          %mul3A_490 = arith.constant 16 : i32
          %mul3A_491 = arith.muli %scan3A_136, %mul3A_490 : i32
          %get3A_492 = arith.constant 3 : i32
          %get3A_493 = arith.constant 1 : i32
          %get3A_494 = arith.index_cast %get3A_492 : i32 to index
          %get3A_495 = arith.index_cast %get3A_493 : i32 to index
          %get3A_496 = arith.index_cast %mul3A_491 : i32 to index
          %get3A_497 = tpu.vector_load %arg5[%get3A_494, %get3A_495, %get3A_496] {strides = array<i32>} : memref<4x8x512xf32, #tpu.memory_space<vmem>>, vector<16xf32>,
          %add3A_498 = arith.constant 24 : i32
          %add3A_499 = arith.addi %mul3A_140, %add3A_498 : i32
          %add3A_500 = arith.constant 1 : i32
          %add3A_501 = arith.addi %add3A_499, %add3A_500 : i32
          %add3A_502 = vector.broadcast %add3A_501 : i32 to vector<16xi32>
          %add3A_503 = arith.addi %mul3A_10, %add3A_502 : vector<16xi32>
          tpu.vector_store_idx %arg7[%add3A_503], %get3A_497 : memref<16896xf32, #tpu.memory_space<vmem>>[vector<16xi32>], vector<16xf32>,
          %mul3A_504 = arith.constant 16 : i32
          %mul3A_505 = arith.muli %scan3A_136, %mul3A_504 : i32
          %get3A_506 = arith.constant 3 : i32
          %get3A_507 = arith.constant 2 : i32
          %get3A_508 = arith.index_cast %get3A_506 : i32 to index
          %get3A_509 = arith.index_cast %get3A_507 : i32 to index
          %get3A_510 = arith.index_cast %mul3A_505 : i32 to index
          %get3A_511 = tpu.vector_load %arg5[%get3A_508, %get3A_509, %get3A_510] {strides = array<i32>} : memref<4x8x512xf32, #tpu.memory_space<vmem>>, vector<16xf32>,
          %add3A_512 = arith.constant 24 : i32
          %add3A_513 = arith.addi %mul3A_140, %add3A_512 : i32
          %add3A_514 = arith.constant 2 : i32
          %add3A_515 = arith.addi %add3A_513, %add3A_514 : i32
          %add3A_516 = vector.broadcast %add3A_515 : i32 to vector<16xi32>
          %add3A_517 = arith.addi %mul3A_10, %add3A_516 : vector<16xi32>
          tpu.vector_store_idx %arg7[%add3A_517], %get3A_511 : memref<16896xf32, #tpu.memory_space<vmem>>[vector<16xi32>], vector<16xf32>,
          %mul3A_518 = arith.constant 16 : i32
          %mul3A_519 = arith.muli %scan3A_136, %mul3A_518 : i32
          %get3A_520 = arith.constant 3 : i32
          %get3A_521 = arith.constant 3 : i32
          %get3A_522 = arith.index_cast %get3A_520 : i32 to index
          %get3A_523 = arith.index_cast %get3A_521 : i32 to index
          %get3A_524 = arith.index_cast %mul3A_519 : i32 to index
          %get3A_525 = tpu.vector_load %arg5[%get3A_522, %get3A_523, %get3A_524] {strides = array<i32>} : memref<4x8x512xf32, #tpu.memory_space<vmem>>, vector<16xf32>,
          %add3A_526 = arith.constant 24 : i32
          %add3A_527 = arith.addi %mul3A_140, %add3A_526 : i32
          %add3A_528 = arith.constant 3 : i32
          %add3A_529 = arith.addi %add3A_527, %add3A_528 : i32
          %add3A_530 = vector.broadcast %add3A_529 : i32 to vector<16xi32>
          %add3A_531 = arith.addi %mul3A_10, %add3A_530 : vector<16xi32>
          tpu.vector_store_idx %arg7[%add3A_531], %get3A_525 : memref<16896xf32, #tpu.memory_space<vmem>>[vector<16xi32>], vector<16xf32>,
          %mul3A_532 = arith.constant 16 : i32
          %mul3A_533 = arith.muli %scan3A_136, %mul3A_532 : i32
          %get3A_534 = arith.constant 3 : i32
          %get3A_535 = arith.constant 4 : i32
          %get3A_536 = arith.index_cast %get3A_534 : i32 to index
          %get3A_537 = arith.index_cast %get3A_535 : i32 to index
          %get3A_538 = arith.index_cast %mul3A_533 : i32 to index
          %get3A_539 = tpu.vector_load %arg5[%get3A_536, %get3A_537, %get3A_538] {strides = array<i32>} : memref<4x8x512xf32, #tpu.memory_space<vmem>>, vector<16xf32>,
          %add3A_540 = arith.constant 24 : i32
          %add3A_541 = arith.addi %mul3A_140, %add3A_540 : i32
          %add3A_542 = arith.constant 4 : i32
          %add3A_543 = arith.addi %add3A_541, %add3A_542 : i32
          %add3A_544 = vector.broadcast %add3A_543 : i32 to vector<16xi32>
          %add3A_545 = arith.addi %mul3A_10, %add3A_544 : vector<16xi32>
          tpu.vector_store_idx %arg7[%add3A_545], %get3A_539 : memref<16896xf32, #tpu.memory_space<vmem>>[vector<16xi32>], vector<16xf32>,
          %mul3A_546 = arith.constant 16 : i32
          %mul3A_547 = arith.muli %scan3A_136, %mul3A_546 : i32
          %get3A_548 = arith.constant 3 : i32
          %get3A_549 = arith.constant 5 : i32
          %get3A_550 = arith.index_cast %get3A_548 : i32 to index
          %get3A_551 = arith.index_cast %get3A_549 : i32 to index
          %get3A_552 = arith.index_cast %mul3A_547 : i32 to index
          %get3A_553 = tpu.vector_load %arg5[%get3A_550, %get3A_551, %get3A_552] {strides = array<i32>} : memref<4x8x512xf32, #tpu.memory_space<vmem>>, vector<16xf32>,
          %add3A_554 = arith.constant 24 : i32
          %add3A_555 = arith.addi %mul3A_140, %add3A_554 : i32
          %add3A_556 = arith.constant 5 : i32
          %add3A_557 = arith.addi %add3A_555, %add3A_556 : i32
          %add3A_558 = vector.broadcast %add3A_557 : i32 to vector<16xi32>
          %add3A_559 = arith.addi %mul3A_10, %add3A_558 : vector<16xi32>
          tpu.vector_store_idx %arg7[%add3A_559], %get3A_553 : memref<16896xf32, #tpu.memory_space<vmem>>[vector<16xi32>], vector<16xf32>,
          %mul3A_560 = arith.constant 16 : i32
          %mul3A_561 = arith.muli %scan3A_136, %mul3A_560 : i32
          %get3A_562 = arith.constant 3 : i32
          %get3A_563 = arith.constant 6 : i32
          %get3A_564 = arith.index_cast %get3A_562 : i32 to index
          %get3A_565 = arith.index_cast %get3A_563 : i32 to index
          %get3A_566 = arith.index_cast %mul3A_561 : i32 to index
          %get3A_567 = tpu.vector_load %arg5[%get3A_564, %get3A_565, %get3A_566] {strides = array<i32>} : memref<4x8x512xf32, #tpu.memory_space<vmem>>, vector<16xf32>,
          %add3A_568 = arith.constant 24 : i32
          %add3A_569 = arith.addi %mul3A_140, %add3A_568 : i32
          %add3A_570 = arith.constant 6 : i32
          %add3A_571 = arith.addi %add3A_569, %add3A_570 : i32
          %add3A_572 = vector.broadcast %add3A_571 : i32 to vector<16xi32>
          %add3A_573 = arith.addi %mul3A_10, %add3A_572 : vector<16xi32>
          tpu.vector_store_idx %arg7[%add3A_573], %get3A_567 : memref<16896xf32, #tpu.memory_space<vmem>>[vector<16xi32>], vector<16xf32>,
          %mul3A_574 = arith.constant 16 : i32
          %mul3A_575 = arith.muli %scan3A_136, %mul3A_574 : i32
          %get3A_576 = arith.constant 3 : i32
          %get3A_577 = arith.constant 7 : i32
          %get3A_578 = arith.index_cast %get3A_576 : i32 to index
          %get3A_579 = arith.index_cast %get3A_577 : i32 to index
          %get3A_580 = arith.index_cast %mul3A_575 : i32 to index
          %get3A_581 = tpu.vector_load %arg5[%get3A_578, %get3A_579, %get3A_580] {strides = array<i32>} : memref<4x8x512xf32, #tpu.memory_space<vmem>>, vector<16xf32>,
          %add3A_582 = arith.constant 24 : i32
          %add3A_583 = arith.addi %mul3A_140, %add3A_582 : i32
          %add3A_584 = arith.constant 7 : i32
          %add3A_585 = arith.addi %add3A_583, %add3A_584 : i32
          %add3A_586 = vector.broadcast %add3A_585 : i32 to vector<16xi32>
          %add3A_587 = arith.addi %mul3A_10, %add3A_586 : vector<16xi32>
          tpu.vector_store_idx %arg7[%add3A_587], %get3A_581 : memref<16896xf32, #tpu.memory_space<vmem>>[vector<16xi32>], vector<16xf32>,
        }
        %scan3A_119 = arith.constant 32 : i32
        %scan3A_120 = arith.constant 0 : i32
        %scan3A_121 = arith.constant 0 : i32
        %scan3A_122 = arith.constant 512 : i32
        %scan3A_123 = arith.addi %scan3A_121, %scan3A_122 : i32
        %scan3A_124 = arith.constant 8 : i32
        scf.for %scan3A_136 = %scan3A_121 to %scan3A_123 step %scan3A_124  : i32 {
          %mul3A_137 = arith.constant 33 : i32
          %mul3A_138 = arith.muli %scan3A_136, %mul3A_137 : i32
          %get3A = arith.index_cast %mul3A_138 : i32 to index
          %get3A_139 = tpu.vector_load %arg7[%get3A] {strides = array<i32>} : memref<16896xf32, #tpu.memory_space<vmem>>, vector<16xf32>,
          %mul3A_140 = arith.constant 33 : i32
          %mul3A_141 = arith.muli %scan3A_136, %mul3A_140 : i32
          %add3A_142 = arith.constant 16 : i32
          %add3A_143 = arith.addi %mul3A_141, %add3A_142 : i32
          %get3A_144 = arith.index_cast %add3A_143 : i32 to index
          %get3A_145 = tpu.vector_load %arg7[%get3A_144] {strides = array<i32>} : memref<16896xf32, #tpu.memory_space<vmem>>, vector<16xf32>,
          %mul3A_146 = arith.constant 32 : i32
          %mul3A_147 = arith.muli %scan3A_136, %mul3A_146 : i32
          %swap3A = arith.index_cast %mul3A_147 : i32 to index
          %swap3A_148 = tpu.vector_load %arg9[%swap3A] {strides = array<i32>} : memref<16384xf32, #tpu.memory_space<vmem>>, vector<16xf32>,
          tpu.vector_store %arg9[%swap3A], %get3A_139 {strides = array<i32>} : memref<16384xf32, #tpu.memory_space<vmem>>, vector<16xf32>,
          %mul3A_149 = arith.constant 32 : i32
          %mul3A_150 = arith.muli %scan3A_136, %mul3A_149 : i32
          %add3A_151 = arith.constant 16 : i32
          %add3A_152 = arith.addi %mul3A_150, %add3A_151 : i32
          %swap3A_153 = arith.index_cast %add3A_152 : i32 to index
          %swap3A_154 = tpu.vector_load %arg9[%swap3A_153] {strides = array<i32>} : memref<16384xf32, #tpu.memory_space<vmem>>, vector<16xf32>,
          tpu.vector_store %arg9[%swap3A_153], %get3A_145 {strides = array<i32>} : memref<16384xf32, #tpu.memory_space<vmem>>, vector<16xf32>,
          %scan3A_155 = arith.constant 1 : i32
          %scan3A_156 = arith.addi %scan3A_136, %scan3A_155 : i32
          %mul3A_157 = arith.constant 33 : i32
          %mul3A_158 = arith.muli %scan3A_156, %mul3A_157 : i32
          %get3A_159 = arith.index_cast %mul3A_158 : i32 to index
          %get3A_160 = tpu.vector_load %arg7[%get3A_159] {strides = array<i32>} : memref<16896xf32, #tpu.memory_space<vmem>>, vector<16xf32>,
          %mul3A_161 = arith.constant 33 : i32
          %mul3A_162 = arith.muli %scan3A_156, %mul3A_161 : i32
          %add3A_163 = arith.constant 16 : i32
          %add3A_164 = arith.addi %mul3A_162, %add3A_163 : i32
          %get3A_165 = arith.index_cast %add3A_164 : i32 to index
          %get3A_166 = tpu.vector_load %arg7[%get3A_165] {strides = array<i32>} : memref<16896xf32, #tpu.memory_space<vmem>>, vector<16xf32>,
          %mul3A_167 = arith.constant 32 : i32
          %mul3A_168 = arith.muli %scan3A_156, %mul3A_167 : i32
          %swap3A_169 = arith.index_cast %mul3A_168 : i32 to index
          %swap3A_170 = tpu.vector_load %arg9[%swap3A_169] {strides = array<i32>} : memref<16384xf32, #tpu.memory_space<vmem>>, vector<16xf32>,
          tpu.vector_store %arg9[%swap3A_169], %get3A_160 {strides = array<i32>} : memref<16384xf32, #tpu.memory_space<vmem>>, vector<16xf32>,
          %mul3A_171 = arith.constant 32 : i32
          %mul3A_172 = arith.muli %scan3A_156, %mul3A_171 : i32
          %add3A_173 = arith.constant 16 : i32
          %add3A_174 = arith.addi %mul3A_172, %add3A_173 : i32
          %swap3A_175 = arith.index_cast %add3A_174 : i32 to index
          %swap3A_176 = tpu.vector_load %arg9[%swap3A_175] {strides = array<i32>} : memref<16384xf32, #tpu.memory_space<vmem>>, vector<16xf32>,
          tpu.vector_store %arg9[%swap3A_175], %get3A_166 {strides = array<i32>} : memref<16384xf32, #tpu.memory_space<vmem>>, vector<16xf32>,
          %scan3A_177 = arith.constant 2 : i32
          %scan3A_178 = arith.addi %scan3A_136, %scan3A_177 : i32
          %mul3A_179 = arith.constant 33 : i32
          %mul3A_180 = arith.muli %scan3A_178, %mul3A_179 : i32
          %get3A_181 = arith.index_cast %mul3A_180 : i32 to index
          %get3A_182 = tpu.vector_load %arg7[%get3A_181] {strides = array<i32>} : memref<16896xf32, #tpu.memory_space<vmem>>, vector<16xf32>,
          %mul3A_183 = arith.constant 33 : i32
          %mul3A_184 = arith.muli %scan3A_178, %mul3A_183 : i32
          %add3A_185 = arith.constant 16 : i32
          %add3A_186 = arith.addi %mul3A_184, %add3A_185 : i32
          %get3A_187 = arith.index_cast %add3A_186 : i32 to index
          %get3A_188 = tpu.vector_load %arg7[%get3A_187] {strides = array<i32>} : memref<16896xf32, #tpu.memory_space<vmem>>, vector<16xf32>,
          %mul3A_189 = arith.constant 32 : i32
          %mul3A_190 = arith.muli %scan3A_178, %mul3A_189 : i32
          %swap3A_191 = arith.index_cast %mul3A_190 : i32 to index
          %swap3A_192 = tpu.vector_load %arg9[%swap3A_191] {strides = array<i32>} : memref<16384xf32, #tpu.memory_space<vmem>>, vector<16xf32>,
          tpu.vector_store %arg9[%swap3A_191], %get3A_182 {strides = array<i32>} : memref<16384xf32, #tpu.memory_space<vmem>>, vector<16xf32>,
          %mul3A_193 = arith.constant 32 : i32
          %mul3A_194 = arith.muli %scan3A_178, %mul3A_193 : i32
          %add3A_195 = arith.constant 16 : i32
          %add3A_196 = arith.addi %mul3A_194, %add3A_195 : i32
          %swap3A_197 = arith.index_cast %add3A_196 : i32 to index
          %swap3A_198 = tpu.vector_load %arg9[%swap3A_197] {strides = array<i32>} : memref<16384xf32, #tpu.memory_space<vmem>>, vector<16xf32>,
          tpu.vector_store %arg9[%swap3A_197], %get3A_188 {strides = array<i32>} : memref<16384xf32, #tpu.memory_space<vmem>>, vector<16xf32>,
          %scan3A_199 = arith.constant 3 : i32
          %scan3A_200 = arith.addi %scan3A_136, %scan3A_199 : i32
          %mul3A_201 = arith.constant 33 : i32
          %mul3A_202 = arith.muli %scan3A_200, %mul3A_201 : i32
          %get3A_203 = arith.index_cast %mul3A_202 : i32 to index
          %get3A_204 = tpu.vector_load %arg7[%get3A_203] {strides = array<i32>} : memref<16896xf32, #tpu.memory_space<vmem>>, vector<16xf32>,
          %mul3A_205 = arith.constant 33 : i32
          %mul3A_206 = arith.muli %scan3A_200, %mul3A_205 : i32
          %add3A_207 = arith.constant 16 : i32
          %add3A_208 = arith.addi %mul3A_206, %add3A_207 : i32
          %get3A_209 = arith.index_cast %add3A_208 : i32 to index
          %get3A_210 = tpu.vector_load %arg7[%get3A_209] {strides = array<i32>} : memref<16896xf32, #tpu.memory_space<vmem>>, vector<16xf32>,
          %mul3A_211 = arith.constant 32 : i32
          %mul3A_212 = arith.muli %scan3A_200, %mul3A_211 : i32
          %swap3A_213 = arith.index_cast %mul3A_212 : i32 to index
          %swap3A_214 = tpu.vector_load %arg9[%swap3A_213] {strides = array<i32>} : memref<16384xf32, #tpu.memory_space<vmem>>, vector<16xf32>,
          tpu.vector_store %arg9[%swap3A_213], %get3A_204 {strides = array<i32>} : memref<16384xf32, #tpu.memory_space<vmem>>, vector<16xf32>,
          %mul3A_215 = arith.constant 32 : i32
          %mul3A_216 = arith.muli %scan3A_200, %mul3A_215 : i32
          %add3A_217 = arith.constant 16 : i32
          %add3A_218 = arith.addi %mul3A_216, %add3A_217 : i32
          %swap3A_219 = arith.index_cast %add3A_218 : i32 to index
          %swap3A_220 = tpu.vector_load %arg9[%swap3A_219] {strides = array<i32>} : memref<16384xf32, #tpu.memory_space<vmem>>, vector<16xf32>,
          tpu.vector_store %arg9[%swap3A_219], %get3A_210 {strides = array<i32>} : memref<16384xf32, #tpu.memory_space<vmem>>, vector<16xf32>,
          %scan3A_221 = arith.constant 4 : i32
          %scan3A_222 = arith.addi %scan3A_136, %scan3A_221 : i32
          %mul3A_223 = arith.constant 33 : i32
          %mul3A_224 = arith.muli %scan3A_222, %mul3A_223 : i32
          %get3A_225 = arith.index_cast %mul3A_224 : i32 to index
          %get3A_226 = tpu.vector_load %arg7[%get3A_225] {strides = array<i32>} : memref<16896xf32, #tpu.memory_space<vmem>>, vector<16xf32>,
          %mul3A_227 = arith.constant 33 : i32
          %mul3A_228 = arith.muli %scan3A_222, %mul3A_227 : i32
          %add3A_229 = arith.constant 16 : i32
          %add3A_230 = arith.addi %mul3A_228, %add3A_229 : i32
          %get3A_231 = arith.index_cast %add3A_230 : i32 to index
          %get3A_232 = tpu.vector_load %arg7[%get3A_231] {strides = array<i32>} : memref<16896xf32, #tpu.memory_space<vmem>>, vector<16xf32>,
          %mul3A_233 = arith.constant 32 : i32
          %mul3A_234 = arith.muli %scan3A_222, %mul3A_233 : i32
          %swap3A_235 = arith.index_cast %mul3A_234 : i32 to index
          %swap3A_236 = tpu.vector_load %arg9[%swap3A_235] {strides = array<i32>} : memref<16384xf32, #tpu.memory_space<vmem>>, vector<16xf32>,
          tpu.vector_store %arg9[%swap3A_235], %get3A_226 {strides = array<i32>} : memref<16384xf32, #tpu.memory_space<vmem>>, vector<16xf32>,
          %mul3A_237 = arith.constant 32 : i32
          %mul3A_238 = arith.muli %scan3A_222, %mul3A_237 : i32
          %add3A_239 = arith.constant 16 : i32
          %add3A_240 = arith.addi %mul3A_238, %add3A_239 : i32
          %swap3A_241 = arith.index_cast %add3A_240 : i32 to index
          %swap3A_242 = tpu.vector_load %arg9[%swap3A_241] {strides = array<i32>} : memref<16384xf32, #tpu.memory_space<vmem>>, vector<16xf32>,
          tpu.vector_store %arg9[%swap3A_241], %get3A_232 {strides = array<i32>} : memref<16384xf32, #tpu.memory_space<vmem>>, vector<16xf32>,
          %scan3A_243 = arith.constant 5 : i32
          %scan3A_244 = arith.addi %scan3A_136, %scan3A_243 : i32
          %mul3A_245 = arith.constant 33 : i32
          %mul3A_246 = arith.muli %scan3A_244, %mul3A_245 : i32
          %get3A_247 = arith.index_cast %mul3A_246 : i32 to index
          %get3A_248 = tpu.vector_load %arg7[%get3A_247] {strides = array<i32>} : memref<16896xf32, #tpu.memory_space<vmem>>, vector<16xf32>,
          %mul3A_249 = arith.constant 33 : i32
          %mul3A_250 = arith.muli %scan3A_244, %mul3A_249 : i32
          %add3A_251 = arith.constant 16 : i32
          %add3A_252 = arith.addi %mul3A_250, %add3A_251 : i32
          %get3A_253 = arith.index_cast %add3A_252 : i32 to index
          %get3A_254 = tpu.vector_load %arg7[%get3A_253] {strides = array<i32>} : memref<16896xf32, #tpu.memory_space<vmem>>, vector<16xf32>,
          %mul3A_255 = arith.constant 32 : i32
          %mul3A_256 = arith.muli %scan3A_244, %mul3A_255 : i32
          %swap3A_257 = arith.index_cast %mul3A_256 : i32 to index
          %swap3A_258 = tpu.vector_load %arg9[%swap3A_257] {strides = array<i32>} : memref<16384xf32, #tpu.memory_space<vmem>>, vector<16xf32>,
          tpu.vector_store %arg9[%swap3A_257], %get3A_248 {strides = array<i32>} : memref<16384xf32, #tpu.memory_space<vmem>>, vector<16xf32>,
          %mul3A_259 = arith.constant 32 : i32
          %mul3A_260 = arith.muli %scan3A_244, %mul3A_259 : i32
          %add3A_261 = arith.constant 16 : i32
          %add3A_262 = arith.addi %mul3A_260, %add3A_261 : i32
          %swap3A_263 = arith.index_cast %add3A_262 : i32 to index
          %swap3A_264 = tpu.vector_load %arg9[%swap3A_263] {strides = array<i32>} : memref<16384xf32, #tpu.memory_space<vmem>>, vector<16xf32>,
          tpu.vector_store %arg9[%swap3A_263], %get3A_254 {strides = array<i32>} : memref<16384xf32, #tpu.memory_space<vmem>>, vector<16xf32>,
          %scan3A_265 = arith.constant 6 : i32
          %scan3A_266 = arith.addi %scan3A_136, %scan3A_265 : i32
          %mul3A_267 = arith.constant 33 : i32
          %mul3A_268 = arith.muli %scan3A_266, %mul3A_267 : i32
          %get3A_269 = arith.index_cast %mul3A_268 : i32 to index
          %get3A_270 = tpu.vector_load %arg7[%get3A_269] {strides = array<i32>} : memref<16896xf32, #tpu.memory_space<vmem>>, vector<16xf32>,
          %mul3A_271 = arith.constant 33 : i32
          %mul3A_272 = arith.muli %scan3A_266, %mul3A_271 : i32
          %add3A_273 = arith.constant 16 : i32
          %add3A_274 = arith.addi %mul3A_272, %add3A_273 : i32
          %get3A_275 = arith.index_cast %add3A_274 : i32 to index
          %get3A_276 = tpu.vector_load %arg7[%get3A_275] {strides = array<i32>} : memref<16896xf32, #tpu.memory_space<vmem>>, vector<16xf32>,
          %mul3A_277 = arith.constant 32 : i32
          %mul3A_278 = arith.muli %scan3A_266, %mul3A_277 : i32
          %swap3A_279 = arith.index_cast %mul3A_278 : i32 to index
          %swap3A_280 = tpu.vector_load %arg9[%swap3A_279] {strides = array<i32>} : memref<16384xf32, #tpu.memory_space<vmem>>, vector<16xf32>,
          tpu.vector_store %arg9[%swap3A_279], %get3A_270 {strides = array<i32>} : memref<16384xf32, #tpu.memory_space<vmem>>, vector<16xf32>,
          %mul3A_281 = arith.constant 32 : i32
          %mul3A_282 = arith.muli %scan3A_266, %mul3A_281 : i32
          %add3A_283 = arith.constant 16 : i32
          %add3A_284 = arith.addi %mul3A_282, %add3A_283 : i32
          %swap3A_285 = arith.index_cast %add3A_284 : i32 to index
          %swap3A_286 = tpu.vector_load %arg9[%swap3A_285] {strides = array<i32>} : memref<16384xf32, #tpu.memory_space<vmem>>, vector<16xf32>,
          tpu.vector_store %arg9[%swap3A_285], %get3A_276 {strides = array<i32>} : memref<16384xf32, #tpu.memory_space<vmem>>, vector<16xf32>,
          %scan3A_287 = arith.constant 7 : i32
          %scan3A_288 = arith.addi %scan3A_136, %scan3A_287 : i32
          %mul3A_289 = arith.constant 33 : i32
          %mul3A_290 = arith.muli %scan3A_288, %mul3A_289 : i32
          %get3A_291 = arith.index_cast %mul3A_290 : i32 to index
          %get3A_292 = tpu.vector_load %arg7[%get3A_291] {strides = array<i32>} : memref<16896xf32, #tpu.memory_space<vmem>>, vector<16xf32>,
          %mul3A_293 = arith.constant 33 : i32
          %mul3A_294 = arith.muli %scan3A_288, %mul3A_293 : i32
          %add3A_295 = arith.constant 16 : i32
          %add3A_296 = arith.addi %mul3A_294, %add3A_295 : i32
          %get3A_297 = arith.index_cast %add3A_296 : i32 to index
          %get3A_298 = tpu.vector_load %arg7[%get3A_297] {strides = array<i32>} : memref<16896xf32, #tpu.memory_space<vmem>>, vector<16xf32>,
          %mul3A_299 = arith.constant 32 : i32
          %mul3A_300 = arith.muli %scan3A_288, %mul3A_299 : i32
          %swap3A_301 = arith.index_cast %mul3A_300 : i32 to index
          %swap3A_302 = tpu.vector_load %arg9[%swap3A_301] {strides = array<i32>} : memref<16384xf32, #tpu.memory_space<vmem>>, vector<16xf32>,
          tpu.vector_store %arg9[%swap3A_301], %get3A_292 {strides = array<i32>} : memref<16384xf32, #tpu.memory_space<vmem>>, vector<16xf32>,
          %mul3A_303 = arith.constant 32 : i32
          %mul3A_304 = arith.muli %scan3A_288, %mul3A_303 : i32
          %add3A_305 = arith.constant 16 : i32
          %add3A_306 = arith.addi %mul3A_304, %add3A_305 : i32
          %swap3A_307 = arith.index_cast %add3A_306 : i32 to index
          %swap3A_308 = tpu.vector_load %arg9[%swap3A_307] {strides = array<i32>} : memref<16384xf32, #tpu.memory_space<vmem>>, vector<16xf32>,
          tpu.vector_store %arg9[%swap3A_307], %get3A_298 {strides = array<i32>} : memref<16384xf32, #tpu.memory_space<vmem>>, vector<16xf32>,
        }
        %scan3A_125 = arith.constant 512 : i32
        %lt3A_126 = arith.constant 1953 : i32
        %lt3A_127 = arith.cmpi slt, %add3A_48, %lt3A_126 : i32
        %convert_element_type3A_128 = arith.extui %lt3A_127 : i1 to i32
        %cond3A_129 = arith.constant 0 : i32
        %cond3A_130 = arith.cmpi ne, %convert_element_type3A_128, %cond3A_129 : i32
        scf.if %cond3A_130 {
          %mul3A_136 = arith.constant 16384 : i32
          %mul3A_137 = arith.muli %add3A_48, %mul3A_136 : i32
          %dma_start3A = tpu.memref_slice %arg3[%mul3A_137] : memref<32000000xf32, #tpu.memory_space<hbm>> -> memref<16384xf32, #tpu.memory_space<hbm>>
          %dma_start3A_138 = tpu.memref_slice %arg3[%mul3A_137] : memref<32000000xf32, #tpu.memory_space<hbm>> -> memref<16384xf32, #tpu.memory_space<hbm>>
          tpu.enqueue_dma source(%arg9 : memref<16384xf32, #tpu.memory_space<vmem>>) target(%dma_start3A_138 : memref<16384xf32, #tpu.memory_space<hbm>>) target_semaphore(%arg13 : memref<!tpu.dma_semaphore, #tpu.memory_space<semaphore_mem>>)
        } else {
        }
        %eq3A_131 = arith.constant 1953 : i32
        %eq3A_132 = arith.cmpi eq, %add3A_48, %eq3A_131 : i32
        %convert_element_type3A_133 = arith.extui %eq3A_132 : i1 to i32
        %cond3A_134 = arith.constant 0 : i32
        %cond3A_135 = arith.cmpi ne, %convert_element_type3A_133, %cond3A_134 : i32
        scf.if %cond3A_135 {
          %mul3A_136 = arith.constant 16384 : i32
          %mul3A_137 = arith.muli %add3A_48, %mul3A_136 : i32
          %dma_start3A = arith.constant 0 : i32
          %dma_start3A_138 = tpu.memref_slice %arg9[%dma_start3A] : memref<16384xf32, #tpu.memory_space<vmem>> -> memref<2048xf32, #tpu.memory_space<vmem>>
          %dma_start3A_139 = tpu.memref_slice %arg3[%mul3A_137] : memref<32000000xf32, #tpu.memory_space<hbm>> -> memref<2048xf32, #tpu.memory_space<hbm>>
          %dma_start3A_140 = tpu.memref_slice %arg3[%mul3A_137] : memref<32000000xf32, #tpu.memory_space<hbm>> -> memref<2048xf32, #tpu.memory_space<hbm>>
          %dma_start3A_141 = arith.constant 0 : i32
          %dma_start3A_142 = tpu.memref_slice %arg9[%dma_start3A_141] : memref<16384xf32, #tpu.memory_space<vmem>> -> memref<2048xf32, #tpu.memory_space<vmem>>
          tpu.enqueue_dma source(%dma_start3A_142 : memref<2048xf32, #tpu.memory_space<vmem>>) target(%dma_start3A_140 : memref<2048xf32, #tpu.memory_space<hbm>>) target_semaphore(%arg13 : memref<!tpu.dma_semaphore, #tpu.memory_space<semaphore_mem>>)
        } else {
        }
      } else {
      }
    }
    %scan3A_21 = arith.constant 31 : i32
    %add3A_22 = arith.constant 1920 : i32
    %add3A_23 = arith.addi %add3A, %add3A_22 : i32
    %lt3A_24 = arith.constant 1954 : i32
    %lt3A_25 = arith.cmpi slt, %add3A_23, %lt3A_24 : i32
    %convert_element_type3A_26 = arith.extui %lt3A_25 : i1 to i32
    %cond3A_27 = arith.constant 0 : i32
    %cond3A_28 = arith.cmpi ne, %convert_element_type3A_26, %cond3A_27 : i32
    scf.if %cond3A_28 {
      %add3A_36 = arith.constant 1920 : i32
      %add3A_37 = arith.addi %add3A, %add3A_36 : i32
      %lt3A_38 = arith.constant 1953 : i32
      %lt3A_39 = arith.cmpi slt, %add3A_37, %lt3A_38 : i32
      %convert_element_type3A_40 = arith.extui %lt3A_39 : i1 to i32
      %cond3A_41 = arith.constant 0 : i32
      %cond3A_42 = arith.cmpi ne, %convert_element_type3A_40, %cond3A_41 : i32
      scf.if %cond3A_42 {
        %dma_wait3A = arith.constant 0 : i32
        %dma_wait3A_48 = tpu.memref_slice %arg3[%dma_wait3A] : memref<32000000xf32, #tpu.memory_space<hbm>> -> memref<16384xf32, #tpu.memory_space<hbm>>
        %dma_wait3A_49 = arith.constant 0 : i32
        %dma_wait3A_50 = tpu.memref_slice %arg3[%dma_wait3A_49] : memref<32000000xf32, #tpu.memory_space<hbm>> -> memref<16384xf32, #tpu.memory_space<hbm>>
        tpu.wait_dma2 semaphore(%arg12 : memref<!tpu.dma_semaphore, #tpu.memory_space<semaphore_mem>>) src(%arg8 : memref<16384xf32, #tpu.memory_space<vmem>>) dst(%dma_wait3A_50 : memref<16384xf32, #tpu.memory_space<hbm>>)
      } else {
      }
      %eq3A_43 = arith.constant 1953 : i32
      %eq3A_44 = arith.cmpi eq, %add3A_37, %eq3A_43 : i32
      %convert_element_type3A_45 = arith.extui %eq3A_44 : i1 to i32
      %cond3A_46 = arith.constant 0 : i32
      %cond3A_47 = arith.cmpi ne, %convert_element_type3A_45, %cond3A_46 : i32
      scf.if %cond3A_47 {
        %dma_wait3A = arith.constant 0 : i32
        %dma_wait3A_48 = tpu.memref_slice %arg8[%dma_wait3A] : memref<16384xf32, #tpu.memory_space<vmem>> -> memref<2048xf32, #tpu.memory_space<vmem>>
        %dma_wait3A_49 = arith.constant 0 : i32
        %dma_wait3A_50 = tpu.memref_slice %arg3[%dma_wait3A_49] : memref<32000000xf32, #tpu.memory_space<hbm>> -> memref<2048xf32, #tpu.memory_space<hbm>>
        %dma_wait3A_51 = arith.constant 0 : i32
        %dma_wait3A_52 = tpu.memref_slice %arg3[%dma_wait3A_51] : memref<32000000xf32, #tpu.memory_space<hbm>> -> memref<2048xf32, #tpu.memory_space<hbm>>
        %dma_wait3A_53 = arith.constant 0 : i32
        %dma_wait3A_54 = tpu.memref_slice %arg8[%dma_wait3A_53] : memref<16384xf32, #tpu.memory_space<vmem>> -> memref<2048xf32, #tpu.memory_space<vmem>>
        tpu.wait_dma2 semaphore(%arg12 : memref<!tpu.dma_semaphore, #tpu.memory_space<semaphore_mem>>) src(%dma_wait3A_54 : memref<2048xf32, #tpu.memory_space<vmem>>) dst(%dma_wait3A_52 : memref<2048xf32, #tpu.memory_space<hbm>>)
      } else {
      }
    } else {
    }
    %add3A_29 = arith.constant 1952 : i32
    %add3A_30 = arith.addi %add3A, %add3A_29 : i32
    %lt3A_31 = arith.constant 1954 : i32
    %lt3A_32 = arith.cmpi slt, %add3A_30, %lt3A_31 : i32
    %convert_element_type3A_33 = arith.extui %lt3A_32 : i1 to i32
    %cond3A_34 = arith.constant 0 : i32
    %cond3A_35 = arith.cmpi ne, %convert_element_type3A_33, %cond3A_34 : i32
    scf.if %cond3A_35 {
      %add3A_36 = arith.constant 1952 : i32
      %add3A_37 = arith.addi %add3A, %add3A_36 : i32
      %lt3A_38 = arith.constant 1953 : i32
      %lt3A_39 = arith.cmpi slt, %add3A_37, %lt3A_38 : i32
      %convert_element_type3A_40 = arith.extui %lt3A_39 : i1 to i32
      %cond3A_41 = arith.constant 0 : i32
      %cond3A_42 = arith.cmpi ne, %convert_element_type3A_40, %cond3A_41 : i32
      scf.if %cond3A_42 {
        %dma_wait3A = arith.constant 0 : i32
        %dma_wait3A_48 = tpu.memref_slice %arg3[%dma_wait3A] : memref<32000000xf32, #tpu.memory_space<hbm>> -> memref<16384xf32, #tpu.memory_space<hbm>>
        %dma_wait3A_49 = arith.constant 0 : i32
        %dma_wait3A_50 = tpu.memref_slice %arg3[%dma_wait3A_49] : memref<32000000xf32, #tpu.memory_space<hbm>> -> memref<16384xf32, #tpu.memory_space<hbm>>
        tpu.wait_dma2 semaphore(%arg13 : memref<!tpu.dma_semaphore, #tpu.memory_space<semaphore_mem>>) src(%arg9 : memref<16384xf32, #tpu.memory_space<vmem>>) dst(%dma_wait3A_50 : memref<16384xf32, #tpu.memory_space<hbm>>)
      } else {
      }
      %eq3A_43 = arith.constant 1953 : i32
      %eq3A_44 = arith.cmpi eq, %add3A_37, %eq3A_43 : i32
      %convert_element_type3A_45 = arith.extui %eq3A_44 : i1 to i32
      %cond3A_46 = arith.constant 0 : i32
      %cond3A_47 = arith.cmpi ne, %convert_element_type3A_45, %cond3A_46 : i32
      scf.if %cond3A_47 {
        %dma_wait3A = arith.constant 0 : i32
        %dma_wait3A_48 = tpu.memref_slice %arg9[%dma_wait3A] : memref<16384xf32, #tpu.memory_space<vmem>> -> memref<2048xf32, #tpu.memory_space<vmem>>
        %dma_wait3A_49 = arith.constant 0 : i32
        %dma_wait3A_50 = tpu.memref_slice %arg3[%dma_wait3A_49] : memref<32000000xf32, #tpu.memory_space<hbm>> -> memref<2048xf32, #tpu.memory_space<hbm>>
        %dma_wait3A_51 = arith.constant 0 : i32
        %dma_wait3A_52 = tpu.memref_slice %arg3[%dma_wait3A_51] : memref<32000000xf32, #tpu.memory_space<hbm>> -> memref<2048xf32, #tpu.memory_space<hbm>>
        %dma_wait3A_53 = arith.constant 0 : i32
        %dma_wait3A_54 = tpu.memref_slice %arg9[%dma_wait3A_53] : memref<16384xf32, #tpu.memory_space<vmem>> -> memref<2048xf32, #tpu.memory_space<vmem>>
        tpu.wait_dma2 semaphore(%arg13 : memref<!tpu.dma_semaphore, #tpu.memory_space<semaphore_mem>>) src(%dma_wait3A_54 : memref<2048xf32, #tpu.memory_space<vmem>>) dst(%dma_wait3A_52 : memref<2048xf32, #tpu.memory_space<hbm>>)
      } else {
      }
    } else {
    }
    return
  }
}

</mosaic_0001>

<sc_bundles>
// kernel: kernel.4.cloned.1.call-start
scs
__scs_entry_jumppad:
0x0: {  	(pc) =	sbr.rel $0x88, $3  }
0x1: {  	(tag) =	ssettag $0x0;
	lr =	simm.s32 $0x1  }
0x2: {  	[smem:$0x3F9D] =	sst lr;
	_ =	strace $0xD0000000  }
0x3: {  	_ = 	snop  }
0x4: {  	_ = 	snop  }
0x5: {  	_ = 	snop  }
0x6: {  	_ = 	snop  }
0x7: {  	_ = 	snop  }
__scs_overlays_trampoline_lowered:
0x8: {  	[smem:$0x3FAC] =	sst s0  }
0x9: {  	[smem:$0x3FAD] =	sst s1  }
0xa: {  	[smem:$0x3FAE] =	sst s2  }
0xb: {  	[smem:$0x3FAF] =	sst s3  }
0xc: {  	[smem:$0x3FB0] =	sst s4  }
0xd: {  	[smem:$0x3FB1] =	sst s5  }
0xe: {  	[smem:$0x3FB2] =	sst s6  }
0xf: {  	[smem:$0x3FB3] =	sst s7  }
0x10: {  	[smem:$0x3FB4] =	sst s8  }
0x11: {  	[smem:$0x3FB5] =	sst s9;
	s0 =	simm.s32 @!p0 $0x0  }
0x12: {  	s1 =	sld [smem:$0x3F9B];
	s0 =	simm.s32 @p0 $0x1  }
0x13: {  	[smem:$0x3FB6] =	sst s0;
	s0 =	simm.s32 @!p1 $0x0  }
0x14: {  	s2 =	sld [smem:$0x3F9A];
	s0 =	simm.s32 @p1 $0x1  }
0x15: {  	[smem:$0x3FB7] =	sst s0;
	s0 =	simm.s32 @!p2 $0x0  }
0x16: {  	s3 =	sld [smem:$0x3FDB];
	s0 =	simm.s32 @p2 $0x1  }
0x17: {  	s4 =	simm.s32 $0x1BF5;
	[smem:$0x3FB9] =	sst s0  }
0x18: {  	s0 =	sld [smem:$0x3F9C];
	_ =	swait.ge [sflag:s4], $0x0  }
0x19: {  	s7 =	sld [smem:$0x3F9D]  }
0x1a: {  	s8 =	sadd.s32 $0xFFFFE003, lr  }
0x1b: {  	s9 =	sadd.s32 $0xFFFFFEF7, lr;
	s5 =	simm.s32 $0xFFFFFFFF;
	p2 =	slt.u32 s8, $0xFFFFF086  }
0x1c: {  	p1 =	slt.u32 s9, $0xF7A;
	s5 =	simm.s32 @!p2 $0x0  }
0x1d: {  	s5 =	simm.s32 @p1 $0x1;
	p0 =	seq.s32 s7, s2  }
0x1e: {  	s7 =	smul.u32 @!p0 $0xF7A, s2;
	p2 =	seq.s32 @!p0 s5, $0x0  }
0x1f: {  	s9 =	smul.u32 $0xF7A, s1;
	s8 =	simm.s32 @!p0 $0x1BF5;
	p2 =	por !p2, p0  }
0x20: {  	[sflag:s8] =	ssyncset.s32 @!p0 $0xFFFFF086;
	s6 =	sadd.s32 @!p0 s3, s7;
	s7 =	simm.s32 @!p0 $0x108  }
0x21: {  	s3 =	sadd.s32 s3, s9;
	s6 =	sadd.s32 @!p0 $0x88, s6;
	s7 =	simm.s32 @p2 $0x1082  }
0x22: {  	[simem:s7], [sflag:s8] =	dma.local @!p0 [hbm:s6], $0xF7A  }
0x23: {  	s9 =	sor.u32 $0xD0000000, s2;
	s6 =	simm.s32 $0x108;
	_ =	swait.ge @!p0 [sflag:s8], $0x0  }
0x24: {  	s3 =	sadd.s32 $0x88, s3;
	s6 =	simm.s32 @!p1 $0x1082;
	[sflag:s4] =	ssyncset.s32 $0xFFFFF086  }
0x25: {  	[simem:s6], [sflag:s4] =	dma.local [hbm:s3], $0xF7A  }
0x26: {  	[smem:$0x3F9D] =	sst s1;
	(tag) =	ssettag s2;
	_ =	strace s9  }
0x27: {  	s1 =	sld [smem:$0x3FAD]  }
0x28: {  	s2 =	sld [smem:$0x3FAE]  }
0x29: {  	s4 =	sld [smem:$0x3FB0]  }
0x2a: {  	p0 =	seq.s32 s5, $0x0;
	s5 =	sld [smem:$0x3FB1]  }
0x2b: {  	s6 =	sld [smem:$0x3FB2]  }
0x2c: {  	s7 =	sld [smem:$0x3FB3]  }
0x2d: {  	s3 =	simm.s32 $0x108;
	s8 =	sld [smem:$0x3FB4]  }
0x2e: {  	s3 =	simm.s32 @!p0 $0x1082;
	s9 =	sld [smem:$0x3FB5]  }
0x2f: {  	lr =	sadd.s32 s0, s3;
	s0 =	sld [smem:$0x3FAC]  }
0x30: {  	s3 =	sld [smem:$0x3FAF]  }
0x31: {  	[smem:$0x3FB8] =	sst s10  }
0x32: {  	s10 =	sld [smem:$0x3FB6];
	_ =	sdelay $0x3  }
0x33: {  	p0 =	seq.s32 s10, $0x1;
	s10 =	sld [smem:$0x3FB8];
	_ =	sdelay $0x3  }
0x34: {  	[smem:$0x3FB8] =	sst s10  }
0x35: {  	s10 =	sld [smem:$0x3FB7];
	_ =	sdelay $0x3  }
0x36: {  	p1 =	seq.s32 s10, $0x1;
	s10 =	sld [smem:$0x3FB8];
	_ =	sdelay $0x3  }
0x37: {  	[smem:$0x3FB8] =	sst s10  }
0x38: {  	s10 =	sld [smem:$0x3FB9]  }
0x39: {  	_ = 	snop;
	(pc) =	sbr.ind lr, $3  }
0x3a: {  	_ = 	snop  }
0x3b: {  	_ = 	snop  }
0x3c: {  	p2 =	seq.s32 s10, $0x1;
	s10 =	sld [smem:$0x3FB8]  }
0x3d: {  	_ =	shalt  }
0x3e: {  	_ =	shalt  }
0x3f: {  	_ =	shalt  }
0x40: {  	_ =	shalt  }
0x41: {  	_ =	shalt  }
0x42: {  	_ =	shalt  }
0x43: {  	_ =	shalt  }
0x44: {  	_ =	shalt  }
0x45: {  	_ =	shalt  }
0x46: {  	_ =	shalt  }
0x47: {  	_ =	shalt  }
0x48: {  	_ =	shalt  }
0x49: {  	_ =	shalt  }
0x4a: {  	_ =	shalt  }
0x4b: {  	_ =	shalt  }
0x4c: {  	_ =	shalt  }
0x4d: {  	_ =	shalt  }
0x4e: {  	_ =	shalt  }
0x4f: {  	_ =	shalt  }
0x50: {  	_ =	shalt  }
0x51: {  	_ =	shalt  }
0x52: {  	_ =	shalt  }
0x53: {  	_ =	shalt  }
0x54: {  	_ =	shalt  }
0x55: {  	_ =	shalt  }
0x56: {  	_ =	shalt  }
0x57: {  	_ =	shalt  }
0x58: {  	_ =	shalt  }
0x59: {  	_ =	shalt  }
0x5a: {  	_ =	shalt  }
0x5b: {  	_ =	shalt  }
0x5c: {  	_ =	shalt  }
0x5d: {  	_ =	shalt  }
0x5e: {  	_ =	shalt  }
0x5f: {  	_ =	shalt  }
0x60: {  	_ =	shalt  }
0x61: {  	_ =	shalt  }
0x62: {  	_ =	shalt  }
0x63: {  	_ =	shalt  }
0x64: {  	_ =	shalt  }
0x65: {  	_ =	shalt  }
0x66: {  	_ =	shalt  }
0x67: {  	_ =	shalt  }
0x68: {  	_ =	shalt  }
0x69: {  	_ =	shalt  }
0x6a: {  	_ =	shalt  }
0x6b: {  	_ =	shalt  }
0x6c: {  	_ =	shalt  }
0x6d: {  	_ =	shalt  }
0x6e: {  	_ =	shalt  }
0x6f: {  	_ =	shalt  }
0x70: {  	_ =	shalt  }
0x71: {  	_ =	shalt  }
0x72: {  	_ =	shalt  }
0x73: {  	_ =	shalt  }
0x74: {  	_ =	shalt  }
0x75: {  	_ =	shalt  }
0x76: {  	_ =	shalt  }
0x77: {  	_ =	shalt  }
0x78: {  	_ =	shalt  }
0x79: {  	_ =	shalt  }
0x7a: {  	_ =	shalt  }
0x7b: {  	_ =	shalt  }
0x7c: {  	_ =	shalt  }
0x7d: {  	_ =	shalt  }
0x7e: {  	_ =	shalt  }
0x7f: {  	_ =	shalt  }
0x80: {  	_ =	shalt  }
0x81: {  	_ =	shalt  }
0x82: {  	_ =	shalt  }
0x83: {  	_ =	shalt  }
0x84: {  	_ =	shalt  }
0x85: {  	_ =	shalt  }
0x86: {  	_ =	shalt  }
0x87: {  	_ =	shalt  }
.Lfunc_end0:
.L_simem_size_0:
called_computation_lowered:
.L_overlay_start_0:
0x88: {  	s2 =	sld [smem:$0x3FD9]  }
0x89: {  	s3 =	sld [smem:$0x3FFE];
	_ =	sdelay $0x1  }
0x8a: {  	s1 =	srdreg.scid  }
0x8b: {  	s0 =	sand.u32 $0x1, s1  }
0x8c: {  	s17 =	sshll.u32 s0, $0xA;
	s2 =	sadd.s32 s3, s2  }
0x8d: {  	s2 =	sadd.s32 s2, s17  }
0x8e: {  	[smem:$0x3FC4] =	sst s2  }
0x8f: {  	_ = 	snop  }
0x90: {  	s2 =	sld [smem:$0x3FC7];
	(tm) =	ssettm $0x1  }
0x91: {  	s18 =	sld [smem:$0x3FFB];
	_ =	sdelay $0x3  }
0x92: {  	_ =	strace s18  }
0x93: {  	s3 =	sld [smem:$0x3FFC];
	_ =	sdelay $0x3  }
0x94: {  	_ =	strace s3  }
0x95: {  	s3 =	sld [smem:$0x3FFD];
	_ =	sdelay $0x3  }
0x96: {  	_ =	strace s3  }
0x97: {  	_ =	strace $0x8FFFFFFF  }
0x98: {  	s19 =	sld [smem:$0x3FDB];
	_ =	sdelay $0x1  }
0x99: {  	s4 =	simm.s32 $_scs_section_size  }
0x9a: {  	s5 =	simm.s32 $_size__tile_overlayer_lowered;
	s6 =	simm.s32 $_tile_overlayer_lowered  }
0x9b: {  	s22 =	simm.s32 $0x1BFF;
	s21 =	sshll.u32 s6, $0x1;
	s3 =	sadd.s32 s4, s19  }
0x9c: {  	s7 =	simm.s32 $0x0;
	s20 =	sshll.u32 s5, $0x1;
	s5 =	sadd.s32 s21, s3  }
0x9d: {  	[timem:s7], [sflag:s22] =	dma.local [hbm:s5], s20  }
0x9e: {  	_ =	swait.ge [sflag:s22], s20  }
0x9f: {  	s4 =	ssub.s32 $0x0, s20;
	[sflag:s22] =	ssyncset.done $0x0  }
0xa0: {  	[sflag:s22] =	ssyncadd.s32 s4;
	_ =	sdelay $0x1  }
0xa1: {  	s23 =	simm.s32 $0x1B8B  }
0xa2: {  	_ =	swait.ge [sflag:s23], $0x1  }
0xa3: {  	[sflag:s23] =	ssyncset.done $0x0  }
0xa4: {  	s25 =	simm.s32 $0x1B8E;
	s24 =	sld [smem:$0x3FFE];
	[sflag:s23] =	ssyncadd.s32 $0xFFFFFFFF  }
0xa5: {  	s26 =	simm.s32 $execute0_lowered;
	[smem:$0x3FD2] =	sst s25  }
0xa6: {  	s5 =	sshll.u32 s26, $0x1;
	_ =	strace $0x80000046;
	[dreg:$0x1] =	wrdreg $0xFFFFFFFF  }
0xa7: {  	s28 =	simm.s32 $_size_execute0_lowered;
	s3 =	sadd.s32 s3, s5;
	[dreg:$0x0] =	wrdreg $0x0  }
0xa8: {  	s5 =	sshll.u32 s28, $0x1;
	[dreg:$0x2] =	wrdreg s3  }
0xa9: {  	[dreg:$0x3] =	wrdreg s5  }
0xaa: {  	[dreg:$0x4] =	wrdreg $0xC0  }
0xab: {  	_ =	task [dreg:s7], $0x5FFFF  }
0xac: {  	[dreg:$0x1] =	wrdreg $0xFFFFFFFF  }
0xad: {  	[dreg:$0x0] =	wrdreg $0x60  }
0xae: {  	[dreg:$0x2] =	wrdreg s2  }
0xaf: {  	[dreg:$0x3] =	wrdreg s24  }
0xb0: {  	[dreg:$0x4] =	wrdreg $0x9  }
0xb1: {  	_ =	task.clear_ibuf [dreg:s7], $0x5FFFF;
	_ =	strace $0x90000046  }
0xb2: {  	s29 =	simm.s32 $0x9;
	_ =	strace $0x80000048  }
0xb3: {  	_ =	swait.ge [sflag:s29], $0x1  }
0xb4: {  	[sflag:s29] =	ssyncadd.s32 $0xFFFFFFFF  }
0xb5: {  	_ =	strace $0x90000048  }
0xb6: {  	_ =	sfence  }
0xb7: {  	s30 =	sld [smem:$0x0];
	_ =	sdelay $0x2  }
0xb8: {  	s31 =	sshll.u32 s1, $0xD;
	s1 =	sshrl.u32 s1, $0x2  }
0xb9: {  	s3 =	sand.u32 $0x4000, s31;
	s1 =	sadd.s32 s1, s30  }
0xba: {  	s0 =	sor.u32 s3, s0;
	s1 =	sshll.u32 s1, $0x11  }
0xbb: {  	s0 =	sor.u32 s1, s0  }
0xbc: {  	s0 =	sadd.s32 $0x8F2B, s0  }
0xbd: {  	[sflag:s0] =	ssyncadd.remote.s32 $0x1  }
0xbe: {  	_ =	sfence.sel $0xFFFF  }
0xbf: {  	[dreg:$0x0] =	wrdreg $0xFFFFFFFF;
	(pc) =	sbr.abs _section_cstart, $3  }
0xc0: {  	[dreg:$0x1] =	wrdreg $0xFFFFFFFF  }
0xc1: {  	_ =	task.clear_ibuf [dreg:s7], $0x2FFFF;
	_ =	strace $0x9FFFFFFF  }
0xc2: {  	(tm) =	ssettm $0x7FFFFFFF  }
0xc3: {  	_ =	shalt  }
tec
execute0_lowered:
.L_overlay_start_1:
0x0: {  	(tag) =	ssettag $0x1  }
0x1: {  	s1 =	rddreg [dreg:$0x0]  }
0x2: {  	s0 =	rddreg [dreg:$0x1]  }
0x3: {  	s3 =	srdreg.scid;
	s16 =	stileid.u32;
	s2 =	simm.s32 $0x0  }
0x4: {  	s19 =	simm.s32 $0x1;
	s20 =	simm.s32 $0x8000;
	s21 =	simm.s32 $0x10400  }
0x5: {  	s22 =	simm.s32 $0xC200;
	s23 =	simm.s32 $0x3;
	s24 =	simm.s32 $0x0  }
0x6: {  	s4 =	sand.u32 $0x1, s3;
	[smem:$0x7FF] =	sst s2;
	s9 =	sadd.s32 $0xF4200, s1  }
0x7: {  	s30 =	sshll.u32 s16, $0x1;
	s10 =	sadd.s32 $0x1E8480, s1;
	s12 =	sadd.s32 $0x2DC700, s1  }
0x8: {  	s13 =	sadd.s32 $0x3D0980, s1;
	s14 =	sadd.s32 $0x3D1400, s0;
	p0 =	sne.s32 s16, $0x0  }
0x9: {  	s3 =	sor.u32 s4, s30;
	_ =	strace $0x80000047;
	s6 =	ssub.s32 $0x2, s4  }
.Ltmp0:
0xa: {  	s4 =	sadd.s32 $0xC00, s0;
	s5 =	sshll.u32 s3, $0x9;
	(pc) =	sbr.rel .LBB2_1-.Ltmp0, $4  }
0xb: {  	s7 =	sshrl.u32 s6, $0x1;
	s11 =	sor.u32 $0x40, s3;
	p2 =	seq.s32 @!p0 s3, $0x1  }
0xc: {  	s5 =	sadd.s32 s1, s5;
	s15 =	ssub.s32 s6, s7;
	p1 =	por !p2, p0  }
0xd: {  	v0 =	vlaneseq.u32;
	p2 =	por p2, p0;
	s31 =	sadd.s32 $0x1E8500, s5;
	s7 =	sadd.s32 $0x2DC780, s5  }
0xe: {  	v0 =	vmul.u32 $0x21, v0;
	s8 =	sadd.s32 $0xF4280, s5;
	s15 =	smax.u32 s15, $0x1;
	[dreg:$0x3] =	wrdreg s31  }
.LBB2_13:
0xf: {  	_ =	swait.ge [sflag:s23], $0x4000  }
0x10: {  	[sflag:s23] =	ssyncset.done $0x0  }
0x11: {  	s0 =	simm.s32 @!p1 $0x4;
	s24 =	sadd.s32 $0x1, s24;
	[sflag:s23] =	ssyncadd.s32 $0xFFFFC000  }
0x12: {  	p3 =	sne.s32 s24, s15;
	_ =	swait.ge @!p1 [sflag:s0], $0x800  }
.Ltmp1:
0x13: {  	[sflag:s0] =	ssyncset.done @!p1 $0x0;
	(pc) =	sbr.rel @!p3 .LBB2_14-.Ltmp1, $4  }
0x14: {  	[sflag:s0] =	ssyncadd.s32 @!p1 $0xFFFFF800;
	s0 =	simm.s32 @!p2 $0x4  }
0x15: {  	_ =	swait.ge @!p2 [sflag:s0], $0x4000  }
0x16: {  	[sflag:s0] =	ssyncset.done @!p2 $0x0  }
0x17: {  	[sflag:s0] =	ssyncadd.s32 @!p2 $0xFFFFC000  }
.LBB2_1:
0x18: {  	[tilespmem:s2], [sflag:$0x1] =	stream.linear.gather [hbm4b:s5+s2], $0x1000, $0x38;
	[tilespmem:$0x18400] =	vst v63  }
0x19: {  	s0 =	simm.s32 $0x1000  }
0x1a: {  	[tilespmem:s0], [sflag:$0x1] =	stream.linear.gather [hbm4b:s8+s2], $0x1000, $0x38;
	[tilespmem:$0x18400] =	vst v63  }
.Ltmp2:
0x1b: {  	_ = 	snop;
	(pc) =	sbr.rel .LBB2_2-.Ltmp2, $4  }
0x1c: {  	s30 =	rddreg [dreg:$0x3];
	s6 =	simm.s32 $0x2000  }
0x1d: {  	[tilespmem:s6], [sflag:$0x1] =	stream.linear.gather [hbm4b:s30+s2], $0x1000, $0x38;
	[tilespmem:$0x18400] =	vst v63  }
0x1e: {  	s31 =	simm.s32 $0x3000;
	s25 =	simm.s32 $0x0  }
0x1f: {  	[tilespmem:s31], [sflag:$0x1] =	stream.linear.gather [hbm4b:s7+s2], $0x1000, $0x38;
	[tilespmem:$0x18400] =	vst v63  }
.LBB2_12:
0x20: {  	s25 =	sadd.s32 $0x1, s25  }
0x21: {  	p3 =	sne.s32 s25, $0x1F  }
.Ltmp3:
0x22: {  	_ = 	snop;
	(pc) =	sbr.rel @!p3 .LBB2_13-.Ltmp3, $1  }
0x23: {  	_ =	sdelay $0x3  }
.LBB2_2:
0x24: {  	s0 =	sshll.u32 s25, $0x6  }
0x25: {  	s28 =	sor.u32 s3, s0  }
0x26: {  	s26 =	sor.u32 $0x20, s28  }
0x27: {  	p3 =	sgt.u32 s26, $0x7A1  }
0x28: {  	p4 =	seq.s32 @!p3 s28, $0x781  }
0x29: {  	p5 =	por !p4, p3  }
0x2a: {  	s16 =	simm.s32 @!p5 $0x0;
	s17 =	simm.s32 @!p5 $0x4000  }
0x2b: {  	[tilespmem:s17], [sflag:$0x2] =	stream.linear.gather @!p5 [hbm4b:s9+s16], $0x400, $0x38;
	[tilespmem:$0x18400] =	vst v63  }
0x2c: {  	s17 =	simm.s32 @!p5 $0x5000  }
0x2d: {  	[tilespmem:s17], [sflag:$0x2] =	stream.linear.gather @!p5 [hbm4b:s10+s16], $0x400, $0x38;
	[tilespmem:$0x18400] =	vst v63  }
0x2e: {  	s17 =	simm.s32 @!p5 $0x6000  }
0x2f: {  	[tilespmem:s17], [sflag:$0x2] =	stream.linear.gather @!p5 [hbm4b:s12+s16], $0x400, $0x38;
	[tilespmem:$0x18400] =	vst v63  }
0x30: {  	p4 =	por p4, p3;
	s17 =	simm.s32 @!p5 $0x7000  }
0x31: {  	[tilespmem:s17], [sflag:$0x2] =	stream.linear.gather @!p5 [hbm4b:s13+s16], $0x400, $0x38;
	[tilespmem:$0x18400] =	vst v63  }
0x32: {  	s18 =	simm.s32 @!p4 $0x0;
	s16 =	sshll.u32 @!p4 s26, $0x9  }
0x33: {  	s29 =	simm.s32 @!p4 $0x4000;
	s17 =	sadd.s32 @!p4 s1, s16;
	s16 =	sand.u32 @!p4 $0x1FFFFE00, s16  }
0x34: {  	[tilespmem:s29], [sflag:$0x2] =	stream.linear.gather @!p4 [hbm4b:s17+s18], $0x1000, $0x38;
	[tilespmem:$0x18400] =	vst v63  }
0x35: {  	s16 =	sadd.s32 @!p4 s1, s16  }
0x36: {  	s29 =	simm.s32 @!p4 $0x5000;
	s17 =	sadd.s32 @!p4 $0xF4280, s16  }
0x37: {  	[tilespmem:s29], [sflag:$0x2] =	stream.linear.gather @!p4 [hbm4b:s17+s18], $0x1000, $0x38;
	[tilespmem:$0x18400] =	vst v63  }
0x38: {  	s17 =	sadd.s32 @!p4 $0x1E8500, s16;
	s29 =	simm.s32 @!p4 $0x6000  }
0x39: {  	[tilespmem:s29], [sflag:$0x2] =	stream.linear.gather @!p4 [hbm4b:s17+s18], $0x1000, $0x38;
	[tilespmem:$0x18400] =	vst v63  }
0x3a: {  	s16 =	sadd.s32 @!p4 $0x2DC780, s16;
	s17 =	simm.s32 @!p4 $0x7000  }
0x3b: {  	[tilespmem:s17], [sflag:$0x2] =	stream.linear.gather @!p4 [hbm4b:s16+s18], $0x1000, $0x38;
	[tilespmem:$0x18400] =	vst v63  }
0x3c: {  	p4 =	seq.s32 s25, $0x0  }
0x3d: {  	s16 =	simm.s32 @!p4 $0x3  }
0x3e: {  	_ =	swait.ge @!p4 [sflag:s16], $0x4000  }
0x3f: {  	[sflag:s16] =	ssyncset.done @!p4 $0x0  }
0x40: {  	[sflag:s16] =	ssyncadd.s32 @!p4 $0xFFFFC000  }
0x41: {  	_ =	swait.ge [sflag:s19], $0x1000  }
0x42: {  	[sflag:s19] =	ssyncset.done $0x0  }
0x43: {  	[sflag:s19] =	ssyncadd.s32 $0xFFFFF000  }
0x44: {  	_ =	swait.ge [sflag:s19], $0x1000  }
0x45: {  	[sflag:s19] =	ssyncset.done $0x0  }
0x46: {  	[sflag:s19] =	ssyncadd.s32 $0xFFFFF000  }
0x47: {  	_ =	swait.ge [sflag:s19], $0x1000  }
0x48: {  	[sflag:s19] =	ssyncset.done $0x0  }
0x49: {  	[sflag:s19] =	ssyncadd.s32 $0xFFFFF000  }
0x4a: {  	s17 =	simm.s32 $0x0;
	_ =	swait.ge [sflag:s19], $0x1000  }
0x4b: {  	s18 =	sand.u32 $0x70, s17;
	s6 =	sand.u32 $0xC00, s17;
	[sflag:s19] =	ssyncset.done $0x0  }
0x4c: {  	s29 =	simm.s32 $0x0;
	s16 =	sor.u32 s18, s6;
	[sflag:s19] =	ssyncadd.s32 $0xFFFFF000  }
0x4d: {  	v2 =	vadd.s32 s29, v0;
	v1 =	vld [tilespmem:s16+$0x0];
	_ =	sdelay $0x4  }
0x4e: {  	s6 =	simm.s32 $0x1;
	[tilespmem:v2+s20+$0x0] =	vst.idx.msk $0xffff, v1  }
0x4f: {  	v2 =	vadd.s32 s6, v0;
	v1 =	vld [tilespmem:s16+$0x80];
	_ =	sdelay $0x4  }
0x50: {  	s6 =	simm.s32 $0x2;
	[tilespmem:v2+s20+$0x0] =	vst.idx.msk $0xffff, v1  }
0x51: {  	v2 =	vadd.s32 s6, v0;
	v1 =	vld [tilespmem:s16+$0x100];
	_ =	sdelay $0x4  }
0x52: {  	s6 =	simm.s32 $0x3;
	[tilespmem:v2+s20+$0x0] =	vst.idx.msk $0xffff, v1  }
0x53: {  	v2 =	vadd.s32 s6, v0;
	v1 =	vld [tilespmem:s16+$0x180];
	_ =	sdelay $0x4  }
0x54: {  	s6 =	simm.s32 $0x4;
	[tilespmem:v2+s20+$0x0] =	vst.idx.msk $0xffff, v1  }
0x55: {  	v2 =	vadd.s32 s6, v0;
	v1 =	vld [tilespmem:s16+$0x200];
	_ =	sdelay $0x4  }
0x56: {  	s6 =	simm.s32 $0x5;
	[tilespmem:v2+s20+$0x0] =	vst.idx.msk $0xffff, v1  }
0x57: {  	v2 =	vadd.s32 s6, v0;
	v1 =	vld [tilespmem:s16+$0x280];
	_ =	sdelay $0x4  }
0x58: {  	s6 =	simm.s32 $0x6;
	[tilespmem:v2+s20+$0x0] =	vst.idx.msk $0xffff, v1  }
0x59: {  	v2 =	vadd.s32 s6, v0;
	v1 =	vld [tilespmem:s16+$0x300];
	_ =	sdelay $0x3  }
0x5a: {  	s17 =	sor.u32 s17, s17  }
0x5b: {  	s17 =	sor.u32 $0x380, s17;
	s6 =	simm.s32 $0x7;
	[tilespmem:v2+s20+$0x0] =	vst.idx.msk $0xffff, v1  }
0x5c: {  	v2 =	vadd.s32 s6, v0;
	v1 =	vld [tilespmem:s17+$0x0];
	_ =	sdelay $0x4  }
0x5d: {  	s6 =	simm.s32 $0x8;
	[tilespmem:v2+s20+$0x0] =	vst.idx.msk $0xffff, v1  }
0x5e: {  	v2 =	vadd.s32 s6, v0;
	v1 =	vld [tilespmem:s16+$0x1000];
	_ =	sdelay $0x4  }
0x5f: {  	s18 =	simm.s32 $0x9;
	[tilespmem:v2+s20+$0x0] =	vst.idx.msk $0xffff, v1  }
0x60: {  	v2 =	vadd.s32 s18, v0;
	v1 =	vld [tilespmem:s16+$0x1080];
	_ =	sdelay $0x4  }
0x61: {  	s6 =	simm.s32 $0xA;
	[tilespmem:v2+s20+$0x0] =	vst.idx.msk $0xffff, v1  }
0x62: {  	v2 =	vadd.s32 s6, v0;
	v1 =	vld [tilespmem:s16+$0x1100];
	_ =	sdelay $0x4  }
0x63: {  	s18 =	simm.s32 $0xB;
	[tilespmem:v2+s20+$0x0] =	vst.idx.msk $0xffff, v1  }
0x64: {  	v2 =	vadd.s32 s18, v0;
	v1 =	vld [tilespmem:s16+$0x1180];
	_ =	sdelay $0x4  }
0x65: {  	s6 =	simm.s32 $0xC;
	[tilespmem:v2+s20+$0x0] =	vst.idx.msk $0xffff, v1  }
0x66: {  	v2 =	vadd.s32 s6, v0;
	v1 =	vld [tilespmem:s16+$0x1200];
	_ =	sdelay $0x4  }
0x67: {  	s18 =	simm.s32 $0xD;
	[tilespmem:v2+s20+$0x0] =	vst.idx.msk $0xffff, v1  }
0x68: {  	v2 =	vadd.s32 s18, v0;
	v1 =	vld [tilespmem:s16+$0x1280];
	_ =	sdelay $0x4  }
0x69: {  	s6 =	simm.s32 $0xE;
	[tilespmem:v2+s20+$0x0] =	vst.idx.msk $0xffff, v1  }
0x6a: {  	v2 =	vadd.s32 s6, v0;
	v1 =	vld [tilespmem:s16+$0x1300];
	_ =	sdelay $0x4  }
0x6b: {  	s18 =	simm.s32 $0xF;
	[tilespmem:v2+s20+$0x0] =	vst.idx.msk $0xffff, v1  }
0x6c: {  	v2 =	vadd.s32 s18, v0;
	v1 =	vld [tilespmem:s16+$0x1380];
	_ =	sdelay $0x4  }
0x6d: {  	s6 =	simm.s32 $0x10;
	[tilespmem:v2+s20+$0x0] =	vst.idx.msk $0xffff, v1  }
0x6e: {  	v2 =	vadd.s32 s6, v0;
	v1 =	vld [tilespmem:s16+$0x2000];
	_ =	sdelay $0x4  }
0x6f: {  	s18 =	simm.s32 $0x11;
	[tilespmem:v2+s20+$0x0] =	vst.idx.msk $0xffff, v1  }
0x70: {  	v2 =	vadd.s32 s18, v0;
	v1 =	vld [tilespmem:s16+$0x2080];
	_ =	sdelay $0x4  }
0x71: {  	s6 =	simm.s32 $0x12;
	[tilespmem:v2+s20+$0x0] =	vst.idx.msk $0xffff, v1  }
0x72: {  	v2 =	vadd.s32 s6, v0;
	v1 =	vld [tilespmem:s16+$0x2100];
	_ =	sdelay $0x4  }
0x73: {  	s18 =	simm.s32 $0x13;
	[tilespmem:v2+s20+$0x0] =	vst.idx.msk $0xffff, v1  }
0x74: {  	v2 =	vadd.s32 s18, v0;
	v1 =	vld [tilespmem:s16+$0x2180];
	_ =	sdelay $0x4  }
0x75: {  	s6 =	simm.s32 $0x14;
	[tilespmem:v2+s20+$0x0] =	vst.idx.msk $0xffff, v1  }
0x76: {  	v2 =	vadd.s32 s6, v0;
	v1 =	vld [tilespmem:s16+$0x2200];
	_ =	sdelay $0x4  }
0x77: {  	s18 =	simm.s32 $0x15;
	[tilespmem:v2+s20+$0x0] =	vst.idx.msk $0xffff, v1  }
0x78: {  	v2 =	vadd.s32 s18, v0;
	v1 =	vld [tilespmem:s16+$0x2280];
	_ =	sdelay $0x4  }
0x79: {  	s6 =	simm.s32 $0x16;
	[tilespmem:v2+s20+$0x0] =	vst.idx.msk $0xffff, v1  }
0x7a: {  	v2 =	vadd.s32 s6, v0;
	v1 =	vld [tilespmem:s16+$0x2300];
	_ =	sdelay $0x4  }
0x7b: {  	s18 =	simm.s32 $0x17;
	[tilespmem:v2+s20+$0x0] =	vst.idx.msk $0xffff, v1  }
0x7c: {  	v2 =	vadd.s32 s18, v0;
	v1 =	vld [tilespmem:s16+$0x2380];
	_ =	sdelay $0x4  }
0x7d: {  	s6 =	simm.s32 $0x18;
	[tilespmem:v2+s20+$0x0] =	vst.idx.msk $0xffff, v1  }
0x7e: {  	v2 =	vadd.s32 s6, v0;
	v1 =	vld [tilespmem:s16+$0x3000];
	_ =	sdelay $0x4  }
0x7f: {  	s18 =	simm.s32 $0x19;
	[tilespmem:v2+s20+$0x0] =	vst.idx.msk $0xffff, v1  }
0x80: {  	v2 =	vadd.s32 s18, v0;
	v1 =	vld [tilespmem:s16+$0x3080];
	_ =	sdelay $0x4  }
0x81: {  	s6 =	simm.s32 $0x1A;
	[tilespmem:v2+s20+$0x0] =	vst.idx.msk $0xffff, v1  }
0x82: {  	v2 =	vadd.s32 s6, v0;
	v1 =	vld [tilespmem:s16+$0x3100];
	_ =	sdelay $0x4  }
0x83: {  	s18 =	simm.s32 $0x1B;
	[tilespmem:v2+s20+$0x0] =	vst.idx.msk $0xffff, v1  }
0x84: {  	v2 =	vadd.s32 s18, v0;
	v1 =	vld [tilespmem:s16+$0x3180];
	_ =	sdelay $0x4  }
0x85: {  	s6 =	simm.s32 $0x1C;
	[tilespmem:v2+s20+$0x0] =	vst.idx.msk $0xffff, v1  }
0x86: {  	v2 =	vadd.s32 s6, v0;
	v1 =	vld [tilespmem:s16+$0x3200];
	_ =	sdelay $0x4  }
0x87: {  	s18 =	simm.s32 $0x1D;
	[tilespmem:v2+s20+$0x0] =	vst.idx.msk $0xffff, v1  }
0x88: {  	v2 =	vadd.s32 s18, v0;
	v1 =	vld [tilespmem:s16+$0x3280];
	_ =	sdelay $0x4  }
0x89: {  	s6 =	simm.s32 $0x1E;
	[tilespmem:v2+s20+$0x0] =	vst.idx.msk $0xffff, v1  }
0x8a: {  	v2 =	vadd.s32 s6, v0;
	v1 =	vld [tilespmem:s16+$0x3300];
	_ =	sdelay $0x4  }
0x8b: {  	s18 =	simm.s32 $0x1F;
	[tilespmem:v2+s20+$0x0] =	vst.idx.msk $0xffff, v1  }
0x8c: {  	v2 =	vadd.s32 s18, v0;
	v1 =	vld [tilespmem:s16+$0x3380];
	_ =	sdelay $0x1  }
0x8d: {  	s30 =	simm.s32 $0x22F  }
0x8e: {  	s31 =	simm.s32 $0x80;
	s29 =	sadd.s32 s11, s0;
	s0 =	simm.s32 $0x10  }
0x8f: {  	s17 =	sand.u32 $0x70, s0;
	s18 =	sand.u32 $0xC00, s31;
	s16 =	simm.s32 $0x43F  }
.LBB2_3:
0x90: {  	p5 =	sne.s32 s16, $0x400F;
	s6 =	sadd.s32 $0xFFFFFFE1, s30;
	s17 =	sor.u32 s17, s18;
	[tilespmem:v2+s20+$0x0] =	vst.idx.msk $0xffff, v1  }
0x91: {  	v1 =	vld [tilespmem:s17+$0x0];
	v2 =	vadd.s32 s6, v0;
	_ =	sdelay $0x4  }
0x92: {  	s6 =	sadd.s32 $0xFFFFFFE2, s30;
	[tilespmem:v2+s20+$0x0] =	vst.idx.msk $0xffff, v1  }
0x93: {  	v2 =	vadd.s32 s6, v0;
	v1 =	vld [tilespmem:s17+$0x80];
	_ =	sdelay $0x4  }
0x94: {  	s6 =	sadd.s32 $0xFFFFFFE3, s30;
	[tilespmem:v2+s20+$0x0] =	vst.idx.msk $0xffff, v1  }
0x95: {  	v2 =	vadd.s32 s6, v0;
	v1 =	vld [tilespmem:s17+$0x100];
	_ =	sdelay $0x4  }
0x96: {  	s6 =	sadd.s32 $0xFFFFFFE4, s30;
	[tilespmem:v2+s20+$0x0] =	vst.idx.msk $0xffff, v1  }
0x97: {  	v2 =	vadd.s32 s6, v0;
	v1 =	vld [tilespmem:s17+$0x180];
	_ =	sdelay $0x4  }
0x98: {  	s6 =	sadd.s32 $0xFFFFFFE5, s30;
	[tilespmem:v2+s20+$0x0] =	vst.idx.msk $0xffff, v1  }
0x99: {  	v2 =	vadd.s32 s6, v0;
	v1 =	vld [tilespmem:s17+$0x200];
	_ =	sdelay $0x4  }
0x9a: {  	s6 =	sadd.s32 $0xFFFFFFE6, s30;
	[tilespmem:v2+s20+$0x0] =	vst.idx.msk $0xffff, v1  }
0x9b: {  	v2 =	vadd.s32 s6, v0;
	v1 =	vld [tilespmem:s17+$0x280];
	_ =	sdelay $0x4  }
0x9c: {  	s6 =	sadd.s32 $0xFFFFFFE7, s30;
	[tilespmem:v2+s20+$0x0] =	vst.idx.msk $0xffff, v1  }
0x9d: {  	v2 =	vadd.s32 s6, v0;
	v1 =	vld [tilespmem:s17+$0x300];
	_ =	sdelay $0x3  }
0x9e: {  	s6 =	sor.u32 s31, s0  }
0x9f: {  	s18 =	sadd.s32 $0xFFFFFFE8, s30;
	s6 =	sor.u32 $0x380, s6;
	[tilespmem:v2+s20+$0x0] =	vst.idx.msk $0xffff, v1  }
0xa0: {  	v2 =	vadd.s32 s18, v0;
	v1 =	vld [tilespmem:s6+$0x0];
	_ =	sdelay $0x4  }
0xa1: {  	s6 =	sadd.s32 $0xFFFFFFE9, s30;
	[tilespmem:v2+s20+$0x0] =	vst.idx.msk $0xffff, v1  }
0xa2: {  	v2 =	vadd.s32 s6, v0;
	v1 =	vld [tilespmem:s17+$0x1000];
	_ =	sdelay $0x4  }
0xa3: {  	s6 =	sadd.s32 $0xFFFFFFEA, s30;
	[tilespmem:v2+s20+$0x0] =	vst.idx.msk $0xffff, v1  }
0xa4: {  	v2 =	vadd.s32 s6, v0;
	v1 =	vld [tilespmem:s17+$0x1080];
	_ =	sdelay $0x4  }
0xa5: {  	s6 =	sadd.s32 $0xFFFFFFEB, s30;
	[tilespmem:v2+s20+$0x0] =	vst.idx.msk $0xffff, v1  }
0xa6: {  	v2 =	vadd.s32 s6, v0;
	v1 =	vld [tilespmem:s17+$0x1100];
	_ =	sdelay $0x4  }
0xa7: {  	s6 =	sadd.s32 $0xFFFFFFEC, s30;
	[tilespmem:v2+s20+$0x0] =	vst.idx.msk $0xffff, v1  }
0xa8: {  	v2 =	vadd.s32 s6, v0;
	v1 =	vld [tilespmem:s17+$0x1180];
	_ =	sdelay $0x4  }
0xa9: {  	s6 =	sadd.s32 $0xFFFFFFED, s30;
	[tilespmem:v2+s20+$0x0] =	vst.idx.msk $0xffff, v1  }
0xaa: {  	v2 =	vadd.s32 s6, v0;
	v1 =	vld [tilespmem:s17+$0x1200];
	_ =	sdelay $0x4  }
0xab: {  	s6 =	sadd.s32 $0xFFFFFFEE, s30;
	[tilespmem:v2+s20+$0x0] =	vst.idx.msk $0xffff, v1  }
0xac: {  	v2 =	vadd.s32 s6, v0;
	v1 =	vld [tilespmem:s17+$0x1280];
	_ =	sdelay $0x4  }
0xad: {  	s6 =	sadd.s32 $0xFFFFFFEF, s30;
	[tilespmem:v2+s20+$0x0] =	vst.idx.msk $0xffff, v1  }
0xae: {  	v2 =	vadd.s32 s6, v0;
	v1 =	vld [tilespmem:s17+$0x1300];
	_ =	sdelay $0x4  }
0xaf: {  	s6 =	sadd.s32 $0xFFFFFFF0, s30;
	[tilespmem:v2+s20+$0x0] =	vst.idx.msk $0xffff, v1  }
0xb0: {  	v2 =	vadd.s32 s6, v0;
	v1 =	vld [tilespmem:s17+$0x1380];
	_ =	sdelay $0x4  }
0xb1: {  	s6 =	sadd.s32 $0xFFFFFFF1, s30;
	[tilespmem:v2+s20+$0x0] =	vst.idx.msk $0xffff, v1  }
0xb2: {  	v2 =	vadd.s32 s6, v0;
	v1 =	vld [tilespmem:s17+$0x2000];
	_ =	sdelay $0x4  }
0xb3: {  	s6 =	sadd.s32 $0xFFFFFFF2, s30;
	[tilespmem:v2+s20+$0x0] =	vst.idx.msk $0xffff, v1  }
0xb4: {  	v2 =	vadd.s32 s6, v0;
	v1 =	vld [tilespmem:s17+$0x2080];
	_ =	sdelay $0x4  }
0xb5: {  	s6 =	sadd.s32 $0xFFFFFFF3, s30;
	[tilespmem:v2+s20+$0x0] =	vst.idx.msk $0xffff, v1  }
0xb6: {  	v2 =	vadd.s32 s6, v0;
	v1 =	vld [tilespmem:s17+$0x2100];
	_ =	sdelay $0x4  }
0xb7: {  	s6 =	sadd.s32 $0xFFFFFFF4, s30;
	[tilespmem:v2+s20+$0x0] =	vst.idx.msk $0xffff, v1  }
0xb8: {  	v2 =	vadd.s32 s6, v0;
	v1 =	vld [tilespmem:s17+$0x2180];
	_ =	sdelay $0x4  }
0xb9: {  	s6 =	sadd.s32 $0xFFFFFFF5, s30;
	[tilespmem:v2+s20+$0x0] =	vst.idx.msk $0xffff, v1  }
0xba: {  	v2 =	vadd.s32 s6, v0;
	v1 =	vld [tilespmem:s17+$0x2200];
	_ =	sdelay $0x4  }
0xbb: {  	s6 =	sadd.s32 $0xFFFFFFF6, s30;
	[tilespmem:v2+s20+$0x0] =	vst.idx.msk $0xffff, v1  }
0xbc: {  	v2 =	vadd.s32 s6, v0;
	v1 =	vld [tilespmem:s17+$0x2280];
	_ =	sdelay $0x4  }
0xbd: {  	s6 =	sadd.s32 $0xFFFFFFF7, s30;
	[tilespmem:v2+s20+$0x0] =	vst.idx.msk $0xffff, v1  }
0xbe: {  	v2 =	vadd.s32 s6, v0;
	v1 =	vld [tilespmem:s17+$0x2300];
	_ =	sdelay $0x4  }
0xbf: {  	s6 =	sadd.s32 $0xFFFFFFF8, s30;
	[tilespmem:v2+s20+$0x0] =	vst.idx.msk $0xffff, v1  }
0xc0: {  	v2 =	vadd.s32 s6, v0;
	v1 =	vld [tilespmem:s17+$0x2380];
	_ =	sdelay $0x4  }
0xc1: {  	s6 =	sadd.s32 $0xFFFFFFF9, s30;
	[tilespmem:v2+s20+$0x0] =	vst.idx.msk $0xffff, v1  }
0xc2: {  	v2 =	vadd.s32 s6, v0;
	v1 =	vld [tilespmem:s17+$0x3000];
	_ =	sdelay $0x4  }
0xc3: {  	s6 =	sadd.s32 $0xFFFFFFFA, s30;
	[tilespmem:v2+s20+$0x0] =	vst.idx.msk $0xffff, v1  }
0xc4: {  	v2 =	vadd.s32 s6, v0;
	v1 =	vld [tilespmem:s17+$0x3080];
	_ =	sdelay $0x4  }
0xc5: {  	s6 =	sadd.s32 $0xFFFFFFFB, s30;
	[tilespmem:v2+s20+$0x0] =	vst.idx.msk $0xffff, v1  }
0xc6: {  	v2 =	vadd.s32 s6, v0;
	v1 =	vld [tilespmem:s17+$0x3100];
	_ =	sdelay $0x4  }
0xc7: {  	s6 =	sadd.s32 $0xFFFFFFFC, s30;
	[tilespmem:v2+s20+$0x0] =	vst.idx.msk $0xffff, v1  }
0xc8: {  	v2 =	vadd.s32 s6, v0;
	v1 =	vld [tilespmem:s17+$0x3180];
	_ =	sdelay $0x4  }
0xc9: {  	s6 =	sadd.s32 $0xFFFFFFFD, s30;
	[tilespmem:v2+s20+$0x0] =	vst.idx.msk $0xffff, v1  }
0xca: {  	v2 =	vadd.s32 s6, v0;
	v1 =	vld [tilespmem:s17+$0x3200];
	_ =	sdelay $0x4  }
0xcb: {  	s6 =	sadd.s32 $0xFFFFFFFE, s30;
	[tilespmem:v2+s20+$0x0] =	vst.idx.msk $0xffff, v1  }
0xcc: {  	v2 =	vadd.s32 s6, v0;
	v1 =	vld [tilespmem:s17+$0x3280];
	_ =	sdelay $0x4  }
0xcd: {  	s6 =	sadd.s32 $0xFFFFFFFF, s30;
	[tilespmem:v2+s20+$0x0] =	vst.idx.msk $0xffff, v1  }
0xce: {  	v2 =	vadd.s32 s6, v0;
	v1 =	vld [tilespmem:s17+$0x3300];
	_ =	sdelay $0x4  }
0xcf: {  	[tilespmem:v2+s20+$0x0] =	vst.idx.msk $0xffff, v1  }
.Ltmp4:
0xd0: {  	v2 =	vadd.s32 s30, v0;
	s30 =	smov.u32 s16;
	v1 =	vld [tilespmem:s17+$0x3380];
	(pc) =	sbr.rel @p5 .LBB2_3-.Ltmp4, $3  }
0xd1: {  	_ =	sdelay $0x1  }
0xd2: {  	s31 =	sadd.s32 $0x80, s31;
	s0 =	sadd.s32 $0x10, s0  }
0xd3: {  	s18 =	sand.u32 $0xC00, s31;
	s16 =	sadd.s32 $0x210, s16;
	s17 =	sand.u32 $0x70, s0  }
0xd4: {  	_ =	sdelay $0x3  }
0xd5: {  	s6 =	sadd.s32 $0xFFFFFFE1, s30;
	s16 =	sor.u32 s17, s18;
	[tilespmem:v2+s20+$0x0] =	vst.idx.msk $0xffff, v1  }
0xd6: {  	v1 =	vld [tilespmem:s16+$0x0];
	v2 =	vadd.s32 s6, v0;
	_ =	sdelay $0x4  }
0xd7: {  	s18 =	sadd.s32 $0xFFFFFFE2, s30;
	[tilespmem:v2+s20+$0x0] =	vst.idx.msk $0xffff, v1  }
0xd8: {  	v2 =	vadd.s32 s18, v0;
	v1 =	vld [tilespmem:s16+$0x80];
	_ =	sdelay $0x4  }
0xd9: {  	s17 =	sadd.s32 $0xFFFFFFE3, s30;
	[tilespmem:v2+s20+$0x0] =	vst.idx.msk $0xffff, v1  }
0xda: {  	v2 =	vadd.s32 s17, v0;
	v1 =	vld [tilespmem:s16+$0x100];
	_ =	sdelay $0x4  }
0xdb: {  	s18 =	sadd.s32 $0xFFFFFFE4, s30;
	[tilespmem:v2+s20+$0x0] =	vst.idx.msk $0xffff, v1  }
0xdc: {  	v2 =	vadd.s32 s18, v0;
	v1 =	vld [tilespmem:s16+$0x180];
	_ =	sdelay $0x4  }
0xdd: {  	s17 =	sadd.s32 $0xFFFFFFE5, s30;
	[tilespmem:v2+s20+$0x0] =	vst.idx.msk $0xffff, v1  }
0xde: {  	v2 =	vadd.s32 s17, v0;
	v1 =	vld [tilespmem:s16+$0x200];
	_ =	sdelay $0x4  }
0xdf: {  	s18 =	sadd.s32 $0xFFFFFFE6, s30;
	[tilespmem:v2+s20+$0x0] =	vst.idx.msk $0xffff, v1  }
0xe0: {  	v2 =	vadd.s32 s18, v0;
	v1 =	vld [tilespmem:s16+$0x280];
	_ =	sdelay $0x4  }
0xe1: {  	s17 =	sadd.s32 $0xFFFFFFE7, s30;
	[tilespmem:v2+s20+$0x0] =	vst.idx.msk $0xffff, v1  }
0xe2: {  	v2 =	vadd.s32 s17, v0;
	v1 =	vld [tilespmem:s16+$0x300];
	_ =	sdelay $0x3  }
0xe3: {  	s0 =	sor.u32 s31, s0  }
0xe4: {  	s0 =	sor.u32 $0x380, s0;
	s18 =	sadd.s32 $0xFFFFFFE8, s30;
	[tilespmem:v2+s20+$0x0] =	vst.idx.msk $0xffff, v1  }
0xe5: {  	v2 =	vadd.s32 s18, v0;
	v1 =	vld [tilespmem:s0+$0x0];
	_ =	sdelay $0x4  }
0xe6: {  	s6 =	sadd.s32 $0xFFFFFFE9, s30;
	[tilespmem:v2+s20+$0x0] =	vst.idx.msk $0xffff, v1  }
0xe7: {  	v2 =	vadd.s32 s6, v0;
	v1 =	vld [tilespmem:s16+$0x1000];
	_ =	sdelay $0x4  }
0xe8: {  	s17 =	sadd.s32 $0xFFFFFFEA, s30;
	[tilespmem:v2+s20+$0x0] =	vst.idx.msk $0xffff, v1  }
0xe9: {  	v2 =	vadd.s32 s17, v0;
	v1 =	vld [tilespmem:s16+$0x1080];
	_ =	sdelay $0x4  }
0xea: {  	s18 =	sadd.s32 $0xFFFFFFEB, s30;
	[tilespmem:v2+s20+$0x0] =	vst.idx.msk $0xffff, v1  }
0xeb: {  	v2 =	vadd.s32 s18, v0;
	v1 =	vld [tilespmem:s16+$0x1100];
	_ =	sdelay $0x4  }
0xec: {  	s6 =	sadd.s32 $0xFFFFFFEC, s30;
	[tilespmem:v2+s20+$0x0] =	vst.idx.msk $0xffff, v1  }
0xed: {  	v2 =	vadd.s32 s6, v0;
	v1 =	vld [tilespmem:s16+$0x1180];
	_ =	sdelay $0x4  }
0xee: {  	s17 =	sadd.s32 $0xFFFFFFED, s30;
	[tilespmem:v2+s20+$0x0] =	vst.idx.msk $0xffff, v1  }
0xef: {  	v2 =	vadd.s32 s17, v0;
	v1 =	vld [tilespmem:s16+$0x1200];
	_ =	sdelay $0x4  }
0xf0: {  	s18 =	sadd.s32 $0xFFFFFFEE, s30;
	[tilespmem:v2+s20+$0x0] =	vst.idx.msk $0xffff, v1  }
0xf1: {  	v2 =	vadd.s32 s18, v0;
	v1 =	vld [tilespmem:s16+$0x1280];
	_ =	sdelay $0x4  }
0xf2: {  	s6 =	sadd.s32 $0xFFFFFFEF, s30;
	[tilespmem:v2+s20+$0x0] =	vst.idx.msk $0xffff, v1  }
0xf3: {  	v2 =	vadd.s32 s6, v0;
	v1 =	vld [tilespmem:s16+$0x1300];
	_ =	sdelay $0x4  }
0xf4: {  	s17 =	sadd.s32 $0xFFFFFFF0, s30;
	[tilespmem:v2+s20+$0x0] =	vst.idx.msk $0xffff, v1  }
0xf5: {  	v2 =	vadd.s32 s17, v0;
	v1 =	vld [tilespmem:s16+$0x1380];
	_ =	sdelay $0x4  }
0xf6: {  	s18 =	sadd.s32 $0xFFFFFFF1, s30;
	[tilespmem:v2+s20+$0x0] =	vst.idx.msk $0xffff, v1  }
0xf7: {  	v2 =	vadd.s32 s18, v0;
	v1 =	vld [tilespmem:s16+$0x2000];
	_ =	sdelay $0x4  }
0xf8: {  	s6 =	sadd.s32 $0xFFFFFFF2, s30;
	[tilespmem:v2+s20+$0x0] =	vst.idx.msk $0xffff, v1  }
0xf9: {  	v2 =	vadd.s32 s6, v0;
	v1 =	vld [tilespmem:s16+$0x2080];
	_ =	sdelay $0x4  }
0xfa: {  	s17 =	sadd.s32 $0xFFFFFFF3, s30;
	[tilespmem:v2+s20+$0x0] =	vst.idx.msk $0xffff, v1  }
0xfb: {  	v2 =	vadd.s32 s17, v0;
	v1 =	vld [tilespmem:s16+$0x2100];
	_ =	sdelay $0x4  }
0xfc: {  	s18 =	sadd.s32 $0xFFFFFFF4, s30;
	[tilespmem:v2+s20+$0x0] =	vst.idx.msk $0xffff, v1  }
0xfd: {  	v2 =	vadd.s32 s18, v0;
	v1 =	vld [tilespmem:s16+$0x2180];
	_ =	sdelay $0x4  }
0xfe: {  	s6 =	sadd.s32 $0xFFFFFFF5, s30;
	[tilespmem:v2+s20+$0x0] =	vst.idx.msk $0xffff, v1  }
0xff: {  	v2 =	vadd.s32 s6, v0;
	v1 =	vld [tilespmem:s16+$0x2200];
	_ =	sdelay $0x4  }
0x100: {  	s17 =	sadd.s32 $0xFFFFFFF6, s30;
	[tilespmem:v2+s20+$0x0] =	vst.idx.msk $0xffff, v1  }
0x101: {  	v2 =	vadd.s32 s17, v0;
	v1 =	vld [tilespmem:s16+$0x2280];
	_ =	sdelay $0x4  }
0x102: {  	s18 =	sadd.s32 $0xFFFFFFF7, s30;
	[tilespmem:v2+s20+$0x0] =	vst.idx.msk $0xffff, v1  }
0x103: {  	v2 =	vadd.s32 s18, v0;
	v1 =	vld [tilespmem:s16+$0x2300];
	_ =	sdelay $0x4  }
0x104: {  	s6 =	sadd.s32 $0xFFFFFFF8, s30;
	[tilespmem:v2+s20+$0x0] =	vst.idx.msk $0xffff, v1  }
0x105: {  	v2 =	vadd.s32 s6, v0;
	v1 =	vld [tilespmem:s16+$0x2380];
	_ =	sdelay $0x4  }
0x106: {  	s17 =	sadd.s32 $0xFFFFFFF9, s30;
	[tilespmem:v2+s20+$0x0] =	vst.idx.msk $0xffff, v1  }
0x107: {  	v2 =	vadd.s32 s17, v0;
	v1 =	vld [tilespmem:s16+$0x3000];
	_ =	sdelay $0x4  }
0x108: {  	s18 =	sadd.s32 $0xFFFFFFFA, s30;
	[tilespmem:v2+s20+$0x0] =	vst.idx.msk $0xffff, v1  }
0x109: {  	v2 =	vadd.s32 s18, v0;
	v1 =	vld [tilespmem:s16+$0x3080];
	_ =	sdelay $0x4  }
0x10a: {  	s6 =	sadd.s32 $0xFFFFFFFB, s30;
	[tilespmem:v2+s20+$0x0] =	vst.idx.msk $0xffff, v1  }
0x10b: {  	v2 =	vadd.s32 s6, v0;
	v1 =	vld [tilespmem:s16+$0x3100];
	_ =	sdelay $0x4  }
0x10c: {  	s17 =	sadd.s32 $0xFFFFFFFC, s30;
	[tilespmem:v2+s20+$0x0] =	vst.idx.msk $0xffff, v1  }
0x10d: {  	v2 =	vadd.s32 s17, v0;
	v1 =	vld [tilespmem:s16+$0x3180];
	_ =	sdelay $0x4  }
0x10e: {  	s18 =	sadd.s32 $0xFFFFFFFD, s30;
	[tilespmem:v2+s20+$0x0] =	vst.idx.msk $0xffff, v1  }
0x10f: {  	v2 =	vadd.s32 s18, v0;
	v1 =	vld [tilespmem:s16+$0x3200];
	_ =	sdelay $0x4  }
0x110: {  	s6 =	sadd.s32 $0xFFFFFFFE, s30;
	[tilespmem:v2+s20+$0x0] =	vst.idx.msk $0xffff, v1  }
0x111: {  	v2 =	vadd.s32 s6, v0;
	v1 =	vld [tilespmem:s16+$0x3280];
	_ =	sdelay $0x4  }
0x112: {  	s17 =	sadd.s32 $0xFFFFFFFF, s30;
	[tilespmem:v2+s20+$0x0] =	vst.idx.msk $0xffff, v1  }
0x113: {  	v2 =	vadd.s32 s17, v0;
	v1 =	vld [tilespmem:s16+$0x3300];
	_ =	sdelay $0x4  }
0x114: {  	[tilespmem:v2+s20+$0x0] =	vst.idx.msk $0xffff, v1  }
0x115: {  	v2 =	vadd.s32 s30, v0;
	v1 =	vld [tilespmem:s16+$0x3380];
	_ =	sdelay $0x4  }
0x116: {  	s0 =	simm.s32 $0x8084;
	[tilespmem:v2+s20+$0x0] =	vst.idx.msk $0xffff, v1  }
0x117: {  	v1 =	vld [tilespmem:s0+$0xFFFFFF7C]  }
0x118: {  	v2 =	vld [tilespmem:s0+$0xFFFFFF8C];
	_ =	sdelay $0x2  }
0x119: {  	s16 =	simm.s32 $0x10480  }
0x11a: {  	[tilespmem:s16+$0xFFFFFF80] =	vst v1  }
0x11b: {  	[tilespmem:s16+$0xFFFFFF90] =	vst v2  }
0x11c: {  	v1 =	vld [tilespmem:s0+$0xFFFFFF9D]  }
0x11d: {  	v2 =	vld [tilespmem:s0+$0xFFFFFFAD];
	_ =	sdelay $0x2  }
0x11e: {  	s18 =	simm.s32 $0x20  }
0x11f: {  	s6 =	sor.u32 $0x30, s18;
	[tilespmem:s16+$0xFFFFFFA0] =	vst v1  }
0x120: {  	[tilespmem:s6+$0x10400] =	vst v2  }
0x121: {  	v1 =	vld [tilespmem:s0+$0xFFFFFFBE]  }
0x122: {  	v2 =	vld [tilespmem:s0+$0xFFFFFFCE];
	_ =	sdelay $0x2  }
0x123: {  	s17 =	simm.s32 $0x40  }
0x124: {  	s6 =	sor.u32 $0x50, s17;
	[tilespmem:s16+$0xFFFFFFC0] =	vst v1  }
0x125: {  	[tilespmem:s6+$0x10400] =	vst v2  }
0x126: {  	v1 =	vld [tilespmem:s0+$0xFFFFFFDF]  }
0x127: {  	v2 =	vld [tilespmem:s0+$0xFFFFFFEF];
	_ =	sdelay $0x2  }
0x128: {  	s18 =	simm.s32 $0x60  }
0x129: {  	s6 =	sor.u32 $0x70, s18;
	[tilespmem:s16+$0xFFFFFFE0] =	vst v1  }
0x12a: {  	[tilespmem:s6+$0x10400] =	vst v2  }
0x12b: {  	v1 =	vld [tilespmem:s0+$0x0]  }
0x12c: {  	v2 =	vld [tilespmem:s0+$0x10];
	_ =	sdelay $0x3  }
0x12d: {  	[tilespmem:s16+$0x0] =	vst v1  }
0x12e: {  	[tilespmem:s16+$0x10] =	vst v2  }
0x12f: {  	v1 =	vld [tilespmem:s0+$0x21]  }
0x130: {  	v2 =	vld [tilespmem:s0+$0x31];
	_ =	sdelay $0x2  }
0x131: {  	s17 =	simm.s32 $0xA0  }
0x132: {  	s6 =	sor.u32 $0x30, s17;
	[tilespmem:s16+$0x20] =	vst v1  }
0x133: {  	[tilespmem:s6+$0x10400] =	vst v2  }
0x134: {  	v1 =	vld [tilespmem:s0+$0x42]  }
0x135: {  	v2 =	vld [tilespmem:s0+$0x52];
	_ =	sdelay $0x2  }
0x136: {  	s18 =	simm.s32 $0xC0  }
0x137: {  	s6 =	sor.u32 $0x50, s18;
	[tilespmem:s16+$0x40] =	vst v1  }
0x138: {  	[tilespmem:s6+$0x10400] =	vst v2  }
0x139: {  	v2 =	vld [tilespmem:s0+$0x63]  }
0x13a: {  	v1 =	vld [tilespmem:s0+$0x73];
	_ =	sdelay $0x1  }
0x13b: {  	s17 =	simm.s32 $0xE0  }
0x13c: {  	s31 =	simm.s32 $0x10580;
	s30 =	simm.s32 $0x0;
	s18 =	sor.u32 $0x70, s17  }
.LBB2_5:
0x13d: {  	s30 =	sadd.s32 $0x8, s30;
	[tilespmem:s16+$0x60] =	vst v2;
	s17 =	sadd.s32 $0x100, s17;
	s0 =	sadd.s32 $0x108, s0  }
0x13e: {  	s16 =	smov.u32 s31;
	p5 =	slt.u32 s30, $0x1F8;
	[tilespmem:s18+$0x10400] =	vst v1  }
0x13f: {  	v1 =	vld [tilespmem:s0+$0xFFFFFF7C]  }
0x140: {  	v2 =	vld [tilespmem:s0+$0xFFFFFF8C];
	_ =	sdelay $0x3  }
0x141: {  	[tilespmem:s31+$0xFFFFFF80] =	vst v1  }
0x142: {  	[tilespmem:s31+$0xFFFFFF90] =	vst v2  }
0x143: {  	v1 =	vld [tilespmem:s0+$0xFFFFFF9D]  }
0x144: {  	v2 =	vld [tilespmem:s0+$0xFFFFFFAD];
	_ =	sdelay $0x2  }
0x145: {  	s6 =	sadd.s32 $0xFFFFFF40, s17  }
0x146: {  	s6 =	sor.u32 $0x30, s6;
	[tilespmem:s31+$0xFFFFFFA0] =	vst v1  }
0x147: {  	[tilespmem:s6+$0x10400] =	vst v2  }
0x148: {  	v1 =	vld [tilespmem:s0+$0xFFFFFFBE]  }
0x149: {  	v2 =	vld [tilespmem:s0+$0xFFFFFFCE];
	_ =	sdelay $0x2  }
0x14a: {  	s6 =	sadd.s32 $0xFFFFFF60, s17  }
0x14b: {  	s6 =	sor.u32 $0x50, s6;
	[tilespmem:s31+$0xFFFFFFC0] =	vst v1  }
0x14c: {  	[tilespmem:s6+$0x10400] =	vst v2  }
0x14d: {  	v1 =	vld [tilespmem:s0+$0xFFFFFFDF]  }
0x14e: {  	v2 =	vld [tilespmem:s0+$0xFFFFFFEF];
	_ =	sdelay $0x2  }
0x14f: {  	s6 =	sadd.s32 $0xFFFFFF80, s17  }
0x150: {  	s6 =	sor.u32 $0x70, s6;
	[tilespmem:s31+$0xFFFFFFE0] =	vst v1  }
0x151: {  	[tilespmem:s6+$0x10400] =	vst v2  }
0x152: {  	v1 =	vld [tilespmem:s0+$0x0]  }
0x153: {  	v2 =	vld [tilespmem:s0+$0x10];
	_ =	sdelay $0x3  }
0x154: {  	[tilespmem:s31+$0x0] =	vst v1  }
0x155: {  	[tilespmem:s31+$0x10] =	vst v2  }
0x156: {  	v1 =	vld [tilespmem:s0+$0x21]  }
0x157: {  	v2 =	vld [tilespmem:s0+$0x31];
	_ =	sdelay $0x1  }
0x158: {  	s6 =	sadd.s32 $0xFFFFFFC0, s17  }
0x159: {  	s6 =	sor.u32 $0x30, s6  }
0x15a: {  	[tilespmem:s31+$0x20] =	vst v1  }
0x15b: {  	[tilespmem:s6+$0x10400] =	vst v2  }
0x15c: {  	v1 =	vld [tilespmem:s0+$0x42]  }
0x15d: {  	v2 =	vld [tilespmem:s0+$0x52];
	_ =	sdelay $0x1  }
0x15e: {  	s6 =	sadd.s32 $0xFFFFFFE0, s17  }
0x15f: {  	s6 =	sor.u32 $0x50, s6  }
0x160: {  	[tilespmem:s31+$0x40] =	vst v1  }
0x161: {  	[tilespmem:s6+$0x10400] =	vst v2  }
.Ltmp5:
0x162: {  	v2 =	vld [tilespmem:s0+$0x63];
	(pc) =	sbr.rel @p5 .LBB2_5-.Ltmp5, $2  }
0x163: {  	v1 =	vld [tilespmem:s0+$0x73];
	_ =	sdelay $0x2  }
0x164: {  	s18 =	sor.u32 $0x70, s17;
	s31 =	sadd.s32 $0x100, s31  }
0x165: {  	[tilespmem:s16+$0x60] =	vst v2;
	s0 =	sshll.u32 s28, $0xB  }
0x166: {  	p5 =	sgt.u32 s29, $0x7A1;
	[tilespmem:s18+$0x10400] =	vst v1;
	s0 =	sadd.s32 s4, s0  }
0x167: {  	[hbm4b:s0+s2] =	stream.linear.scatter [tilespmem:s21], [sflag:$0x3], $0x4000, $0x38;
	[tilespmem:$0x18400] =	vst v63  }
0x168: {  	s0 =	sshll.u32 @!p5 s29, $0x9  }
0x169: {  	s16 =	simm.s32 @!p5 $0x0;
	s6 =	sadd.s32 @!p5 s1, s0;
	s0 =	sand.u32 @!p5 $0x1FFFFE00, s0  }
0x16a: {  	[tilespmem:s16], [sflag:$0x1] =	stream.linear.gather @!p5 [hbm4b:s6+s16], $0x1000, $0x38;
	[tilespmem:$0x18400] =	vst v63  }
0x16b: {  	s0 =	sadd.s32 @!p5 s1, s0  }
0x16c: {  	s17 =	simm.s32 @!p5 $0x1000;
	s6 =	sadd.s32 @!p5 $0xF4280, s0  }
0x16d: {  	[tilespmem:s17], [sflag:$0x1] =	stream.linear.gather @!p5 [hbm4b:s6+s16], $0x1000, $0x38;
	[tilespmem:$0x18400] =	vst v63  }
0x16e: {  	s6 =	sadd.s32 @!p5 $0x1E8500, s0;
	s17 =	simm.s32 @!p5 $0x2000  }
0x16f: {  	[tilespmem:s17], [sflag:$0x1] =	stream.linear.gather @!p5 [hbm4b:s6+s16], $0x1000, $0x38;
	[tilespmem:$0x18400] =	vst v63  }
0x170: {  	s0 =	sadd.s32 @!p5 $0x2DC780, s0;
	s6 =	simm.s32 @!p5 $0x3000  }
0x171: {  	[tilespmem:s6], [sflag:$0x1] =	stream.linear.gather @!p5 [hbm4b:s0+s16], $0x1000, $0x38;
	[tilespmem:$0x18400] =	vst v63  }
.Ltmp6:
0x172: {  	_ = 	snop;
	(pc) =	sbr.rel @p3 .LBB2_12-.Ltmp6, $4  }
0x173: {  	s0 =	simm.s32 @!p4 $0x4  }
0x174: {  	_ =	swait.ge @!p4 [sflag:s0], $0x4000  }
0x175: {  	[sflag:s0] =	ssyncset.done @!p4 $0x0  }
0x176: {  	[sflag:s0] =	ssyncadd.s32 @!p4 $0xFFFFC000  }
0x177: {  	p3 =	seq.s32 s28, $0x781  }
0x178: {  	s0 =	simm.s32 @p3 $0x2  }
0x179: {  	_ =	swait.ge @p3 [sflag:s0], $0x400  }
0x17a: {  	[sflag:s0] =	ssyncset.done @p3 $0x0  }
0x17b: {  	[sflag:s0] =	ssyncadd.s32 @p3 $0xFFFFFC00  }
0x17c: {  	_ =	swait.ge @p3 [sflag:s0], $0x400  }
0x17d: {  	[sflag:s0] =	ssyncset.done @p3 $0x0  }
0x17e: {  	[sflag:s0] =	ssyncadd.s32 @p3 $0xFFFFFC00  }
0x17f: {  	_ =	swait.ge @p3 [sflag:s0], $0x400  }
0x180: {  	[sflag:s0] =	ssyncset.done @p3 $0x0  }
0x181: {  	[sflag:s0] =	ssyncadd.s32 @p3 $0xFFFFFC00  }
0x182: {  	_ =	swait.ge @p3 [sflag:s0], $0x400  }
0x183: {  	[sflag:s0] =	ssyncset.done @p3 $0x0  }
0x184: {  	[sflag:s0] =	ssyncadd.s32 @p3 $0xFFFFFC00;
	s0 =	simm.s32 @!p3 $0x2  }
0x185: {  	_ =	swait.ge @!p3 [sflag:s0], $0x1000  }
0x186: {  	[sflag:s0] =	ssyncset.done @!p3 $0x0  }
0x187: {  	[sflag:s0] =	ssyncadd.s32 @!p3 $0xFFFFF000  }
0x188: {  	_ =	swait.ge @!p3 [sflag:s0], $0x1000  }
0x189: {  	[sflag:s0] =	ssyncset.done @!p3 $0x0  }
0x18a: {  	[sflag:s0] =	ssyncadd.s32 @!p3 $0xFFFFF000  }
0x18b: {  	_ =	swait.ge @!p3 [sflag:s0], $0x1000  }
0x18c: {  	[sflag:s0] =	ssyncset.done @!p3 $0x0  }
0x18d: {  	[sflag:s0] =	ssyncadd.s32 @!p3 $0xFFFFF000  }
0x18e: {  	s6 =	simm.s32 $0x0;
	_ =	swait.ge @!p3 [sflag:s0], $0x1000  }
0x18f: {  	s16 =	sand.u32 $0x70, s6;
	s17 =	sand.u32 $0xC00, s6;
	[sflag:s0] =	ssyncset.done @!p3 $0x0  }
0x190: {  	s31 =	simm.s32 $0x0;
	s16 =	sor.u32 s16, s17;
	[sflag:s0] =	ssyncadd.s32 @!p3 $0xFFFFF000  }
0x191: {  	v2 =	vadd.s32 s31, v0;
	v1 =	vld [tilespmem:s16+$0x4000];
	_ =	sdelay $0x4  }
0x192: {  	s17 =	simm.s32 $0x1;
	[tilespmem:v2+s22+$0x0] =	vst.idx.msk $0xffff, v1  }
0x193: {  	v2 =	vadd.s32 s17, v0;
	v1 =	vld [tilespmem:s16+$0x4080];
	_ =	sdelay $0x4  }
0x194: {  	s18 =	simm.s32 $0x2;
	[tilespmem:v2+s22+$0x0] =	vst.idx.msk $0xffff, v1  }
0x195: {  	v2 =	vadd.s32 s18, v0;
	v1 =	vld [tilespmem:s16+$0x4100];
	_ =	sdelay $0x4  }
0x196: {  	s30 =	simm.s32 $0x3;
	[tilespmem:v2+s22+$0x0] =	vst.idx.msk $0xffff, v1  }
0x197: {  	v2 =	vadd.s32 s30, v0;
	v1 =	vld [tilespmem:s16+$0x4180];
	_ =	sdelay $0x4  }
0x198: {  	s31 =	simm.s32 $0x4;
	[tilespmem:v2+s22+$0x0] =	vst.idx.msk $0xffff, v1  }
0x199: {  	v2 =	vadd.s32 s31, v0;
	v1 =	vld [tilespmem:s16+$0x4200];
	_ =	sdelay $0x4  }
0x19a: {  	s17 =	simm.s32 $0x5;
	[tilespmem:v2+s22+$0x0] =	vst.idx.msk $0xffff, v1  }
0x19b: {  	v2 =	vadd.s32 s17, v0;
	v1 =	vld [tilespmem:s16+$0x4280];
	_ =	sdelay $0x4  }
0x19c: {  	s18 =	simm.s32 $0x6;
	[tilespmem:v2+s22+$0x0] =	vst.idx.msk $0xffff, v1  }
0x19d: {  	v2 =	vadd.s32 s18, v0;
	v1 =	vld [tilespmem:s16+$0x4300];
	_ =	sdelay $0x3  }
0x19e: {  	s30 =	sor.u32 s6, s6  }
0x19f: {  	s0 =	sor.u32 $0x380, s30;
	s31 =	simm.s32 $0x7;
	[tilespmem:v2+s22+$0x0] =	vst.idx.msk $0xffff, v1  }
0x1a0: {  	v2 =	vadd.s32 s31, v0;
	v1 =	vld [tilespmem:s0+$0x4000];
	_ =	sdelay $0x4  }
0x1a1: {  	s17 =	simm.s32 $0x8;
	[tilespmem:v2+s22+$0x0] =	vst.idx.msk $0xffff, v1  }
0x1a2: {  	v2 =	vadd.s32 s17, v0;
	v1 =	vld [tilespmem:s16+$0x5000];
	_ =	sdelay $0x4  }
0x1a3: {  	s18 =	simm.s32 $0x9;
	[tilespmem:v2+s22+$0x0] =	vst.idx.msk $0xffff, v1  }
0x1a4: {  	v2 =	vadd.s32 s18, v0;
	v1 =	vld [tilespmem:s16+$0x5080];
	_ =	sdelay $0x4  }
0x1a5: {  	s30 =	simm.s32 $0xA;
	[tilespmem:v2+s22+$0x0] =	vst.idx.msk $0xffff, v1  }
0x1a6: {  	v2 =	vadd.s32 s30, v0;
	v1 =	vld [tilespmem:s16+$0x5100];
	_ =	sdelay $0x4  }
0x1a7: {  	s31 =	simm.s32 $0xB;
	[tilespmem:v2+s22+$0x0] =	vst.idx.msk $0xffff, v1  }
0x1a8: {  	v2 =	vadd.s32 s31, v0;
	v1 =	vld [tilespmem:s16+$0x5180];
	_ =	sdelay $0x4  }
0x1a9: {  	s6 =	simm.s32 $0xC;
	[tilespmem:v2+s22+$0x0] =	vst.idx.msk $0xffff, v1  }
0x1aa: {  	v2 =	vadd.s32 s6, v0;
	v1 =	vld [tilespmem:s16+$0x5200];
	_ =	sdelay $0x4  }
0x1ab: {  	s17 =	simm.s32 $0xD;
	[tilespmem:v2+s22+$0x0] =	vst.idx.msk $0xffff, v1  }
0x1ac: {  	v2 =	vadd.s32 s17, v0;
	v1 =	vld [tilespmem:s16+$0x5280];
	_ =	sdelay $0x4  }
0x1ad: {  	s18 =	simm.s32 $0xE;
	[tilespmem:v2+s22+$0x0] =	vst.idx.msk $0xffff, v1  }
0x1ae: {  	v2 =	vadd.s32 s18, v0;
	v1 =	vld [tilespmem:s16+$0x5300];
	_ =	sdelay $0x4  }
0x1af: {  	s30 =	simm.s32 $0xF;
	[tilespmem:v2+s22+$0x0] =	vst.idx.msk $0xffff, v1  }
0x1b0: {  	v2 =	vadd.s32 s30, v0;
	v1 =	vld [tilespmem:s16+$0x5380];
	_ =	sdelay $0x4  }
0x1b1: {  	s31 =	simm.s32 $0x10;
	[tilespmem:v2+s22+$0x0] =	vst.idx.msk $0xffff, v1  }
0x1b2: {  	v2 =	vadd.s32 s31, v0;
	v1 =	vld [tilespmem:s16+$0x6000];
	_ =	sdelay $0x4  }
0x1b3: {  	s6 =	simm.s32 $0x11;
	[tilespmem:v2+s22+$0x0] =	vst.idx.msk $0xffff, v1  }
0x1b4: {  	v2 =	vadd.s32 s6, v0;
	v1 =	vld [tilespmem:s16+$0x6080];
	_ =	sdelay $0x4  }
0x1b5: {  	s17 =	simm.s32 $0x12;
	[tilespmem:v2+s22+$0x0] =	vst.idx.msk $0xffff, v1  }
0x1b6: {  	v2 =	vadd.s32 s17, v0;
	v1 =	vld [tilespmem:s16+$0x6100];
	_ =	sdelay $0x4  }
0x1b7: {  	s18 =	simm.s32 $0x13;
	[tilespmem:v2+s22+$0x0] =	vst.idx.msk $0xffff, v1  }
0x1b8: {  	v2 =	vadd.s32 s18, v0;
	v1 =	vld [tilespmem:s16+$0x6180];
	_ =	sdelay $0x4  }
0x1b9: {  	s30 =	simm.s32 $0x14;
	[tilespmem:v2+s22+$0x0] =	vst.idx.msk $0xffff, v1  }
0x1ba: {  	v2 =	vadd.s32 s30, v0;
	v1 =	vld [tilespmem:s16+$0x6200];
	_ =	sdelay $0x4  }
0x1bb: {  	s31 =	simm.s32 $0x15;
	[tilespmem:v2+s22+$0x0] =	vst.idx.msk $0xffff, v1  }
0x1bc: {  	v2 =	vadd.s32 s31, v0;
	v1 =	vld [tilespmem:s16+$0x6280];
	_ =	sdelay $0x4  }
0x1bd: {  	s6 =	simm.s32 $0x16;
	[tilespmem:v2+s22+$0x0] =	vst.idx.msk $0xffff, v1  }
0x1be: {  	v2 =	vadd.s32 s6, v0;
	v1 =	vld [tilespmem:s16+$0x6300];
	_ =	sdelay $0x4  }
0x1bf: {  	s17 =	simm.s32 $0x17;
	[tilespmem:v2+s22+$0x0] =	vst.idx.msk $0xffff, v1  }
0x1c0: {  	v2 =	vadd.s32 s17, v0;
	v1 =	vld [tilespmem:s16+$0x6380];
	_ =	sdelay $0x4  }
0x1c1: {  	s18 =	simm.s32 $0x18;
	[tilespmem:v2+s22+$0x0] =	vst.idx.msk $0xffff, v1  }
0x1c2: {  	v2 =	vadd.s32 s18, v0;
	v1 =	vld [tilespmem:s16+$0x7000];
	_ =	sdelay $0x4  }
0x1c3: {  	s30 =	simm.s32 $0x19;
	[tilespmem:v2+s22+$0x0] =	vst.idx.msk $0xffff, v1  }
0x1c4: {  	v2 =	vadd.s32 s30, v0;
	v1 =	vld [tilespmem:s16+$0x7080];
	_ =	sdelay $0x4  }
0x1c5: {  	s31 =	simm.s32 $0x1A;
	[tilespmem:v2+s22+$0x0] =	vst.idx.msk $0xffff, v1  }
0x1c6: {  	v2 =	vadd.s32 s31, v0;
	v1 =	vld [tilespmem:s16+$0x7100];
	_ =	sdelay $0x4  }
0x1c7: {  	s6 =	simm.s32 $0x1B;
	[tilespmem:v2+s22+$0x0] =	vst.idx.msk $0xffff, v1  }
0x1c8: {  	v2 =	vadd.s32 s6, v0;
	v1 =	vld [tilespmem:s16+$0x7180];
	_ =	sdelay $0x4  }
0x1c9: {  	s17 =	simm.s32 $0x1C;
	[tilespmem:v2+s22+$0x0] =	vst.idx.msk $0xffff, v1  }
0x1ca: {  	v2 =	vadd.s32 s17, v0;
	v1 =	vld [tilespmem:s16+$0x7200];
	_ =	sdelay $0x4  }
0x1cb: {  	s18 =	simm.s32 $0x1D;
	[tilespmem:v2+s22+$0x0] =	vst.idx.msk $0xffff, v1  }
0x1cc: {  	v2 =	vadd.s32 s18, v0;
	v1 =	vld [tilespmem:s16+$0x7280];
	_ =	sdelay $0x4  }
0x1cd: {  	s30 =	simm.s32 $0x1E;
	[tilespmem:v2+s22+$0x0] =	vst.idx.msk $0xffff, v1  }
0x1ce: {  	v2 =	vadd.s32 s30, v0;
	v1 =	vld [tilespmem:s16+$0x7300];
	_ =	sdelay $0x4  }
0x1cf: {  	s31 =	simm.s32 $0x1F;
	[tilespmem:v2+s22+$0x0] =	vst.idx.msk $0xffff, v1  }
0x1d0: {  	v2 =	vadd.s32 s31, v0;
	v1 =	vld [tilespmem:s16+$0x7380];
	_ =	sdelay $0x2  }
0x1d1: {  	s28 =	simm.s32 $0x22F;
	s29 =	simm.s32 $0x80;
	s0 =	simm.s32 $0x10  }
0x1d2: {  	s17 =	sand.u32 $0x70, s0;
	s18 =	sand.u32 $0xC00, s29;
	s16 =	simm.s32 $0x43F  }
.LBB2_8:
0x1d3: {  	p4 =	sne.s32 s16, $0x400F;
	s6 =	sadd.s32 $0xFFFFFFE1, s28;
	s17 =	sor.u32 s17, s18;
	[tilespmem:v2+s22+$0x0] =	vst.idx.msk $0xffff, v1  }
0x1d4: {  	v1 =	vld [tilespmem:s17+$0x4000];
	v2 =	vadd.s32 s6, v0;
	_ =	sdelay $0x4  }
0x1d5: {  	s6 =	sadd.s32 $0xFFFFFFE2, s28;
	[tilespmem:v2+s22+$0x0] =	vst.idx.msk $0xffff, v1  }
0x1d6: {  	v2 =	vadd.s32 s6, v0;
	v1 =	vld [tilespmem:s17+$0x4080];
	_ =	sdelay $0x4  }
0x1d7: {  	s6 =	sadd.s32 $0xFFFFFFE3, s28;
	[tilespmem:v2+s22+$0x0] =	vst.idx.msk $0xffff, v1  }
0x1d8: {  	v2 =	vadd.s32 s6, v0;
	v1 =	vld [tilespmem:s17+$0x4100];
	_ =	sdelay $0x4  }
0x1d9: {  	s6 =	sadd.s32 $0xFFFFFFE4, s28;
	[tilespmem:v2+s22+$0x0] =	vst.idx.msk $0xffff, v1  }
0x1da: {  	v2 =	vadd.s32 s6, v0;
	v1 =	vld [tilespmem:s17+$0x4180];
	_ =	sdelay $0x4  }
0x1db: {  	s6 =	sadd.s32 $0xFFFFFFE5, s28;
	[tilespmem:v2+s22+$0x0] =	vst.idx.msk $0xffff, v1  }
0x1dc: {  	v2 =	vadd.s32 s6, v0;
	v1 =	vld [tilespmem:s17+$0x4200];
	_ =	sdelay $0x4  }
0x1dd: {  	s6 =	sadd.s32 $0xFFFFFFE6, s28;
	[tilespmem:v2+s22+$0x0] =	vst.idx.msk $0xffff, v1  }
0x1de: {  	v2 =	vadd.s32 s6, v0;
	v1 =	vld [tilespmem:s17+$0x4280];
	_ =	sdelay $0x4  }
0x1df: {  	s6 =	sadd.s32 $0xFFFFFFE7, s28;
	[tilespmem:v2+s22+$0x0] =	vst.idx.msk $0xffff, v1  }
0x1e0: {  	v2 =	vadd.s32 s6, v0;
	v1 =	vld [tilespmem:s17+$0x4300];
	_ =	sdelay $0x3  }
0x1e1: {  	s6 =	sor.u32 s29, s0  }
0x1e2: {  	s18 =	sadd.s32 $0xFFFFFFE8, s28;
	s6 =	sor.u32 $0x380, s6;
	[tilespmem:v2+s22+$0x0] =	vst.idx.msk $0xffff, v1  }
0x1e3: {  	v2 =	vadd.s32 s18, v0;
	v1 =	vld [tilespmem:s6+$0x4000];
	_ =	sdelay $0x4  }
0x1e4: {  	s6 =	sadd.s32 $0xFFFFFFE9, s28;
	[tilespmem:v2+s22+$0x0] =	vst.idx.msk $0xffff, v1  }
0x1e5: {  	v2 =	vadd.s32 s6, v0;
	v1 =	vld [tilespmem:s17+$0x5000];
	_ =	sdelay $0x4  }
0x1e6: {  	s6 =	sadd.s32 $0xFFFFFFEA, s28;
	[tilespmem:v2+s22+$0x0] =	vst.idx.msk $0xffff, v1  }
0x1e7: {  	v2 =	vadd.s32 s6, v0;
	v1 =	vld [tilespmem:s17+$0x5080];
	_ =	sdelay $0x4  }
0x1e8: {  	s6 =	sadd.s32 $0xFFFFFFEB, s28;
	[tilespmem:v2+s22+$0x0] =	vst.idx.msk $0xffff, v1  }
0x1e9: {  	v2 =	vadd.s32 s6, v0;
	v1 =	vld [tilespmem:s17+$0x5100];
	_ =	sdelay $0x4  }
0x1ea: {  	s6 =	sadd.s32 $0xFFFFFFEC, s28;
	[tilespmem:v2+s22+$0x0] =	vst.idx.msk $0xffff, v1  }
0x1eb: {  	v2 =	vadd.s32 s6, v0;
	v1 =	vld [tilespmem:s17+$0x5180];
	_ =	sdelay $0x4  }
0x1ec: {  	s6 =	sadd.s32 $0xFFFFFFED, s28;
	[tilespmem:v2+s22+$0x0] =	vst.idx.msk $0xffff, v1  }
0x1ed: {  	v2 =	vadd.s32 s6, v0;
	v1 =	vld [tilespmem:s17+$0x5200];
	_ =	sdelay $0x4  }
0x1ee: {  	s6 =	sadd.s32 $0xFFFFFFEE, s28;
	[tilespmem:v2+s22+$0x0] =	vst.idx.msk $0xffff, v1  }
0x1ef: {  	v2 =	vadd.s32 s6, v0;
	v1 =	vld [tilespmem:s17+$0x5280];
	_ =	sdelay $0x4  }
0x1f0: {  	s6 =	sadd.s32 $0xFFFFFFEF, s28;
	[tilespmem:v2+s22+$0x0] =	vst.idx.msk $0xffff, v1  }
0x1f1: {  	v2 =	vadd.s32 s6, v0;
	v1 =	vld [tilespmem:s17+$0x5300];
	_ =	sdelay $0x4  }
0x1f2: {  	s6 =	sadd.s32 $0xFFFFFFF0, s28;
	[tilespmem:v2+s22+$0x0] =	vst.idx.msk $0xffff, v1  }
0x1f3: {  	v2 =	vadd.s32 s6, v0;
	v1 =	vld [tilespmem:s17+$0x5380];
	_ =	sdelay $0x4  }
0x1f4: {  	s6 =	sadd.s32 $0xFFFFFFF1, s28;
	[tilespmem:v2+s22+$0x0] =	vst.idx.msk $0xffff, v1  }
0x1f5: {  	v2 =	vadd.s32 s6, v0;
	v1 =	vld [tilespmem:s17+$0x6000];
	_ =	sdelay $0x4  }
0x1f6: {  	s6 =	sadd.s32 $0xFFFFFFF2, s28;
	[tilespmem:v2+s22+$0x0] =	vst.idx.msk $0xffff, v1  }
0x1f7: {  	v2 =	vadd.s32 s6, v0;
	v1 =	vld [tilespmem:s17+$0x6080];
	_ =	sdelay $0x4  }
0x1f8: {  	s6 =	sadd.s32 $0xFFFFFFF3, s28;
	[tilespmem:v2+s22+$0x0] =	vst.idx.msk $0xffff, v1  }
0x1f9: {  	v2 =	vadd.s32 s6, v0;
	v1 =	vld [tilespmem:s17+$0x6100];
	_ =	sdelay $0x4  }
0x1fa: {  	s6 =	sadd.s32 $0xFFFFFFF4, s28;
	[tilespmem:v2+s22+$0x0] =	vst.idx.msk $0xffff, v1  }
0x1fb: {  	v2 =	vadd.s32 s6, v0;
	v1 =	vld [tilespmem:s17+$0x6180];
	_ =	sdelay $0x4  }
0x1fc: {  	s6 =	sadd.s32 $0xFFFFFFF5, s28;
	[tilespmem:v2+s22+$0x0] =	vst.idx.msk $0xffff, v1  }
0x1fd: {  	v2 =	vadd.s32 s6, v0;
	v1 =	vld [tilespmem:s17+$0x6200];
	_ =	sdelay $0x4  }
0x1fe: {  	s6 =	sadd.s32 $0xFFFFFFF6, s28;
	[tilespmem:v2+s22+$0x0] =	vst.idx.msk $0xffff, v1  }
0x1ff: {  	v2 =	vadd.s32 s6, v0;
	v1 =	vld [tilespmem:s17+$0x6280];
	_ =	sdelay $0x4  }
0x200: {  	s6 =	sadd.s32 $0xFFFFFFF7, s28;
	[tilespmem:v2+s22+$0x0] =	vst.idx.msk $0xffff, v1  }
0x201: {  	v2 =	vadd.s32 s6, v0;
	v1 =	vld [tilespmem:s17+$0x6300];
	_ =	sdelay $0x4  }
0x202: {  	s6 =	sadd.s32 $0xFFFFFFF8, s28;
	[tilespmem:v2+s22+$0x0] =	vst.idx.msk $0xffff, v1  }
0x203: {  	v2 =	vadd.s32 s6, v0;
	v1 =	vld [tilespmem:s17+$0x6380];
	_ =	sdelay $0x4  }
0x204: {  	s6 =	sadd.s32 $0xFFFFFFF9, s28;
	[tilespmem:v2+s22+$0x0] =	vst.idx.msk $0xffff, v1  }
0x205: {  	v2 =	vadd.s32 s6, v0;
	v1 =	vld [tilespmem:s17+$0x7000];
	_ =	sdelay $0x4  }
0x206: {  	s6 =	sadd.s32 $0xFFFFFFFA, s28;
	[tilespmem:v2+s22+$0x0] =	vst.idx.msk $0xffff, v1  }
0x207: {  	v2 =	vadd.s32 s6, v0;
	v1 =	vld [tilespmem:s17+$0x7080];
	_ =	sdelay $0x4  }
0x208: {  	s6 =	sadd.s32 $0xFFFFFFFB, s28;
	[tilespmem:v2+s22+$0x0] =	vst.idx.msk $0xffff, v1  }
0x209: {  	v2 =	vadd.s32 s6, v0;
	v1 =	vld [tilespmem:s17+$0x7100];
	_ =	sdelay $0x4  }
0x20a: {  	s6 =	sadd.s32 $0xFFFFFFFC, s28;
	[tilespmem:v2+s22+$0x0] =	vst.idx.msk $0xffff, v1  }
0x20b: {  	v2 =	vadd.s32 s6, v0;
	v1 =	vld [tilespmem:s17+$0x7180];
	_ =	sdelay $0x4  }
0x20c: {  	s6 =	sadd.s32 $0xFFFFFFFD, s28;
	[tilespmem:v2+s22+$0x0] =	vst.idx.msk $0xffff, v1  }
0x20d: {  	v2 =	vadd.s32 s6, v0;
	v1 =	vld [tilespmem:s17+$0x7200];
	_ =	sdelay $0x4  }
0x20e: {  	s6 =	sadd.s32 $0xFFFFFFFE, s28;
	[tilespmem:v2+s22+$0x0] =	vst.idx.msk $0xffff, v1  }
0x20f: {  	v2 =	vadd.s32 s6, v0;
	v1 =	vld [tilespmem:s17+$0x7280];
	_ =	sdelay $0x4  }
0x210: {  	s6 =	sadd.s32 $0xFFFFFFFF, s28;
	[tilespmem:v2+s22+$0x0] =	vst.idx.msk $0xffff, v1  }
0x211: {  	v2 =	vadd.s32 s6, v0;
	v1 =	vld [tilespmem:s17+$0x7300];
	_ =	sdelay $0x4  }
0x212: {  	[tilespmem:v2+s22+$0x0] =	vst.idx.msk $0xffff, v1  }
.Ltmp7:
0x213: {  	v2 =	vadd.s32 s28, v0;
	s28 =	smov.u32 s16;
	v1 =	vld [tilespmem:s17+$0x7380];
	(pc) =	sbr.rel @p4 .LBB2_8-.Ltmp7, $3  }
0x214: {  	_ =	sdelay $0x1  }
0x215: {  	s29 =	sadd.s32 $0x80, s29;
	s0 =	sadd.s32 $0x10, s0  }
0x216: {  	s18 =	sand.u32 $0xC00, s29;
	s16 =	sadd.s32 $0x210, s16;
	s17 =	sand.u32 $0x70, s0  }
0x217: {  	_ =	sdelay $0x3  }
0x218: {  	s6 =	sadd.s32 $0xFFFFFFE1, s28;
	s16 =	sor.u32 s17, s18;
	[tilespmem:v2+s22+$0x0] =	vst.idx.msk $0xffff, v1  }
0x219: {  	v1 =	vld [tilespmem:s16+$0x4000];
	v2 =	vadd.s32 s6, v0;
	_ =	sdelay $0x4  }
0x21a: {  	s18 =	sadd.s32 $0xFFFFFFE2, s28;
	[tilespmem:v2+s22+$0x0] =	vst.idx.msk $0xffff, v1  }
0x21b: {  	v2 =	vadd.s32 s18, v0;
	v1 =	vld [tilespmem:s16+$0x4080];
	_ =	sdelay $0x4  }
0x21c: {  	s30 =	sadd.s32 $0xFFFFFFE3, s28;
	[tilespmem:v2+s22+$0x0] =	vst.idx.msk $0xffff, v1  }
0x21d: {  	v2 =	vadd.s32 s30, v0;
	v1 =	vld [tilespmem:s16+$0x4100];
	_ =	sdelay $0x4  }
0x21e: {  	s31 =	sadd.s32 $0xFFFFFFE4, s28;
	[tilespmem:v2+s22+$0x0] =	vst.idx.msk $0xffff, v1  }
0x21f: {  	v2 =	vadd.s32 s31, v0;
	v1 =	vld [tilespmem:s16+$0x4180];
	_ =	sdelay $0x4  }
0x220: {  	s17 =	sadd.s32 $0xFFFFFFE5, s28;
	[tilespmem:v2+s22+$0x0] =	vst.idx.msk $0xffff, v1  }
0x221: {  	v2 =	vadd.s32 s17, v0;
	v1 =	vld [tilespmem:s16+$0x4200];
	_ =	sdelay $0x4  }
0x222: {  	s18 =	sadd.s32 $0xFFFFFFE6, s28;
	[tilespmem:v2+s22+$0x0] =	vst.idx.msk $0xffff, v1  }
0x223: {  	v2 =	vadd.s32 s18, v0;
	v1 =	vld [tilespmem:s16+$0x4280];
	_ =	sdelay $0x4  }
0x224: {  	s30 =	sadd.s32 $0xFFFFFFE7, s28;
	[tilespmem:v2+s22+$0x0] =	vst.idx.msk $0xffff, v1  }
0x225: {  	v2 =	vadd.s32 s30, v0;
	v1 =	vld [tilespmem:s16+$0x4300];
	_ =	sdelay $0x3  }
0x226: {  	s0 =	sor.u32 s29, s0  }
0x227: {  	s0 =	sor.u32 $0x380, s0;
	s31 =	sadd.s32 $0xFFFFFFE8, s28;
	[tilespmem:v2+s22+$0x0] =	vst.idx.msk $0xffff, v1  }
0x228: {  	v2 =	vadd.s32 s31, v0;
	v1 =	vld [tilespmem:s0+$0x4000];
	_ =	sdelay $0x4  }
0x229: {  	s17 =	sadd.s32 $0xFFFFFFE9, s28;
	[tilespmem:v2+s22+$0x0] =	vst.idx.msk $0xffff, v1  }
0x22a: {  	v2 =	vadd.s32 s17, v0;
	v1 =	vld [tilespmem:s16+$0x5000];
	_ =	sdelay $0x4  }
0x22b: {  	s18 =	sadd.s32 $0xFFFFFFEA, s28;
	[tilespmem:v2+s22+$0x0] =	vst.idx.msk $0xffff, v1  }
0x22c: {  	v2 =	vadd.s32 s18, v0;
	v1 =	vld [tilespmem:s16+$0x5080];
	_ =	sdelay $0x4  }
0x22d: {  	s30 =	sadd.s32 $0xFFFFFFEB, s28;
	[tilespmem:v2+s22+$0x0] =	vst.idx.msk $0xffff, v1  }
0x22e: {  	v2 =	vadd.s32 s30, v0;
	v1 =	vld [tilespmem:s16+$0x5100];
	_ =	sdelay $0x4  }
0x22f: {  	s31 =	sadd.s32 $0xFFFFFFEC, s28;
	[tilespmem:v2+s22+$0x0] =	vst.idx.msk $0xffff, v1  }
0x230: {  	v2 =	vadd.s32 s31, v0;
	v1 =	vld [tilespmem:s16+$0x5180];
	_ =	sdelay $0x4  }
0x231: {  	s6 =	sadd.s32 $0xFFFFFFED, s28;
	[tilespmem:v2+s22+$0x0] =	vst.idx.msk $0xffff, v1  }
0x232: {  	v2 =	vadd.s32 s6, v0;
	v1 =	vld [tilespmem:s16+$0x5200];
	_ =	sdelay $0x4  }
0x233: {  	s17 =	sadd.s32 $0xFFFFFFEE, s28;
	[tilespmem:v2+s22+$0x0] =	vst.idx.msk $0xffff, v1  }
0x234: {  	v2 =	vadd.s32 s17, v0;
	v1 =	vld [tilespmem:s16+$0x5280];
	_ =	sdelay $0x4  }
0x235: {  	s18 =	sadd.s32 $0xFFFFFFEF, s28;
	[tilespmem:v2+s22+$0x0] =	vst.idx.msk $0xffff, v1  }
0x236: {  	v2 =	vadd.s32 s18, v0;
	v1 =	vld [tilespmem:s16+$0x5300];
	_ =	sdelay $0x4  }
0x237: {  	s30 =	sadd.s32 $0xFFFFFFF0, s28;
	[tilespmem:v2+s22+$0x0] =	vst.idx.msk $0xffff, v1  }
0x238: {  	v2 =	vadd.s32 s30, v0;
	v1 =	vld [tilespmem:s16+$0x5380];
	_ =	sdelay $0x4  }
0x239: {  	s31 =	sadd.s32 $0xFFFFFFF1, s28;
	[tilespmem:v2+s22+$0x0] =	vst.idx.msk $0xffff, v1  }
0x23a: {  	v2 =	vadd.s32 s31, v0;
	v1 =	vld [tilespmem:s16+$0x6000];
	_ =	sdelay $0x4  }
0x23b: {  	s6 =	sadd.s32 $0xFFFFFFF2, s28;
	[tilespmem:v2+s22+$0x0] =	vst.idx.msk $0xffff, v1  }
0x23c: {  	v2 =	vadd.s32 s6, v0;
	v1 =	vld [tilespmem:s16+$0x6080];
	_ =	sdelay $0x4  }
0x23d: {  	s17 =	sadd.s32 $0xFFFFFFF3, s28;
	[tilespmem:v2+s22+$0x0] =	vst.idx.msk $0xffff, v1  }
0x23e: {  	v2 =	vadd.s32 s17, v0;
	v1 =	vld [tilespmem:s16+$0x6100];
	_ =	sdelay $0x4  }
0x23f: {  	s18 =	sadd.s32 $0xFFFFFFF4, s28;
	[tilespmem:v2+s22+$0x0] =	vst.idx.msk $0xffff, v1  }
0x240: {  	v2 =	vadd.s32 s18, v0;
	v1 =	vld [tilespmem:s16+$0x6180];
	_ =	sdelay $0x4  }
0x241: {  	s30 =	sadd.s32 $0xFFFFFFF5, s28;
	[tilespmem:v2+s22+$0x0] =	vst.idx.msk $0xffff, v1  }
0x242: {  	v2 =	vadd.s32 s30, v0;
	v1 =	vld [tilespmem:s16+$0x6200];
	_ =	sdelay $0x4  }
0x243: {  	s31 =	sadd.s32 $0xFFFFFFF6, s28;
	[tilespmem:v2+s22+$0x0] =	vst.idx.msk $0xffff, v1  }
0x244: {  	v2 =	vadd.s32 s31, v0;
	v1 =	vld [tilespmem:s16+$0x6280];
	_ =	sdelay $0x4  }
0x245: {  	s6 =	sadd.s32 $0xFFFFFFF7, s28;
	[tilespmem:v2+s22+$0x0] =	vst.idx.msk $0xffff, v1  }
0x246: {  	v2 =	vadd.s32 s6, v0;
	v1 =	vld [tilespmem:s16+$0x6300];
	_ =	sdelay $0x4  }
0x247: {  	s17 =	sadd.s32 $0xFFFFFFF8, s28;
	[tilespmem:v2+s22+$0x0] =	vst.idx.msk $0xffff, v1  }
0x248: {  	v2 =	vadd.s32 s17, v0;
	v1 =	vld [tilespmem:s16+$0x6380];
	_ =	sdelay $0x4  }
0x249: {  	s18 =	sadd.s32 $0xFFFFFFF9, s28;
	[tilespmem:v2+s22+$0x0] =	vst.idx.msk $0xffff, v1  }
0x24a: {  	v2 =	vadd.s32 s18, v0;
	v1 =	vld [tilespmem:s16+$0x7000];
	_ =	sdelay $0x4  }
0x24b: {  	s30 =	sadd.s32 $0xFFFFFFFA, s28;
	[tilespmem:v2+s22+$0x0] =	vst.idx.msk $0xffff, v1  }
0x24c: {  	v2 =	vadd.s32 s30, v0;
	v1 =	vld [tilespmem:s16+$0x7080];
	_ =	sdelay $0x4  }
0x24d: {  	s31 =	sadd.s32 $0xFFFFFFFB, s28;
	[tilespmem:v2+s22+$0x0] =	vst.idx.msk $0xffff, v1  }
0x24e: {  	v2 =	vadd.s32 s31, v0;
	v1 =	vld [tilespmem:s16+$0x7100];
	_ =	sdelay $0x4  }
0x24f: {  	s6 =	sadd.s32 $0xFFFFFFFC, s28;
	[tilespmem:v2+s22+$0x0] =	vst.idx.msk $0xffff, v1  }
0x250: {  	v2 =	vadd.s32 s6, v0;
	v1 =	vld [tilespmem:s16+$0x7180];
	_ =	sdelay $0x4  }
0x251: {  	s17 =	sadd.s32 $0xFFFFFFFD, s28;
	[tilespmem:v2+s22+$0x0] =	vst.idx.msk $0xffff, v1  }
0x252: {  	v2 =	vadd.s32 s17, v0;
	v1 =	vld [tilespmem:s16+$0x7200];
	_ =	sdelay $0x4  }
0x253: {  	s18 =	sadd.s32 $0xFFFFFFFE, s28;
	[tilespmem:v2+s22+$0x0] =	vst.idx.msk $0xffff, v1  }
0x254: {  	v2 =	vadd.s32 s18, v0;
	v1 =	vld [tilespmem:s16+$0x7280];
	_ =	sdelay $0x4  }
0x255: {  	s30 =	sadd.s32 $0xFFFFFFFF, s28;
	[tilespmem:v2+s22+$0x0] =	vst.idx.msk $0xffff, v1  }
0x256: {  	v2 =	vadd.s32 s30, v0;
	v1 =	vld [tilespmem:s16+$0x7300];
	_ =	sdelay $0x4  }
0x257: {  	[tilespmem:v2+s22+$0x0] =	vst.idx.msk $0xffff, v1  }
0x258: {  	v2 =	vadd.s32 s28, v0;
	v1 =	vld [tilespmem:s16+$0x7380];
	_ =	sdelay $0x4  }
0x259: {  	s0 =	simm.s32 $0xC284;
	[tilespmem:v2+s22+$0x0] =	vst.idx.msk $0xffff, v1  }
0x25a: {  	v1 =	vld [tilespmem:s0+$0xFFFFFF7C]  }
0x25b: {  	v2 =	vld [tilespmem:s0+$0xFFFFFF8C];
	_ =	sdelay $0x2  }
0x25c: {  	s16 =	simm.s32 $0x14480  }
0x25d: {  	[tilespmem:s16+$0xFFFFFF80] =	vst v1  }
0x25e: {  	[tilespmem:s16+$0xFFFFFF90] =	vst v2  }
0x25f: {  	v1 =	vld [tilespmem:s0+$0xFFFFFF9D]  }
0x260: {  	v2 =	vld [tilespmem:s0+$0xFFFFFFAD];
	_ =	sdelay $0x2  }
0x261: {  	s31 =	simm.s32 $0x20  }
0x262: {  	s6 =	sor.u32 $0x30, s31;
	[tilespmem:s16+$0xFFFFFFA0] =	vst v1  }
0x263: {  	[tilespmem:s6+$0x14400] =	vst v2  }
0x264: {  	v1 =	vld [tilespmem:s0+$0xFFFFFFBE]  }
0x265: {  	v2 =	vld [tilespmem:s0+$0xFFFFFFCE];
	_ =	sdelay $0x2  }
0x266: {  	s17 =	simm.s32 $0x40  }
0x267: {  	s6 =	sor.u32 $0x50, s17;
	[tilespmem:s16+$0xFFFFFFC0] =	vst v1  }
0x268: {  	[tilespmem:s6+$0x14400] =	vst v2  }
0x269: {  	v1 =	vld [tilespmem:s0+$0xFFFFFFDF]  }
0x26a: {  	v2 =	vld [tilespmem:s0+$0xFFFFFFEF];
	_ =	sdelay $0x2  }
0x26b: {  	s18 =	simm.s32 $0x60  }
0x26c: {  	s6 =	sor.u32 $0x70, s18;
	[tilespmem:s16+$0xFFFFFFE0] =	vst v1  }
0x26d: {  	[tilespmem:s6+$0x14400] =	vst v2  }
0x26e: {  	v1 =	vld [tilespmem:s0+$0x0]  }
0x26f: {  	v2 =	vld [tilespmem:s0+$0x10];
	_ =	sdelay $0x3  }
0x270: {  	[tilespmem:s16+$0x0] =	vst v1  }
0x271: {  	[tilespmem:s16+$0x10] =	vst v2  }
0x272: {  	v1 =	vld [tilespmem:s0+$0x21]  }
0x273: {  	v2 =	vld [tilespmem:s0+$0x31];
	_ =	sdelay $0x2  }
0x274: {  	s30 =	simm.s32 $0xA0  }
0x275: {  	s6 =	sor.u32 $0x30, s30;
	[tilespmem:s16+$0x20] =	vst v1  }
0x276: {  	[tilespmem:s6+$0x14400] =	vst v2  }
0x277: {  	v1 =	vld [tilespmem:s0+$0x42]  }
0x278: {  	v2 =	vld [tilespmem:s0+$0x52];
	_ =	sdelay $0x2  }
0x279: {  	s31 =	simm.s32 $0xC0  }
0x27a: {  	s6 =	sor.u32 $0x50, s31;
	[tilespmem:s16+$0x40] =	vst v1  }
0x27b: {  	[tilespmem:s6+$0x14400] =	vst v2  }
0x27c: {  	v2 =	vld [tilespmem:s0+$0x63]  }
0x27d: {  	v1 =	vld [tilespmem:s0+$0x73];
	_ =	sdelay $0x1  }
0x27e: {  	s17 =	simm.s32 $0xE0  }
0x27f: {  	s29 =	simm.s32 $0x14580;
	s28 =	simm.s32 $0x0;
	s18 =	sor.u32 $0x70, s17  }
.LBB2_10:
0x280: {  	s28 =	sadd.s32 $0x8, s28;
	[tilespmem:s16+$0x60] =	vst v2;
	s17 =	sadd.s32 $0x100, s17;
	s0 =	sadd.s32 $0x108, s0  }
0x281: {  	s16 =	smov.u32 s29;
	p4 =	slt.u32 s28, $0x1F8;
	[tilespmem:s18+$0x14400] =	vst v1  }
0x282: {  	v1 =	vld [tilespmem:s0+$0xFFFFFF7C]  }
0x283: {  	v2 =	vld [tilespmem:s0+$0xFFFFFF8C];
	_ =	sdelay $0x3  }
0x284: {  	[tilespmem:s29+$0xFFFFFF80] =	vst v1  }
0x285: {  	[tilespmem:s29+$0xFFFFFF90] =	vst v2  }
0x286: {  	v1 =	vld [tilespmem:s0+$0xFFFFFF9D]  }
0x287: {  	v2 =	vld [tilespmem:s0+$0xFFFFFFAD];
	_ =	sdelay $0x2  }
0x288: {  	s6 =	sadd.s32 $0xFFFFFF40, s17  }
0x289: {  	s6 =	sor.u32 $0x30, s6;
	[tilespmem:s29+$0xFFFFFFA0] =	vst v1  }
0x28a: {  	[tilespmem:s6+$0x14400] =	vst v2  }
0x28b: {  	v1 =	vld [tilespmem:s0+$0xFFFFFFBE]  }
0x28c: {  	v2 =	vld [tilespmem:s0+$0xFFFFFFCE];
	_ =	sdelay $0x2  }
0x28d: {  	s6 =	sadd.s32 $0xFFFFFF60, s17  }
0x28e: {  	s6 =	sor.u32 $0x50, s6;
	[tilespmem:s29+$0xFFFFFFC0] =	vst v1  }
0x28f: {  	[tilespmem:s6+$0x14400] =	vst v2  }
0x290: {  	v1 =	vld [tilespmem:s0+$0xFFFFFFDF]  }
0x291: {  	v2 =	vld [tilespmem:s0+$0xFFFFFFEF];
	_ =	sdelay $0x2  }
0x292: {  	s6 =	sadd.s32 $0xFFFFFF80, s17  }
0x293: {  	s6 =	sor.u32 $0x70, s6;
	[tilespmem:s29+$0xFFFFFFE0] =	vst v1  }
0x294: {  	[tilespmem:s6+$0x14400] =	vst v2  }
0x295: {  	v1 =	vld [tilespmem:s0+$0x0]  }
0x296: {  	v2 =	vld [tilespmem:s0+$0x10];
	_ =	sdelay $0x3  }
0x297: {  	[tilespmem:s29+$0x0] =	vst v1  }
0x298: {  	[tilespmem:s29+$0x10] =	vst v2  }
0x299: {  	v1 =	vld [tilespmem:s0+$0x21]  }
0x29a: {  	v2 =	vld [tilespmem:s0+$0x31];
	_ =	sdelay $0x1  }
0x29b: {  	s6 =	sadd.s32 $0xFFFFFFC0, s17  }
0x29c: {  	s6 =	sor.u32 $0x30, s6  }
0x29d: {  	[tilespmem:s29+$0x20] =	vst v1  }
0x29e: {  	[tilespmem:s6+$0x14400] =	vst v2  }
0x29f: {  	v1 =	vld [tilespmem:s0+$0x42]  }
0x2a0: {  	v2 =	vld [tilespmem:s0+$0x52];
	_ =	sdelay $0x1  }
0x2a1: {  	s6 =	sadd.s32 $0xFFFFFFE0, s17  }
0x2a2: {  	s6 =	sor.u32 $0x50, s6  }
0x2a3: {  	[tilespmem:s29+$0x40] =	vst v1  }
0x2a4: {  	[tilespmem:s6+$0x14400] =	vst v2  }
.Ltmp8:
0x2a5: {  	v2 =	vld [tilespmem:s0+$0x63];
	(pc) =	sbr.rel @p4 .LBB2_10-.Ltmp8, $2  }
0x2a6: {  	v1 =	vld [tilespmem:s0+$0x73];
	_ =	sdelay $0x2  }
0x2a7: {  	s18 =	sor.u32 $0x70, s17;
	s29 =	sadd.s32 $0x100, s29  }
0x2a8: {  	[tilespmem:s16+$0x60] =	vst v2  }
.Ltmp9:
0x2a9: {  	s0 =	simm.s32 @p3 $0x0;
	s6 =	simm.s32 @p3 $0x14400;
	[tilespmem:s18+$0x14400] =	vst v1;
	(pc) =	sbr.rel .LBB2_12-.Ltmp9, $4  }
0x2aa: {  	[hbm4b:s14+s0] =	stream.linear.scatter @p3 [tilespmem:s6], [sflag:$0x4], $0x800, $0x38;
	[tilespmem:$0x18400] =	vst v63  }
0x2ab: {  	s0 =	sshll.u32 @!p3 s26, $0xB  }
0x2ac: {  	s16 =	simm.s32 @!p3 $0x14400;
	s6 =	simm.s32 @!p3 $0x0;
	s0 =	sadd.s32 @!p3 s4, s0  }
0x2ad: {  	[hbm4b:s0+s6] =	stream.linear.scatter @!p3 [tilespmem:s16], [sflag:$0x4], $0x4000, $0x38;
	[tilespmem:$0x18400] =	vst v63  }
.LBB2_14:
0x2ae: {  	_ =	sfence.sel $0x180000  }
0x2af: {  	[bflag:$0x0] =	sbarrier.arrive $0xFFFF  }
0x2b0: {  	_ =	strace $0x90000047  }
0x2b1: {  	[bflag:$0x2] =	sbarrier.arrive $0xFFFF  }
0x2b2: {  	s0 =	rddreg [dreg:$0x2]  }
0x2b3: {  	s0 =	sadd.s32 @!p0 $0x100000, s0  }
0x2b4: {  	[sflag:s0] =	ssyncadd.tile.s32 @!p0 $0x1;
	_ =	shalt  }
.Lfunc_end2:
_tile_overlayer_lowered:
.L_overlay_start_2:
0x2b5: {  	(tag) =	ssettag $0x2  }
0x2b6: {  	s0 =	rddreg [dreg:$0x0];
	s2 =	stileid.u32  }
0x2b7: {  	s1 =	rddreg [dreg:$0x1];
	p0 =	sne.s32 s2, $0x0  }
0x2b8: {  	s3 =	rddreg [dreg:$0x2];
	[bflag:$0x3] =	sbarrier.arrive $0xFFFF;
	s2 =	simm.s32 @!p0 $0x1C05  }
0x2b9: {  	[timem:s3], [sflag:s2] =	dma.local @!p0 [hbm:s0], s1  }
0x2ba: {  	s0 =	simm.s32 @!p0 $0x5  }
0x2bb: {  	_ =	swait.ge @!p0 [sflag:s0], s1  }
0x2bc: {  	s1 =	ssub.s32 @!p0 $0x0, s1;
	[sflag:s0] =	ssyncset.done @!p0 $0x0  }
0x2bd: {  	[sflag:s0] =	ssyncadd.s32 @!p0 s1  }
0x2be: {  	[bflag:$0x3] =	sbarrier.arrive $0xFFFF  }
0x2bf: {  	_ =	shalt  }

// kernel: kernel.7.cloned.1.call-start
scs
__scs_entry_jumppad:
0x0: {  	(pc) =	sbr.rel $0x88, $3  }
0x1: {  	(tag) =	ssettag $0x0;
	lr =	simm.s32 $0x1  }
0x2: {  	[smem:$0x3F9D] =	sst lr;
	_ =	strace $0xD0000000  }
0x3: {  	_ = 	snop  }
0x4: {  	_ = 	snop  }
0x5: {  	_ = 	snop  }
0x6: {  	_ = 	snop  }
0x7: {  	_ = 	snop  }
__scs_overlays_trampoline_lowered:
0x8: {  	[smem:$0x3FAC] =	sst s0  }
0x9: {  	[smem:$0x3FAD] =	sst s1  }
0xa: {  	[smem:$0x3FAE] =	sst s2  }
0xb: {  	[smem:$0x3FAF] =	sst s3  }
0xc: {  	[smem:$0x3FB0] =	sst s4  }
0xd: {  	[smem:$0x3FB1] =	sst s5  }
0xe: {  	[smem:$0x3FB2] =	sst s6  }
0xf: {  	[smem:$0x3FB3] =	sst s7  }
0x10: {  	[smem:$0x3FB4] =	sst s8  }
0x11: {  	[smem:$0x3FB5] =	sst s9;
	s0 =	simm.s32 @!p0 $0x0  }
0x12: {  	s1 =	sld [smem:$0x3F9B];
	s0 =	simm.s32 @p0 $0x1  }
0x13: {  	[smem:$0x3FB6] =	sst s0;
	s0 =	simm.s32 @!p1 $0x0  }
0x14: {  	s2 =	sld [smem:$0x3F9A];
	s0 =	simm.s32 @p1 $0x1  }
0x15: {  	[smem:$0x3FB7] =	sst s0;
	s0 =	simm.s32 @!p2 $0x0  }
0x16: {  	s3 =	sld [smem:$0x3FDB];
	s0 =	simm.s32 @p2 $0x1  }
0x17: {  	s4 =	simm.s32 $0x1BF5;
	[smem:$0x3FB9] =	sst s0  }
0x18: {  	s0 =	sld [smem:$0x3F9C];
	_ =	swait.ge [sflag:s4], $0x0  }
0x19: {  	s7 =	sld [smem:$0x3F9D]  }
0x1a: {  	s8 =	sadd.s32 $0xFFFFE003, lr  }
0x1b: {  	s9 =	sadd.s32 $0xFFFFFEF7, lr;
	s5 =	simm.s32 $0xFFFFFFFF;
	p2 =	slt.u32 s8, $0xFFFFF086  }
0x1c: {  	p1 =	slt.u32 s9, $0xF7A;
	s5 =	simm.s32 @!p2 $0x0  }
0x1d: {  	s5 =	simm.s32 @p1 $0x1;
	p0 =	seq.s32 s7, s2  }
0x1e: {  	s7 =	smul.u32 @!p0 $0xF7A, s2;
	p2 =	seq.s32 @!p0 s5, $0x0  }
0x1f: {  	s9 =	smul.u32 $0xF7A, s1;
	s8 =	simm.s32 @!p0 $0x1BF5;
	p2 =	por !p2, p0  }
0x20: {  	[sflag:s8] =	ssyncset.s32 @!p0 $0xFFFFF086;
	s6 =	sadd.s32 @!p0 s3, s7;
	s7 =	simm.s32 @!p0 $0x108  }
0x21: {  	s3 =	sadd.s32 s3, s9;
	s6 =	sadd.s32 @!p0 $0x88, s6;
	s7 =	simm.s32 @p2 $0x1082  }
0x22: {  	[simem:s7], [sflag:s8] =	dma.local @!p0 [hbm:s6], $0xF7A  }
0x23: {  	s9 =	sor.u32 $0xD0000000, s2;
	s6 =	simm.s32 $0x108;
	_ =	swait.ge @!p0 [sflag:s8], $0x0  }
0x24: {  	s3 =	sadd.s32 $0x88, s3;
	s6 =	simm.s32 @!p1 $0x1082;
	[sflag:s4] =	ssyncset.s32 $0xFFFFF086  }
0x25: {  	[simem:s6], [sflag:s4] =	dma.local [hbm:s3], $0xF7A  }
0x26: {  	[smem:$0x3F9D] =	sst s1;
	(tag) =	ssettag s2;
	_ =	strace s9  }
0x27: {  	s1 =	sld [smem:$0x3FAD]  }
0x28: {  	s2 =	sld [smem:$0x3FAE]  }
0x29: {  	s4 =	sld [smem:$0x3FB0]  }
0x2a: {  	p0 =	seq.s32 s5, $0x0;
	s5 =	sld [smem:$0x3FB1]  }
0x2b: {  	s6 =	sld [smem:$0x3FB2]  }
0x2c: {  	s7 =	sld [smem:$0x3FB3]  }
0x2d: {  	s3 =	simm.s32 $0x108;
	s8 =	sld [smem:$0x3FB4]  }
0x2e: {  	s3 =	simm.s32 @!p0 $0x1082;
	s9 =	sld [smem:$0x3FB5]  }
0x2f: {  	lr =	sadd.s32 s0, s3;
	s0 =	sld [smem:$0x3FAC]  }
0x30: {  	s3 =	sld [smem:$0x3FAF]  }
0x31: {  	[smem:$0x3FB8] =	sst s10  }
0x32: {  	s10 =	sld [smem:$0x3FB6];
	_ =	sdelay $0x3  }
0x33: {  	p0 =	seq.s32 s10, $0x1;
	s10 =	sld [smem:$0x3FB8];
	_ =	sdelay $0x3  }
0x34: {  	[smem:$0x3FB8] =	sst s10  }
0x35: {  	s10 =	sld [smem:$0x3FB7];
	_ =	sdelay $0x3  }
0x36: {  	p1 =	seq.s32 s10, $0x1;
	s10 =	sld [smem:$0x3FB8];
	_ =	sdelay $0x3  }
0x37: {  	[smem:$0x3FB8] =	sst s10  }
0x38: {  	s10 =	sld [smem:$0x3FB9]  }
0x39: {  	_ = 	snop;
	(pc) =	sbr.ind lr, $3  }
0x3a: {  	_ = 	snop  }
0x3b: {  	_ = 	snop  }
0x3c: {  	p2 =	seq.s32 s10, $0x1;
	s10 =	sld [smem:$0x3FB8]  }
0x3d: {  	_ =	shalt  }
0x3e: {  	_ =	shalt  }
0x3f: {  	_ =	shalt  }
0x40: {  	_ =	shalt  }
0x41: {  	_ =	shalt  }
0x42: {  	_ =	shalt  }
0x43: {  	_ =	shalt  }
0x44: {  	_ =	shalt  }
0x45: {  	_ =	shalt  }
0x46: {  	_ =	shalt  }
0x47: {  	_ =	shalt  }
0x48: {  	_ =	shalt  }
0x49: {  	_ =	shalt  }
0x4a: {  	_ =	shalt  }
0x4b: {  	_ =	shalt  }
0x4c: {  	_ =	shalt  }
0x4d: {  	_ =	shalt  }
0x4e: {  	_ =	shalt  }
0x4f: {  	_ =	shalt  }
0x50: {  	_ =	shalt  }
0x51: {  	_ =	shalt  }
0x52: {  	_ =	shalt  }
0x53: {  	_ =	shalt  }
0x54: {  	_ =	shalt  }
0x55: {  	_ =	shalt  }
0x56: {  	_ =	shalt  }
0x57: {  	_ =	shalt  }
0x58: {  	_ =	shalt  }
0x59: {  	_ =	shalt  }
0x5a: {  	_ =	shalt  }
0x5b: {  	_ =	shalt  }
0x5c: {  	_ =	shalt  }
0x5d: {  	_ =	shalt  }
0x5e: {  	_ =	shalt  }
0x5f: {  	_ =	shalt  }
0x60: {  	_ =	shalt  }
0x61: {  	_ =	shalt  }
0x62: {  	_ =	shalt  }
0x63: {  	_ =	shalt  }
0x64: {  	_ =	shalt  }
0x65: {  	_ =	shalt  }
0x66: {  	_ =	shalt  }
0x67: {  	_ =	shalt  }
0x68: {  	_ =	shalt  }
0x69: {  	_ =	shalt  }
0x6a: {  	_ =	shalt  }
0x6b: {  	_ =	shalt  }
0x6c: {  	_ =	shalt  }
0x6d: {  	_ =	shalt  }
0x6e: {  	_ =	shalt  }
0x6f: {  	_ =	shalt  }
0x70: {  	_ =	shalt  }
0x71: {  	_ =	shalt  }
0x72: {  	_ =	shalt  }
0x73: {  	_ =	shalt  }
0x74: {  	_ =	shalt  }
0x75: {  	_ =	shalt  }
0x76: {  	_ =	shalt  }
0x77: {  	_ =	shalt  }
0x78: {  	_ =	shalt  }
0x79: {  	_ =	shalt  }
0x7a: {  	_ =	shalt  }
0x7b: {  	_ =	shalt  }
0x7c: {  	_ =	shalt  }
0x7d: {  	_ =	shalt  }
0x7e: {  	_ =	shalt  }
0x7f: {  	_ =	shalt  }
0x80: {  	_ =	shalt  }
0x81: {  	_ =	shalt  }
0x82: {  	_ =	shalt  }
0x83: {  	_ =	shalt  }
0x84: {  	_ =	shalt  }
0x85: {  	_ =	shalt  }
0x86: {  	_ =	shalt  }
0x87: {  	_ =	shalt  }
.Lfunc_end0:
.L_simem_size_0:
called_computation.1_lowered:
.L_overlay_start_0:
0x88: {  	s2 =	sld [smem:$0x3FD9]  }
0x89: {  	s3 =	sld [smem:$0x3FFE];
	_ =	sdelay $0x1  }
0x8a: {  	s1 =	srdreg.scid  }
0x8b: {  	s0 =	sand.u32 $0x1, s1  }
0x8c: {  	s17 =	sshll.u32 s0, $0xA;
	s2 =	sadd.s32 s3, s2  }
0x8d: {  	s2 =	sadd.s32 s2, s17  }
0x8e: {  	[smem:$0x3FC4] =	sst s2  }
0x8f: {  	_ = 	snop  }
0x90: {  	s2 =	sld [smem:$0x3FC6]  }
0x91: {  	s18 =	sld [smem:$0x3FD0];
	(tm) =	ssettm $0x1  }
0x92: {  	s4 =	sld [smem:$0x3FFB];
	_ =	sdelay $0x3  }
0x93: {  	_ =	strace s4  }
0x94: {  	s4 =	sld [smem:$0x3FFC];
	_ =	sdelay $0x3  }
0x95: {  	_ =	strace s4  }
0x96: {  	s4 =	sld [smem:$0x3FFD];
	_ =	sdelay $0x3  }
0x97: {  	_ =	strace s4  }
0x98: {  	_ =	strace $0x8FFFFFFF  }
0x99: {  	s19 =	sld [smem:$0x3FDB];
	_ =	sdelay $0x1  }
0x9a: {  	s5 =	simm.s32 $_scs_section_size  }
0x9b: {  	s6 =	simm.s32 $_size__tile_overlayer_lowered;
	s7 =	simm.s32 $_tile_overlayer_lowered  }
0x9c: {  	s22 =	simm.s32 $0x1BFF;
	s21 =	sshll.u32 s7, $0x1;
	s4 =	sadd.s32 s5, s19  }
0x9d: {  	s8 =	simm.s32 $0x0;
	s20 =	sshll.u32 s6, $0x1;
	s6 =	sadd.s32 s21, s4  }
0x9e: {  	[timem:s8], [sflag:s22] =	dma.local [hbm:s6], s20  }
0x9f: {  	_ =	swait.ge [sflag:s22], s20  }
0xa0: {  	s5 =	ssub.s32 $0x0, s20;
	[sflag:s22] =	ssyncset.done $0x0  }
0xa1: {  	[sflag:s22] =	ssyncadd.s32 s5;
	_ =	sdelay $0x1  }
0xa2: {  	s23 =	simm.s32 $0x1B8B  }
0xa3: {  	_ =	swait.ge [sflag:s23], $0x1  }
0xa4: {  	[sflag:s23] =	ssyncset.done $0x0  }
0xa5: {  	s25 =	simm.s32 $0x1B8E;
	s24 =	sld [smem:$0x3FFE];
	[sflag:s23] =	ssyncadd.s32 $0xFFFFFFFF  }
0xa6: {  	s26 =	simm.s32 $execute0_lowered;
	[smem:$0x3FD2] =	sst s25  }
0xa7: {  	s6 =	sshll.u32 s26, $0x1;
	_ =	strace $0x80000049;
	[dreg:$0x1] =	wrdreg $0xFFFFFFFF  }
0xa8: {  	s28 =	simm.s32 $_size_execute0_lowered;
	s4 =	sadd.s32 s4, s6;
	[dreg:$0x0] =	wrdreg $0x0  }
0xa9: {  	s6 =	sshll.u32 s28, $0x1;
	[dreg:$0x2] =	wrdreg s4  }
0xaa: {  	[dreg:$0x3] =	wrdreg s6  }
0xab: {  	[dreg:$0x4] =	wrdreg $0xC0  }
0xac: {  	_ =	task [dreg:s8], $0x5FFFF  }
0xad: {  	[dreg:$0x1] =	wrdreg $0xFFFFFFFF  }
0xae: {  	[dreg:$0x0] =	wrdreg $0x60  }
0xaf: {  	[dreg:$0x2] =	wrdreg s24  }
0xb0: {  	[dreg:$0x3] =	wrdreg s2  }
0xb1: {  	[dreg:$0x4] =	wrdreg s18  }
0xb2: {  	[dreg:$0x5] =	wrdreg $0x9  }
0xb3: {  	_ =	task.clear_ibuf [dreg:s8], $0x6FFFF;
	_ =	strace $0x90000049  }
0xb4: {  	s29 =	simm.s32 $0x9;
	_ =	strace $0x8000004B  }
0xb5: {  	_ =	swait.ge [sflag:s29], $0x1  }
0xb6: {  	[sflag:s29] =	ssyncadd.s32 $0xFFFFFFFF  }
0xb7: {  	_ =	strace $0x9000004B  }
0xb8: {  	_ =	sfence  }
0xb9: {  	s30 =	sld [smem:$0x0];
	_ =	sdelay $0x2  }
0xba: {  	s31 =	sshll.u32 s1, $0xD;
	s1 =	sshrl.u32 s1, $0x2  }
0xbb: {  	s3 =	sand.u32 $0x4000, s31;
	s1 =	sadd.s32 s1, s30  }
0xbc: {  	s0 =	sor.u32 s3, s0;
	s1 =	sshll.u32 s1, $0x11  }
0xbd: {  	s0 =	sor.u32 s1, s0  }
0xbe: {  	s0 =	sadd.s32 $0x8F2B, s0  }
0xbf: {  	[sflag:s0] =	ssyncadd.remote.s32 $0x1  }
0xc0: {  	_ =	sfence.sel $0xFFFF  }
0xc1: {  	[dreg:$0x0] =	wrdreg $0xFFFFFFFF;
	(pc) =	sbr.abs _section_cstart, $3  }
0xc2: {  	[dreg:$0x1] =	wrdreg $0xFFFFFFFF  }
0xc3: {  	_ =	task.clear_ibuf [dreg:s8], $0x2FFFF;
	_ =	strace $0x9FFFFFFF  }
0xc4: {  	(tm) =	ssettm $0x7FFFFFFF  }
0xc5: {  	_ =	shalt  }
tec
execute0_lowered:
.L_overlay_start_1:
0x0: {  	(tag) =	ssettag $0x1  }
0x1: {  	s0 =	rddreg [dreg:$0x0];
	s2 =	srdreg.scid;
	v0 =	vimm.s32 $0xFEDCBA98  }
0x2: {  	s1 =	stileid.u32;
	s9 =	rddreg [dreg:$0x2];
	v1 =	vimm.s32 $0x76543210;
	v2 =	vimm.s32 $0xBA98FEDC;
	v3 =	vimm.s32 $0x32107654  }
0x3: {  	s3 =	simm.s32 $0x0;
	v4 =	vimm.s32 $0xDCFE98BA;
	s8 =	simm.s32 $0xC800;
	s11 =	simm.s32 $0x3;
	v5 =	vimm.s32 $0x54761032  }
0x4: {  	v6 =	vimm.s32 $0xEFCDAB89;
	v7 =	vimm.s32 $0x67452301;
	s12 =	simm.s32 $0x80;
	s13 =	simm.s32 $0xC820;
	s14 =	simm.s32 $0x48;
	v0 =	vunpack.c.l.s4.s8 v0  }
0x5: {  	s15 =	simm.s32 $0xD820;
	s16 =	simm.s32 $0xE120;
	s17 =	simm.s32 $0x6480;
	v1 =	vunpack.c.l.s4.s8 v1;
	v2 =	vunpack.c.l.s4.s8 v2;
	v3 =	vunpack.c.l.s4.s8 v3  }
0x6: {  	s18 =	simm.s32 $0xF120;
	s19 =	simm.s32 $0xFA20;
	s20 =	simm.s32 $0x10A20;
	v4 =	vunpack.c.l.s4.s8 v4;
	v5 =	vunpack.c.l.s4.s8 v5;
	v6 =	vunpack.c.l.s4.s8 v6  }
0x7: {  	s21 =	simm.s32 $0x11320;
	s22 =	simm.s32 $0x12320;
	s23 =	simm.s32 $0x1;
	v7 =	vunpack.c.l.s4.s8 v7;
	v2 =	vunpack.c.0.s8.s32 v2;
	v3 =	vunpack.c.0.s8.s32 v3  }
0x8: {  	s24 =	simm.s32 $0x12C20;
	s25 =	simm.s32 $0x2;
	s2 =	sand.u32 $0x1, s2;
	v0 =	vunpack.c.0.s8.s32 v0;
	v4 =	vunpack.c.0.s8.s32 v4;
	v5 =	vunpack.c.0.s8.s32 v5  }
0x9: {  	s4 =	sshll.u32 s1, $0x8;
	[smem:$0x7FF] =	sst s3;
	s5 =	sshll.u32 s2, $0x7;
	v6 =	vunpack.c.0.s8.s32 v6;
	v7 =	vunpack.c.0.s8.s32 v7;
	v61 =	vcombine.low v3, v2  }
0xa: {  	s26 =	simm.s32 $0x0;
	_ =	strace $0x8000004A;
	s7 =	sor.u32 s5, s4;
	v1 =	vunpack.c.0.s8.s32 v1;
	v62 =	vcombine.low v5, v4  }
0xb: {  	s30 =	ssub.s32 $0x2, s2;
	s4 =	smul.u32 $0x19, s7;
	s31 =	sshrl.u32 s7, $0x3;
	v0 =	vand.u32 $0xF, v0;
	v63 =	vcombine.low v7, v6;
	[tilespmem:$0x1FFD0] =	vst v61  }
0xc: {  	s2 =	sshrl.u32 s30, $0x1;
	s7 =	simm.s32 $0x6400;
	s9 =	sadd.s32 s9, s31;
	v0 =	vcombine.low v0, v1;
	[tilespmem:$0x1FFE0] =	vst v62  }
0xd: {  	s6 =	sadd.s32 s4, s0;
	s4 =	sadd.s32 $0xC00, s0;
	s0 =	ssub.s32 s30, s2;
	[tilespmem:$0x1FFF0] =	vst v63  }
0xe: {  	s5 =	sadd.s32 $0x3D1600, s6;
	s6 =	sadd.s32 $0x3EA600, s6;
	s10 =	smax.u32 s0, $0x1;
	[tilespmem:$0x1FFC0] =	vst v0  }
.LBB2_1:
0xf: {  	[tilespmem:s3], [sflag:$0x3] =	stream.linear.gather [hbm4b:s5+s3], $0x6400, $0x38;
	[tilespmem:$0x12CA0] =	vst v63  }
0x10: {  	_ =	swait.ge [sflag:s11], $0x6400  }
0x11: {  	[sflag:s11] =	ssyncset.done $0x0  }
0x12: {  	[sflag:s11] =	ssyncadd.s32 $0xFFFF9C00  }
0x13: {  	[tilespmem:s7], [sflag:$0x3] =	stream.linear.gather [hbm4b:s6+s3], $0x6400, $0x38;
	[tilespmem:$0x12CA0] =	vst v63  }
0x14: {  	_ =	swait.ge [sflag:s11], $0x6400  }
0x15: {  	[sflag:s11] =	ssyncset.done $0x0  }
0x16: {  	[sflag:s11] =	ssyncadd.s32 $0xFFFF9C00  }
0x17: {  	s0 =	rddreg [dreg:$0x1]  }
0x18: {  	[tilespmem:s8], [sflag:$0x3] =	stream.linear.gather [hbm4b:s0+s3], $0x20, $0x38;
	[tilespmem:$0x12CA0] =	vst v63  }
0x19: {  	_ =	swait.ge [sflag:s11], $0x20  }
0x1a: {  	[sflag:s11] =	ssyncset.done $0x0  }
0x1b: {  	[sflag:s11] =	ssyncadd.s32 $0xFFFFFFE0  }
0x1c: {  	v4 =	vld [tilespmem:$0xC800]  }
0x1d: {  	v5 =	vld [tilespmem:$0xC810];
	[tilespmem:s13], [sflag:$0x1] =	stream.indirect.gather [hbm4b:s4+s12], $0x20, s3, s12, $0xb8  }
0x1e: {  	_ = 	snop  }
0x1f: {  	[tilespmem:s15], [sflag:$0x1] =	stream.indirect.gather [hbm4b:s4+s14], $0x20, s12, s14, $0xb8;
	[tilespmem:$0x12CA0] =	vst v63  }
0x20: {  	_ = 	snop  }
0x21: {  	[tilespmem:s16], [sflag:$0x1] =	stream.indirect.gather [hbm4b:s4+s12], $0x20, s7, s12, $0xb8;
	[tilespmem:$0x12CA0] =	vst v63  }
0x22: {  	v0 =	vadd.f32 v4, v4  }
0x23: {  	v63 =	vadd.f32 v5, v5;
	[tilespmem:s18], [sflag:$0x1] =	stream.indirect.gather [hbm4b:s4+s14], $0x20, s17, s14, $0xb8;
	[tilespmem:$0x12CA0] =	vst v63  }
0x24: {  	[tilespmem:$0x1FFA0] =	vst v0  }
0x25: {  	s28 =	simm.s32 $0x0;
	[tilespmem:$0x1FFB0] =	vst v63  }
.LBB2_2:
0x26: {  	s29 =	sshllo.u32 s28, $0x1  }
0x27: {  	s0 =	smul.u32 $0xC8, s29;
	_ =	sdelay $0x1  }
0x28: {  	[tilespmem:s19], [sflag:$0x2] =	stream.indirect.gather [hbm4b:s4+s12], $0x20, s0, s12, $0xb8;
	[tilespmem:$0x12CA0] =	vst v63  }
0x29: {  	s2 =	sadd.s32 $0x80, s0  }
0x2a: {  	[tilespmem:s20], [sflag:$0x2] =	stream.indirect.gather [hbm4b:s4+s14], $0x20, s2, s14, $0xb8;
	[tilespmem:$0x12CA0] =	vst v63  }
0x2b: {  	s1 =	sadd.s32 $0x6400, s0  }
0x2c: {  	[tilespmem:s21], [sflag:$0x2] =	stream.indirect.gather [hbm4b:s4+s12], $0x20, s1, s12, $0xb8;
	[tilespmem:$0x12CA0] =	vst v63  }
0x2d: {  	s0 =	sadd.s32 $0x6480, s0  }
0x2e: {  	[tilespmem:s22], [sflag:$0x2] =	stream.indirect.gather [hbm4b:s4+s14], $0x20, s0, s14, $0xb8;
	[tilespmem:$0x12CA0] =	vst v63  }
0x2f: {  	_ =	swait.ge [sflag:s23], $0x1900  }
0x30: {  	[sflag:s23] =	ssyncset.done $0x0  }
0x31: {  	[sflag:s23] =	ssyncadd.s32 $0xFFFFE700  }
0x32: {  	_ =	swait.ge [sflag:s23], $0x1900  }
0x33: {  	[sflag:s23] =	ssyncset.done $0x0  }
0x34: {  	s2 =	simm.s32 $0xE1A0;
	[sflag:s23] =	ssyncadd.s32 $0xFFFFE700  }
0x35: {  	v10 =	vld [tilespmem:s2+$0x60]  }
0x36: {  	v6 =	vld [tilespmem:s2+$0x70]  }
0x37: {  	v15 =	vld [tilespmem:s2+$0x40]  }
0x38: {  	v9 =	vld [tilespmem:s2+$0x50]  }
0x39: {  	v14 =	vld [tilespmem:s2+$0x20]  }
0x3a: {  	v8 =	vld [tilespmem:s2+$0x30]  }
0x3b: {  	v23 =	vld [tilespmem:s2+$0x0]  }
0x3c: {  	v16 =	vld [tilespmem:s2+$0x10]  }
0x3d: {  	v19 =	vld [tilespmem:s2+$0xFFFFFFE0]  }
0x3e: {  	v12 =	vld [tilespmem:s2+$0xFFFFFFF0]  }
0x3f: {  	v24 =	vld [tilespmem:s2+$0xFFFFFFC0]  }
0x40: {  	v21 =	vld [tilespmem:s2+$0xFFFFFFD0]  }
0x41: {  	v30 =	vld [tilespmem:s2+$0xFFFFFFA0]  }
0x42: {  	v28 =	vld [tilespmem:s2+$0xFFFFFFB0]  }
0x43: {  	s30 =	simm.s32 $0xC8A0;
	v37 =	vld [tilespmem:s2+$0xFFFFFF80]  }
0x44: {  	v27 =	vld [tilespmem:s30+$0x60];
	v11 =	vmul.f32 v10, v10;
	v0 =	vmul.f32 v6, v6  }
0x45: {  	v26 =	vld [tilespmem:s30+$0xFFFFFF80];
	v13 =	vmul.f32 v15, v15;
	v62 =	vmul.f32 v9, v9  }
0x46: {  	v33 =	vld [tilespmem:s30+$0xFFFFFF90];
	v31 =	vmul.f32 v14, v14;
	v56 =	vmul.f32 v8, v8  }
0x47: {  	v41 =	vld [tilespmem:s30+$0xFFFFFFA0];
	v7 =	vmul.f32 v23, v23;
	v25 =	vmul.f32 v16, v16  }
0x48: {  	v46 =	vld [tilespmem:s30+$0xFFFFFFB0];
	v36 =	vmul.f32 v19, v19;
	v29 =	vmul.f32 v12, v12  }
0x49: {  	v48 =	vld [tilespmem:s30+$0xFFFFFFC0];
	v39 =	vmul.f32 v24, v24;
	v38 =	vmul.f32 v21, v21  }
0x4a: {  	v49 =	vld [tilespmem:s30+$0xFFFFFFD0];
	v47 =	vmul.f32 v30, v30;
	v42 =	vmul.f32 v28, v28  }
0x4b: {  	v40 =	vimm.f32 $0.0e+00;
	v50 =	vld [tilespmem:s30+$0xFFFFFFE0];
	v52 =	vmul.f32 v37, v37;
	v17 =	vmul.f32 v26, v26  }
0x4c: {  	v51 =	vld [tilespmem:s30+$0xFFFFFFF0];
	v34 =	vmul.f32 v27, v27;
	v22 =	vmul.f32 v33, v33;
	v35 =	vadd.f32 v26, v40  }
0x4d: {  	v53 =	vld [tilespmem:s30+$0x0];
	v43 =	vadd.f32 v33, v40;
	v44 =	vmul.f32 v41, v41;
	v17 =	vadd.f32 v17, v40  }
0x4e: {  	v55 =	vld [tilespmem:s30+$0x10];
	v45 =	vmul.f32 v46, v46;
	v22 =	vadd.f32 v22, v40;
	v35 =	vadd.f32 v41, v35  }
0x4f: {  	v2 =	vld [tilespmem:s30+$0x20];
	v54 =	vmul.f32 v48, v48;
	v43 =	vadd.f32 v46, v43;
	v17 =	vadd.f32 v44, v17  }
0x50: {  	v57 =	vld [tilespmem:s30+$0x30];
	v63 =	vmul.f32 v49, v49;
	v22 =	vadd.f32 v45, v22;
	v35 =	vadd.f32 v48, v35  }
0x51: {  	v60 =	vld [tilespmem:s30+$0x50];
	[tilespmem:$0x1FF40] =	vst v0;
	v0 =	vmul.f32 v50, v50;
	v43 =	vadd.f32 v49, v43;
	v17 =	vadd.f32 v54, v17  }
0x52: {  	v1 =	vmul.f32 v51, v51;
	v22 =	vadd.f32 v63, v22;
	v54 =	vld [tilespmem:s30+$0x40];
	v35 =	vadd.f32 v50, v35  }
0x53: {  	v59 =	vmul.f32 v53, v53;
	v58 =	vadd.f32 v51, v43;
	v43 =	vld [tilespmem:s30+$0x70];
	v17 =	vadd.f32 v0, v17  }
0x54: {  	v45 =	vmul.f32 v55, v55;
	v44 =	vadd.f32 v1, v22;
	v35 =	vadd.f32 v53, v35;
	v1 =	vld [tilespmem:$0xC830]  }
0x55: {  	v61 =	vmul.f32 v2, v2;
	v0 =	vld [tilespmem:$0xC820];
	v58 =	vadd.f32 v55, v58;
	v59 =	vadd.f32 v59, v17  }
0x56: {  	v3 =	vmul.f32 v57, v57;
	v44 =	vadd.f32 v45, v44;
	v35 =	vadd.f32 v2, v35  }
0x57: {  	[tilespmem:$0x1FF50] =	vst v62;
	v62 =	vadd.f32 v57, v58;
	v63 =	vmul.f32 v54, v54;
	v59 =	vadd.f32 v61, v59  }
0x58: {  	v58 =	vld [tilespmem:s2+$0xFFFFFF90];
	v44 =	vadd.f32 v3, v44;
	v3 =	vmul.f32 v60, v60;
	v35 =	vadd.f32 v54, v35  }
0x59: {  	v32 =	vadd.f32 v60, v62;
	v62 =	vmul.f32 v43, v43;
	[tilespmem:$0x1FF70] =	vst v1;
	v1 =	vmul.f32 v33, v1  }
0x5a: {  	[tilespmem:$0x1FF60] =	vst v0;
	v59 =	vadd.f32 v63, v59;
	v63 =	vmul.f32 v26, v0;
	v0 =	vadd.f32 v3, v44  }
0x5b: {  	v33 =	vmul.f32 v46, v33;
	v45 =	vadd.f32 v27, v35;
	v35 =	vadd.f32 v43, v32  }
0x5c: {  	v26 =	vmul.f32 v41, v26;
	v32 =	vadd.f32 v37, v40;
	v1 =	vadd.f32 v1, v40  }
0x5d: {  	v41 =	vmul.f32 v48, v41;
	v61 =	vadd.f32 v58, v40;
	v44 =	vadd.f32 v34, v59  }
0x5e: {  	v48 =	vmul.f32 v50, v48;
	v34 =	vadd.f32 v62, v0;
	v0 =	vadd.f32 v63, v40  }
0x5f: {  	v59 =	vadd.f32 v30, v32;
	v63 =	vmul.f32 v53, v50;
	v61 =	vadd.f32 v28, v61  }
0x60: {  	v1 =	vadd.f32 v33, v1;
	v0 =	vadd.f32 v26, v0;
	v26 =	vmul.f32 v49, v46  }
0x61: {  	v53 =	vmul.f32 v2, v53;
	v33 =	vadd.f32 v24, v59;
	v62 =	vadd.f32 v21, v61  }
0x62: {  	v0 =	vadd.f32 v41, v0;
	v1 =	vadd.f32 v26, v1;
	v26 =	vmul.f32 v51, v49  }
0x63: {  	v32 =	vmul.f32 v27, v54;
	v33 =	vadd.f32 v19, v33;
	v41 =	vadd.f32 v12, v62  }
0x64: {  	v0 =	vadd.f32 v48, v0;
	v1 =	vadd.f32 v26, v1;
	v26 =	vmul.f32 v55, v51  }
0x65: {  	v3 =	vld [tilespmem:$0xE120];
	v61 =	vmul.f32 v54, v2;
	v59 =	vadd.f32 v23, v33;
	v41 =	vadd.f32 v16, v41  }
0x66: {  	v2 =	vld [tilespmem:$0xE130];
	v55 =	vmul.f32 v57, v55;
	v0 =	vadd.f32 v63, v0;
	v1 =	vadd.f32 v26, v1  }
0x67: {  	v62 =	vmul.f32 v60, v57;
	v63 =	vadd.f32 v14, v59;
	v41 =	vadd.f32 v8, v41  }
0x68: {  	v33 =	vmul.f32 v43, v60;
	v0 =	vadd.f32 v53, v0;
	v1 =	vadd.f32 v55, v1  }
0x69: {  	v57 =	vmul.f32 v58, v58;
	v48 =	vadd.f32 v15, v63;
	v59 =	vadd.f32 v9, v41  }
0x6a: {  	v60 =	vmul.f32 v37, v3;
	v0 =	vadd.f32 v61, v0;
	v1 =	vadd.f32 v62, v1  }
0x6b: {  	v51 =	vmul.f32 v58, v2;
	v50 =	vadd.f32 v10, v48;
	v61 =	vadd.f32 v52, v40  }
0x6c: {  	[tilespmem:$0x1FF80] =	vst v3;
	v55 =	vmul.f32 v30, v37;
	v52 =	vadd.f32 v57, v40;
	v48 =	vadd.f32 v6, v59  }
0x6d: {  	s31 =	sshll.u32 s28, $0x1;
	s0 =	simm.s32 $0xE2A0;
	s2 =	simm.s32 $0x0;
	v46 =	vmovc v10;
	[tilespmem:$0x1FF90] =	vst v2;
	v53 =	vimm.f32 $0.0e+00;
	v37 =	vmovc v6;
	v49 =	vadd.f32 v32, v0;
	v41 =	vadd.f32 v33, v1  }
.LBB2_3:
0x6e: {  	v3 =	vmov v10;
	v10 =	vld [tilespmem:s0+$0x60]  }
0x6f: {  	v30 =	vmul.f32 v24, v30;
	v2 =	vmov v6;
	v6 =	vld [tilespmem:s0+$0x70]  }
0x70: {  	v54 =	vld [tilespmem:s0+$0x40];
	v24 =	vmul.f32 v19, v24;
	v32 =	vmul.f32 v23, v19  }
0x71: {  	v62 =	vld [tilespmem:s0+$0x0];
	v0 =	vadd.f32 v60, v40;
	v1 =	vadd.f32 v51, v53;
	v60 =	vmul.f32 v28, v58  }
0x72: {  	v63 =	vld [tilespmem:s0+$0x10];
	v23 =	vmul.f32 v14, v23;
	v47 =	vadd.f32 v47, v61;
	v42 =	vadd.f32 v42, v52  }
0x73: {  	v19 =	vld [tilespmem:s0+$0xFFFFFFE0];
	v28 =	vmul.f32 v21, v28;
	v0 =	vadd.f32 v55, v0;
	v1 =	vadd.f32 v60, v1  }
0x74: {  	v57 =	vld [tilespmem:s0+$0xFFFFFF80];
	v21 =	vmul.f32 v12, v21;
	v39 =	vadd.f32 v39, v47;
	v38 =	vadd.f32 v38, v42  }
0x75: {  	v12 =	vmul.f32 v16, v12;
	v42 =	vld [tilespmem:s0+$0x20];
	v0 =	vadd.f32 v30, v0;
	v1 =	vadd.f32 v28, v1  }
0x76: {  	v16 =	vmul.f32 v8, v16;
	v40 =	vld [tilespmem:$0x1FF50];
	v28 =	vadd.f32 v36, v39;
	v30 =	vadd.f32 v29, v38  }
0x77: {  	v47 =	vmul.f32 v37, v9;
	v60 =	vmovc v27;
	v27 =	vld [tilespmem:s0+$0x50];
	v0 =	vadd.f32 v24, v0;
	v1 =	vadd.f32 v21, v1  }
0x78: {  	s30 =	sadd.s32 $0x100, s30;
	v61 =	vmovc v43;
	v43 =	vld [tilespmem:s0+$0x30];
	v36 =	vmul.f32 v19, v19;
	v21 =	vadd.f32 v7, v28;
	v24 =	vadd.f32 v25, v30  }
0x79: {  	v33 =	vld [tilespmem:s30+$0x20];
	v37 =	vmovc v6;
	v28 =	vmul.f32 v15, v14;
	v0 =	vadd.f32 v32, v0;
	v1 =	vadd.f32 v12, v1  }
0x7a: {  	v55 =	vld [tilespmem:$0x1FF40];
	v14 =	vmovc v42;
	v25 =	vadd.f32 v31, v21;
	v18 =	vadd.f32 v56, v24;
	v56 =	vmul.f32 v6, v37  }
0x7b: {  	v12 =	vld [tilespmem:s0+$0xFFFFFFF0];
	v31 =	vmul.f32 v42, v14;
	v0 =	vadd.f32 v23, v0;
	v1 =	vadd.f32 v16, v1  }
0x7c: {  	v24 =	vld [tilespmem:s0+$0xFFFFFFC0];
	v16 =	vmul.f32 v9, v8;
	v20 =	vadd.f32 v13, v25;
	v13 =	vadd.f32 v40, v18;
	v9 =	vmovc v27  }
0x7d: {  	v18 =	vmul.f32 v46, v15;
	v58 =	vmul.f32 v27, v9;
	v27 =	vld [tilespmem:s30+$0x60];
	v0 =	vadd.f32 v28, v0  }
0x7e: {  	v8 =	vmovc v43;
	v46 =	vmovc v10;
	v15 =	vmov v54;
	v1 =	vadd.f32 v16, v1;
	v53 =	vadd.f32 v11, v20;
	v11 =	vld [tilespmem:s30+$0x40]  }
0x7f: {  	[tilespmem:$0x1FF40] =	vst v56;
	v52 =	vmul.f32 v10, v46;
	v51 =	vmul.f32 v54, v15;
	v40 =	vadd.f32 v18, v0;
	v0 =	vld [tilespmem:s30+$0xFFFFFF80]  }
0x80: {  	v23 =	vmovc v62;
	v56 =	vmul.f32 v43, v8;
	[tilespmem:$0x1FF30] =	vst v53;
	v53 =	vadd.f32 v47, v1;
	v16 =	vmov v63;
	v1 =	vld [tilespmem:s30+$0xFFFFFF90]  }
0x81: {  	v32 =	vmul.f32 v62, v23;
	v25 =	vmul.f32 v63, v16;
	v63 =	vld [tilespmem:s30+$0xFFFFFFA0]  }
0x82: {  	[tilespmem:$0x1FF20] =	vst v2;
	v2 =	vld [tilespmem:s30+$0xFFFFFFB0];
	v62 =	vmul.f32 v57, v57;
	v29 =	vmul.f32 v12, v12  }
0x83: {  	[tilespmem:$0x1FF10] =	vst v3;
	v3 =	vld [tilespmem:s30+$0xFFFFFFC0];
	v39 =	vmul.f32 v24, v24;
	v18 =	vmul.f32 v33, v33  }
0x84: {  	v4 =	vld [tilespmem:s30+$0xFFFFFFD0];
	v55 =	vadd.f32 v55, v13;
	v54 =	vmul.f32 v27, v27;
	v43 =	vmul.f32 v0, v0  }
0x85: {  	v5 =	vld [tilespmem:s30+$0xFFFFFFE0];
	[tilespmem:$0x1FF50] =	vst v58;
	v20 =	vmul.f32 v11, v11;
	v58 =	vmul.f32 v1, v1;
	v45 =	vadd.f32 v0, v45  }
0x86: {  	v17 =	vld [tilespmem:s30+$0xFFFFFFF0];
	v35 =	vadd.f32 v1, v35;
	v59 =	vmul.f32 v63, v63;
	v43 =	vadd.f32 v43, v44  }
0x87: {  	v22 =	vld [tilespmem:s30+$0x0];
	v34 =	vadd.f32 v58, v34;
	v44 =	vmul.f32 v2, v2;
	v45 =	vadd.f32 v63, v45  }
0x88: {  	v26 =	vld [tilespmem:s30+$0x10];
	v35 =	vadd.f32 v2, v35;
	v58 =	vmul.f32 v3, v3;
	v43 =	vadd.f32 v59, v43  }
0x89: {  	v34 =	vadd.f32 v44, v34;
	v44 =	vmul.f32 v4, v4;
	v45 =	vadd.f32 v3, v45  }
0x8a: {  	v7 =	vld [tilespmem:s30+$0x30];
	v35 =	vadd.f32 v4, v35;
	v59 =	vmul.f32 v5, v5;
	v43 =	vadd.f32 v58, v43  }
0x8b: {  	v34 =	vadd.f32 v44, v34;
	v44 =	vmul.f32 v17, v17;
	v45 =	vadd.f32 v5, v45  }
0x8c: {  	v13 =	vld [tilespmem:s30+$0x50];
	v35 =	vadd.f32 v17, v35;
	v58 =	vmul.f32 v22, v22;
	v59 =	vadd.f32 v59, v43  }
0x8d: {  	v34 =	vadd.f32 v44, v34;
	v44 =	vmul.f32 v26, v26;
	v45 =	vadd.f32 v22, v45  }
0x8e: {  	v60 =	vmul.f32 v0, v60;
	v43 =	vld [tilespmem:s30+$0x70];
	v35 =	vadd.f32 v26, v35;
	v58 =	vadd.f32 v58, v59  }
0x8f: {  	v34 =	vadd.f32 v44, v34;
	v59 =	vmul.f32 v7, v7;
	v45 =	vadd.f32 v33, v45  }
0x90: {  	v61 =	vmul.f32 v1, v61;
	v35 =	vadd.f32 v7, v35;
	v18 =	vadd.f32 v18, v58  }
0x91: {  	v44 =	vmul.f32 v13, v13;
	v34 =	vadd.f32 v59, v34;
	v45 =	vadd.f32 v11, v45  }
0x92: {  	v1 =	vmul.f32 v2, v1;
	v58 =	vld [tilespmem:s0+$0xFFFFFF90];
	v35 =	vadd.f32 v13, v35;
	v18 =	vadd.f32 v20, v18  }
0x93: {  	v30 =	vld [tilespmem:s0+$0xFFFFFFA0];
	v59 =	vmul.f32 v43, v43;
	v20 =	vadd.f32 v44, v34;
	v45 =	vadd.f32 v27, v45  }
0x94: {  	v28 =	vld [tilespmem:s0+$0xFFFFFFB0];
	v0 =	vmul.f32 v63, v0;
	v35 =	vadd.f32 v43, v35;
	v44 =	vadd.f32 v54, v18  }
0x95: {  	v2 =	vmul.f32 v4, v2;
	v34 =	vadd.f32 v59, v20;
	v18 =	vadd.f32 v60, v49  }
0x96: {  	v21 =	vld [tilespmem:s0+$0xFFFFFFD0];
	v20 =	vadd.f32 v61, v41;
	v60 =	vadd.f32 v57, v50;
	v61 =	vmul.f32 v3, v63  }
0x97: {  	v3 =	vmul.f32 v5, v3;
	v48 =	vadd.f32 v58, v48;
	v0 =	vadd.f32 v0, v18  }
0x98: {  	v63 =	vmul.f32 v17, v4;
	v1 =	vadd.f32 v1, v20;
	v18 =	vadd.f32 v30, v60  }
0x99: {  	v5 =	vmul.f32 v22, v5;
	v20 =	vadd.f32 v28, v48;
	v0 =	vadd.f32 v61, v0  }
0x9a: {  	v41 =	vmul.f32 v26, v17;
	v1 =	vadd.f32 v2, v1;
	v4 =	vadd.f32 v24, v18  }
0x9b: {  	v17 =	vmul.f32 v33, v22;
	v61 =	vld [tilespmem:$0x1FF20];
	v18 =	vadd.f32 v21, v20;
	v0 =	vadd.f32 v3, v0  }
0x9c: {  	v49 =	vmul.f32 v7, v26;
	v1 =	vadd.f32 v63, v1;
	v48 =	vadd.f32 v19, v4;
	v63 =	vld [tilespmem:$0x1FF30]  }
0x9d: {  	v50 =	vmul.f32 v13, v7;
	v4 =	vadd.f32 v12, v18;
	v0 =	vadd.f32 v5, v0  }
0x9e: {  	v18 =	vmul.f32 v27, v11;
	v1 =	vadd.f32 v41, v1;
	v3 =	vadd.f32 v23, v48  }
0x9f: {  	v5 =	vmul.f32 v11, v33;
	v4 =	vadd.f32 v16, v4;
	v0 =	vadd.f32 v17, v0  }
0xa0: {  	s2 =	sadd.s32 $0x8, s2;
	v11 =	vmovc v52;
	v52 =	vmul.f32 v43, v13;
	v1 =	vadd.f32 v49, v1;
	v3 =	vadd.f32 v14, v3  }
0xa1: {  	p0 =	slt.u32 s2, $0xC0;
	v13 =	vmovc v51;
	v51 =	vmul.f32 v58, v61;
	v17 =	vld [tilespmem:$0x1FF10];
	v4 =	vadd.f32 v8, v4;
	v61 =	vadd.f32 v62, v63  }
.Ltmp0:
0xa2: {  	v38 =	vmul.f32 v21, v21;
	v0 =	vadd.f32 v5, v0;
	v1 =	vadd.f32 v50, v1;
	(pc) =	sbr.rel @p0 .LBB2_3-.Ltmp0, $4  }
0xa3: {  	v5 =	vmul.f32 v58, v58;
	v3 =	vadd.f32 v15, v3;
	v4 =	vadd.f32 v9, v4  }
0xa4: {  	v47 =	vmul.f32 v30, v30;
	v49 =	vadd.f32 v18, v0;
	v41 =	vadd.f32 v52, v1  }
0xa5: {  	v42 =	vmul.f32 v28, v28;
	v50 =	vadd.f32 v46, v3;
	v52 =	vadd.f32 v5, v55  }
0xa6: {  	s0 =	sadd.s32 $0x100, s0;
	v7 =	vmovc v32;
	v55 =	vmul.f32 v30, v57;
	v60 =	vmul.f32 v57, v17;
	v48 =	vadd.f32 v37, v4  }
0xa7: {  	_ = 	snop  }
0xa8: {  	v1 =	vadd.f32 v47, v61;
	v0 =	vadd.f32 v60, v40;
	_ =	sdelay $0x1  }
0xa9: {  	v2 =	vmul.f32 v24, v30;
	v1 =	vadd.f32 v39, v1;
	v0 =	vadd.f32 v55, v0;
	_ =	sdelay $0x1  }
0xaa: {  	v3 =	vmul.f32 v19, v24;
	v1 =	vadd.f32 v36, v1;
	v0 =	vadd.f32 v2, v0;
	_ =	sdelay $0x1  }
0xab: {  	v32 =	vmul.f32 v23, v19;
	v1 =	vadd.f32 v7, v1;
	v0 =	vadd.f32 v3, v0  }
0xac: {  	v33 =	vadd.f32 v51, v53;
	v4 =	vmul.f32 v28, v58;
	v5 =	vadd.f32 v42, v52  }
0xad: {  	v7 =	vmul.f32 v14, v23;
	v1 =	vadd.f32 v31, v1;
	v0 =	vadd.f32 v32, v0  }
0xae: {  	v36 =	vadd.f32 v4, v33;
	v4 =	vadd.f32 v38, v5;
	v5 =	vmul.f32 v15, v14;
	v14 =	vld [tilespmem:$0x1FF60]  }
0xaf: {  	v17 =	vld [tilespmem:$0x1FF80];
	v1 =	vadd.f32 v13, v1;
	v0 =	vadd.f32 v7, v0;
	_ =	sdelay $0x1  }
0xb0: {  	v7 =	vmul.f32 v46, v15;
	v1 =	vadd.f32 v11, v1;
	v0 =	vadd.f32 v5, v0  }
0xb1: {  	v5 =	vadd.f32 v44, v44  }
0xb2: {  	v15 =	vmovc v11;
	v11 =	vsub.f32 v44, v1;
	v0 =	vadd.f32 v7, v0;
	v7 =	vmul.f32 v14, v14  }
0xb3: {  	v4 =	vadd.f32 v29, v4;
	v13 =	vmul.f32 v17, v17  }
0xb4: {  	v1 =	vadd.f32 v1, v1;
	v5 =	vadd.f32 v5, v7;
	v7 =	vmul.f32 $4.999999890e-03, v11;
	v11 =	vld [tilespmem:$0x1FFA0]  }
0xb5: {  	v42 =	vadd.f32 v25, v4;
	v4 =	vsub.f32 v45, v50  }
0xb6: {  	v1 =	vadd.f32 v1, v13  }
0xb7: {  	v10 =	vsub.f32 v10, v17;
	v4 =	vmul.f32 $4.999999890e-03, v4;
	v14 =	vsub.f32 v27, v14  }
0xb8: {  	v0 =	vadd.f32 v0, v0;
	v1 =	vsub.f32 v1, v15  }
0xb9: {  	v13 =	vadd.f32 v49, v49;
	v5 =	vsub.f32 v5, v54;
	v11 =	vmul.f32 v4, v11  }
0xba: {  	v10 =	vsub.f32 v14, v10;
	v0 =	vsub.f32 v0, v1  }
0xbb: {  	v5 =	vsub.f32 v5, v13;
	v7 =	vsub.f32 v7, v11  }
0xbc: {  	v39 =	vmul.f32 v21, v28;
	v10 =	vmul.f32 $5.025125570e-03, v10  }
0xbd: {  	v4 =	vmul.f32 v4, v4;
	v0 =	vadd.f32 v0, v5;
	v5 =	vmul.f32 v7, v7;
	v7 =	vld [tilespmem:$0x1FF50]  }
0xbe: {  	v40 =	vmul.f32 v12, v21  }
0xbf: {  	v2 =	vadd.f32 v39, v36;
	v4 =	vadd.f32 v5, v4;
	v5 =	vmul.f32 v10, v10;
	v10 =	vld [tilespmem:$0x1FF40]  }
0xc0: {  	v47 =	vmul.f32 v37, v9;
	v12 =	vmul.f32 v16, v12;
	v3 =	vadd.f32 v56, v42  }
0xc1: {  	v2 =	vadd.f32 v40, v2;
	v46 =	vmul.f32 v9, v8;
	v9 =	vld [tilespmem:$0x1FF70];
	v0 =	vmul.f32 $5.025125570e-03, v0  }
0xc2: {  	v45 =	vmul.f32 v8, v16;
	v3 =	vadd.f32 v7, v3  }
0xc3: {  	v44 =	vadd.f32 v12, v2;
	v0 =	vmul.f32 v0, v0;
	v4 =	vadd.f32 v5, v4  }
0xc4: {  	v11 =	vld [tilespmem:$0x1FF90];
	v3 =	vadd.f32 v10, v3  }
0xc5: {  	v1 =	vadd.f32 v45, v44;
	v0 =	vadd.f32 v0, v4  }
0xc6: {  	v5 =	vmul.f32 v9, v9;
	v4 =	vadd.f32 v34, v34;
	v7 =	vsub.f32 v34, v3;
	_ =	sdelay $0x1  }
0xc7: {  	v1 =	vadd.f32 v46, v1;
	v4 =	vadd.f32 v4, v5;
	v5 =	vmul.f32 $4.999999890e-03, v7;
	v7 =	vld [tilespmem:$0x1FFB0]  }
0xc8: {  	v49 =	vsub.f32 v35, v48;
	v8 =	vmul.f32 v11, v11;
	v3 =	vadd.f32 v3, v3  }
0xc9: {  	v1 =	vadd.f32 v47, v1;
	v6 =	vsub.f32 v6, v11  }
0xca: {  	v2 =	vmul.f32 $4.999999890e-03, v49;
	v9 =	vsub.f32 v43, v9;
	v3 =	vadd.f32 v3, v8  }
0xcb: {  	v4 =	vsub.f32 v4, v59;
	v8 =	vadd.f32 v41, v41  }
0xcc: {  	v1 =	vadd.f32 v1, v1;
	v3 =	vsub.f32 v3, v10;
	v7 =	vmul.f32 v2, v7  }
0xcd: {  	v6 =	vsub.f32 v9, v6;
	v4 =	vsub.f32 v4, v8  }
0xce: {  	v1 =	vsub.f32 v1, v3;
	v2 =	vmul.f32 v2, v2;
	v5 =	vsub.f32 v5, v7  }
0xcf: {  	v50 =	vmul.f32 $5.025125570e-03, v6  }
0xd0: {  	v1 =	vadd.f32 v1, v4;
	v0 =	vadd.f32 v0, v2;
	v51 =	vmul.f32 v5, v5;
	_ =	sdelay $0x1  }
0xd1: {  	v52 =	vmul.f32 v50, v50;
	v1 =	vmul.f32 $5.025125570e-03, v1;
	v0 =	vadd.f32 v0, v51  }
0xd2: {  	v53 =	vld [tilespmem:$0x1FFC0]  }
0xd3: {  	v1 =	vmul.f32 v1, v1;
	v0 =	vadd.f32 v0, v52;
	_ =	sdelay $0x1  }
0xd4: {  	v0 =	vadd.f32 v0, v1  }
0xd5: {  	v54 =	vld [tilespmem:$0x1FFD0]  }
0xd6: {  	v1 =	vperm.xlane v0, v53;
	_ =	sdelay $0x1  }
0xd7: {  	v0 =	vadd.f32 v1, v0  }
0xd8: {  	v55 =	vld [tilespmem:$0x1FFE0]  }
0xd9: {  	v1 =	vperm.xlane v0, v54;
	_ =	sdelay $0x1  }
0xda: {  	v0 =	vadd.f32 v1, v0  }
0xdb: {  	v57 =	vld [tilespmem:$0x1FFF0]  }
0xdc: {  	v1 =	vperm.xlane v0, v55;
	_ =	sdelay $0x1  }
0xdd: {  	v56 =	vmov s31;
	v0 =	vadd.f32 v1, v0  }
0xde: {  	v1 =	vand.u32 $0xFFFFFFFE, v56  }
0xdf: {  	v1 =	vbroadcast v1, $0x0;
	v2 =	vperm.xlane v0, v57;
	_ =	sdelay $0x1  }
0xe0: {  	v0 =	vadd.f32 v2, v0  }
0xe1: {  	p0 =	seq.s32 s28, $0x3F  }
0xe2: {  	s0 =	smul.u32 @!p0 $0x190, s28;
	v0 =	vmul.f32 $7.812500000e-03, v0;
	_ =	sdelay $0x1  }
0xe3: {  	s30 =	simm.s32 @!p0 $0x80;
	s2 =	sadd.s32 @!p0 $0x190, s0;
	s31 =	simm.s32 @!p0 $0xC820;
	[tilespmem:v1+s24+$0x0] =	vst.idx.msk $0x1, v0  }
0xe4: {  	[tilespmem:s31], [sflag:$0x1] =	stream.indirect.gather @!p0 [hbm4b:s4+s30], $0x20, s2, s30, $0xb8;
	[tilespmem:$0x12CA0] =	vst v63  }
0xe5: {  	s1 =	simm.s32 @!p0 $0xD820;
	s2 =	sadd.s32 @!p0 $0x210, s0;
	s31 =	simm.s32 @!p0 $0x48  }
0xe6: {  	[tilespmem:s1], [sflag:$0x1] =	stream.indirect.gather @!p0 [hbm4b:s4+s31], $0x20, s2, s31, $0xb8;
	[tilespmem:$0x12CA0] =	vst v63  }
0xe7: {  	s1 =	sadd.s32 @!p0 $0x6590, s0;
	s2 =	simm.s32 @!p0 $0xE120  }
0xe8: {  	[tilespmem:s2], [sflag:$0x1] =	stream.indirect.gather @!p0 [hbm4b:s4+s30], $0x20, s1, s30, $0xb8;
	[tilespmem:$0x12CA0] =	vst v63  }
0xe9: {  	s0 =	sadd.s32 @!p0 $0x6610, s0;
	s1 =	simm.s32 @!p0 $0xF120  }
0xea: {  	[tilespmem:s1], [sflag:$0x1] =	stream.indirect.gather @!p0 [hbm4b:s4+s31], $0x20, s0, s31, $0xb8;
	[tilespmem:$0x12CA0] =	vst v63  }
0xeb: {  	_ =	swait.ge [sflag:s25], $0x1900  }
0xec: {  	[sflag:s25] =	ssyncset.done $0x0  }
0xed: {  	[sflag:s25] =	ssyncadd.s32 $0xFFFFE700  }
0xee: {  	_ =	swait.ge [sflag:s25], $0x1900  }
0xef: {  	[sflag:s25] =	ssyncset.done $0x0  }
0xf0: {  	s31 =	simm.s32 $0x113A0;
	[sflag:s25] =	ssyncadd.s32 $0xFFFFE700  }
0xf1: {  	v10 =	vld [tilespmem:s31+$0x60]  }
0xf2: {  	v6 =	vld [tilespmem:s31+$0x70]  }
0xf3: {  	v16 =	vld [tilespmem:s31+$0x40]  }
0xf4: {  	v9 =	vld [tilespmem:s31+$0x50]  }
0xf5: {  	v14 =	vld [tilespmem:s31+$0x20]  }
0xf6: {  	v8 =	vld [tilespmem:s31+$0x30]  }
0xf7: {  	v22 =	vld [tilespmem:s31+$0x0]  }
0xf8: {  	v17 =	vld [tilespmem:s31+$0x10]  }
0xf9: {  	v19 =	vld [tilespmem:s31+$0xFFFFFFE0]  }
0xfa: {  	s30 =	simm.s32 $0xFAA0;
	v12 =	vld [tilespmem:s31+$0xFFFFFFF0]  }
0xfb: {  	v24 =	vld [tilespmem:s30+$0x60]  }
0xfc: {  	v0 =	vld [tilespmem:s30+$0xFFFFFF80]  }
0xfd: {  	v1 =	vld [tilespmem:s30+$0xFFFFFF90]  }
0xfe: {  	v2 =	vld [tilespmem:s30+$0xFFFFFFA0]  }
0xff: {  	v3 =	vld [tilespmem:s30+$0xFFFFFFB0];
	v62 =	vmul.f32 v10, v10  }
0x100: {  	v4 =	vld [tilespmem:s30+$0xFFFFFFC0];
	v18 =	vmul.f32 v6, v6;
	v11 =	vmul.f32 v16, v16  }
0x101: {  	v25 =	vld [tilespmem:s30+$0xFFFFFFE0];
	v23 =	vmul.f32 v9, v9;
	v27 =	vmul.f32 v14, v14  }
0x102: {  	v30 =	vld [tilespmem:s30+$0xFFFFFFF0];
	v26 =	vmul.f32 v8, v8;
	v35 =	vmul.f32 v22, v22  }
0x103: {  	v33 =	vld [tilespmem:s30+$0x0];
	v56 =	vmul.f32 v17, v17;
	v32 =	vmul.f32 v19, v19  }
0x104: {  	v38 =	vld [tilespmem:s30+$0x10];
	v15 =	vmul.f32 v0, v0;
	v21 =	vmul.f32 v1, v1  }
0x105: {  	v57 =	vimm.f32 $0.0e+00;
	v5 =	vld [tilespmem:s30+$0xFFFFFFD0];
	v28 =	vmul.f32 v12, v12;
	v29 =	vmul.f32 v2, v2  }
0x106: {  	v40 =	vld [tilespmem:s30+$0x20];
	v31 =	vmul.f32 v3, v3;
	v36 =	vmul.f32 v24, v24;
	v58 =	vadd.f32 v0, v57  }
0x107: {  	v41 =	vld [tilespmem:s30+$0x30];
	v59 =	vmul.f32 v4, v4;
	v60 =	vmul.f32 v25, v25;
	v15 =	vadd.f32 v15, v57  }
0x108: {  	v45 =	vld [tilespmem:s30+$0x40];
	v61 =	vmul.f32 v30, v30;
	v63 =	vmul.f32 v33, v33;
	v21 =	vadd.f32 v21, v57  }
0x109: {  	v48 =	vld [tilespmem:s30+$0x50];
	v51 =	vmul.f32 v38, v38;
	v34 =	vadd.f32 v2, v58;
	v15 =	vadd.f32 v29, v15  }
0x10a: {  	v13 =	vld [tilespmem:$0xFA20];
	v21 =	vadd.f32 v31, v21;
	v29 =	vmul.f32 v5, v5;
	v31 =	vadd.f32 v1, v57  }
0x10b: {  	v53 =	vmul.f32 v40, v40;
	v34 =	vadd.f32 v4, v34;
	v15 =	vadd.f32 v59, v15  }
0x10c: {  	v54 =	vmul.f32 v41, v41;
	v29 =	vadd.f32 v29, v21;
	v31 =	vadd.f32 v3, v31  }
0x10d: {  	v43 =	vld [tilespmem:s31+$0xFFFFFFA0];
	v58 =	vmul.f32 v45, v45;
	v52 =	vadd.f32 v25, v34;
	v39 =	vadd.f32 v60, v15  }
0x10e: {  	v7 =	vld [tilespmem:$0xFA30];
	v59 =	vmul.f32 v48, v48;
	v29 =	vadd.f32 v61, v29;
	v31 =	vadd.f32 v5, v31  }
0x10f: {  	v44 =	vadd.f32 v33, v52;
	v61 =	vmul.f32 v0, v13;
	v0 =	vmul.f32 v2, v0  }
0x110: {  	v37 =	vld [tilespmem:s30+$0x70];
	v2 =	vmul.f32 v4, v2;
	v39 =	vadd.f32 v63, v39;
	v29 =	vadd.f32 v51, v29  }
0x111: {  	v4 =	vmul.f32 v25, v4;
	v55 =	vadd.f32 v30, v31;
	v44 =	vadd.f32 v40, v44  }
0x112: {  	v42 =	vld [tilespmem:s31+$0xFFFFFFB0];
	v52 =	vmul.f32 v43, v43;
	v39 =	vadd.f32 v53, v39;
	v29 =	vadd.f32 v54, v29  }
0x113: {  	v34 =	vld [tilespmem:s31+$0xFFFFFFC0];
	v60 =	vadd.f32 v38, v55;
	v54 =	vmul.f32 v1, v7;
	v55 =	vadd.f32 v61, v57  }
0x114: {  	v25 =	vmul.f32 v33, v25;
	v53 =	vld [tilespmem:s31+$0xFFFFFF80];
	v44 =	vadd.f32 v45, v44;
	v39 =	vadd.f32 v58, v39  }
0x115: {  	v63 =	vmul.f32 v37, v37;
	v29 =	vadd.f32 v59, v29;
	v58 =	vld [tilespmem:s31+$0xFFFFFF90];
	v59 =	vadd.f32 v54, v57  }
0x116: {  	v1 =	vmul.f32 v3, v1;
	v0 =	vadd.f32 v0, v55;
	v49 =	vadd.f32 v41, v60  }
0x117: {  	v33 =	vmul.f32 v40, v33;
	v44 =	vadd.f32 v24, v44;
	v39 =	vadd.f32 v36, v39  }
0x118: {  	v3 =	vmul.f32 v5, v3;
	v29 =	vadd.f32 v63, v29;
	v1 =	vadd.f32 v1, v59  }
0x119: {  	v31 =	vld [tilespmem:s31+$0xFFFFFFD0];
	v51 =	vmul.f32 v42, v42;
	v0 =	vadd.f32 v2, v0;
	v60 =	vadd.f32 v53, v57  }
0x11a: {  	v47 =	vmul.f32 v34, v34;
	v1 =	vadd.f32 v3, v1;
	v61 =	vadd.f32 v58, v57  }
0x11b: {  	v63 =	vmul.f32 v30, v5;
	v0 =	vadd.f32 v4, v0;
	v4 =	vadd.f32 v48, v49  }
0x11c: {  	v54 =	vmul.f32 v45, v40;
	v5 =	vadd.f32 v43, v60;
	v2 =	vadd.f32 v42, v61  }
0x11d: {  	v3 =	vmul.f32 v53, v53;
	v1 =	vadd.f32 v63, v1;
	v36 =	vadd.f32 v37, v4  }
0x11e: {  	v59 =	vmul.f32 v58, v58;
	v5 =	vadd.f32 v34, v5;
	v2 =	vadd.f32 v31, v2  }
0x11f: {  	[tilespmem:$0x1FED0] =	vst v13;
	v13 =	vld [tilespmem:$0x11320];
	v4 =	vmul.f32 v38, v30;
	v0 =	vadd.f32 v25, v0;
	v61 =	vadd.f32 v3, v57  }
0x120: {  	v55 =	vmul.f32 v24, v45;
	v5 =	vadd.f32 v19, v5;
	v2 =	vadd.f32 v12, v2  }
0x121: {  	[tilespmem:$0x1FEE0] =	vst v7;
	v7 =	vld [tilespmem:$0x11330];
	v50 =	vadd.f32 v59, v57;
	v1 =	vadd.f32 v4, v1;
	v4 =	vmul.f32 v41, v38  }
0x122: {  	v46 =	vmul.f32 v31, v31;
	v5 =	vadd.f32 v22, v5;
	v2 =	vadd.f32 v17, v2  }
0x123: {  	v0 =	vadd.f32 v33, v0;
	v1 =	vadd.f32 v4, v1;
	v4 =	vmul.f32 v48, v41  }
0x124: {  	v60 =	vmul.f32 v53, v13;
	v5 =	vadd.f32 v14, v5;
	v2 =	vadd.f32 v8, v2  }
0x125: {  	v0 =	vadd.f32 v54, v0;
	v1 =	vadd.f32 v4, v1;
	v4 =	vmul.f32 v37, v48  }
0x126: {  	v49 =	vmul.f32 v58, v7;
	v5 =	vadd.f32 v16, v5;
	v2 =	vadd.f32 v9, v2  }
0x127: {  	[tilespmem:$0x1FEF0] =	vst v13;
	v45 =	vadd.f32 v55, v0;
	v55 =	vmul.f32 v43, v53;
	v38 =	vadd.f32 v4, v1  }
0x128: {  	s2 =	simm.s32 $0x0;
	s0 =	simm.s32 $0x114A0;
	v40 =	vmovc v10;
	[tilespmem:$0x1FF00] =	vst v7;
	v33 =	vmovc v6;
	v53 =	vimm.f32 $0.0e+00;
	v48 =	vadd.f32 v10, v5;
	v41 =	vadd.f32 v6, v2  }
.LBB2_5:
0x129: {  	_ =	sdelay $0x1  }
0x12a: {  	v3 =	vmov v10;
	v10 =	vld [tilespmem:s0+$0x60]  }
0x12b: {  	v2 =	vmul.f32 v42, v58;
	v7 =	vmov v6;
	v6 =	vld [tilespmem:s0+$0x70]  }
0x12c: {  	v5 =	vmul.f32 v34, v43;
	v43 =	vmul.f32 v31, v42;
	v42 =	vld [tilespmem:s0+$0xFFFFFFB0];
	v0 =	vadd.f32 v60, v57  }
0x12d: {  	v1 =	vadd.f32 v49, v53;
	v4 =	vadd.f32 v51, v50;
	v51 =	vld [tilespmem:s0+$0x40]  }
0x12e: {  	v59 =	vadd.f32 v52, v61;
	v61 =	vmov v37;
	v37 =	vld [tilespmem:s0+$0x20];
	v0 =	vadd.f32 v55, v0  }
0x12f: {  	v50 =	vmul.f32 v12, v31;
	v52 =	vmul.f32 v17, v12;
	v12 =	vld [tilespmem:s0+$0xFFFFFFF0];
	v1 =	vadd.f32 v2, v1  }
0x130: {  	s30 =	sadd.s32 $0x100, s30;
	v49 =	vmul.f32 v19, v34;
	v34 =	vld [tilespmem:s0+$0xFFFFFFC0];
	v4 =	vadd.f32 v46, v4;
	v0 =	vadd.f32 v5, v0  }
0x131: {  	v54 =	vmul.f32 v9, v8;
	[tilespmem:$0x1FE80] =	vst v3;
	v63 =	vld [tilespmem:s30+$0xFFFFFFE0];
	v3 =	vadd.f32 v47, v59;
	v1 =	vadd.f32 v43, v1  }
0x132: {  	v30 =	vld [tilespmem:s30+$0x20];
	v4 =	vadd.f32 v28, v4;
	v28 =	vmul.f32 v22, v19;
	v0 =	vadd.f32 v49, v0  }
0x133: {  	v13 =	vmul.f32 v40, v16;
	v2 =	vld [tilespmem:s30+$0xFFFFFFA0];
	v3 =	vadd.f32 v32, v3;
	v1 =	vadd.f32 v50, v1  }
0x134: {  	v53 =	vmul.f32 v8, v17;
	v60 =	vmovc v24;
	v24 =	vld [tilespmem:s0+$0x50];
	v22 =	vmul.f32 v14, v22;
	v0 =	vadd.f32 v28, v0  }
0x135: {  	v17 =	vmul.f32 v16, v14;
	v57 =	vld [tilespmem:s0+$0xFFFFFF80];
	v3 =	vadd.f32 v35, v3;
	v1 =	vadd.f32 v52, v1  }
0x136: {  	v32 =	vld [tilespmem:s0+$0x0];
	v55 =	vmul.f32 v33, v9;
	v4 =	vadd.f32 v56, v4;
	v0 =	vadd.f32 v22, v0  }
0x137: {  	v43 =	vld [tilespmem:s0+$0xFFFFFFA0];
	v16 =	vmovc v51;
	v47 =	vmul.f32 v34, v34;
	v3 =	vadd.f32 v27, v3;
	v1 =	vadd.f32 v53, v1  }
0x138: {  	v40 =	vmovc v10;
	v50 =	vmul.f32 v51, v16;
	v5 =	vld [tilespmem:s0+$0x30];
	v4 =	vadd.f32 v26, v4;
	v0 =	vadd.f32 v17, v0  }
0x139: {  	v19 =	vld [tilespmem:s0+$0xFFFFFFE0];
	v51 =	vmul.f32 v42, v42;
	v9 =	vmovc v24;
	v3 =	vadd.f32 v11, v3;
	v1 =	vadd.f32 v54, v1  }
0x13a: {  	v14 =	vmovc v37;
	v4 =	vadd.f32 v23, v4;
	v23 =	vmul.f32 v24, v9;
	v24 =	vld [tilespmem:s30+$0x60];
	v0 =	vadd.f32 v13, v0  }
0x13b: {  	v33 =	vmovc v6;
	v59 =	vmul.f32 v2, v2;
	v27 =	vmul.f32 v37, v14;
	v53 =	vadd.f32 v55, v1;
	v1 =	vld [tilespmem:s30+$0xFFFFFF90]  }
0x13c: {  	v49 =	vmul.f32 v6, v33;
	v52 =	vmul.f32 v43, v43;
	v3 =	vadd.f32 v62, v3;
	[tilespmem:$0x1FEC0] =	vst v0;
	v0 =	vld [tilespmem:s30+$0xFFFFFF80]  }
0x13d: {  	v11 =	vld [tilespmem:s30+$0x40];
	v28 =	vmul.f32 v12, v12;
	v8 =	vmovc v5;
	v62 =	vmul.f32 v10, v40;
	v58 =	vadd.f32 v18, v4  }
0x13e: {  	v18 =	vmul.f32 v30, v30;
	v22 =	vmov v32;
	v26 =	vmul.f32 v5, v8;
	[tilespmem:$0x1FEA0] =	vst v3;
	v3 =	vld [tilespmem:s30+$0xFFFFFFB0]  }
0x13f: {  	v4 =	vld [tilespmem:s30+$0xFFFFFFC0];
	v35 =	vmul.f32 v32, v22;
	v55 =	vmul.f32 v19, v19  }
0x140: {  	v5 =	vld [tilespmem:s30+$0xFFFFFFD0];
	v32 =	vmul.f32 v57, v57;
	v54 =	vmul.f32 v24, v24  }
0x141: {  	v15 =	vld [tilespmem:s30+$0xFFFFFFF0];
	[tilespmem:$0x1FEB0] =	vst v58;
	v58 =	vmul.f32 v1, v1;
	v37 =	vmul.f32 v0, v0  }
0x142: {  	v21 =	vld [tilespmem:s30+$0x0];
	v20 =	vmul.f32 v11, v11;
	v36 =	vadd.f32 v1, v36;
	v44 =	vadd.f32 v0, v44  }
0x143: {  	v25 =	vld [tilespmem:s30+$0x10];
	v29 =	vadd.f32 v58, v29;
	v37 =	vadd.f32 v37, v39;
	v39 =	vmul.f32 v3, v3  }
0x144: {  	v46 =	vld [tilespmem:s0+$0x10];
	v36 =	vadd.f32 v3, v36;
	v58 =	vmul.f32 v4, v4;
	v44 =	vadd.f32 v2, v44  }
0x145: {  	v37 =	vadd.f32 v59, v37;
	v29 =	vadd.f32 v39, v29;
	v39 =	vmul.f32 v5, v5  }
0x146: {  	[tilespmem:$0x1FE90] =	vst v7;
	v7 =	vld [tilespmem:s30+$0x30];
	v36 =	vadd.f32 v5, v36;
	v44 =	vadd.f32 v4, v44;
	v59 =	vmul.f32 v63, v63  }
0x147: {  	v37 =	vadd.f32 v58, v37;
	v29 =	vadd.f32 v39, v29;
	v39 =	vmul.f32 v15, v15  }
0x148: {  	v13 =	vld [tilespmem:s30+$0x50];
	v36 =	vadd.f32 v15, v36;
	v44 =	vadd.f32 v63, v44;
	v58 =	vmul.f32 v21, v21  }
0x149: {  	v17 =	vmovc v46;
	v59 =	vadd.f32 v59, v37;
	v29 =	vadd.f32 v39, v29;
	v39 =	vmul.f32 v25, v25  }
0x14a: {  	v56 =	vmul.f32 v46, v17;
	v36 =	vadd.f32 v25, v36;
	v37 =	vld [tilespmem:s30+$0x70];
	v44 =	vadd.f32 v21, v44  }
0x14b: {  	v58 =	vadd.f32 v58, v59;
	v29 =	vadd.f32 v39, v29;
	v59 =	vmul.f32 v7, v7  }
0x14c: {  	v61 =	vmul.f32 v1, v61;
	v36 =	vadd.f32 v7, v36;
	v44 =	vadd.f32 v30, v44  }
0x14d: {  	v39 =	vmul.f32 v13, v13;
	v18 =	vadd.f32 v18, v58;
	v29 =	vadd.f32 v59, v29  }
0x14e: {  	v1 =	vmul.f32 v3, v1;
	v36 =	vadd.f32 v13, v36;
	v58 =	vld [tilespmem:s0+$0xFFFFFF90];
	v44 =	vadd.f32 v11, v44  }
0x14f: {  	v59 =	vmul.f32 v37, v37;
	v18 =	vadd.f32 v20, v18;
	v20 =	vadd.f32 v39, v29  }
0x150: {  	v60 =	vmul.f32 v0, v60;
	v36 =	vadd.f32 v37, v36;
	v44 =	vadd.f32 v24, v44  }
0x151: {  	v0 =	vmul.f32 v2, v0;
	v39 =	vadd.f32 v54, v18;
	v29 =	vadd.f32 v59, v20  }
0x152: {  	v31 =	vld [tilespmem:s0+$0xFFFFFFD0];
	v2 =	vmul.f32 v4, v2;
	v18 =	vadd.f32 v60, v45;
	v20 =	vadd.f32 v61, v38  }
0x153: {  	v3 =	vmul.f32 v5, v3;
	v60 =	vadd.f32 v57, v48;
	v41 =	vadd.f32 v58, v41  }
0x154: {  	v4 =	vmul.f32 v63, v4;
	v0 =	vadd.f32 v0, v18;
	v1 =	vadd.f32 v1, v20  }
0x155: {  	v61 =	vmul.f32 v15, v5;
	v18 =	vadd.f32 v43, v60;
	v20 =	vadd.f32 v42, v41  }
0x156: {  	v45 =	vmul.f32 v7, v25;
	v0 =	vadd.f32 v2, v0;
	v1 =	vadd.f32 v3, v1  }
0x157: {  	v41 =	vmul.f32 v25, v15;
	v38 =	vadd.f32 v34, v18;
	v5 =	vadd.f32 v31, v20  }
0x158: {  	v20 =	vmul.f32 v21, v63;
	v0 =	vadd.f32 v4, v0;
	v1 =	vadd.f32 v61, v1  }
0x159: {  	v48 =	vmul.f32 v13, v7;
	v3 =	vadd.f32 v19, v38;
	v61 =	vld [tilespmem:$0x1FEA0];
	v4 =	vadd.f32 v12, v5  }
0x15a: {  	v5 =	vmul.f32 v30, v21;
	v0 =	vadd.f32 v20, v0;
	v1 =	vadd.f32 v41, v1  }
0x15b: {  	v18 =	vmovc v49;
	v49 =	vmul.f32 v37, v13;
	v13 =	vld [tilespmem:$0x1FE80];
	v3 =	vadd.f32 v22, v3;
	v4 =	vadd.f32 v17, v4  }
0x15c: {  	s2 =	sadd.s32 $0x8, s2;
	v15 =	vmul.f32 v11, v30;
	v63 =	vld [tilespmem:$0x1FEB0];
	v0 =	vadd.f32 v5, v0;
	v1 =	vadd.f32 v45, v1  }
0x15d: {  	p0 =	slt.u32 s2, $0xC0;
	v3 =	vadd.f32 v14, v3;
	v5 =	vmul.f32 v24, v11;
	v11 =	vmovc v50;
	v50 =	vld [tilespmem:$0x1FE90];
	v4 =	vadd.f32 v8, v4  }
.Ltmp1:
0x15e: {  	v46 =	vmul.f32 v31, v31;
	v61 =	vadd.f32 v32, v61;
	v0 =	vadd.f32 v15, v0;
	(pc) =	sbr.rel @p0 .LBB2_5-.Ltmp1, $4  }
0x15f: {  	v7 =	vmul.f32 v58, v58;
	v1 =	vadd.f32 v48, v1;
	v3 =	vadd.f32 v16, v3  }
0x160: {  	v60 =	vmul.f32 v57, v13;
	v4 =	vadd.f32 v9, v4;
	v45 =	vadd.f32 v5, v0  }
0x161: {  	v32 =	vmovc v55;
	v55 =	vmul.f32 v43, v57;
	v38 =	vadd.f32 v49, v1;
	v48 =	vadd.f32 v40, v3  }
0x162: {  	s0 =	sadd.s32 $0x100, s0;
	v57 =	vld [tilespmem:$0x1FEC0];
	v49 =	vmul.f32 v58, v50;
	v41 =	vadd.f32 v33, v4;
	v50 =	vadd.f32 v7, v63  }
0x163: {  	_ =	sdelay $0x3  }
0x164: {  	v0 =	vadd.f32 v60, v57;
	_ =	sdelay $0x1  }
0x165: {  	v1 =	vadd.f32 v52, v61;
	v2 =	vmul.f32 v34, v43;
	v0 =	vadd.f32 v55, v0  }
0x166: {  	v3 =	vmul.f32 v19, v34;
	v25 =	vadd.f32 v39, v39;
	v34 =	vadd.f32 v45, v45  }
0x167: {  	v5 =	vadd.f32 v51, v50;
	v0 =	vadd.f32 v2, v0  }
0x168: {  	v1 =	vadd.f32 v47, v1;
	v47 =	vadd.f32 v29, v29  }
0x169: {  	v13 =	vadd.f32 v46, v5;
	v57 =	vmul.f32 v22, v19;
	v0 =	vadd.f32 v3, v0  }
0x16a: {  	v4 =	vmul.f32 v42, v58;
	v1 =	vadd.f32 v32, v1;
	v60 =	vadd.f32 v49, v53  }
0x16b: {  	v7 =	vmul.f32 v14, v22;
	v51 =	vld [tilespmem:$0x1FF00];
	v46 =	vsub.f32 v36, v41;
	v0 =	vadd.f32 v57, v0  }
0x16c: {  	v1 =	vadd.f32 v35, v1;
	v61 =	vadd.f32 v4, v60  }
0x16d: {  	v15 =	vmul.f32 v16, v14;
	v4 =	vadd.f32 v28, v13;
	v0 =	vadd.f32 v7, v0  }
0x16e: {  	v22 =	vsub.f32 v44, v48;
	v1 =	vadd.f32 v27, v1;
	v27 =	vld [tilespmem:$0x1FED0]  }
0x16f: {  	v63 =	vmul.f32 v31, v42;
	v21 =	vadd.f32 v56, v4;
	v0 =	vadd.f32 v15, v0;
	v15 =	vld [tilespmem:$0x1FEF0]  }
0x170: {  	v20 =	vmul.f32 v40, v16;
	v6 =	vsub.f32 v6, v51;
	v1 =	vadd.f32 v11, v1  }
0x171: {  	v19 =	vmul.f32 v12, v31;
	v32 =	vld [tilespmem:$0x1FFA0];
	v2 =	vadd.f32 v63, v61;
	v3 =	vadd.f32 v26, v21  }
0x172: {  	v55 =	vadd.f32 v38, v38;
	v4 =	vmul.f32 $4.999999890e-03, v22;
	v1 =	vadd.f32 v62, v1  }
0x173: {  	v2 =	vadd.f32 v19, v2;
	v3 =	vadd.f32 v23, v3;
	v28 =	vmul.f32 v27, v27  }
0x174: {  	v30 =	vsub.f32 v39, v1;
	v1 =	vadd.f32 v1, v1;
	v13 =	vmul.f32 v15, v15  }
0x175: {  	v40 =	vmul.f32 v8, v17;
	v5 =	vadd.f32 v25, v28;
	v0 =	vadd.f32 v20, v0  }
0x176: {  	v11 =	vmul.f32 v4, v32;
	v14 =	vsub.f32 v24, v27;
	v1 =	vadd.f32 v1, v13  }
0x177: {  	v31 =	vmul.f32 $4.999999890e-03, v30;
	v5 =	vsub.f32 v5, v54;
	v0 =	vadd.f32 v0, v0  }
0x178: {  	v43 =	vmul.f32 v9, v8;
	v10 =	vsub.f32 v10, v15;
	v1 =	vsub.f32 v1, v62  }
0x179: {  	v35 =	vmul.f32 v17, v12;
	v7 =	vsub.f32 v31, v11;
	v5 =	vsub.f32 v5, v34  }
0x17a: {  	v45 =	vmul.f32 v33, v9;
	v48 =	vld [tilespmem:$0x1FEE0];
	v10 =	vsub.f32 v14, v10;
	v0 =	vsub.f32 v0, v1  }
0x17b: {  	v4 =	vmul.f32 v4, v4;
	v39 =	vadd.f32 v35, v2;
	v3 =	vadd.f32 v18, v3  }
0x17c: {  	v42 =	vmul.f32 v7, v7;
	v10 =	vmul.f32 $5.025125570e-03, v10;
	v0 =	vadd.f32 v0, v5  }
0x17d: {  	v52 =	vmul.f32 v51, v51;
	v50 =	vsub.f32 v29, v3;
	v1 =	vadd.f32 v40, v39  }
0x17e: {  	v54 =	vld [tilespmem:$0x1FFB0];
	v4 =	vadd.f32 v42, v4;
	v44 =	vmul.f32 v10, v10;
	v0 =	vmul.f32 $5.025125570e-03, v0  }
0x17f: {  	v49 =	vmul.f32 v48, v48;
	v3 =	vadd.f32 v3, v3;
	v1 =	vadd.f32 v43, v1  }
0x180: {  	v9 =	vsub.f32 v37, v48;
	v4 =	vadd.f32 v44, v4;
	v0 =	vmul.f32 v0, v0  }
0x181: {  	v2 =	vmul.f32 $4.999999890e-03, v46;
	v3 =	vadd.f32 v3, v52;
	v1 =	vadd.f32 v45, v1  }
0x182: {  	v0 =	vadd.f32 v0, v4;
	v4 =	vadd.f32 v47, v49  }
0x183: {  	v53 =	vmul.f32 $4.999999890e-03, v50;
	v3 =	vsub.f32 v3, v18;
	v7 =	vmul.f32 v2, v54  }
0x184: {  	v1 =	vadd.f32 v1, v1;
	v4 =	vsub.f32 v4, v59  }
0x185: {  	v6 =	vsub.f32 v9, v6;
	v5 =	vsub.f32 v53, v7  }
0x186: {  	v2 =	vmul.f32 v2, v2;
	v1 =	vsub.f32 v1, v3;
	v4 =	vsub.f32 v4, v55  }
0x187: {  	v56 =	vmul.f32 $5.025125570e-03, v6  }
0x188: {  	v57 =	vmul.f32 v5, v5;
	v0 =	vadd.f32 v0, v2;
	v1 =	vadd.f32 v1, v4;
	_ =	sdelay $0x1  }
0x189: {  	v58 =	vmul.f32 v56, v56;
	v0 =	vadd.f32 v0, v57;
	v1 =	vmul.f32 $5.025125570e-03, v1  }
0x18a: {  	v59 =	vld [tilespmem:$0x1FFC0]  }
0x18b: {  	v0 =	vadd.f32 v0, v58;
	v1 =	vmul.f32 v1, v1;
	_ =	sdelay $0x1  }
0x18c: {  	v0 =	vadd.f32 v0, v1  }
0x18d: {  	v60 =	vld [tilespmem:$0x1FFD0]  }
0x18e: {  	v1 =	vperm.xlane v0, v59;
	_ =	sdelay $0x1  }
0x18f: {  	v0 =	vadd.f32 v1, v0  }
0x190: {  	v61 =	vld [tilespmem:$0x1FFE0]  }
0x191: {  	v1 =	vperm.xlane v0, v60;
	_ =	sdelay $0x1  }
0x192: {  	v0 =	vadd.f32 v1, v0  }
0x193: {  	v62 =	vld [tilespmem:$0x1FFF0]  }
0x194: {  	v1 =	vperm.xlane v0, v61;
	_ =	sdelay $0x1  }
0x195: {  	v0 =	vadd.f32 v1, v0;
	_ =	sdelay $0x1  }
0x196: {  	s28 =	sadd.s32 $0x1, s28;
	v1 =	vperm.xlane v0, v62  }
0x197: {  	p0 =	sne.s32 s28, $0x40;
	v63 =	vmov s29  }
.Ltmp2:
0x198: {  	v0 =	vadd.f32 v1, v0;
	(pc) =	sbr.rel @p0 .LBB2_2-.Ltmp2, $3  }
0x199: {  	_ = 	snop  }
0x19a: {  	v0 =	vmul.f32 $7.812500000e-03, v0;
	_ =	sdelay $0x1  }
0x19b: {  	[tilespmem:v63+s24+$0x0] =	vst.idx.msk $0x1, v0  }
0x19c: {  	s26 =	sadd.s32 $0x1, s26  }
0x19d: {  	p0 =	sne.s32 s26, s10  }
.Ltmp3:
0x19e: {  	_ = 	snop;
	(pc) =	sbr.rel @p0 .LBB2_1-.Ltmp3, $4  }
0x19f: {  	[hbm4b:s9+s3] =	stream.linear.scatter [tilespmem:s24], [sflag:$0x3], $0x80, $0x38;
	[tilespmem:$0x12CA0] =	vst v63  }
0x1a0: {  	_ =	swait.ge [sflag:s11], $0x80  }
0x1a1: {  	[sflag:s11] =	ssyncset.done $0x0  }
0x1a2: {  	[sflag:s11] =	ssyncadd.s32 $0xFFFFFF80  }
0x1a3: {  	_ =	sfence.sel $0x180000  }
0x1a4: {  	[bflag:$0x0] =	sbarrier.arrive $0xFFFF  }
0x1a5: {  	_ =	strace $0x9000004A  }
0x1a6: {  	s0 =	stileid.u32;
	[bflag:$0x2] =	sbarrier.arrive $0xFFFF  }
0x1a7: {  	p0 =	sne.s32 s0, $0x0;
	s0 =	rddreg [dreg:$0x3]  }
0x1a8: {  	s0 =	sadd.s32 @!p0 $0x100000, s0  }
0x1a9: {  	[sflag:s0] =	ssyncadd.tile.s32 @!p0 $0x1;
	_ =	shalt  }
.Lfunc_end2:
_tile_overlayer_lowered:
.L_overlay_start_2:
0x1aa: {  	(tag) =	ssettag $0x2  }
0x1ab: {  	s0 =	rddreg [dreg:$0x0];
	s2 =	stileid.u32  }
0x1ac: {  	s1 =	rddreg [dreg:$0x1];
	p0 =	sne.s32 s2, $0x0  }
0x1ad: {  	s3 =	rddreg [dreg:$0x2];
	[bflag:$0x3] =	sbarrier.arrive $0xFFFF;
	s2 =	simm.s32 @!p0 $0x1C03  }
0x1ae: {  	[timem:s3], [sflag:s2] =	dma.local @!p0 [hbm:s0], s1  }
0x1af: {  	s0 =	simm.s32 @!p0 $0x3  }
0x1b0: {  	_ =	swait.ge @!p0 [sflag:s0], s1  }
0x1b1: {  	s1 =	ssub.s32 @!p0 $0x0, s1;
	[sflag:s0] =	ssyncset.done @!p0 $0x0  }
0x1b2: {  	[sflag:s0] =	ssyncadd.s32 @!p0 s1  }
0x1b3: {  	[bflag:$0x3] =	sbarrier.arrive $0xFFFF  }
0x1b4: {  	_ =	shalt  }

</sc_bundles>
